<compile_context>
chip_gen: v7x
topology: tpu7x:2x2x1
jax: 0.10.2.dev20260603
libtpu: 0.0.44.dev20260713+nightly
codegen_flags: <defaults>
</compile_context>

<pallas_src>
import functools

import jax
import jax.numpy as jnp
from jax import lax
from jax.experimental import pallas as pl
from jax.experimental.pallas import tpu as pltpu
from jax.experimental.pallas import tpu_sc as plsc

N = 10000
E = 160000
R = 4
NB = 2
IN = 256
H = 256
OUT = 16
RN = R * N

NC = 2
NS = 16
NW = NC * NS
K = 128
NCHUNK = E // K
G = K // 16

_MESH = dict(core_axis_name="c", subcore_axis_name="s")


RNP = 40960


def _make_degree():
    iters = -(-NCHUNK // NW)

    @functools.partial(
        pl.kernel,
        out_type=jax.ShapeDtypeStruct((NC, NS, RNP), jnp.float32),
        mesh=plsc.VectorSubcoreMesh(**_MESH),
        compiler_params=pltpu.CompilerParams(needs_layout_passes=False),
        scratch_types=[
            pltpu.VMEM((RNP,), jnp.float32),
            pltpu.VMEM((4, K), jnp.int32),
        ],
    )
    def k(pk_h, out_h, hist, eb):
        c = lax.axis_index("c")
        s = lax.axis_index("s")

        def zb(j, _):
            hist[pl.ds(j * 16, 16)] = jnp.zeros((16,), jnp.float32)
            return 0
        lax.fori_loop(0, RNP // 16, zb, 0)

        ones16 = jnp.ones((16,), jnp.float32)

        def chunk(i, _):
            cid = (c * NS + s) + i * NW

            @pl.when(cid < NCHUNK)
            def _():
                pltpu.sync_copy(pk_h.at[cid], eb)

                def gi(g, _):
                    idxv = eb[3, pl.ds(g * 16, 16)]
                    plsc.addupdate_scatter(hist, [idxv], ones16)
                    return 0
                lax.fori_loop(0, G, gi, 0)
            return 0
        lax.fori_loop(0, iters, chunk, 0)
        pltpu.sync_copy(hist, out_h.at[c, s])

    return k


def _make_norm_e():
    iters = -(-NCHUNK // NW)

    @functools.partial(
        pl.kernel,
        out_type=jax.ShapeDtypeStruct((E // 8, 128), jnp.float32),
        mesh=plsc.VectorSubcoreMesh(**_MESH),
        compiler_params=pltpu.CompilerParams(needs_layout_passes=False),
        scratch_types=[
            pltpu.VMEM((RNP,), jnp.float32),
            pltpu.VMEM((K // 8, 128), jnp.float32),
            pltpu.VMEM((4, K), jnp.int32),
        ],
    )
    def k(norm_h, pk_h, out_h, normv, n16, eb):
        c = lax.axis_index("c")
        s = lax.axis_index("s")
        pltpu.sync_copy(norm_h, normv)

        def chunk(i, _):
            cid = (c * NS + s) + i * NW

            @pl.when(cid < NCHUNK)
            def _():
                pltpu.sync_copy(pk_h.at[cid], eb)

                def spl(e, _):
                    vidx = jnp.full((16,), e, jnp.int32)
                    isplat = plsc.load_gather(eb.at[3], [vidx])
                    n16[e // 8, pl.ds((e % 8) * 16, 16)] = plsc.load_gather(
                        normv, [isplat])
                    return 0
                lax.fori_loop(0, K, spl, 0)
                pltpu.sync_copy(n16, out_h.at[pl.ds(cid * (K // 8), K // 8)])
            return 0
        lax.fori_loop(0, iters, chunk, 0)

    return k


def _make_edge_pass(feature_split):
    width = 128
    iters = -(-NCHUNK // NS) if feature_split else -(-NCHUNK // NW)
    rpt = N // NS
    zrows = 125

    @functools.partial(
        pl.kernel,
        out_type=jax.ShapeDtypeStruct((NC, NS, N // NS, width), jnp.float32),
        mesh=plsc.VectorSubcoreMesh(**_MESH),
        compiler_params=pltpu.CompilerParams(needs_layout_passes=False),
        scratch_types=[
            pltpu.VMEM_SHARED((N, width), jnp.float32),
            pltpu.VMEM((2, K, width), jnp.float32),
            pltpu.VMEM((2, K // 8, 128), jnp.float32),
            pltpu.VMEM((4, 4, K), jnp.int32),
            pltpu.SemaphoreType.DMA((4,)),
            pltpu.SemaphoreType.DMA((2,)),
            pltpu.SemaphoreType.DMA((2,)),
        ],
    )
    def k(table, norme_h, pk_h, out_h,
          acc, rows, nrm, eb, semE, semG, semW):
        c = lax.axis_index("c")
        s = lax.axis_index("s")

        def raw_cid(i):
            return (s + i * NS) if feature_split else ((c * NS + s) + i * NW)

        def cid_of(i):
            return jnp.minimum(raw_cid(i), NCHUNK - 1)

        def load_desc(i):
            return pltpu.make_async_copy(pk_h.at[cid_of(i)], eb.at[i % 4],
                                         semE.at[i % 4])

        def gref_of(i):
            return eb.at[i % 4, c] if feature_split else eb.at[i % 4, 0]

        def gath_desc(i):
            return pltpu.make_async_copy(table.at[gref_of(i)], rows.at[i % 2],
                                         semG.at[i % 2])

        def nrm_desc(i):
            return pltpu.make_async_copy(
                norme_h.at[pl.ds(cid_of(i) * (K // 8), K // 8)],
                nrm.at[i % 2], semG.at[i % 2])

        def prep_and_gather(i):
            gath_desc(i).start()
            nrm_desc(i).start()

        def scat_desc(i):
            return pltpu.make_async_copy(rows.at[i % 2],
                                         acc.at[eb.at[i % 4, 2]],
                                         semW.at[i % 2])

        def scale(i):
            b = i % 2

            def sc_(e, _):
                nv = nrm[b, e // 8, pl.ds((e % 8) * 16, 16)]
                for t in range(width // 16):
                    rows[b, e, pl.ds(t * 16, 16)] = (
                        rows[b, e, pl.ds(t * 16, 16)] * nv)
                return 0
            lax.fori_loop(0, K, sc_, 0)

        def zb(j, _):
            for t in range(width // 16):
                rows[0, j, pl.ds(t * 16, 16)] = jnp.zeros((16,), jnp.float32)
            return 0
        lax.fori_loop(0, zrows, zb, 0)
        for z in range(rpt // zrows):
            pltpu.sync_copy(rows.at[0, pl.ds(0, zrows)],
                            acc.at[pl.ds(s * rpt + z * zrows, zrows)])
        plsc.subcore_barrier()

        load_desc(0).start()
        load_desc(0).wait()
        prep_and_gather(0)
        load_desc(1).start()

        def body(i, _):
            @pl.when((i >= 1) & (raw_cid(i - 1) < NCHUNK))
            def _():
                scat_desc(i - 1).wait()

            @pl.when(i + 1 < iters)
            def _():
                load_desc(i + 1).wait()
                prep_and_gather(i + 1)

            @pl.when(i + 2 < iters)
            def _():
                load_desc(i + 2).start()

            gath_desc(i).wait()
            nrm_desc(i).wait()
            scale(i)

            @pl.when(raw_cid(i) < NCHUNK)
            def _():
                pltpu.async_copy(rows.at[i % 2], acc.at[eb.at[i % 4, 2]],
                                 semW.at[i % 2], add=True)
            return 0
        lax.fori_loop(0, iters, body, 0)

        @pl.when(raw_cid(iters - 1) < NCHUNK)
        def _():
            scat_desc(iters - 1).wait()
        plsc.subcore_barrier()
        pltpu.sync_copy(acc.at[pl.ds(s * rpt, rpt)], out_h.at[c, s])

    return k


_DEG = _make_degree()
_NORM_E = _make_norm_e()
_EDGE_SPLIT = _make_edge_pass(True)
_EDGE_SHARED = _make_edge_pass(False)


def _edge_prep(src, dst, et):

    def body(s_ref, d_ref, t_ref, o_ref):
        g0 = t_ref[...] * N + s_ref[...]
        o_ref[:, 0, :] = g0
        o_ref[:, 1, :] = g0 + RN
        o_ref[:, 2, :] = d_ref[...]
        o_ref[:, 3, :] = t_ref[...] * N + d_ref[...]

    spec = pl.BlockSpec((NCHUNK, K), lambda: (0, 0))
    return pl.pallas_call(
        body,
        grid=(),
        in_specs=[spec, spec, spec],
        out_specs=pl.BlockSpec((NCHUNK, 4, K), lambda: (0, 0, 0)),
        out_shape=jax.ShapeDtypeStruct((NCHUNK, 4, K), jnp.int32),
    )(src, dst, et)


def _norm1d(deg_parts):

    def body(d_ref, o_ref):
        dg = jnp.sum(d_ref[...], axis=0)
        o_ref[...] = 1.0 / jnp.maximum(dg, 1.0)

    return pl.pallas_call(
        body,
        grid=(RNP // 1024,),
        in_specs=[pl.BlockSpec((NW, 8, 128), lambda i: (0, i, 0))],
        out_specs=pl.BlockSpec((8, 128), lambda i: (i, 0)),
        out_shape=jax.ShapeDtypeStruct((RNP // 128, 128), jnp.float32),
    )(deg_parts)


def _xw_split(x, basis, coeff):
    din = x.shape[1]
    dh = basis.shape[2] // NC
    bn = 1000
    nt = N // bn

    def body(x_ref, b_ref, c_ref, o_ref):
        r = pl.program_id(0)
        w = c_ref[r, 0] * b_ref[0] + c_ref[r, 1] * b_ref[1]
        o_ref[0] = jnp.dot(x_ref[...], w, preferred_element_type=jnp.float32)

    return pl.pallas_call(
        body,
        grid=(R, nt, NC),
        in_specs=[
            pl.BlockSpec((bn, din), lambda r, n, c: (n, 0)),
            pl.BlockSpec((NB, din, dh), lambda r, n, c: (0, 0, c)),
            pl.BlockSpec(memory_space=pltpu.MemorySpace.SMEM),
        ],
        out_specs=pl.BlockSpec((1, bn, dh), lambda r, n, c: (c, r * nt + n, 0)),
        out_shape=jax.ShapeDtypeStruct((NC, RN, dh), jnp.float32),
    )(x, basis, coeff)


def _xw_full(x, basis, coeff):
    din = x.shape[1]
    dout = basis.shape[2]
    bn = 1000
    nt = N // bn

    def body(x_ref, b_ref, c_ref, o_ref):
        r = pl.program_id(0)
        w = c_ref[r, 0] * b_ref[0] + c_ref[r, 1] * b_ref[1]
        d = jnp.dot(x_ref[...], w, preferred_element_type=jnp.float32)
        o_ref[...] = jnp.concatenate(
            [d, jnp.zeros((d.shape[0], 128 - d.shape[1]), jnp.float32)], axis=1)

    return pl.pallas_call(
        body,
        grid=(R, nt),
        in_specs=[
            pl.BlockSpec((bn, din), lambda r, n: (n, 0)),
            pl.BlockSpec((NB, din, dout), lambda r, n: (0, 0, 0)),
            pl.BlockSpec(memory_space=pltpu.MemorySpace.SMEM),
        ],
        out_specs=pl.BlockSpec((bn, 128), lambda r, n: (r * nt + n, 0)),
        out_shape=jax.ShapeDtypeStruct((RN, 128), jnp.float32),
    )(x, basis, coeff)


def _combine_wide(agg, x, wself, bias, relu):
    din = x.shape[1]
    dh = agg.shape[2]
    bn = 1000
    nt = N // bn

    def body(a_ref, x_ref, w_ref, b_ref, o_ref):
        h = (a_ref[0]
             + jnp.dot(x_ref[...], w_ref[...], preferred_element_type=jnp.float32)
             + b_ref[...])
        if relu:
            h = jnp.maximum(h, 0.0)
        o_ref[...] = h

    return pl.pallas_call(
        body,
        grid=(nt, NC),
        in_specs=[
            pl.BlockSpec((1, bn, dh), lambda n, c: (c, n, 0)),
            pl.BlockSpec((bn, din), lambda n, c: (n, 0)),
            pl.BlockSpec((din, dh), lambda n, c: (0, c)),
            pl.BlockSpec((1, dh), lambda n, c: (0, c)),
        ],
        out_specs=pl.BlockSpec((bn, dh), lambda n, c: (n, c)),
        out_shape=jax.ShapeDtypeStruct((N, NC * dh), jnp.float32),
    )(agg, x, wself, bias)


def _combine_final(agg, x, wself, bias):
    din = x.shape[1]
    dout = agg.shape[2]
    bn = 1000
    nt = N // bn

    def body(a_ref, x_ref, w_ref, b_ref, o_ref):
        o_ref[...] = (a_ref[0] + a_ref[1]
                      + jnp.dot(x_ref[...], w_ref[...],
                                preferred_element_type=jnp.float32)
                      + b_ref[...])

    return pl.pallas_call(
        body,
        grid=(nt,),
        in_specs=[
            pl.BlockSpec((NC, bn, dout), lambda n: (0, n, 0)),
            pl.BlockSpec((bn, din), lambda n: (n, 0)),
            pl.BlockSpec((din, dout), lambda n: (0, 0)),
            pl.BlockSpec((1, dout), lambda n: (0, 0)),
        ],
        out_specs=pl.BlockSpec((bn, dout), lambda n: (n, 0)),
        out_shape=jax.ShapeDtypeStruct((N, dout), jnp.float32),
    )(agg, x, wself, bias)


def kernel(x, edge_index, edge_type,
           basis0, coeff0, wself0, bias0,
           basis1, coeff1, wself1, bias1,
           basis2, coeff2, wself2, bias2):
    src = edge_index[0]
    dst = edge_index[1]
    et = edge_type

    packed = _edge_prep(src.reshape(NCHUNK, K), dst.reshape(NCHUNK, K),
                        et.reshape(NCHUNK, K))
    deg_parts = _DEG(packed)
    norm1d = _norm1d(deg_parts.reshape(NW, RNP // 128, 128))
    norm_e = _NORM_E(norm1d.reshape(RNP), packed)

    h = x
    for basis, coeff, wself, bias, relu in (
            (basis0, coeff0, wself0, bias0, True),
            (basis1, coeff1, wself1, bias1, True)):
        xw = _xw_split(h, basis, coeff)
        agg = _EDGE_SPLIT(xw.reshape(NC * RN, 128), norm_e, packed)
        h = _combine_wide(agg.reshape(NC, N, 128), h, wself,
                          bias.reshape(1, H), relu)

    xw3 = _xw_full(h, basis2, coeff2)
    agg3 = _EDGE_SHARED(xw3, norm_e, packed)
    agg3 = agg3[..., :OUT].reshape(NC, N, OUT)
    return _combine_final(agg3, h, wself2, bias2.reshape(1, OUT))

# --- scband reference (transcript-rebuilt; emitter-appended) ---
"""Pipeline reference for scband-entity-classify-86440511800131 (READ-ONLY COPY).

The authoritative reference and input builder live on the scoring server;
editing this copy changes nothing except your own understanding.
"""

import jax, jax.numpy as jnp
import numpy as np

N = 10000
E = 160000
R = 4
NB = 2
IN = 256
H = 256
OUT = 16


def setup_inputs(seed: int = 0) -> dict:
    key = jax.random.key(seed)
    ks = jax.random.split(key, 16)
    inp = {}
    inp["x"] = jax.random.normal(ks[0], (N, IN), dtype=jnp.float32)
    inp["edge_index"] = jax.random.randint(ks[1], (2, E), 0, N, dtype=jnp.int32)
    inp["edge_type"] = jnp.sort(jax.random.randint(ks[2], (E,), 0, R, dtype=jnp.int32))
    dims = [(IN, H), (H, H), (H, OUT)]
    k = 3
    for l, (di, do) in enumerate(dims):
        inp[f"basis{l}"] = jax.random.normal(ks[k], (NB, di, do), dtype=jnp.float32) * (1.0 / np.sqrt(di)); k += 1
        inp[f"coeff{l}"] = jax.random.normal(ks[k], (R, NB), dtype=jnp.float32) * (1.0 / np.sqrt(NB)); k += 1
        inp[f"wself{l}"] = jax.random.normal(ks[k], (di, do), dtype=jnp.float32) * (1.0 / np.sqrt(di)); k += 1
        inp[f"bias{l}"] = jnp.zeros((do,), dtype=jnp.float32)
    return inp


def _rel_graph_conv_layer(x, src, dst, etype, basis, coeff, wself, bias, act):
    # Basis decomposition: W_r = sum_b coeff[r, b] * basis[b]
    Wr = jnp.einsum('rb,bio->rio', coeff, basis)            # [R, in, out]
    # Per-relation node transform, then gather per edge (DGL mult->aggregate path)
    xw = jnp.einsum('ni,rio->rno', x, Wr)                   # [R, N, out]
    msg = xw[etype, src]                                    # [E, out]
    # GraphConv norm='right': divide by per-relation in-degree of dst
    seg = etype * N + dst
    deg = jax.ops.segment_sum(jnp.ones((E,), jnp.float32), seg, num_segments=R * N)
    norm = 1.0 / jnp.clip(deg, 1.0, None)
    msg = msg * norm[seg][:, None]
    # HeteroGraphConv aggregate='sum' over relations == single scatter-add over all edges
    agg = jax.ops.segment_sum(msg, dst, num_segments=N)     # [N, out]
    # self-loop + bias (dropout=0 -> identity)
    h = agg + x @ wself + bias
    if act:
        h = jax.nn.relu(h)
    return h


def reference(x, edge_index, edge_type,
              basis0, coeff0, wself0, bias0,
              basis1, coeff1, wself1, bias1,
              basis2, coeff2, wself2, bias2):
    src = edge_index[0]
    dst = edge_index[1]
    h = _rel_graph_conv_layer(x, src, dst, edge_type, basis0, coeff0, wself0, bias0, True)
    h = _rel_graph_conv_layer(h, src, dst, edge_type, basis1, coeff1, wself1, bias1, True)
    h = _rel_graph_conv_layer(h, src, dst, edge_type, basis2, coeff2, wself2, bias2, False)
    return h

if __name__ == "__main__":
    import jax
    _d = setup_inputs()
    print(jax.jit(kernel)(*tuple(_d.values())))

</pallas_src>

<mosaic_0001>
#map = affine_map<(d0, d1) -> (0, 0, 0)>
module attributes {stable_mosaic.version = 14 : i64} {
  func.func @k(%arg0: i32, %arg1: i32, %arg2: memref<1250x4x128xi32, #tpu.memory_space<hbm>>, %arg3: memref<2x16x40960xf32, #tpu.memory_space<hbm>>, %arg4: memref<40960xf32, #tpu.memory_space<vmem>>, %arg5: memref<4x128xi32, #tpu.memory_space<vmem>>) attributes {dimension_semantics = [#tpu.dimension_semantics<core_parallel>, #tpu.dimension_semantics<subcore_parallel>], iteration_bounds = array<i64: 2, 16>, scalar_prefetch = 0 : i64, scratch_operands = 2 : i64, tpu.core_type = #tpu.core_type<sc_vector_subcore>, window_params = [{transform_indices = #map}, {transform_indices = #map}]} {
    %scan3A = arith.constant 0 : i32
    %scan3A_0 = arith.constant 0 : i32
    %scan3A_1 = arith.constant 2560 : i32
    %scan3A_2 = arith.addi %scan3A_0, %scan3A_1 : i32
    %scan3A_3 = arith.constant 1 : i32
    %scan3A_4 = scf.for %scan3A_14 = %scan3A_0 to %scan3A_2 step %scan3A_3 iter_args(%scan3A_15 = %scan3A) -> (i32)  : i32 {
      %broadcast_in_dim3A_16 = arith.constant 0.000000e+00 : f32
      %broadcast_in_dim3A_17 = vector.broadcast %broadcast_in_dim3A_16 : f32 to vector<16xf32>
      %mul3A = arith.constant 16 : i32
      %mul3A_18 = arith.muli %scan3A_14, %mul3A : i32
      %swap3A = arith.index_cast %mul3A_18 : i32 to index
      %swap3A_19 = tpu.vector_load %arg4[%swap3A] {strides = array<i32>} : memref<40960xf32, #tpu.memory_space<vmem>>, vector<16xf32>,
      tpu.vector_store %arg4[%swap3A], %broadcast_in_dim3A_17 {strides = array<i32>} : memref<40960xf32, #tpu.memory_space<vmem>>, vector<16xf32>,
      %scan3A_20 = arith.constant 0 : i32
      scf.yield %scan3A_20 : i32
    }
    %scan3A_5 = arith.constant 2560 : i32
    %broadcast_in_dim3A = arith.constant 1.000000e+00 : f32
    %broadcast_in_dim3A_6 = vector.broadcast %broadcast_in_dim3A : f32 to vector<16xf32>
    %scan3A_7 = arith.constant 0 : i32
    %scan3A_8 = arith.constant 0 : i32
    %scan3A_9 = arith.constant 40 : i32
    %scan3A_10 = arith.addi %scan3A_8, %scan3A_9 : i32
    %scan3A_11 = arith.constant 1 : i32
    %scan3A_12 = scf.for %scan3A_14 = %scan3A_8 to %scan3A_10 step %scan3A_11 iter_args(%scan3A_15 = %scan3A_7) -> (i32)  : i32 {
      %mul3A = arith.constant 16 : i32
      %mul3A_16 = arith.muli %arg0, %mul3A : i32
      %add3A = arith.addi %mul3A_16, %arg1 : i32
      %mul3A_17 = arith.constant 32 : i32
      %mul3A_18 = arith.muli %scan3A_14, %mul3A_17 : i32
      %add3A_19 = arith.addi %add3A, %mul3A_18 : i32
      %lt3A = arith.constant 1250 : i32
      %lt3A_20 = arith.cmpi slt, %add3A_19, %lt3A : i32
      %convert_element_type3A = arith.extui %lt3A_20 : i1 to i32
      %cond3A = arith.constant 0 : i32
      %cond3A_21 = arith.cmpi ne, %convert_element_type3A, %cond3A : i32
      scf.if %cond3A_21 {
        "tpu.region"() ({
          %run_scoped3A = tpu.sem_alloc : memref<!tpu.dma_semaphore, #tpu.memory_space<semaphore_mem>>
          %dma_start3A = arith.constant 0 : i32
          %dma_start3A_30 = arith.constant 0 : i32
          %dma_start3A_31 = tpu.memref_slice %arg2[%add3A_19, %dma_start3A, %dma_start3A_30] : memref<1250x4x128xi32, #tpu.memory_space<hbm>> -> memref<1x4x128xi32, #tpu.memory_space<hbm>>
          %dma_start3A_32 = tpu.memref_squeeze %dma_start3A_31 : memref<1x4x128xi32, #tpu.memory_space<hbm>> -> memref<4x128xi32, #tpu.memory_space<hbm>>
          %dma_start3A_33 = arith.constant 0 : i32
          %dma_start3A_34 = arith.constant 0 : i32
          %dma_start3A_35 = tpu.memref_slice %arg2[%add3A_19, %dma_start3A_33, %dma_start3A_34] : memref<1250x4x128xi32, #tpu.memory_space<hbm>> -> memref<1x4x128xi32, #tpu.memory_space<hbm>>
          %dma_start3A_36 = tpu.memref_squeeze %dma_start3A_35 : memref<1x4x128xi32, #tpu.memory_space<hbm>> -> memref<4x128xi32, #tpu.memory_space<hbm>>
          tpu.enqueue_dma source(%dma_start3A_36 : memref<4x128xi32, #tpu.memory_space<hbm>>) target(%arg5 : memref<4x128xi32, #tpu.memory_space<vmem>>) target_semaphore(%run_scoped3A : memref<!tpu.dma_semaphore, #tpu.memory_space<semaphore_mem>>)
          %dma_wait3A = arith.constant 0 : i32
          %dma_wait3A_37 = arith.constant 0 : i32
          %dma_wait3A_38 = tpu.memref_slice %arg2[%add3A_19, %dma_wait3A, %dma_wait3A_37] : memref<1250x4x128xi32, #tpu.memory_space<hbm>> -> memref<1x4x128xi32, #tpu.memory_space<hbm>>
          %dma_wait3A_39 = tpu.memref_squeeze %dma_wait3A_38 : memref<1x4x128xi32, #tpu.memory_space<hbm>> -> memref<4x128xi32, #tpu.memory_space<hbm>>
          %dma_wait3A_40 = arith.constant 0 : i32
          %dma_wait3A_41 = arith.constant 0 : i32
          %dma_wait3A_42 = tpu.memref_slice %arg2[%add3A_19, %dma_wait3A_40, %dma_wait3A_41] : memref<1250x4x128xi32, #tpu.memory_space<hbm>> -> memref<1x4x128xi32, #tpu.memory_space<hbm>>
          %dma_wait3A_43 = tpu.memref_squeeze %dma_wait3A_42 : memref<1x4x128xi32, #tpu.memory_space<hbm>> -> memref<4x128xi32, #tpu.memory_space<hbm>>
          tpu.wait_dma2 semaphore(%run_scoped3A : memref<!tpu.dma_semaphore, #tpu.memory_space<semaphore_mem>>) src(%dma_wait3A_43 : memref<4x128xi32, #tpu.memory_space<hbm>>) dst(%arg5 : memref<4x128xi32, #tpu.memory_space<vmem>>)
          tpu.yield
        }) : () -> ()
        %scan3A_23 = arith.constant 0 : i32
        %scan3A_24 = arith.constant 0 : i32
        %scan3A_25 = arith.constant 8 : i32
        %scan3A_26 = arith.addi %scan3A_24, %scan3A_25 : i32
        %scan3A_27 = arith.constant 1 : i32
        %scan3A_28 = scf.for %scan3A_30 = %scan3A_24 to %scan3A_26 step %scan3A_27 iter_args(%scan3A_31 = %scan3A_23) -> (i32)  : i32 {
          %mul3A_32 = arith.constant 16 : i32
          %mul3A_33 = arith.muli %scan3A_30, %mul3A_32 : i32
          %get3A = arith.constant 3 : i32
          %get3A_34 = arith.index_cast %get3A : i32 to index
          %get3A_35 = arith.index_cast %mul3A_33 : i32 to index
          %get3A_36 = tpu.vector_load %arg5[%get3A_34, %get3A_35] {strides = array<i32>} : memref<4x128xi32, #tpu.memory_space<vmem>>, vector<16xi32>,
          tpu.vector_store_idx %arg4[%get3A_36], %broadcast_in_dim3A_6 {add = true} : memref<40960xf32, #tpu.memory_space<vmem>>[vector<16xi32>], vector<16xf32>,
          %scan3A_37 = arith.constant 0 : i32
          scf.yield %scan3A_37 : i32
        }
        %scan3A_29 = arith.constant 8 : i32
      } else {
      }
      %scan3A_22 = arith.constant 0 : i32
      scf.yield %scan3A_22 : i32
    }
    %scan3A_13 = arith.constant 40 : i32
    "tpu.region"() ({
      %run_scoped3A = tpu.sem_alloc : memref<!tpu.dma_semaphore, #tpu.memory_space<semaphore_mem>>
      %dma_start3A = arith.constant 0 : i32
      %dma_start3A_14 = tpu.memref_slice %arg3[%arg0, %arg1, %dma_start3A] : memref<2x16x40960xf32, #tpu.memory_space<hbm>> -> memref<1x1x40960xf32, #tpu.memory_space<hbm>>
      %dma_start3A_15 = tpu.memref_squeeze %dma_start3A_14 : memref<1x1x40960xf32, #tpu.memory_space<hbm>> -> memref<40960xf32, #tpu.memory_space<hbm>>
      %dma_start3A_16 = arith.constant 0 : i32
      %dma_start3A_17 = tpu.memref_slice %arg3[%arg0, %arg1, %dma_start3A_16] : memref<2x16x40960xf32, #tpu.memory_space<hbm>> -> memref<1x1x40960xf32, #tpu.memory_space<hbm>>
      %dma_start3A_18 = tpu.memref_squeeze %dma_start3A_17 : memref<1x1x40960xf32, #tpu.memory_space<hbm>> -> memref<40960xf32, #tpu.memory_space<hbm>>
      tpu.enqueue_dma source(%arg4 : memref<40960xf32, #tpu.memory_space<vmem>>) target(%dma_start3A_18 : memref<40960xf32, #tpu.memory_space<hbm>>) target_semaphore(%run_scoped3A : memref<!tpu.dma_semaphore, #tpu.memory_space<semaphore_mem>>)
      %dma_wait3A = arith.constant 0 : i32
      %dma_wait3A_19 = tpu.memref_slice %arg3[%arg0, %arg1, %dma_wait3A] : memref<2x16x40960xf32, #tpu.memory_space<hbm>> -> memref<1x1x40960xf32, #tpu.memory_space<hbm>>
      %dma_wait3A_20 = tpu.memref_squeeze %dma_wait3A_19 : memref<1x1x40960xf32, #tpu.memory_space<hbm>> -> memref<40960xf32, #tpu.memory_space<hbm>>
      %dma_wait3A_21 = arith.constant 0 : i32
      %dma_wait3A_22 = tpu.memref_slice %arg3[%arg0, %arg1, %dma_wait3A_21] : memref<2x16x40960xf32, #tpu.memory_space<hbm>> -> memref<1x1x40960xf32, #tpu.memory_space<hbm>>
      %dma_wait3A_23 = tpu.memref_squeeze %dma_wait3A_22 : memref<1x1x40960xf32, #tpu.memory_space<hbm>> -> memref<40960xf32, #tpu.memory_space<hbm>>
      tpu.wait_dma2 semaphore(%run_scoped3A : memref<!tpu.dma_semaphore, #tpu.memory_space<semaphore_mem>>) src(%arg4 : memref<40960xf32, #tpu.memory_space<vmem>>) dst(%dma_wait3A_23 : memref<40960xf32, #tpu.memory_space<hbm>>)
      tpu.yield
    }) : () -> ()
    return
  }
}

#map = affine_map<(d0, d1) -> (0, 0)>
#map1 = affine_map<(d0, d1) -> (0, 0, 0)>
#map2 = affine_map<(d0, d1) -> (0, 0, 0, 0)>
module attributes {stable_mosaic.version = 14 : i64} {
  func.func @k(%arg0: i32, %arg1: i32, %arg2: memref<80000x128xf32, #tpu.memory_space<hbm>>, %arg3: memref<20000x128xf32, #tpu.memory_space<hbm>>, %arg4: memref<1250x4x128xi32, #tpu.memory_space<hbm>>, %arg5: memref<2x16x625x128xf32, #tpu.memory_space<hbm>>, %arg6: memref<10000x128xf32, #tpu.memory_space<vmem_shared>>, %arg7: memref<2x128x128xf32, #tpu.memory_space<vmem>>, %arg8: memref<2x16x128xf32, #tpu.memory_space<vmem>>, %arg9: memref<4x4x128xi32, #tpu.memory_space<vmem>>, %arg10: memref<4x!tpu.dma_semaphore, #tpu.memory_space<semaphore_mem>>, %arg11: memref<2x!tpu.dma_semaphore, #tpu.memory_space<semaphore_mem>>, %arg12: memref<2x!tpu.dma_semaphore, #tpu.memory_space<semaphore_mem>>) attributes {dimension_semantics = [#tpu.dimension_semantics<core_parallel>, #tpu.dimension_semantics<subcore_parallel>], iteration_bounds = array<i64: 2, 16>, scalar_prefetch = 0 : i64, scratch_operands = 7 : i64, tpu.core_type = #tpu.core_type<sc_vector_subcore>, window_params = [{transform_indices = #map}, {transform_indices = #map}, {transform_indices = #map1}, {transform_indices = #map2}]} {
    %scan3A = arith.constant 0 : i32
    %scan3A_0 = arith.constant 0 : i32
    %scan3A_1 = arith.constant 125 : i32
    %scan3A_2 = arith.addi %scan3A_0, %scan3A_1 : i32
    %scan3A_3 = arith.constant 1 : i32
    %scan3A_4 = scf.for %scan3A_148 = %scan3A_0 to %scan3A_2 step %scan3A_3 iter_args(%scan3A_149 = %scan3A) -> (i32)  : i32 {
      %broadcast_in_dim3A = arith.constant 0.000000e+00 : f32
      %broadcast_in_dim3A_150 = vector.broadcast %broadcast_in_dim3A : f32 to vector<16xf32>
      %swap3A = arith.constant 0 : i32
      %swap3A_151 = arith.index_cast %swap3A : i32 to index
      %swap3A_152 = arith.index_cast %scan3A_148 : i32 to index
      %swap3A_153 = arith.constant 0 : index
      %swap3A_154 = tpu.vector_load %arg7[%swap3A_151, %swap3A_152, %swap3A_153] {strides = array<i32>} : memref<2x128x128xf32, #tpu.memory_space<vmem>>, vector<16xf32>,
      tpu.vector_store %arg7[%swap3A_151, %swap3A_152, %swap3A_153], %broadcast_in_dim3A_150 {strides = array<i32>} : memref<2x128x128xf32, #tpu.memory_space<vmem>>, vector<16xf32>,
      %broadcast_in_dim3A_155 = arith.constant 0.000000e+00 : f32
      %broadcast_in_dim3A_156 = vector.broadcast %broadcast_in_dim3A_155 : f32 to vector<16xf32>
      %swap3A_157 = arith.constant 0 : i32
      %swap3A_158 = arith.index_cast %swap3A_157 : i32 to index
      %swap3A_159 = arith.index_cast %scan3A_148 : i32 to index
      %swap3A_160 = arith.constant 16 : index
      %swap3A_161 = tpu.vector_load %arg7[%swap3A_158, %swap3A_159, %swap3A_160] {strides = array<i32>} : memref<2x128x128xf32, #tpu.memory_space<vmem>>, vector<16xf32>,
      tpu.vector_store %arg7[%swap3A_158, %swap3A_159, %swap3A_160], %broadcast_in_dim3A_156 {strides = array<i32>} : memref<2x128x128xf32, #tpu.memory_space<vmem>>, vector<16xf32>,
      %broadcast_in_dim3A_162 = arith.constant 0.000000e+00 : f32
      %broadcast_in_dim3A_163 = vector.broadcast %broadcast_in_dim3A_162 : f32 to vector<16xf32>
      %swap3A_164 = arith.constant 0 : i32
      %swap3A_165 = arith.index_cast %swap3A_164 : i32 to index
      %swap3A_166 = arith.index_cast %scan3A_148 : i32 to index
      %swap3A_167 = arith.constant 32 : index
      %swap3A_168 = tpu.vector_load %arg7[%swap3A_165, %swap3A_166, %swap3A_167] {strides = array<i32>} : memref<2x128x128xf32, #tpu.memory_space<vmem>>, vector<16xf32>,
      tpu.vector_store %arg7[%swap3A_165, %swap3A_166, %swap3A_167], %broadcast_in_dim3A_163 {strides = array<i32>} : memref<2x128x128xf32, #tpu.memory_space<vmem>>, vector<16xf32>,
      %broadcast_in_dim3A_169 = arith.constant 0.000000e+00 : f32
      %broadcast_in_dim3A_170 = vector.broadcast %broadcast_in_dim3A_169 : f32 to vector<16xf32>
      %swap3A_171 = arith.constant 0 : i32
      %swap3A_172 = arith.index_cast %swap3A_171 : i32 to index
      %swap3A_173 = arith.index_cast %scan3A_148 : i32 to index
      %swap3A_174 = arith.constant 48 : index
      %swap3A_175 = tpu.vector_load %arg7[%swap3A_172, %swap3A_173, %swap3A_174] {strides = array<i32>} : memref<2x128x128xf32, #tpu.memory_space<vmem>>, vector<16xf32>,
      tpu.vector_store %arg7[%swap3A_172, %swap3A_173, %swap3A_174], %broadcast_in_dim3A_170 {strides = array<i32>} : memref<2x128x128xf32, #tpu.memory_space<vmem>>, vector<16xf32>,
      %broadcast_in_dim3A_176 = arith.constant 0.000000e+00 : f32
      %broadcast_in_dim3A_177 = vector.broadcast %broadcast_in_dim3A_176 : f32 to vector<16xf32>
      %swap3A_178 = arith.constant 0 : i32
      %swap3A_179 = arith.index_cast %swap3A_178 : i32 to index
      %swap3A_180 = arith.index_cast %scan3A_148 : i32 to index
      %swap3A_181 = arith.constant 64 : index
      %swap3A_182 = tpu.vector_load %arg7[%swap3A_179, %swap3A_180, %swap3A_181] {strides = array<i32>} : memref<2x128x128xf32, #tpu.memory_space<vmem>>, vector<16xf32>,
      tpu.vector_store %arg7[%swap3A_179, %swap3A_180, %swap3A_181], %broadcast_in_dim3A_177 {strides = array<i32>} : memref<2x128x128xf32, #tpu.memory_space<vmem>>, vector<16xf32>,
      %broadcast_in_dim3A_183 = arith.constant 0.000000e+00 : f32
      %broadcast_in_dim3A_184 = vector.broadcast %broadcast_in_dim3A_183 : f32 to vector<16xf32>
      %swap3A_185 = arith.constant 0 : i32
      %swap3A_186 = arith.index_cast %swap3A_185 : i32 to index
      %swap3A_187 = arith.index_cast %scan3A_148 : i32 to index
      %swap3A_188 = arith.constant 80 : index
      %swap3A_189 = tpu.vector_load %arg7[%swap3A_186, %swap3A_187, %swap3A_188] {strides = array<i32>} : memref<2x128x128xf32, #tpu.memory_space<vmem>>, vector<16xf32>,
      tpu.vector_store %arg7[%swap3A_186, %swap3A_187, %swap3A_188], %broadcast_in_dim3A_184 {strides = array<i32>} : memref<2x128x128xf32, #tpu.memory_space<vmem>>, vector<16xf32>,
      %broadcast_in_dim3A_190 = arith.constant 0.000000e+00 : f32
      %broadcast_in_dim3A_191 = vector.broadcast %broadcast_in_dim3A_190 : f32 to vector<16xf32>
      %swap3A_192 = arith.constant 0 : i32
      %swap3A_193 = arith.index_cast %swap3A_192 : i32 to index
      %swap3A_194 = arith.index_cast %scan3A_148 : i32 to index
      %swap3A_195 = arith.constant 96 : index
      %swap3A_196 = tpu.vector_load %arg7[%swap3A_193, %swap3A_194, %swap3A_195] {strides = array<i32>} : memref<2x128x128xf32, #tpu.memory_space<vmem>>, vector<16xf32>,
      tpu.vector_store %arg7[%swap3A_193, %swap3A_194, %swap3A_195], %broadcast_in_dim3A_191 {strides = array<i32>} : memref<2x128x128xf32, #tpu.memory_space<vmem>>, vector<16xf32>,
      %broadcast_in_dim3A_197 = arith.constant 0.000000e+00 : f32
      %broadcast_in_dim3A_198 = vector.broadcast %broadcast_in_dim3A_197 : f32 to vector<16xf32>
      %swap3A_199 = arith.constant 0 : i32
      %swap3A_200 = arith.index_cast %swap3A_199 : i32 to index
      %swap3A_201 = arith.index_cast %scan3A_148 : i32 to index
      %swap3A_202 = arith.constant 112 : index
      %swap3A_203 = tpu.vector_load %arg7[%swap3A_200, %swap3A_201, %swap3A_202] {strides = array<i32>} : memref<2x128x128xf32, #tpu.memory_space<vmem>>, vector<16xf32>,
      tpu.vector_store %arg7[%swap3A_200, %swap3A_201, %swap3A_202], %broadcast_in_dim3A_198 {strides = array<i32>} : memref<2x128x128xf32, #tpu.memory_space<vmem>>, vector<16xf32>,
      %scan3A_204 = arith.constant 0 : i32
      scf.yield %scan3A_204 : i32
    }
    %scan3A_5 = arith.constant 125 : i32
    %mul3A = arith.constant 625 : i32
    %mul3A_6 = arith.muli %arg1, %mul3A : i32
    %add3A = arith.constant 0 : i32
    %add3A_7 = arith.addi %mul3A_6, %add3A : i32
    %run_scoped3A = arith.constant 0 : i32
    "tpu.region"() ({
      %run_scoped3A_148 = tpu.sem_alloc : memref<!tpu.dma_semaphore, #tpu.memory_space<semaphore_mem>>
      %dma_start3A_149 = arith.constant 0 : i32
      %dma_start3A_150 = arith.constant 0 : i32
      %dma_start3A_151 = tpu.memref_slice %arg7[%run_scoped3A, %dma_start3A_149, %dma_start3A_150] : memref<2x128x128xf32, #tpu.memory_space<vmem>> -> memref<1x125x128xf32, #tpu.memory_space<vmem>>
      %dma_start3A_152 = tpu.memref_squeeze %dma_start3A_151 : memref<1x125x128xf32, #tpu.memory_space<vmem>> -> memref<125x128xf32, #tpu.memory_space<vmem>>
      %dma_start3A_153 = arith.constant 0 : i32
      %dma_start3A_154 = tpu.memref_slice %arg6[%add3A_7, %dma_start3A_153] : memref<10000x128xf32, #tpu.memory_space<vmem_shared>> -> memref<125x128xf32, #tpu.memory_space<vmem_shared>>
      %dma_start3A_155 = arith.constant 0 : i32
      %dma_start3A_156 = tpu.memref_slice %arg6[%add3A_7, %dma_start3A_155] : memref<10000x128xf32, #tpu.memory_space<vmem_shared>> -> memref<125x128xf32, #tpu.memory_space<vmem_shared>>
      %dma_start3A_157 = arith.constant 0 : i32
      %dma_start3A_158 = arith.constant 0 : i32
      %dma_start3A_159 = tpu.memref_slice %arg7[%run_scoped3A, %dma_start3A_157, %dma_start3A_158] : memref<2x128x128xf32, #tpu.memory_space<vmem>> -> memref<1x125x128xf32, #tpu.memory_space<vmem>>
      %dma_start3A_160 = tpu.memref_squeeze %dma_start3A_159 : memref<1x125x128xf32, #tpu.memory_space<vmem>> -> memref<125x128xf32, #tpu.memory_space<vmem>>
      tpu.enqueue_dma source(%dma_start3A_160 : memref<125x128xf32, #tpu.memory_space<vmem>>) target(%dma_start3A_156 : memref<125x128xf32, #tpu.memory_space<vmem_shared>>) target_semaphore(%run_scoped3A_148 : memref<!tpu.dma_semaphore, #tpu.memory_space<semaphore_mem>>)
      %dma_wait3A_161 = arith.constant 0 : i32
      %dma_wait3A_162 = arith.constant 0 : i32
      %dma_wait3A_163 = tpu.memref_slice %arg7[%run_scoped3A, %dma_wait3A_161, %dma_wait3A_162] : memref<2x128x128xf32, #tpu.memory_space<vmem>> -> memref<1x125x128xf32, #tpu.memory_space<vmem>>
      %dma_wait3A_164 = tpu.memref_squeeze %dma_wait3A_163 : memref<1x125x128xf32, #tpu.memory_space<vmem>> -> memref<125x128xf32, #tpu.memory_space<vmem>>
      %dma_wait3A_165 = arith.constant 0 : i32
      %dma_wait3A_166 = tpu.memref_slice %arg6[%add3A_7, %dma_wait3A_165] : memref<10000x128xf32, #tpu.memory_space<vmem_shared>> -> memref<125x128xf32, #tpu.memory_space<vmem_shared>>
      %dma_wait3A_167 = arith.constant 0 : i32
      %dma_wait3A_168 = tpu.memref_slice %arg6[%add3A_7, %dma_wait3A_167] : memref<10000x128xf32, #tpu.memory_space<vmem_shared>> -> memref<125x128xf32, #tpu.memory_space<vmem_shared>>
      %dma_wait3A_169 = arith.constant 0 : i32
      %dma_wait3A_170 = arith.constant 0 : i32
      %dma_wait3A_171 = tpu.memref_slice %arg7[%run_scoped3A, %dma_wait3A_169, %dma_wait3A_170] : memref<2x128x128xf32, #tpu.memory_space<vmem>> -> memref<1x125x128xf32, #tpu.memory_space<vmem>>
      %dma_wait3A_172 = tpu.memref_squeeze %dma_wait3A_171 : memref<1x125x128xf32, #tpu.memory_space<vmem>> -> memref<125x128xf32, #tpu.memory_space<vmem>>
      tpu.wait_dma2 semaphore(%run_scoped3A_148 : memref<!tpu.dma_semaphore, #tpu.memory_space<semaphore_mem>>) src(%dma_wait3A_172 : memref<125x128xf32, #tpu.memory_space<vmem>>) dst(%dma_wait3A_168 : memref<125x128xf32, #tpu.memory_space<vmem_shared>>)
      tpu.yield
    }) : () -> ()
    %mul3A_8 = arith.constant 625 : i32
    %mul3A_9 = arith.muli %arg1, %mul3A_8 : i32
    %add3A_10 = arith.constant 125 : i32
    %add3A_11 = arith.addi %mul3A_9, %add3A_10 : i32
    %run_scoped3A_12 = arith.constant 0 : i32
    "tpu.region"() ({
      %run_scoped3A_148 = tpu.sem_alloc : memref<!tpu.dma_semaphore, #tpu.memory_space<semaphore_mem>>
      %dma_start3A_149 = arith.constant 0 : i32
      %dma_start3A_150 = arith.constant 0 : i32
      %dma_start3A_151 = tpu.memref_slice %arg7[%run_scoped3A_12, %dma_start3A_149, %dma_start3A_150] : memref<2x128x128xf32, #tpu.memory_space<vmem>> -> memref<1x125x128xf32, #tpu.memory_space<vmem>>
      %dma_start3A_152 = tpu.memref_squeeze %dma_start3A_151 : memref<1x125x128xf32, #tpu.memory_space<vmem>> -> memref<125x128xf32, #tpu.memory_space<vmem>>
      %dma_start3A_153 = arith.constant 0 : i32
      %dma_start3A_154 = tpu.memref_slice %arg6[%add3A_11, %dma_start3A_153] : memref<10000x128xf32, #tpu.memory_space<vmem_shared>> -> memref<125x128xf32, #tpu.memory_space<vmem_shared>>
      %dma_start3A_155 = arith.constant 0 : i32
      %dma_start3A_156 = tpu.memref_slice %arg6[%add3A_11, %dma_start3A_155] : memref<10000x128xf32, #tpu.memory_space<vmem_shared>> -> memref<125x128xf32, #tpu.memory_space<vmem_shared>>
      %dma_start3A_157 = arith.constant 0 : i32
      %dma_start3A_158 = arith.constant 0 : i32
      %dma_start3A_159 = tpu.memref_slice %arg7[%run_scoped3A_12, %dma_start3A_157, %dma_start3A_158] : memref<2x128x128xf32, #tpu.memory_space<vmem>> -> memref<1x125x128xf32, #tpu.memory_space<vmem>>
      %dma_start3A_160 = tpu.memref_squeeze %dma_start3A_159 : memref<1x125x128xf32, #tpu.memory_space<vmem>> -> memref<125x128xf32, #tpu.memory_space<vmem>>
      tpu.enqueue_dma source(%dma_start3A_160 : memref<125x128xf32, #tpu.memory_space<vmem>>) target(%dma_start3A_156 : memref<125x128xf32, #tpu.memory_space<vmem_shared>>) target_semaphore(%run_scoped3A_148 : memref<!tpu.dma_semaphore, #tpu.memory_space<semaphore_mem>>)
      %dma_wait3A_161 = arith.constant 0 : i32
      %dma_wait3A_162 = arith.constant 0 : i32
      %dma_wait3A_163 = tpu.memref_slice %arg7[%run_scoped3A_12, %dma_wait3A_161, %dma_wait3A_162] : memref<2x128x128xf32, #tpu.memory_space<vmem>> -> memref<1x125x128xf32, #tpu.memory_space<vmem>>
      %dma_wait3A_164 = tpu.memref_squeeze %dma_wait3A_163 : memref<1x125x128xf32, #tpu.memory_space<vmem>> -> memref<125x128xf32, #tpu.memory_space<vmem>>
      %dma_wait3A_165 = arith.constant 0 : i32
      %dma_wait3A_166 = tpu.memref_slice %arg6[%add3A_11, %dma_wait3A_165] : memref<10000x128xf32, #tpu.memory_space<vmem_shared>> -> memref<125x128xf32, #tpu.memory_space<vmem_shared>>
      %dma_wait3A_167 = arith.constant 0 : i32
      %dma_wait3A_168 = tpu.memref_slice %arg6[%add3A_11, %dma_wait3A_167] : memref<10000x128xf32, #tpu.memory_space<vmem_shared>> -> memref<125x128xf32, #tpu.memory_space<vmem_shared>>
      %dma_wait3A_169 = arith.constant 0 : i32
      %dma_wait3A_170 = arith.constant 0 : i32
      %dma_wait3A_171 = tpu.memref_slice %arg7[%run_scoped3A_12, %dma_wait3A_169, %dma_wait3A_170] : memref<2x128x128xf32, #tpu.memory_space<vmem>> -> memref<1x125x128xf32, #tpu.memory_space<vmem>>
      %dma_wait3A_172 = tpu.memref_squeeze %dma_wait3A_171 : memref<1x125x128xf32, #tpu.memory_space<vmem>> -> memref<125x128xf32, #tpu.memory_space<vmem>>
      tpu.wait_dma2 semaphore(%run_scoped3A_148 : memref<!tpu.dma_semaphore, #tpu.memory_space<semaphore_mem>>) src(%dma_wait3A_172 : memref<125x128xf32, #tpu.memory_space<vmem>>) dst(%dma_wait3A_168 : memref<125x128xf32, #tpu.memory_space<vmem_shared>>)
      tpu.yield
    }) : () -> ()
    %mul3A_13 = arith.constant 625 : i32
    %mul3A_14 = arith.muli %arg1, %mul3A_13 : i32
    %add3A_15 = arith.constant 250 : i32
    %add3A_16 = arith.addi %mul3A_14, %add3A_15 : i32
    %run_scoped3A_17 = arith.constant 0 : i32
    "tpu.region"() ({
      %run_scoped3A_148 = tpu.sem_alloc : memref<!tpu.dma_semaphore, #tpu.memory_space<semaphore_mem>>
      %dma_start3A_149 = arith.constant 0 : i32
      %dma_start3A_150 = arith.constant 0 : i32
      %dma_start3A_151 = tpu.memref_slice %arg7[%run_scoped3A_17, %dma_start3A_149, %dma_start3A_150] : memref<2x128x128xf32, #tpu.memory_space<vmem>> -> memref<1x125x128xf32, #tpu.memory_space<vmem>>
      %dma_start3A_152 = tpu.memref_squeeze %dma_start3A_151 : memref<1x125x128xf32, #tpu.memory_space<vmem>> -> memref<125x128xf32, #tpu.memory_space<vmem>>
      %dma_start3A_153 = arith.constant 0 : i32
      %dma_start3A_154 = tpu.memref_slice %arg6[%add3A_16, %dma_start3A_153] : memref<10000x128xf32, #tpu.memory_space<vmem_shared>> -> memref<125x128xf32, #tpu.memory_space<vmem_shared>>
      %dma_start3A_155 = arith.constant 0 : i32
      %dma_start3A_156 = tpu.memref_slice %arg6[%add3A_16, %dma_start3A_155] : memref<10000x128xf32, #tpu.memory_space<vmem_shared>> -> memref<125x128xf32, #tpu.memory_space<vmem_shared>>
      %dma_start3A_157 = arith.constant 0 : i32
      %dma_start3A_158 = arith.constant 0 : i32
      %dma_start3A_159 = tpu.memref_slice %arg7[%run_scoped3A_17, %dma_start3A_157, %dma_start3A_158] : memref<2x128x128xf32, #tpu.memory_space<vmem>> -> memref<1x125x128xf32, #tpu.memory_space<vmem>>
      %dma_start3A_160 = tpu.memref_squeeze %dma_start3A_159 : memref<1x125x128xf32, #tpu.memory_space<vmem>> -> memref<125x128xf32, #tpu.memory_space<vmem>>
      tpu.enqueue_dma source(%dma_start3A_160 : memref<125x128xf32, #tpu.memory_space<vmem>>) target(%dma_start3A_156 : memref<125x128xf32, #tpu.memory_space<vmem_shared>>) target_semaphore(%run_scoped3A_148 : memref<!tpu.dma_semaphore, #tpu.memory_space<semaphore_mem>>)
      %dma_wait3A_161 = arith.constant 0 : i32
      %dma_wait3A_162 = arith.constant 0 : i32
      %dma_wait3A_163 = tpu.memref_slice %arg7[%run_scoped3A_17, %dma_wait3A_161, %dma_wait3A_162] : memref<2x128x128xf32, #tpu.memory_space<vmem>> -> memref<1x125x128xf32, #tpu.memory_space<vmem>>
      %dma_wait3A_164 = tpu.memref_squeeze %dma_wait3A_163 : memref<1x125x128xf32, #tpu.memory_space<vmem>> -> memref<125x128xf32, #tpu.memory_space<vmem>>
      %dma_wait3A_165 = arith.constant 0 : i32
      %dma_wait3A_166 = tpu.memref_slice %arg6[%add3A_16, %dma_wait3A_165] : memref<10000x128xf32, #tpu.memory_space<vmem_shared>> -> memref<125x128xf32, #tpu.memory_space<vmem_shared>>
      %dma_wait3A_167 = arith.constant 0 : i32
      %dma_wait3A_168 = tpu.memref_slice %arg6[%add3A_16, %dma_wait3A_167] : memref<10000x128xf32, #tpu.memory_space<vmem_shared>> -> memref<125x128xf32, #tpu.memory_space<vmem_shared>>
      %dma_wait3A_169 = arith.constant 0 : i32
      %dma_wait3A_170 = arith.constant 0 : i32
      %dma_wait3A_171 = tpu.memref_slice %arg7[%run_scoped3A_17, %dma_wait3A_169, %dma_wait3A_170] : memref<2x128x128xf32, #tpu.memory_space<vmem>> -> memref<1x125x128xf32, #tpu.memory_space<vmem>>
      %dma_wait3A_172 = tpu.memref_squeeze %dma_wait3A_171 : memref<1x125x128xf32, #tpu.memory_space<vmem>> -> memref<125x128xf32, #tpu.memory_space<vmem>>
      tpu.wait_dma2 semaphore(%run_scoped3A_148 : memref<!tpu.dma_semaphore, #tpu.memory_space<semaphore_mem>>) src(%dma_wait3A_172 : memref<125x128xf32, #tpu.memory_space<vmem>>) dst(%dma_wait3A_168 : memref<125x128xf32, #tpu.memory_space<vmem_shared>>)
      tpu.yield
    }) : () -> ()
    %mul3A_18 = arith.constant 625 : i32
    %mul3A_19 = arith.muli %arg1, %mul3A_18 : i32
    %add3A_20 = arith.constant 375 : i32
    %add3A_21 = arith.addi %mul3A_19, %add3A_20 : i32
    %run_scoped3A_22 = arith.constant 0 : i32
    "tpu.region"() ({
      %run_scoped3A_148 = tpu.sem_alloc : memref<!tpu.dma_semaphore, #tpu.memory_space<semaphore_mem>>
      %dma_start3A_149 = arith.constant 0 : i32
      %dma_start3A_150 = arith.constant 0 : i32
      %dma_start3A_151 = tpu.memref_slice %arg7[%run_scoped3A_22, %dma_start3A_149, %dma_start3A_150] : memref<2x128x128xf32, #tpu.memory_space<vmem>> -> memref<1x125x128xf32, #tpu.memory_space<vmem>>
      %dma_start3A_152 = tpu.memref_squeeze %dma_start3A_151 : memref<1x125x128xf32, #tpu.memory_space<vmem>> -> memref<125x128xf32, #tpu.memory_space<vmem>>
      %dma_start3A_153 = arith.constant 0 : i32
      %dma_start3A_154 = tpu.memref_slice %arg6[%add3A_21, %dma_start3A_153] : memref<10000x128xf32, #tpu.memory_space<vmem_shared>> -> memref<125x128xf32, #tpu.memory_space<vmem_shared>>
      %dma_start3A_155 = arith.constant 0 : i32
      %dma_start3A_156 = tpu.memref_slice %arg6[%add3A_21, %dma_start3A_155] : memref<10000x128xf32, #tpu.memory_space<vmem_shared>> -> memref<125x128xf32, #tpu.memory_space<vmem_shared>>
      %dma_start3A_157 = arith.constant 0 : i32
      %dma_start3A_158 = arith.constant 0 : i32
      %dma_start3A_159 = tpu.memref_slice %arg7[%run_scoped3A_22, %dma_start3A_157, %dma_start3A_158] : memref<2x128x128xf32, #tpu.memory_space<vmem>> -> memref<1x125x128xf32, #tpu.memory_space<vmem>>
      %dma_start3A_160 = tpu.memref_squeeze %dma_start3A_159 : memref<1x125x128xf32, #tpu.memory_space<vmem>> -> memref<125x128xf32, #tpu.memory_space<vmem>>
      tpu.enqueue_dma source(%dma_start3A_160 : memref<125x128xf32, #tpu.memory_space<vmem>>) target(%dma_start3A_156 : memref<125x128xf32, #tpu.memory_space<vmem_shared>>) target_semaphore(%run_scoped3A_148 : memref<!tpu.dma_semaphore, #tpu.memory_space<semaphore_mem>>)
      %dma_wait3A_161 = arith.constant 0 : i32
      %dma_wait3A_162 = arith.constant 0 : i32
      %dma_wait3A_163 = tpu.memref_slice %arg7[%run_scoped3A_22, %dma_wait3A_161, %dma_wait3A_162] : memref<2x128x128xf32, #tpu.memory_space<vmem>> -> memref<1x125x128xf32, #tpu.memory_space<vmem>>
      %dma_wait3A_164 = tpu.memref_squeeze %dma_wait3A_163 : memref<1x125x128xf32, #tpu.memory_space<vmem>> -> memref<125x128xf32, #tpu.memory_space<vmem>>
      %dma_wait3A_165 = arith.constant 0 : i32
      %dma_wait3A_166 = tpu.memref_slice %arg6[%add3A_21, %dma_wait3A_165] : memref<10000x128xf32, #tpu.memory_space<vmem_shared>> -> memref<125x128xf32, #tpu.memory_space<vmem_shared>>
      %dma_wait3A_167 = arith.constant 0 : i32
      %dma_wait3A_168 = tpu.memref_slice %arg6[%add3A_21, %dma_wait3A_167] : memref<10000x128xf32, #tpu.memory_space<vmem_shared>> -> memref<125x128xf32, #tpu.memory_space<vmem_shared>>
      %dma_wait3A_169 = arith.constant 0 : i32
      %dma_wait3A_170 = arith.constant 0 : i32
      %dma_wait3A_171 = tpu.memref_slice %arg7[%run_scoped3A_22, %dma_wait3A_169, %dma_wait3A_170] : memref<2x128x128xf32, #tpu.memory_space<vmem>> -> memref<1x125x128xf32, #tpu.memory_space<vmem>>
      %dma_wait3A_172 = tpu.memref_squeeze %dma_wait3A_171 : memref<1x125x128xf32, #tpu.memory_space<vmem>> -> memref<125x128xf32, #tpu.memory_space<vmem>>
      tpu.wait_dma2 semaphore(%run_scoped3A_148 : memref<!tpu.dma_semaphore, #tpu.memory_space<semaphore_mem>>) src(%dma_wait3A_172 : memref<125x128xf32, #tpu.memory_space<vmem>>) dst(%dma_wait3A_168 : memref<125x128xf32, #tpu.memory_space<vmem_shared>>)
      tpu.yield
    }) : () -> ()
    %mul3A_23 = arith.constant 625 : i32
    %mul3A_24 = arith.muli %arg1, %mul3A_23 : i32
    %add3A_25 = arith.constant 500 : i32
    %add3A_26 = arith.addi %mul3A_24, %add3A_25 : i32
    %run_scoped3A_27 = arith.constant 0 : i32
    "tpu.region"() ({
      %run_scoped3A_148 = tpu.sem_alloc : memref<!tpu.dma_semaphore, #tpu.memory_space<semaphore_mem>>
      %dma_start3A_149 = arith.constant 0 : i32
      %dma_start3A_150 = arith.constant 0 : i32
      %dma_start3A_151 = tpu.memref_slice %arg7[%run_scoped3A_27, %dma_start3A_149, %dma_start3A_150] : memref<2x128x128xf32, #tpu.memory_space<vmem>> -> memref<1x125x128xf32, #tpu.memory_space<vmem>>
      %dma_start3A_152 = tpu.memref_squeeze %dma_start3A_151 : memref<1x125x128xf32, #tpu.memory_space<vmem>> -> memref<125x128xf32, #tpu.memory_space<vmem>>
      %dma_start3A_153 = arith.constant 0 : i32
      %dma_start3A_154 = tpu.memref_slice %arg6[%add3A_26, %dma_start3A_153] : memref<10000x128xf32, #tpu.memory_space<vmem_shared>> -> memref<125x128xf32, #tpu.memory_space<vmem_shared>>
      %dma_start3A_155 = arith.constant 0 : i32
      %dma_start3A_156 = tpu.memref_slice %arg6[%add3A_26, %dma_start3A_155] : memref<10000x128xf32, #tpu.memory_space<vmem_shared>> -> memref<125x128xf32, #tpu.memory_space<vmem_shared>>
      %dma_start3A_157 = arith.constant 0 : i32
      %dma_start3A_158 = arith.constant 0 : i32
      %dma_start3A_159 = tpu.memref_slice %arg7[%run_scoped3A_27, %dma_start3A_157, %dma_start3A_158] : memref<2x128x128xf32, #tpu.memory_space<vmem>> -> memref<1x125x128xf32, #tpu.memory_space<vmem>>
      %dma_start3A_160 = tpu.memref_squeeze %dma_start3A_159 : memref<1x125x128xf32, #tpu.memory_space<vmem>> -> memref<125x128xf32, #tpu.memory_space<vmem>>
      tpu.enqueue_dma source(%dma_start3A_160 : memref<125x128xf32, #tpu.memory_space<vmem>>) target(%dma_start3A_156 : memref<125x128xf32, #tpu.memory_space<vmem_shared>>) target_semaphore(%run_scoped3A_148 : memref<!tpu.dma_semaphore, #tpu.memory_space<semaphore_mem>>)
      %dma_wait3A_161 = arith.constant 0 : i32
      %dma_wait3A_162 = arith.constant 0 : i32
      %dma_wait3A_163 = tpu.memref_slice %arg7[%run_scoped3A_27, %dma_wait3A_161, %dma_wait3A_162] : memref<2x128x128xf32, #tpu.memory_space<vmem>> -> memref<1x125x128xf32, #tpu.memory_space<vmem>>
      %dma_wait3A_164 = tpu.memref_squeeze %dma_wait3A_163 : memref<1x125x128xf32, #tpu.memory_space<vmem>> -> memref<125x128xf32, #tpu.memory_space<vmem>>
      %dma_wait3A_165 = arith.constant 0 : i32
      %dma_wait3A_166 = tpu.memref_slice %arg6[%add3A_26, %dma_wait3A_165] : memref<10000x128xf32, #tpu.memory_space<vmem_shared>> -> memref<125x128xf32, #tpu.memory_space<vmem_shared>>
      %dma_wait3A_167 = arith.constant 0 : i32
      %dma_wait3A_168 = tpu.memref_slice %arg6[%add3A_26, %dma_wait3A_167] : memref<10000x128xf32, #tpu.memory_space<vmem_shared>> -> memref<125x128xf32, #tpu.memory_space<vmem_shared>>
      %dma_wait3A_169 = arith.constant 0 : i32
      %dma_wait3A_170 = arith.constant 0 : i32
      %dma_wait3A_171 = tpu.memref_slice %arg7[%run_scoped3A_27, %dma_wait3A_169, %dma_wait3A_170] : memref<2x128x128xf32, #tpu.memory_space<vmem>> -> memref<1x125x128xf32, #tpu.memory_space<vmem>>
      %dma_wait3A_172 = tpu.memref_squeeze %dma_wait3A_171 : memref<1x125x128xf32, #tpu.memory_space<vmem>> -> memref<125x128xf32, #tpu.memory_space<vmem>>
      tpu.wait_dma2 semaphore(%run_scoped3A_148 : memref<!tpu.dma_semaphore, #tpu.memory_space<semaphore_mem>>) src(%dma_wait3A_172 : memref<125x128xf32, #tpu.memory_space<vmem>>) dst(%dma_wait3A_168 : memref<125x128xf32, #tpu.memory_space<vmem_shared>>)
      tpu.yield
    }) : () -> ()
    %barrier3A = arith.constant 0 : index
    tpu.barrier barrier_id(%barrier3A)
    %add3A_28 = arith.constant 0 : i32
    %add3A_29 = arith.addi %arg1, %add3A_28 : i32
    %min3A = arith.constant 1249 : i32
    %min3A_30 = arith.minsi %add3A_29, %min3A : i32
    %dma_start3A = arith.constant 0 : i32
    %dma_start3A_31 = arith.constant 0 : i32
    %dma_start3A_32 = arith.constant 0 : i32
    %dma_start3A_33 = arith.constant 0 : i32
    %dma_start3A_34 = tpu.memref_slice %arg9[%dma_start3A, %dma_start3A_32, %dma_start3A_33] : memref<4x4x128xi32, #tpu.memory_space<vmem>> -> memref<1x4x128xi32, #tpu.memory_space<vmem>>
    %dma_start3A_35 = tpu.memref_squeeze %dma_start3A_34 : memref<1x4x128xi32, #tpu.memory_space<vmem>> -> memref<4x128xi32, #tpu.memory_space<vmem>>
    %dma_start3A_36 = arith.constant 0 : i32
    %dma_start3A_37 = arith.constant 0 : i32
    %dma_start3A_38 = tpu.memref_slice %arg4[%min3A_30, %dma_start3A_36, %dma_start3A_37] : memref<1250x4x128xi32, #tpu.memory_space<hbm>> -> memref<1x4x128xi32, #tpu.memory_space<hbm>>
    %dma_start3A_39 = tpu.memref_squeeze %dma_start3A_38 : memref<1x4x128xi32, #tpu.memory_space<hbm>> -> memref<4x128xi32, #tpu.memory_space<hbm>>
    %dma_start3A_40 = tpu.memref_slice %arg10[%dma_start3A_31] : memref<4x!tpu.dma_semaphore, #tpu.memory_space<semaphore_mem>> -> memref<1x!tpu.dma_semaphore, #tpu.memory_space<semaphore_mem>>
    %dma_start3A_41 = tpu.memref_squeeze %dma_start3A_40 : memref<1x!tpu.dma_semaphore, #tpu.memory_space<semaphore_mem>> -> memref<!tpu.dma_semaphore, #tpu.memory_space<semaphore_mem>>
    %dma_start3A_42 = arith.constant 0 : i32
    %dma_start3A_43 = arith.constant 0 : i32
    %dma_start3A_44 = tpu.memref_slice %arg9[%dma_start3A, %dma_start3A_42, %dma_start3A_43] : memref<4x4x128xi32, #tpu.memory_space<vmem>> -> memref<1x4x128xi32, #tpu.memory_space<vmem>>
    %dma_start3A_45 = tpu.memref_squeeze %dma_start3A_44 : memref<1x4x128xi32, #tpu.memory_space<vmem>> -> memref<4x128xi32, #tpu.memory_space<vmem>>
    %dma_start3A_46 = arith.constant 0 : i32
    %dma_start3A_47 = arith.constant 0 : i32
    %dma_start3A_48 = tpu.memref_slice %arg4[%min3A_30, %dma_start3A_46, %dma_start3A_47] : memref<1250x4x128xi32, #tpu.memory_space<hbm>> -> memref<1x4x128xi32, #tpu.memory_space<hbm>>
    %dma_start3A_49 = tpu.memref_squeeze %dma_start3A_48 : memref<1x4x128xi32, #tpu.memory_space<hbm>> -> memref<4x128xi32, #tpu.memory_space<hbm>>
    tpu.enqueue_dma source(%dma_start3A_49 : memref<4x128xi32, #tpu.memory_space<hbm>>) target(%dma_start3A_45 : memref<4x128xi32, #tpu.memory_space<vmem>>) target_semaphore(%dma_start3A_41 : memref<!tpu.dma_semaphore, #tpu.memory_space<semaphore_mem>>)
    %add3A_50 = arith.constant 0 : i32
    %add3A_51 = arith.addi %arg1, %add3A_50 : i32
    %min3A_52 = arith.constant 1249 : i32
    %min3A_53 = arith.minsi %add3A_51, %min3A_52 : i32
    %dma_wait3A = arith.constant 0 : i32
    %dma_wait3A_54 = arith.constant 0 : i32
    %dma_wait3A_55 = arith.constant 0 : i32
    %dma_wait3A_56 = arith.constant 0 : i32
    %dma_wait3A_57 = tpu.memref_slice %arg9[%dma_wait3A, %dma_wait3A_55, %dma_wait3A_56] : memref<4x4x128xi32, #tpu.memory_space<vmem>> -> memref<1x4x128xi32, #tpu.memory_space<vmem>>
    %dma_wait3A_58 = tpu.memref_squeeze %dma_wait3A_57 : memref<1x4x128xi32, #tpu.memory_space<vmem>> -> memref<4x128xi32, #tpu.memory_space<vmem>>
    %dma_wait3A_59 = arith.constant 0 : i32
    %dma_wait3A_60 = arith.constant 0 : i32
    %dma_wait3A_61 = tpu.memref_slice %arg4[%min3A_53, %dma_wait3A_59, %dma_wait3A_60] : memref<1250x4x128xi32, #tpu.memory_space<hbm>> -> memref<1x4x128xi32, #tpu.memory_space<hbm>>
    %dma_wait3A_62 = tpu.memref_squeeze %dma_wait3A_61 : memref<1x4x128xi32, #tpu.memory_space<hbm>> -> memref<4x128xi32, #tpu.memory_space<hbm>>
    %dma_wait3A_63 = tpu.memref_slice %arg10[%dma_wait3A_54] : memref<4x!tpu.dma_semaphore, #tpu.memory_space<semaphore_mem>> -> memref<1x!tpu.dma_semaphore, #tpu.memory_space<semaphore_mem>>
    %dma_wait3A_64 = tpu.memref_squeeze %dma_wait3A_63 : memref<1x!tpu.dma_semaphore, #tpu.memory_space<semaphore_mem>> -> memref<!tpu.dma_semaphore, #tpu.memory_space<semaphore_mem>>
    %dma_wait3A_65 = arith.constant 0 : i32
    %dma_wait3A_66 = arith.constant 0 : i32
    %dma_wait3A_67 = tpu.memref_slice %arg9[%dma_wait3A, %dma_wait3A_65, %dma_wait3A_66] : memref<4x4x128xi32, #tpu.memory_space<vmem>> -> memref<1x4x128xi32, #tpu.memory_space<vmem>>
    %dma_wait3A_68 = tpu.memref_squeeze %dma_wait3A_67 : memref<1x4x128xi32, #tpu.memory_space<vmem>> -> memref<4x128xi32, #tpu.memory_space<vmem>>
    %dma_wait3A_69 = arith.constant 0 : i32
    %dma_wait3A_70 = arith.constant 0 : i32
    %dma_wait3A_71 = tpu.memref_slice %arg4[%min3A_53, %dma_wait3A_69, %dma_wait3A_70] : memref<1250x4x128xi32, #tpu.memory_space<hbm>> -> memref<1x4x128xi32, #tpu.memory_space<hbm>>
    %dma_wait3A_72 = tpu.memref_squeeze %dma_wait3A_71 : memref<1x4x128xi32, #tpu.memory_space<hbm>> -> memref<4x128xi32, #tpu.memory_space<hbm>>
    tpu.wait_dma2 semaphore(%dma_wait3A_64 : memref<!tpu.dma_semaphore, #tpu.memory_space<semaphore_mem>>) src(%dma_wait3A_72 : memref<4x128xi32, #tpu.memory_space<hbm>>) dst(%dma_wait3A_68 : memref<4x128xi32, #tpu.memory_space<vmem>>)
    %dma_start3A_73 = arith.constant 0 : i32
    %dma_start3A_74 = arith.constant 0 : i32
    %dma_start3A_75 = arith.constant 0 : i32
    %dma_start3A_76 = arith.constant 0 : i32
    %dma_start3A_77 = arith.constant 0 : i32
    %dma_start3A_78 = tpu.memref_slice %arg7[%dma_start3A_74, %dma_start3A_76, %dma_start3A_77] : memref<2x128x128xf32, #tpu.memory_space<vmem>> -> memref<1x128x128xf32, #tpu.memory_space<vmem>>
    %dma_start3A_79 = tpu.memref_squeeze %dma_start3A_78 : memref<1x128x128xf32, #tpu.memory_space<vmem>> -> memref<128x128xf32, #tpu.memory_space<vmem>>
    %dma_start3A_80 = arith.constant 0 : i32
    %dma_start3A_81 = tpu.memref_slice %arg9[%dma_start3A_73, %arg0, %dma_start3A_80] : memref<4x4x128xi32, #tpu.memory_space<vmem>> -> memref<1x1x128xi32, #tpu.memory_space<vmem>>
    %dma_start3A_82 = tpu.memref_squeeze %dma_start3A_81 : memref<1x1x128xi32, #tpu.memory_space<vmem>> -> memref<128xi32, #tpu.memory_space<vmem>>
    %dma_start3A_83 = arith.constant 0 : i32
    %dma_start3A_84 = arith.constant 0 : i32
    %dma_start3A_85 = tpu.memref_slice %arg2[%dma_start3A_83, %dma_start3A_84] : memref<80000x128xf32, #tpu.memory_space<hbm>> -> memref<80000x128xf32, #tpu.memory_space<hbm>>
    %dma_start3A_86 = tpu.memref_slice %arg11[%dma_start3A_75] : memref<2x!tpu.dma_semaphore, #tpu.memory_space<semaphore_mem>> -> memref<1x!tpu.dma_semaphore, #tpu.memory_space<semaphore_mem>>
    %dma_start3A_87 = tpu.memref_squeeze %dma_start3A_86 : memref<1x!tpu.dma_semaphore, #tpu.memory_space<semaphore_mem>> -> memref<!tpu.dma_semaphore, #tpu.memory_space<semaphore_mem>>
    tpu.enqueue_indirect_dma source(%dma_start3A_85 : memref<80000x128xf32, #tpu.memory_space<hbm>>) target(%dma_start3A_79 : memref<128x128xf32, #tpu.memory_space<vmem>>) offsets(%dma_start3A_82 : memref<128xi32, #tpu.memory_space<vmem>>) semaphore(%dma_start3A_87 : memref<!tpu.dma_semaphore, #tpu.memory_space<semaphore_mem>>)
    %add3A_88 = arith.constant 0 : i32
    %add3A_89 = arith.addi %arg1, %add3A_88 : i32
    %min3A_90 = arith.constant 1249 : i32
    %min3A_91 = arith.minsi %add3A_89, %min3A_90 : i32
    %mul3A_92 = arith.constant 16 : i32
    %mul3A_93 = arith.muli %min3A_91, %mul3A_92 : i32
    %dma_start3A_94 = arith.constant 0 : i32
    %dma_start3A_95 = arith.constant 0 : i32
    %dma_start3A_96 = arith.constant 0 : i32
    %dma_start3A_97 = arith.constant 0 : i32
    %dma_start3A_98 = tpu.memref_slice %arg8[%dma_start3A_94, %dma_start3A_96, %dma_start3A_97] : memref<2x16x128xf32, #tpu.memory_space<vmem>> -> memref<1x16x128xf32, #tpu.memory_space<vmem>>
    %dma_start3A_99 = tpu.memref_squeeze %dma_start3A_98 : memref<1x16x128xf32, #tpu.memory_space<vmem>> -> memref<16x128xf32, #tpu.memory_space<vmem>>
    %dma_start3A_100 = arith.constant 0 : i32
    %dma_start3A_101 = tpu.memref_slice %arg3[%mul3A_93, %dma_start3A_100] : memref<20000x128xf32, #tpu.memory_space<hbm>> -> memref<16x128xf32, #tpu.memory_space<hbm>>
    %dma_start3A_102 = tpu.memref_slice %arg11[%dma_start3A_95] : memref<2x!tpu.dma_semaphore, #tpu.memory_space<semaphore_mem>> -> memref<1x!tpu.dma_semaphore, #tpu.memory_space<semaphore_mem>>
    %dma_start3A_103 = tpu.memref_squeeze %dma_start3A_102 : memref<1x!tpu.dma_semaphore, #tpu.memory_space<semaphore_mem>> -> memref<!tpu.dma_semaphore, #tpu.memory_space<semaphore_mem>>
    %dma_start3A_104 = arith.constant 0 : i32
    %dma_start3A_105 = arith.constant 0 : i32
    %dma_start3A_106 = tpu.memref_slice %arg8[%dma_start3A_94, %dma_start3A_104, %dma_start3A_105] : memref<2x16x128xf32, #tpu.memory_space<vmem>> -> memref<1x16x128xf32, #tpu.memory_space<vmem>>
    %dma_start3A_107 = tpu.memref_squeeze %dma_start3A_106 : memref<1x16x128xf32, #tpu.memory_space<vmem>> -> memref<16x128xf32, #tpu.memory_space<vmem>>
    %dma_start3A_108 = arith.constant 0 : i32
    %dma_start3A_109 = tpu.memref_slice %arg3[%mul3A_93, %dma_start3A_108] : memref<20000x128xf32, #tpu.memory_space<hbm>> -> memref<16x128xf32, #tpu.memory_space<hbm>>
    tpu.enqueue_dma source(%dma_start3A_109 : memref<16x128xf32, #tpu.memory_space<hbm>>) target(%dma_start3A_107 : memref<16x128xf32, #tpu.memory_space<vmem>>) target_semaphore(%dma_start3A_103 : memref<!tpu.dma_semaphore, #tpu.memory_space<semaphore_mem>>)
    %add3A_110 = arith.constant 16 : i32
    %add3A_111 = arith.addi %arg1, %add3A_110 : i32
    %min3A_112 = arith.constant 1249 : i32
    %min3A_113 = arith.minsi %add3A_111, %min3A_112 : i32
    %dma_start3A_114 = arith.constant 1 : i32
    %dma_start3A_115 = arith.constant 1 : i32
    %dma_start3A_116 = arith.constant 0 : i32
    %dma_start3A_117 = arith.constant 0 : i32
    %dma_start3A_118 = tpu.memref_slice %arg9[%dma_start3A_114, %dma_start3A_116, %dma_start3A_117] : memref<4x4x128xi32, #tpu.memory_space<vmem>> -> memref<1x4x128xi32, #tpu.memory_space<vmem>>
    %dma_start3A_119 = tpu.memref_squeeze %dma_start3A_118 : memref<1x4x128xi32, #tpu.memory_space<vmem>> -> memref<4x128xi32, #tpu.memory_space<vmem>>
    %dma_start3A_120 = arith.constant 0 : i32
    %dma_start3A_121 = arith.constant 0 : i32
    %dma_start3A_122 = tpu.memref_slice %arg4[%min3A_113, %dma_start3A_120, %dma_start3A_121] : memref<1250x4x128xi32, #tpu.memory_space<hbm>> -> memref<1x4x128xi32, #tpu.memory_space<hbm>>
    %dma_start3A_123 = tpu.memref_squeeze %dma_start3A_122 : memref<1x4x128xi32, #tpu.memory_space<hbm>> -> memref<4x128xi32, #tpu.memory_space<hbm>>
    %dma_start3A_124 = tpu.memref_slice %arg10[%dma_start3A_115] : memref<4x!tpu.dma_semaphore, #tpu.memory_space<semaphore_mem>> -> memref<1x!tpu.dma_semaphore, #tpu.memory_space<semaphore_mem>>
    %dma_start3A_125 = tpu.memref_squeeze %dma_start3A_124 : memref<1x!tpu.dma_semaphore, #tpu.memory_space<semaphore_mem>> -> memref<!tpu.dma_semaphore, #tpu.memory_space<semaphore_mem>>
    %dma_start3A_126 = arith.constant 0 : i32
    %dma_start3A_127 = arith.constant 0 : i32
    %dma_start3A_128 = tpu.memref_slice %arg9[%dma_start3A_114, %dma_start3A_126, %dma_start3A_127] : memref<4x4x128xi32, #tpu.memory_space<vmem>> -> memref<1x4x128xi32, #tpu.memory_space<vmem>>
    %dma_start3A_129 = tpu.memref_squeeze %dma_start3A_128 : memref<1x4x128xi32, #tpu.memory_space<vmem>> -> memref<4x128xi32, #tpu.memory_space<vmem>>
    %dma_start3A_130 = arith.constant 0 : i32
    %dma_start3A_131 = arith.constant 0 : i32
    %dma_start3A_132 = tpu.memref_slice %arg4[%min3A_113, %dma_start3A_130, %dma_start3A_131] : memref<1250x4x128xi32, #tpu.memory_space<hbm>> -> memref<1x4x128xi32, #tpu.memory_space<hbm>>
    %dma_start3A_133 = tpu.memref_squeeze %dma_start3A_132 : memref<1x4x128xi32, #tpu.memory_space<hbm>> -> memref<4x128xi32, #tpu.memory_space<hbm>>
    tpu.enqueue_dma source(%dma_start3A_133 : memref<4x128xi32, #tpu.memory_space<hbm>>) target(%dma_start3A_129 : memref<4x128xi32, #tpu.memory_space<vmem>>) target_semaphore(%dma_start3A_125 : memref<!tpu.dma_semaphore, #tpu.memory_space<semaphore_mem>>)
    %scan3A_134 = arith.constant 0 : i32
    %scan3A_135 = arith.constant 0 : i32
    %scan3A_136 = arith.constant 79 : i32
    %scan3A_137 = arith.addi %scan3A_135, %scan3A_136 : i32
    %scan3A_138 = arith.constant 1 : i32
    %scan3A_139 = scf.for %scan3A_148 = %scan3A_135 to %scan3A_137 step %scan3A_138 iter_args(%scan3A_149 = %scan3A_134) -> (i32)  : i32 {
      %ge3A = arith.constant 1 : i32
      %ge3A_150 = arith.cmpi sge, %scan3A_148, %ge3A : i32
      %sub3A = arith.constant 1 : i32
      %sub3A_151 = arith.subi %scan3A_148, %sub3A : i32
      %mul3A_152 = arith.constant 16 : i32
      %mul3A_153 = arith.muli %sub3A_151, %mul3A_152 : i32
      %add3A_154 = arith.addi %arg1, %mul3A_153 : i32
      %lt3A_155 = arith.constant 1250 : i32
      %lt3A_156 = arith.cmpi slt, %add3A_154, %lt3A_155 : i32
      %and3A = arith.andi %ge3A_150, %lt3A_156 : i1
      %convert_element_type3A_157 = arith.extui %and3A : i1 to i32
      %cond3A_158 = arith.constant 0 : i32
      %cond3A_159 = arith.cmpi ne, %convert_element_type3A_157, %cond3A_158 : i32
      scf.if %cond3A_159 {
        %sub3A_314 = arith.constant 1 : i32
        %sub3A_315 = arith.subi %scan3A_148, %sub3A_314 : i32
        %jit3A_316 = arith.constant 2 : i32
        %eq3A_317 = arith.constant 0 : i32
        %eq3A_318 = arith.cmpi eq, %jit3A_316, %eq3A_317 : i32
        %jit3A_319 = arith.constant 1 : i32
        %select_n3A_320 = arith.select %eq3A_318, %jit3A_319, %jit3A_316 : i32
        %rem3A_321 = arith.remsi %sub3A_315, %select_n3A_320 : i32
        %ne3A_322 = arith.constant 0 : i32
        %ne3A_323 = arith.cmpi ne, %rem3A_321, %ne3A_322 : i32
        %lt3A_324 = arith.constant 0 : i32
        %lt3A_325 = arith.cmpi slt, %rem3A_321, %lt3A_324 : i32
        %lt3A_326 = arith.constant 0 : i32
        %lt3A_327 = arith.cmpi slt, %select_n3A_320, %lt3A_326 : i32
        %ne3A_328 = arith.xori %lt3A_325, %lt3A_327 : i1
        %and3A_329 = arith.andi %ne3A_328, %ne3A_323 : i1
        %add3A_330 = arith.addi %rem3A_321, %select_n3A_320 : i32
        %select_n3A_331 = arith.select %and3A_329, %add3A_330, %rem3A_321 : i32
        %jit3A_332 = arith.constant 4 : i32
        %eq3A_333 = arith.constant 0 : i32
        %eq3A_334 = arith.cmpi eq, %jit3A_332, %eq3A_333 : i32
        %jit3A_335 = arith.constant 1 : i32
        %select_n3A_336 = arith.select %eq3A_334, %jit3A_335, %jit3A_332 : i32
        %rem3A_337 = arith.remsi %sub3A_315, %select_n3A_336 : i32
        %ne3A_338 = arith.constant 0 : i32
        %ne3A_339 = arith.cmpi ne, %rem3A_337, %ne3A_338 : i32
        %lt3A_340 = arith.constant 0 : i32
        %lt3A_341 = arith.cmpi slt, %rem3A_337, %lt3A_340 : i32
        %lt3A_342 = arith.constant 0 : i32
        %lt3A_343 = arith.cmpi slt, %select_n3A_336, %lt3A_342 : i32
        %ne3A_344 = arith.xori %lt3A_341, %lt3A_343 : i1
        %and3A_345 = arith.andi %ne3A_344, %ne3A_339 : i1
        %add3A_346 = arith.addi %rem3A_337, %select_n3A_336 : i32
        %select_n3A_347 = arith.select %and3A_345, %add3A_346, %rem3A_337 : i32
        %jit3A_348 = arith.constant 2 : i32
        %eq3A_349 = arith.constant 0 : i32
        %eq3A_350 = arith.cmpi eq, %jit3A_348, %eq3A_349 : i32
        %jit3A_351 = arith.constant 1 : i32
        %select_n3A_352 = arith.select %eq3A_350, %jit3A_351, %jit3A_348 : i32
        %rem3A_353 = arith.remsi %sub3A_315, %select_n3A_352 : i32
        %ne3A_354 = arith.constant 0 : i32
        %ne3A_355 = arith.cmpi ne, %rem3A_353, %ne3A_354 : i32
        %lt3A_356 = arith.constant 0 : i32
        %lt3A_357 = arith.cmpi slt, %rem3A_353, %lt3A_356 : i32
        %lt3A_358 = arith.constant 0 : i32
        %lt3A_359 = arith.cmpi slt, %select_n3A_352, %lt3A_358 : i32
        %ne3A_360 = arith.xori %lt3A_357, %lt3A_359 : i1
        %and3A_361 = arith.andi %ne3A_360, %ne3A_355 : i1
        %add3A_362 = arith.addi %rem3A_353, %select_n3A_352 : i32
        %select_n3A_363 = arith.select %and3A_361, %add3A_362, %rem3A_353 : i32
        %dma_wait3A_364 = arith.constant 2 : i32
        %dma_wait3A_365 = arith.constant 0 : i32
        %dma_wait3A_366 = arith.constant 0 : i32
        %dma_wait3A_367 = tpu.memref_slice %arg7[%select_n3A_331, %dma_wait3A_365, %dma_wait3A_366] : memref<2x128x128xf32, #tpu.memory_space<vmem>> -> memref<1x128x128xf32, #tpu.memory_space<vmem>>
        %dma_wait3A_368 = tpu.memref_squeeze %dma_wait3A_367 : memref<1x128x128xf32, #tpu.memory_space<vmem>> -> memref<128x128xf32, #tpu.memory_space<vmem>>
        %dma_wait3A_369 = arith.constant 0 : i32
        %dma_wait3A_370 = tpu.memref_slice %arg9[%select_n3A_347, %dma_wait3A_364, %dma_wait3A_369] : memref<4x4x128xi32, #tpu.memory_space<vmem>> -> memref<1x1x128xi32, #tpu.memory_space<vmem>>
        %dma_wait3A_371 = tpu.memref_squeeze %dma_wait3A_370 : memref<1x1x128xi32, #tpu.memory_space<vmem>> -> memref<128xi32, #tpu.memory_space<vmem>>
        %dma_wait3A_372 = arith.constant 0 : i32
        %dma_wait3A_373 = arith.constant 0 : i32
        %dma_wait3A_374 = tpu.memref_slice %arg6[%dma_wait3A_372, %dma_wait3A_373] : memref<10000x128xf32, #tpu.memory_space<vmem_shared>> -> memref<10000x128xf32, #tpu.memory_space<vmem_shared>>
        %dma_wait3A_375 = tpu.memref_slice %arg12[%select_n3A_363] : memref<2x!tpu.dma_semaphore, #tpu.memory_space<semaphore_mem>> -> memref<1x!tpu.dma_semaphore, #tpu.memory_space<semaphore_mem>>
        %dma_wait3A_376 = tpu.memref_squeeze %dma_wait3A_375 : memref<1x!tpu.dma_semaphore, #tpu.memory_space<semaphore_mem>> -> memref<!tpu.dma_semaphore, #tpu.memory_space<semaphore_mem>>
        tpu.wait_indirect_dma semaphore(%dma_wait3A_376 : memref<!tpu.dma_semaphore, #tpu.memory_space<semaphore_mem>>) src(%dma_wait3A_368 : memref<128x128xf32, #tpu.memory_space<vmem>>) dst(%dma_wait3A_374 : memref<10000x128xf32, #tpu.memory_space<vmem_shared>>)
      } else {
      }
      %add3A_160 = arith.constant 1 : i32
      %add3A_161 = arith.addi %scan3A_148, %add3A_160 : i32
      %lt3A_162 = arith.constant 79 : i32
      %lt3A_163 = arith.cmpi slt, %add3A_161, %lt3A_162 : i32
      %convert_element_type3A_164 = arith.extui %lt3A_163 : i1 to i32
      %cond3A_165 = arith.constant 0 : i32
      %cond3A_166 = arith.cmpi ne, %convert_element_type3A_164, %cond3A_165 : i32
      scf.if %cond3A_166 {
        %add3A_314 = arith.constant 1 : i32
        %add3A_315 = arith.addi %scan3A_148, %add3A_314 : i32
        %mul3A_316 = arith.constant 16 : i32
        %mul3A_317 = arith.muli %add3A_315, %mul3A_316 : i32
        %add3A_318 = arith.addi %arg1, %mul3A_317 : i32
        %min3A_319 = arith.constant 1249 : i32
        %min3A_320 = arith.minsi %add3A_318, %min3A_319 : i32
        %jit3A_321 = arith.constant 4 : i32
        %eq3A_322 = arith.constant 0 : i32
        %eq3A_323 = arith.cmpi eq, %jit3A_321, %eq3A_322 : i32
        %jit3A_324 = arith.constant 1 : i32
        %select_n3A_325 = arith.select %eq3A_323, %jit3A_324, %jit3A_321 : i32
        %rem3A_326 = arith.remsi %add3A_315, %select_n3A_325 : i32
        %ne3A_327 = arith.constant 0 : i32
        %ne3A_328 = arith.cmpi ne, %rem3A_326, %ne3A_327 : i32
        %lt3A_329 = arith.constant 0 : i32
        %lt3A_330 = arith.cmpi slt, %rem3A_326, %lt3A_329 : i32
        %lt3A_331 = arith.constant 0 : i32
        %lt3A_332 = arith.cmpi slt, %select_n3A_325, %lt3A_331 : i32
        %ne3A_333 = arith.xori %lt3A_330, %lt3A_332 : i1
        %and3A_334 = arith.andi %ne3A_333, %ne3A_328 : i1
        %add3A_335 = arith.addi %rem3A_326, %select_n3A_325 : i32
        %select_n3A_336 = arith.select %and3A_334, %add3A_335, %rem3A_326 : i32
        %jit3A_337 = arith.constant 4 : i32
        %eq3A_338 = arith.constant 0 : i32
        %eq3A_339 = arith.cmpi eq, %jit3A_337, %eq3A_338 : i32
        %jit3A_340 = arith.constant 1 : i32
        %select_n3A_341 = arith.select %eq3A_339, %jit3A_340, %jit3A_337 : i32
        %rem3A_342 = arith.remsi %add3A_315, %select_n3A_341 : i32
        %ne3A_343 = arith.constant 0 : i32
        %ne3A_344 = arith.cmpi ne, %rem3A_342, %ne3A_343 : i32
        %lt3A_345 = arith.constant 0 : i32
        %lt3A_346 = arith.cmpi slt, %rem3A_342, %lt3A_345 : i32
        %lt3A_347 = arith.constant 0 : i32
        %lt3A_348 = arith.cmpi slt, %select_n3A_341, %lt3A_347 : i32
        %ne3A_349 = arith.xori %lt3A_346, %lt3A_348 : i1
        %and3A_350 = arith.andi %ne3A_349, %ne3A_344 : i1
        %add3A_351 = arith.addi %rem3A_342, %select_n3A_341 : i32
        %select_n3A_352 = arith.select %and3A_350, %add3A_351, %rem3A_342 : i32
        %dma_wait3A_353 = arith.constant 0 : i32
        %dma_wait3A_354 = arith.constant 0 : i32
        %dma_wait3A_355 = tpu.memref_slice %arg9[%select_n3A_336, %dma_wait3A_353, %dma_wait3A_354] : memref<4x4x128xi32, #tpu.memory_space<vmem>> -> memref<1x4x128xi32, #tpu.memory_space<vmem>>
        %dma_wait3A_356 = tpu.memref_squeeze %dma_wait3A_355 : memref<1x4x128xi32, #tpu.memory_space<vmem>> -> memref<4x128xi32, #tpu.memory_space<vmem>>
        %dma_wait3A_357 = arith.constant 0 : i32
        %dma_wait3A_358 = arith.constant 0 : i32
        %dma_wait3A_359 = tpu.memref_slice %arg4[%min3A_320, %dma_wait3A_357, %dma_wait3A_358] : memref<1250x4x128xi32, #tpu.memory_space<hbm>> -> memref<1x4x128xi32, #tpu.memory_space<hbm>>
        %dma_wait3A_360 = tpu.memref_squeeze %dma_wait3A_359 : memref<1x4x128xi32, #tpu.memory_space<hbm>> -> memref<4x128xi32, #tpu.memory_space<hbm>>
        %dma_wait3A_361 = tpu.memref_slice %arg10[%select_n3A_352] : memref<4x!tpu.dma_semaphore, #tpu.memory_space<semaphore_mem>> -> memref<1x!tpu.dma_semaphore, #tpu.memory_space<semaphore_mem>>
        %dma_wait3A_362 = tpu.memref_squeeze %dma_wait3A_361 : memref<1x!tpu.dma_semaphore, #tpu.memory_space<semaphore_mem>> -> memref<!tpu.dma_semaphore, #tpu.memory_space<semaphore_mem>>
        %dma_wait3A_363 = arith.constant 0 : i32
        %dma_wait3A_364 = arith.constant 0 : i32
        %dma_wait3A_365 = tpu.memref_slice %arg9[%select_n3A_336, %dma_wait3A_363, %dma_wait3A_364] : memref<4x4x128xi32, #tpu.memory_space<vmem>> -> memref<1x4x128xi32, #tpu.memory_space<vmem>>
        %dma_wait3A_366 = tpu.memref_squeeze %dma_wait3A_365 : memref<1x4x128xi32, #tpu.memory_space<vmem>> -> memref<4x128xi32, #tpu.memory_space<vmem>>
        %dma_wait3A_367 = arith.constant 0 : i32
        %dma_wait3A_368 = arith.constant 0 : i32
        %dma_wait3A_369 = tpu.memref_slice %arg4[%min3A_320, %dma_wait3A_367, %dma_wait3A_368] : memref<1250x4x128xi32, #tpu.memory_space<hbm>> -> memref<1x4x128xi32, #tpu.memory_space<hbm>>
        %dma_wait3A_370 = tpu.memref_squeeze %dma_wait3A_369 : memref<1x4x128xi32, #tpu.memory_space<hbm>> -> memref<4x128xi32, #tpu.memory_space<hbm>>
        tpu.wait_dma2 semaphore(%dma_wait3A_362 : memref<!tpu.dma_semaphore, #tpu.memory_space<semaphore_mem>>) src(%dma_wait3A_370 : memref<4x128xi32, #tpu.memory_space<hbm>>) dst(%dma_wait3A_366 : memref<4x128xi32, #tpu.memory_space<vmem>>)
        %add3A_371 = arith.constant 1 : i32
        %add3A_372 = arith.addi %scan3A_148, %add3A_371 : i32
        %jit3A_373 = arith.constant 4 : i32
        %eq3A_374 = arith.constant 0 : i32
        %eq3A_375 = arith.cmpi eq, %jit3A_373, %eq3A_374 : i32
        %jit3A_376 = arith.constant 1 : i32
        %select_n3A_377 = arith.select %eq3A_375, %jit3A_376, %jit3A_373 : i32
        %rem3A_378 = arith.remsi %add3A_372, %select_n3A_377 : i32
        %ne3A_379 = arith.constant 0 : i32
        %ne3A_380 = arith.cmpi ne, %rem3A_378, %ne3A_379 : i32
        %lt3A_381 = arith.constant 0 : i32
        %lt3A_382 = arith.cmpi slt, %rem3A_378, %lt3A_381 : i32
        %lt3A_383 = arith.constant 0 : i32
        %lt3A_384 = arith.cmpi slt, %select_n3A_377, %lt3A_383 : i32
        %ne3A_385 = arith.xori %lt3A_382, %lt3A_384 : i1
        %and3A_386 = arith.andi %ne3A_385, %ne3A_380 : i1
        %add3A_387 = arith.addi %rem3A_378, %select_n3A_377 : i32
        %select_n3A_388 = arith.select %and3A_386, %add3A_387, %rem3A_378 : i32
        %jit3A_389 = arith.constant 2 : i32
        %eq3A_390 = arith.constant 0 : i32
        %eq3A_391 = arith.cmpi eq, %jit3A_389, %eq3A_390 : i32
        %jit3A_392 = arith.constant 1 : i32
        %select_n3A_393 = arith.select %eq3A_391, %jit3A_392, %jit3A_389 : i32
        %rem3A_394 = arith.remsi %add3A_372, %select_n3A_393 : i32
        %ne3A_395 = arith.constant 0 : i32
        %ne3A_396 = arith.cmpi ne, %rem3A_394, %ne3A_395 : i32
        %lt3A_397 = arith.constant 0 : i32
        %lt3A_398 = arith.cmpi slt, %rem3A_394, %lt3A_397 : i32
        %lt3A_399 = arith.constant 0 : i32
        %lt3A_400 = arith.cmpi slt, %select_n3A_393, %lt3A_399 : i32
        %ne3A_401 = arith.xori %lt3A_398, %lt3A_400 : i1
        %and3A_402 = arith.andi %ne3A_401, %ne3A_396 : i1
        %add3A_403 = arith.addi %rem3A_394, %select_n3A_393 : i32
        %select_n3A_404 = arith.select %and3A_402, %add3A_403, %rem3A_394 : i32
        %jit3A_405 = arith.constant 2 : i32
        %eq3A_406 = arith.constant 0 : i32
        %eq3A_407 = arith.cmpi eq, %jit3A_405, %eq3A_406 : i32
        %jit3A_408 = arith.constant 1 : i32
        %select_n3A_409 = arith.select %eq3A_407, %jit3A_408, %jit3A_405 : i32
        %rem3A_410 = arith.remsi %add3A_372, %select_n3A_409 : i32
        %ne3A_411 = arith.constant 0 : i32
        %ne3A_412 = arith.cmpi ne, %rem3A_410, %ne3A_411 : i32
        %lt3A_413 = arith.constant 0 : i32
        %lt3A_414 = arith.cmpi slt, %rem3A_410, %lt3A_413 : i32
        %lt3A_415 = arith.constant 0 : i32
        %lt3A_416 = arith.cmpi slt, %select_n3A_409, %lt3A_415 : i32
        %ne3A_417 = arith.xori %lt3A_414, %lt3A_416 : i1
        %and3A_418 = arith.andi %ne3A_417, %ne3A_412 : i1
        %add3A_419 = arith.addi %rem3A_410, %select_n3A_409 : i32
        %select_n3A_420 = arith.select %and3A_418, %add3A_419, %rem3A_410 : i32
        %dma_start3A_421 = arith.constant 0 : i32
        %dma_start3A_422 = arith.constant 0 : i32
        %dma_start3A_423 = tpu.memref_slice %arg7[%select_n3A_404, %dma_start3A_421, %dma_start3A_422] : memref<2x128x128xf32, #tpu.memory_space<vmem>> -> memref<1x128x128xf32, #tpu.memory_space<vmem>>
        %dma_start3A_424 = tpu.memref_squeeze %dma_start3A_423 : memref<1x128x128xf32, #tpu.memory_space<vmem>> -> memref<128x128xf32, #tpu.memory_space<vmem>>
        %dma_start3A_425 = arith.constant 0 : i32
        %dma_start3A_426 = tpu.memref_slice %arg9[%select_n3A_388, %arg0, %dma_start3A_425] : memref<4x4x128xi32, #tpu.memory_space<vmem>> -> memref<1x1x128xi32, #tpu.memory_space<vmem>>
        %dma_start3A_427 = tpu.memref_squeeze %dma_start3A_426 : memref<1x1x128xi32, #tpu.memory_space<vmem>> -> memref<128xi32, #tpu.memory_space<vmem>>
        %dma_start3A_428 = arith.constant 0 : i32
        %dma_start3A_429 = arith.constant 0 : i32
        %dma_start3A_430 = tpu.memref_slice %arg2[%dma_start3A_428, %dma_start3A_429] : memref<80000x128xf32, #tpu.memory_space<hbm>> -> memref<80000x128xf32, #tpu.memory_space<hbm>>
        %dma_start3A_431 = tpu.memref_slice %arg11[%select_n3A_420] : memref<2x!tpu.dma_semaphore, #tpu.memory_space<semaphore_mem>> -> memref<1x!tpu.dma_semaphore, #tpu.memory_space<semaphore_mem>>
        %dma_start3A_432 = tpu.memref_squeeze %dma_start3A_431 : memref<1x!tpu.dma_semaphore, #tpu.memory_space<semaphore_mem>> -> memref<!tpu.dma_semaphore, #tpu.memory_space<semaphore_mem>>
        tpu.enqueue_indirect_dma source(%dma_start3A_430 : memref<80000x128xf32, #tpu.memory_space<hbm>>) target(%dma_start3A_424 : memref<128x128xf32, #tpu.memory_space<vmem>>) offsets(%dma_start3A_427 : memref<128xi32, #tpu.memory_space<vmem>>) semaphore(%dma_start3A_432 : memref<!tpu.dma_semaphore, #tpu.memory_space<semaphore_mem>>)
        %mul3A_433 = arith.constant 16 : i32
        %mul3A_434 = arith.muli %add3A_372, %mul3A_433 : i32
        %add3A_435 = arith.addi %arg1, %mul3A_434 : i32
        %min3A_436 = arith.constant 1249 : i32
        %min3A_437 = arith.minsi %add3A_435, %min3A_436 : i32
        %mul3A_438 = arith.constant 16 : i32
        %mul3A_439 = arith.muli %min3A_437, %mul3A_438 : i32
        %jit3A_440 = arith.constant 2 : i32
        %eq3A_441 = arith.constant 0 : i32
        %eq3A_442 = arith.cmpi eq, %jit3A_440, %eq3A_441 : i32
        %jit3A_443 = arith.constant 1 : i32
        %select_n3A_444 = arith.select %eq3A_442, %jit3A_443, %jit3A_440 : i32
        %rem3A_445 = arith.remsi %add3A_372, %select_n3A_444 : i32
        %ne3A_446 = arith.constant 0 : i32
        %ne3A_447 = arith.cmpi ne, %rem3A_445, %ne3A_446 : i32
        %lt3A_448 = arith.constant 0 : i32
        %lt3A_449 = arith.cmpi slt, %rem3A_445, %lt3A_448 : i32
        %lt3A_450 = arith.constant 0 : i32
        %lt3A_451 = arith.cmpi slt, %select_n3A_444, %lt3A_450 : i32
        %ne3A_452 = arith.xori %lt3A_449, %lt3A_451 : i1
        %and3A_453 = arith.andi %ne3A_452, %ne3A_447 : i1
        %add3A_454 = arith.addi %rem3A_445, %select_n3A_444 : i32
        %select_n3A_455 = arith.select %and3A_453, %add3A_454, %rem3A_445 : i32
        %jit3A_456 = arith.constant 2 : i32
        %eq3A_457 = arith.constant 0 : i32
        %eq3A_458 = arith.cmpi eq, %jit3A_456, %eq3A_457 : i32
        %jit3A_459 = arith.constant 1 : i32
        %select_n3A_460 = arith.select %eq3A_458, %jit3A_459, %jit3A_456 : i32
        %rem3A_461 = arith.remsi %add3A_372, %select_n3A_460 : i32
        %ne3A_462 = arith.constant 0 : i32
        %ne3A_463 = arith.cmpi ne, %rem3A_461, %ne3A_462 : i32
        %lt3A_464 = arith.constant 0 : i32
        %lt3A_465 = arith.cmpi slt, %rem3A_461, %lt3A_464 : i32
        %lt3A_466 = arith.constant 0 : i32
        %lt3A_467 = arith.cmpi slt, %select_n3A_460, %lt3A_466 : i32
        %ne3A_468 = arith.xori %lt3A_465, %lt3A_467 : i1
        %and3A_469 = arith.andi %ne3A_468, %ne3A_463 : i1
        %add3A_470 = arith.addi %rem3A_461, %select_n3A_460 : i32
        %select_n3A_471 = arith.select %and3A_469, %add3A_470, %rem3A_461 : i32
        %dma_start3A_472 = arith.constant 0 : i32
        %dma_start3A_473 = arith.constant 0 : i32
        %dma_start3A_474 = tpu.memref_slice %arg8[%select_n3A_455, %dma_start3A_472, %dma_start3A_473] : memref<2x16x128xf32, #tpu.memory_space<vmem>> -> memref<1x16x128xf32, #tpu.memory_space<vmem>>
        %dma_start3A_475 = tpu.memref_squeeze %dma_start3A_474 : memref<1x16x128xf32, #tpu.memory_space<vmem>> -> memref<16x128xf32, #tpu.memory_space<vmem>>
        %dma_start3A_476 = arith.constant 0 : i32
        %dma_start3A_477 = tpu.memref_slice %arg3[%mul3A_439, %dma_start3A_476] : memref<20000x128xf32, #tpu.memory_space<hbm>> -> memref<16x128xf32, #tpu.memory_space<hbm>>
        %dma_start3A_478 = tpu.memref_slice %arg11[%select_n3A_471] : memref<2x!tpu.dma_semaphore, #tpu.memory_space<semaphore_mem>> -> memref<1x!tpu.dma_semaphore, #tpu.memory_space<semaphore_mem>>
        %dma_start3A_479 = tpu.memref_squeeze %dma_start3A_478 : memref<1x!tpu.dma_semaphore, #tpu.memory_space<semaphore_mem>> -> memref<!tpu.dma_semaphore, #tpu.memory_space<semaphore_mem>>
        %dma_start3A_480 = arith.constant 0 : i32
        %dma_start3A_481 = arith.constant 0 : i32
        %dma_start3A_482 = tpu.memref_slice %arg8[%select_n3A_455, %dma_start3A_480, %dma_start3A_481] : memref<2x16x128xf32, #tpu.memory_space<vmem>> -> memref<1x16x128xf32, #tpu.memory_space<vmem>>
        %dma_start3A_483 = tpu.memref_squeeze %dma_start3A_482 : memref<1x16x128xf32, #tpu.memory_space<vmem>> -> memref<16x128xf32, #tpu.memory_space<vmem>>
        %dma_start3A_484 = arith.constant 0 : i32
        %dma_start3A_485 = tpu.memref_slice %arg3[%mul3A_439, %dma_start3A_484] : memref<20000x128xf32, #tpu.memory_space<hbm>> -> memref<16x128xf32, #tpu.memory_space<hbm>>
        tpu.enqueue_dma source(%dma_start3A_485 : memref<16x128xf32, #tpu.memory_space<hbm>>) target(%dma_start3A_483 : memref<16x128xf32, #tpu.memory_space<vmem>>) target_semaphore(%dma_start3A_479 : memref<!tpu.dma_semaphore, #tpu.memory_space<semaphore_mem>>)
      } else {
      }
      %add3A_167 = arith.constant 2 : i32
      %add3A_168 = arith.addi %scan3A_148, %add3A_167 : i32
      %lt3A_169 = arith.constant 79 : i32
      %lt3A_170 = arith.cmpi slt, %add3A_168, %lt3A_169 : i32
      %convert_element_type3A_171 = arith.extui %lt3A_170 : i1 to i32
      %cond3A_172 = arith.constant 0 : i32
      %cond3A_173 = arith.cmpi ne, %convert_element_type3A_171, %cond3A_172 : i32
      scf.if %cond3A_173 {
        %add3A_314 = arith.constant 2 : i32
        %add3A_315 = arith.addi %scan3A_148, %add3A_314 : i32
        %mul3A_316 = arith.constant 16 : i32
        %mul3A_317 = arith.muli %add3A_315, %mul3A_316 : i32
        %add3A_318 = arith.addi %arg1, %mul3A_317 : i32
        %min3A_319 = arith.constant 1249 : i32
        %min3A_320 = arith.minsi %add3A_318, %min3A_319 : i32
        %jit3A_321 = arith.constant 4 : i32
        %eq3A_322 = arith.constant 0 : i32
        %eq3A_323 = arith.cmpi eq, %jit3A_321, %eq3A_322 : i32
        %jit3A_324 = arith.constant 1 : i32
        %select_n3A_325 = arith.select %eq3A_323, %jit3A_324, %jit3A_321 : i32
        %rem3A_326 = arith.remsi %add3A_315, %select_n3A_325 : i32
        %ne3A_327 = arith.constant 0 : i32
        %ne3A_328 = arith.cmpi ne, %rem3A_326, %ne3A_327 : i32
        %lt3A_329 = arith.constant 0 : i32
        %lt3A_330 = arith.cmpi slt, %rem3A_326, %lt3A_329 : i32
        %lt3A_331 = arith.constant 0 : i32
        %lt3A_332 = arith.cmpi slt, %select_n3A_325, %lt3A_331 : i32
        %ne3A_333 = arith.xori %lt3A_330, %lt3A_332 : i1
        %and3A_334 = arith.andi %ne3A_333, %ne3A_328 : i1
        %add3A_335 = arith.addi %rem3A_326, %select_n3A_325 : i32
        %select_n3A_336 = arith.select %and3A_334, %add3A_335, %rem3A_326 : i32
        %jit3A_337 = arith.constant 4 : i32
        %eq3A_338 = arith.constant 0 : i32
        %eq3A_339 = arith.cmpi eq, %jit3A_337, %eq3A_338 : i32
        %jit3A_340 = arith.constant 1 : i32
        %select_n3A_341 = arith.select %eq3A_339, %jit3A_340, %jit3A_337 : i32
        %rem3A_342 = arith.remsi %add3A_315, %select_n3A_341 : i32
        %ne3A_343 = arith.constant 0 : i32
        %ne3A_344 = arith.cmpi ne, %rem3A_342, %ne3A_343 : i32
        %lt3A_345 = arith.constant 0 : i32
        %lt3A_346 = arith.cmpi slt, %rem3A_342, %lt3A_345 : i32
        %lt3A_347 = arith.constant 0 : i32
        %lt3A_348 = arith.cmpi slt, %select_n3A_341, %lt3A_347 : i32
        %ne3A_349 = arith.xori %lt3A_346, %lt3A_348 : i1
        %and3A_350 = arith.andi %ne3A_349, %ne3A_344 : i1
        %add3A_351 = arith.addi %rem3A_342, %select_n3A_341 : i32
        %select_n3A_352 = arith.select %and3A_350, %add3A_351, %rem3A_342 : i32
        %dma_start3A_353 = arith.constant 0 : i32
        %dma_start3A_354 = arith.constant 0 : i32
        %dma_start3A_355 = tpu.memref_slice %arg9[%select_n3A_336, %dma_start3A_353, %dma_start3A_354] : memref<4x4x128xi32, #tpu.memory_space<vmem>> -> memref<1x4x128xi32, #tpu.memory_space<vmem>>
        %dma_start3A_356 = tpu.memref_squeeze %dma_start3A_355 : memref<1x4x128xi32, #tpu.memory_space<vmem>> -> memref<4x128xi32, #tpu.memory_space<vmem>>
        %dma_start3A_357 = arith.constant 0 : i32
        %dma_start3A_358 = arith.constant 0 : i32
        %dma_start3A_359 = tpu.memref_slice %arg4[%min3A_320, %dma_start3A_357, %dma_start3A_358] : memref<1250x4x128xi32, #tpu.memory_space<hbm>> -> memref<1x4x128xi32, #tpu.memory_space<hbm>>
        %dma_start3A_360 = tpu.memref_squeeze %dma_start3A_359 : memref<1x4x128xi32, #tpu.memory_space<hbm>> -> memref<4x128xi32, #tpu.memory_space<hbm>>
        %dma_start3A_361 = tpu.memref_slice %arg10[%select_n3A_352] : memref<4x!tpu.dma_semaphore, #tpu.memory_space<semaphore_mem>> -> memref<1x!tpu.dma_semaphore, #tpu.memory_space<semaphore_mem>>
        %dma_start3A_362 = tpu.memref_squeeze %dma_start3A_361 : memref<1x!tpu.dma_semaphore, #tpu.memory_space<semaphore_mem>> -> memref<!tpu.dma_semaphore, #tpu.memory_space<semaphore_mem>>
        %dma_start3A_363 = arith.constant 0 : i32
        %dma_start3A_364 = arith.constant 0 : i32
        %dma_start3A_365 = tpu.memref_slice %arg9[%select_n3A_336, %dma_start3A_363, %dma_start3A_364] : memref<4x4x128xi32, #tpu.memory_space<vmem>> -> memref<1x4x128xi32, #tpu.memory_space<vmem>>
        %dma_start3A_366 = tpu.memref_squeeze %dma_start3A_365 : memref<1x4x128xi32, #tpu.memory_space<vmem>> -> memref<4x128xi32, #tpu.memory_space<vmem>>
        %dma_start3A_367 = arith.constant 0 : i32
        %dma_start3A_368 = arith.constant 0 : i32
        %dma_start3A_369 = tpu.memref_slice %arg4[%min3A_320, %dma_start3A_367, %dma_start3A_368] : memref<1250x4x128xi32, #tpu.memory_space<hbm>> -> memref<1x4x128xi32, #tpu.memory_space<hbm>>
        %dma_start3A_370 = tpu.memref_squeeze %dma_start3A_369 : memref<1x4x128xi32, #tpu.memory_space<hbm>> -> memref<4x128xi32, #tpu.memory_space<hbm>>
        tpu.enqueue_dma source(%dma_start3A_370 : memref<4x128xi32, #tpu.memory_space<hbm>>) target(%dma_start3A_366 : memref<4x128xi32, #tpu.memory_space<vmem>>) target_semaphore(%dma_start3A_362 : memref<!tpu.dma_semaphore, #tpu.memory_space<semaphore_mem>>)
      } else {
      }
      %jit3A = arith.constant 4 : i32
      %eq3A = arith.constant 0 : i32
      %eq3A_174 = arith.cmpi eq, %jit3A, %eq3A : i32
      %jit3A_175 = arith.constant 1 : i32
      %select_n3A = arith.select %eq3A_174, %jit3A_175, %jit3A : i32
      %rem3A = arith.remsi %scan3A_148, %select_n3A : i32
      %ne3A = arith.constant 0 : i32
      %ne3A_176 = arith.cmpi ne, %rem3A, %ne3A : i32
      %lt3A_177 = arith.constant 0 : i32
      %lt3A_178 = arith.cmpi slt, %rem3A, %lt3A_177 : i32
      %lt3A_179 = arith.constant 0 : i32
      %lt3A_180 = arith.cmpi slt, %select_n3A, %lt3A_179 : i32
      %ne3A_181 = arith.xori %lt3A_178, %lt3A_180 : i1
      %and3A_182 = arith.andi %ne3A_181, %ne3A_176 : i1
      %add3A_183 = arith.addi %rem3A, %select_n3A : i32
      %select_n3A_184 = arith.select %and3A_182, %add3A_183, %rem3A : i32
      %jit3A_185 = arith.constant 2 : i32
      %eq3A_186 = arith.constant 0 : i32
      %eq3A_187 = arith.cmpi eq, %jit3A_185, %eq3A_186 : i32
      %jit3A_188 = arith.constant 1 : i32
      %select_n3A_189 = arith.select %eq3A_187, %jit3A_188, %jit3A_185 : i32
      %rem3A_190 = arith.remsi %scan3A_148, %select_n3A_189 : i32
      %ne3A_191 = arith.constant 0 : i32
      %ne3A_192 = arith.cmpi ne, %rem3A_190, %ne3A_191 : i32
      %lt3A_193 = arith.constant 0 : i32
      %lt3A_194 = arith.cmpi slt, %rem3A_190, %lt3A_193 : i32
      %lt3A_195 = arith.constant 0 : i32
      %lt3A_196 = arith.cmpi slt, %select_n3A_189, %lt3A_195 : i32
      %ne3A_197 = arith.xori %lt3A_194, %lt3A_196 : i1
      %and3A_198 = arith.andi %ne3A_197, %ne3A_192 : i1
      %add3A_199 = arith.addi %rem3A_190, %select_n3A_189 : i32
      %select_n3A_200 = arith.select %and3A_198, %add3A_199, %rem3A_190 : i32
      %jit3A_201 = arith.constant 2 : i32
      %eq3A_202 = arith.constant 0 : i32
      %eq3A_203 = arith.cmpi eq, %jit3A_201, %eq3A_202 : i32
      %jit3A_204 = arith.constant 1 : i32
      %select_n3A_205 = arith.select %eq3A_203, %jit3A_204, %jit3A_201 : i32
      %rem3A_206 = arith.remsi %scan3A_148, %select_n3A_205 : i32
      %ne3A_207 = arith.constant 0 : i32
      %ne3A_208 = arith.cmpi ne, %rem3A_206, %ne3A_207 : i32
      %lt3A_209 = arith.constant 0 : i32
      %lt3A_210 = arith.cmpi slt, %rem3A_206, %lt3A_209 : i32
      %lt3A_211 = arith.constant 0 : i32
      %lt3A_212 = arith.cmpi slt, %select_n3A_205, %lt3A_211 : i32
      %ne3A_213 = arith.xori %lt3A_210, %lt3A_212 : i1
      %and3A_214 = arith.andi %ne3A_213, %ne3A_208 : i1
      %add3A_215 = arith.addi %rem3A_206, %select_n3A_205 : i32
      %select_n3A_216 = arith.select %and3A_214, %add3A_215, %rem3A_206 : i32
      %dma_wait3A_217 = arith.constant 0 : i32
      %dma_wait3A_218 = arith.constant 0 : i32
      %dma_wait3A_219 = tpu.memref_slice %arg7[%select_n3A_200, %dma_wait3A_217, %dma_wait3A_218] : memref<2x128x128xf32, #tpu.memory_space<vmem>> -> memref<1x128x128xf32, #tpu.memory_space<vmem>>
      %dma_wait3A_220 = tpu.memref_squeeze %dma_wait3A_219 : memref<1x128x128xf32, #tpu.memory_space<vmem>> -> memref<128x128xf32, #tpu.memory_space<vmem>>
      %dma_wait3A_221 = arith.constant 0 : i32
      %dma_wait3A_222 = tpu.memref_slice %arg9[%select_n3A_184, %arg0, %dma_wait3A_221] : memref<4x4x128xi32, #tpu.memory_space<vmem>> -> memref<1x1x128xi32, #tpu.memory_space<vmem>>
      %dma_wait3A_223 = tpu.memref_squeeze %dma_wait3A_222 : memref<1x1x128xi32, #tpu.memory_space<vmem>> -> memref<128xi32, #tpu.memory_space<vmem>>
      %dma_wait3A_224 = arith.constant 0 : i32
      %dma_wait3A_225 = arith.constant 0 : i32
      %dma_wait3A_226 = tpu.memref_slice %arg2[%dma_wait3A_224, %dma_wait3A_225] : memref<80000x128xf32, #tpu.memory_space<hbm>> -> memref<80000x128xf32, #tpu.memory_space<hbm>>
      %dma_wait3A_227 = tpu.memref_slice %arg11[%select_n3A_216] : memref<2x!tpu.dma_semaphore, #tpu.memory_space<semaphore_mem>> -> memref<1x!tpu.dma_semaphore, #tpu.memory_space<semaphore_mem>>
      %dma_wait3A_228 = tpu.memref_squeeze %dma_wait3A_227 : memref<1x!tpu.dma_semaphore, #tpu.memory_space<semaphore_mem>> -> memref<!tpu.dma_semaphore, #tpu.memory_space<semaphore_mem>>
      tpu.wait_indirect_dma semaphore(%dma_wait3A_228 : memref<!tpu.dma_semaphore, #tpu.memory_space<semaphore_mem>>) src(%dma_wait3A_226 : memref<80000x128xf32, #tpu.memory_space<hbm>>) dst(%dma_wait3A_220 : memref<128x128xf32, #tpu.memory_space<vmem>>)
      %mul3A_229 = arith.constant 16 : i32
      %mul3A_230 = arith.muli %scan3A_148, %mul3A_229 : i32
      %add3A_231 = arith.addi %arg1, %mul3A_230 : i32
      %min3A_232 = arith.constant 1249 : i32
      %min3A_233 = arith.minsi %add3A_231, %min3A_232 : i32
      %mul3A_234 = arith.constant 16 : i32
      %mul3A_235 = arith.muli %min3A_233, %mul3A_234 : i32
      %jit3A_236 = arith.constant 2 : i32
      %eq3A_237 = arith.constant 0 : i32
      %eq3A_238 = arith.cmpi eq, %jit3A_236, %eq3A_237 : i32
      %jit3A_239 = arith.constant 1 : i32
      %select_n3A_240 = arith.select %eq3A_238, %jit3A_239, %jit3A_236 : i32
      %rem3A_241 = arith.remsi %scan3A_148, %select_n3A_240 : i32
      %ne3A_242 = arith.constant 0 : i32
      %ne3A_243 = arith.cmpi ne, %rem3A_241, %ne3A_242 : i32
      %lt3A_244 = arith.constant 0 : i32
      %lt3A_245 = arith.cmpi slt, %rem3A_241, %lt3A_244 : i32
      %lt3A_246 = arith.constant 0 : i32
      %lt3A_247 = arith.cmpi slt, %select_n3A_240, %lt3A_246 : i32
      %ne3A_248 = arith.xori %lt3A_245, %lt3A_247 : i1
      %and3A_249 = arith.andi %ne3A_248, %ne3A_243 : i1
      %add3A_250 = arith.addi %rem3A_241, %select_n3A_240 : i32
      %select_n3A_251 = arith.select %and3A_249, %add3A_250, %rem3A_241 : i32
      %jit3A_252 = arith.constant 2 : i32
      %eq3A_253 = arith.constant 0 : i32
      %eq3A_254 = arith.cmpi eq, %jit3A_252, %eq3A_253 : i32
      %jit3A_255 = arith.constant 1 : i32
      %select_n3A_256 = arith.select %eq3A_254, %jit3A_255, %jit3A_252 : i32
      %rem3A_257 = arith.remsi %scan3A_148, %select_n3A_256 : i32
      %ne3A_258 = arith.constant 0 : i32
      %ne3A_259 = arith.cmpi ne, %rem3A_257, %ne3A_258 : i32
      %lt3A_260 = arith.constant 0 : i32
      %lt3A_261 = arith.cmpi slt, %rem3A_257, %lt3A_260 : i32
      %lt3A_262 = arith.constant 0 : i32
      %lt3A_263 = arith.cmpi slt, %select_n3A_256, %lt3A_262 : i32
      %ne3A_264 = arith.xori %lt3A_261, %lt3A_263 : i1
      %and3A_265 = arith.andi %ne3A_264, %ne3A_259 : i1
      %add3A_266 = arith.addi %rem3A_257, %select_n3A_256 : i32
      %select_n3A_267 = arith.select %and3A_265, %add3A_266, %rem3A_257 : i32
      %dma_wait3A_268 = arith.constant 0 : i32
      %dma_wait3A_269 = arith.constant 0 : i32
      %dma_wait3A_270 = tpu.memref_slice %arg8[%select_n3A_251, %dma_wait3A_268, %dma_wait3A_269] : memref<2x16x128xf32, #tpu.memory_space<vmem>> -> memref<1x16x128xf32, #tpu.memory_space<vmem>>
      %dma_wait3A_271 = tpu.memref_squeeze %dma_wait3A_270 : memref<1x16x128xf32, #tpu.memory_space<vmem>> -> memref<16x128xf32, #tpu.memory_space<vmem>>
      %dma_wait3A_272 = arith.constant 0 : i32
      %dma_wait3A_273 = tpu.memref_slice %arg3[%mul3A_235, %dma_wait3A_272] : memref<20000x128xf32, #tpu.memory_space<hbm>> -> memref<16x128xf32, #tpu.memory_space<hbm>>
      %dma_wait3A_274 = tpu.memref_slice %arg11[%select_n3A_267] : memref<2x!tpu.dma_semaphore, #tpu.memory_space<semaphore_mem>> -> memref<1x!tpu.dma_semaphore, #tpu.memory_space<semaphore_mem>>
      %dma_wait3A_275 = tpu.memref_squeeze %dma_wait3A_274 : memref<1x!tpu.dma_semaphore, #tpu.memory_space<semaphore_mem>> -> memref<!tpu.dma_semaphore, #tpu.memory_space<semaphore_mem>>
      %dma_wait3A_276 = arith.constant 0 : i32
      %dma_wait3A_277 = arith.constant 0 : i32
      %dma_wait3A_278 = tpu.memref_slice %arg8[%select_n3A_251, %dma_wait3A_276, %dma_wait3A_277] : memref<2x16x128xf32, #tpu.memory_space<vmem>> -> memref<1x16x128xf32, #tpu.memory_space<vmem>>
      %dma_wait3A_279 = tpu.memref_squeeze %dma_wait3A_278 : memref<1x16x128xf32, #tpu.memory_space<vmem>> -> memref<16x128xf32, #tpu.memory_space<vmem>>
      %dma_wait3A_280 = arith.constant 0 : i32
      %dma_wait3A_281 = tpu.memref_slice %arg3[%mul3A_235, %dma_wait3A_280] : memref<20000x128xf32, #tpu.memory_space<hbm>> -> memref<16x128xf32, #tpu.memory_space<hbm>>
      tpu.wait_dma2 semaphore(%dma_wait3A_275 : memref<!tpu.dma_semaphore, #tpu.memory_space<semaphore_mem>>) src(%dma_wait3A_281 : memref<16x128xf32, #tpu.memory_space<hbm>>) dst(%dma_wait3A_279 : memref<16x128xf32, #tpu.memory_space<vmem>>)
      %jit3A_282 = arith.constant 2 : i32
      %eq3A_283 = arith.constant 0 : i32
      %eq3A_284 = arith.cmpi eq, %jit3A_282, %eq3A_283 : i32
      %jit3A_285 = arith.constant 1 : i32
      %select_n3A_286 = arith.select %eq3A_284, %jit3A_285, %jit3A_282 : i32
      %rem3A_287 = arith.remsi %scan3A_148, %select_n3A_286 : i32
      %ne3A_288 = arith.constant 0 : i32
      %ne3A_289 = arith.cmpi ne, %rem3A_287, %ne3A_288 : i32
      %lt3A_290 = arith.constant 0 : i32
      %lt3A_291 = arith.cmpi slt, %rem3A_287, %lt3A_290 : i32
      %lt3A_292 = arith.constant 0 : i32
      %lt3A_293 = arith.cmpi slt, %select_n3A_286, %lt3A_292 : i32
      %ne3A_294 = arith.xori %lt3A_291, %lt3A_293 : i1
      %and3A_295 = arith.andi %ne3A_294, %ne3A_289 : i1
      %add3A_296 = arith.addi %rem3A_287, %select_n3A_286 : i32
      %select_n3A_297 = arith.select %and3A_295, %add3A_296, %rem3A_287 : i32
      %scan3A_298 = arith.constant 0 : i32
      %scan3A_299 = arith.constant 0 : i32
      %scan3A_300 = arith.constant 128 : i32
      %scan3A_301 = arith.addi %scan3A_299, %scan3A_300 : i32
      %scan3A_302 = arith.constant 1 : i32
      %scan3A_303 = scf.for %scan3A_314 = %scan3A_299 to %scan3A_301 step %scan3A_302 iter_args(%scan3A_315 = %scan3A_298) -> (i32)  : i32 {
        %jit3A_316 = arith.constant 8 : i32
        %div3A = arith.divsi %scan3A_314, %jit3A_316 : i32
        %sign3A = arith.constant 0 : i32
        %sign3A_317 = arith.cmpi sgt, %scan3A_314, %sign3A : i32
        %sign3A_318 = arith.extui %sign3A_317 : i1 to i32
        %sign3A_319 = arith.constant 0 : i32
        %sign3A_320 = arith.cmpi slt, %scan3A_314, %sign3A_319 : i32
        %sign3A_321 = arith.extui %sign3A_320 : i1 to i32
        %sign3A_322 = arith.subi %sign3A_318, %sign3A_321 : i32
        %sign3A_323 = arith.constant 0 : i32
        %sign3A_324 = arith.cmpi sgt, %jit3A_316, %sign3A_323 : i32
        %sign3A_325 = arith.extui %sign3A_324 : i1 to i32
        %sign3A_326 = arith.constant 0 : i32
        %sign3A_327 = arith.cmpi slt, %jit3A_316, %sign3A_326 : i32
        %sign3A_328 = arith.extui %sign3A_327 : i1 to i32
        %sign3A_329 = arith.subi %sign3A_325, %sign3A_328 : i32
        %ne3A_330 = arith.cmpi ne, %sign3A_322, %sign3A_329 : i32
        %rem3A_331 = arith.remsi %scan3A_314, %jit3A_316 : i32
        %ne3A_332 = arith.constant 0 : i32
        %ne3A_333 = arith.cmpi ne, %rem3A_331, %ne3A_332 : i32
        %and3A_334 = arith.andi %ne3A_330, %ne3A_333 : i1
        %sub3A_335 = arith.constant 1 : i32
        %sub3A_336 = arith.subi %div3A, %sub3A_335 : i32
        %select_n3A_337 = arith.select %and3A_334, %sub3A_336, %div3A : i32
        %jit3A_338 = arith.constant 8 : i32
        %eq3A_339 = arith.constant 0 : i32
        %eq3A_340 = arith.cmpi eq, %jit3A_338, %eq3A_339 : i32
        %jit3A_341 = arith.constant 1 : i32
        %select_n3A_342 = arith.select %eq3A_340, %jit3A_341, %jit3A_338 : i32
        %rem3A_343 = arith.remsi %scan3A_314, %select_n3A_342 : i32
        %ne3A_344 = arith.constant 0 : i32
        %ne3A_345 = arith.cmpi ne, %rem3A_343, %ne3A_344 : i32
        %lt3A_346 = arith.constant 0 : i32
        %lt3A_347 = arith.cmpi slt, %rem3A_343, %lt3A_346 : i32
        %lt3A_348 = arith.constant 0 : i32
        %lt3A_349 = arith.cmpi slt, %select_n3A_342, %lt3A_348 : i32
        %ne3A_350 = arith.xori %lt3A_347, %lt3A_349 : i1
        %and3A_351 = arith.andi %ne3A_350, %ne3A_345 : i1
        %add3A_352 = arith.addi %rem3A_343, %select_n3A_342 : i32
        %select_n3A_353 = arith.select %and3A_351, %add3A_352, %rem3A_343 : i32
        %mul3A_354 = arith.constant 16 : i32
        %mul3A_355 = arith.muli %select_n3A_353, %mul3A_354 : i32
        %get3A = arith.index_cast %select_n3A_297 : i32 to index
        %get3A_356 = arith.index_cast %select_n3A_337 : i32 to index
        %get3A_357 = arith.index_cast %mul3A_355 : i32 to index
        %get3A_358 = tpu.vector_load %arg8[%get3A, %get3A_356, %get3A_357] {strides = array<i32>} : memref<2x16x128xf32, #tpu.memory_space<vmem>>, vector<16xf32>,
        %get3A_359 = arith.index_cast %select_n3A_297 : i32 to index
        %get3A_360 = arith.index_cast %scan3A_314 : i32 to index
        %get3A_361 = arith.constant 0 : index
        %get3A_362 = tpu.vector_load %arg7[%get3A_359, %get3A_360, %get3A_361] {strides = array<i32>} : memref<2x128x128xf32, #tpu.memory_space<vmem>>, vector<16xf32>,
        %mul3A_363 = arith.mulf %get3A_362, %get3A_358 : vector<16xf32>
        %swap3A = arith.index_cast %select_n3A_297 : i32 to index
        %swap3A_364 = arith.index_cast %scan3A_314 : i32 to index
        %swap3A_365 = arith.constant 0 : index
        %swap3A_366 = tpu.vector_load %arg7[%swap3A, %swap3A_364, %swap3A_365] {strides = array<i32>} : memref<2x128x128xf32, #tpu.memory_space<vmem>>, vector<16xf32>,
        tpu.vector_store %arg7[%swap3A, %swap3A_364, %swap3A_365], %mul3A_363 {strides = array<i32>} : memref<2x128x128xf32, #tpu.memory_space<vmem>>, vector<16xf32>,
        %get3A_367 = arith.index_cast %select_n3A_297 : i32 to index
        %get3A_368 = arith.index_cast %scan3A_314 : i32 to index
        %get3A_369 = arith.constant 16 : index
        %get3A_370 = tpu.vector_load %arg7[%get3A_367, %get3A_368, %get3A_369] {strides = array<i32>} : memref<2x128x128xf32, #tpu.memory_space<vmem>>, vector<16xf32>,
        %mul3A_371 = arith.mulf %get3A_370, %get3A_358 : vector<16xf32>
        %swap3A_372 = arith.index_cast %select_n3A_297 : i32 to index
        %swap3A_373 = arith.index_cast %scan3A_314 : i32 to index
        %swap3A_374 = arith.constant 16 : index
        %swap3A_375 = tpu.vector_load %arg7[%swap3A_372, %swap3A_373, %swap3A_374] {strides = array<i32>} : memref<2x128x128xf32, #tpu.memory_space<vmem>>, vector<16xf32>,
        tpu.vector_store %arg7[%swap3A_372, %swap3A_373, %swap3A_374], %mul3A_371 {strides = array<i32>} : memref<2x128x128xf32, #tpu.memory_space<vmem>>, vector<16xf32>,
        %get3A_376 = arith.index_cast %select_n3A_297 : i32 to index
        %get3A_377 = arith.index_cast %scan3A_314 : i32 to index
        %get3A_378 = arith.constant 32 : index
        %get3A_379 = tpu.vector_load %arg7[%get3A_376, %get3A_377, %get3A_378] {strides = array<i32>} : memref<2x128x128xf32, #tpu.memory_space<vmem>>, vector<16xf32>,
        %mul3A_380 = arith.mulf %get3A_379, %get3A_358 : vector<16xf32>
        %swap3A_381 = arith.index_cast %select_n3A_297 : i32 to index
        %swap3A_382 = arith.index_cast %scan3A_314 : i32 to index
        %swap3A_383 = arith.constant 32 : index
        %swap3A_384 = tpu.vector_load %arg7[%swap3A_381, %swap3A_382, %swap3A_383] {strides = array<i32>} : memref<2x128x128xf32, #tpu.memory_space<vmem>>, vector<16xf32>,
        tpu.vector_store %arg7[%swap3A_381, %swap3A_382, %swap3A_383], %mul3A_380 {strides = array<i32>} : memref<2x128x128xf32, #tpu.memory_space<vmem>>, vector<16xf32>,
        %get3A_385 = arith.index_cast %select_n3A_297 : i32 to index
        %get3A_386 = arith.index_cast %scan3A_314 : i32 to index
        %get3A_387 = arith.constant 48 : index
        %get3A_388 = tpu.vector_load %arg7[%get3A_385, %get3A_386, %get3A_387] {strides = array<i32>} : memref<2x128x128xf32, #tpu.memory_space<vmem>>, vector<16xf32>,
        %mul3A_389 = arith.mulf %get3A_388, %get3A_358 : vector<16xf32>
        %swap3A_390 = arith.index_cast %select_n3A_297 : i32 to index
        %swap3A_391 = arith.index_cast %scan3A_314 : i32 to index
        %swap3A_392 = arith.constant 48 : index
        %swap3A_393 = tpu.vector_load %arg7[%swap3A_390, %swap3A_391, %swap3A_392] {strides = array<i32>} : memref<2x128x128xf32, #tpu.memory_space<vmem>>, vector<16xf32>,
        tpu.vector_store %arg7[%swap3A_390, %swap3A_391, %swap3A_392], %mul3A_389 {strides = array<i32>} : memref<2x128x128xf32, #tpu.memory_space<vmem>>, vector<16xf32>,
        %get3A_394 = arith.index_cast %select_n3A_297 : i32 to index
        %get3A_395 = arith.index_cast %scan3A_314 : i32 to index
        %get3A_396 = arith.constant 64 : index
        %get3A_397 = tpu.vector_load %arg7[%get3A_394, %get3A_395, %get3A_396] {strides = array<i32>} : memref<2x128x128xf32, #tpu.memory_space<vmem>>, vector<16xf32>,
        %mul3A_398 = arith.mulf %get3A_397, %get3A_358 : vector<16xf32>
        %swap3A_399 = arith.index_cast %select_n3A_297 : i32 to index
        %swap3A_400 = arith.index_cast %scan3A_314 : i32 to index
        %swap3A_401 = arith.constant 64 : index
        %swap3A_402 = tpu.vector_load %arg7[%swap3A_399, %swap3A_400, %swap3A_401] {strides = array<i32>} : memref<2x128x128xf32, #tpu.memory_space<vmem>>, vector<16xf32>,
        tpu.vector_store %arg7[%swap3A_399, %swap3A_400, %swap3A_401], %mul3A_398 {strides = array<i32>} : memref<2x128x128xf32, #tpu.memory_space<vmem>>, vector<16xf32>,
        %get3A_403 = arith.index_cast %select_n3A_297 : i32 to index
        %get3A_404 = arith.index_cast %scan3A_314 : i32 to index
        %get3A_405 = arith.constant 80 : index
        %get3A_406 = tpu.vector_load %arg7[%get3A_403, %get3A_404, %get3A_405] {strides = array<i32>} : memref<2x128x128xf32, #tpu.memory_space<vmem>>, vector<16xf32>,
        %mul3A_407 = arith.mulf %get3A_406, %get3A_358 : vector<16xf32>
        %swap3A_408 = arith.index_cast %select_n3A_297 : i32 to index
        %swap3A_409 = arith.index_cast %scan3A_314 : i32 to index
        %swap3A_410 = arith.constant 80 : index
        %swap3A_411 = tpu.vector_load %arg7[%swap3A_408, %swap3A_409, %swap3A_410] {strides = array<i32>} : memref<2x128x128xf32, #tpu.memory_space<vmem>>, vector<16xf32>,
        tpu.vector_store %arg7[%swap3A_408, %swap3A_409, %swap3A_410], %mul3A_407 {strides = array<i32>} : memref<2x128x128xf32, #tpu.memory_space<vmem>>, vector<16xf32>,
        %get3A_412 = arith.index_cast %select_n3A_297 : i32 to index
        %get3A_413 = arith.index_cast %scan3A_314 : i32 to index
        %get3A_414 = arith.constant 96 : index
        %get3A_415 = tpu.vector_load %arg7[%get3A_412, %get3A_413, %get3A_414] {strides = array<i32>} : memref<2x128x128xf32, #tpu.memory_space<vmem>>, vector<16xf32>,
        %mul3A_416 = arith.mulf %get3A_415, %get3A_358 : vector<16xf32>
        %swap3A_417 = arith.index_cast %select_n3A_297 : i32 to index
        %swap3A_418 = arith.index_cast %scan3A_314 : i32 to index
        %swap3A_419 = arith.constant 96 : index
        %swap3A_420 = tpu.vector_load %arg7[%swap3A_417, %swap3A_418, %swap3A_419] {strides = array<i32>} : memref<2x128x128xf32, #tpu.memory_space<vmem>>, vector<16xf32>,
        tpu.vector_store %arg7[%swap3A_417, %swap3A_418, %swap3A_419], %mul3A_416 {strides = array<i32>} : memref<2x128x128xf32, #tpu.memory_space<vmem>>, vector<16xf32>,
        %get3A_421 = arith.index_cast %select_n3A_297 : i32 to index
        %get3A_422 = arith.index_cast %scan3A_314 : i32 to index
        %get3A_423 = arith.constant 112 : index
        %get3A_424 = tpu.vector_load %arg7[%get3A_421, %get3A_422, %get3A_423] {strides = array<i32>} : memref<2x128x128xf32, #tpu.memory_space<vmem>>, vector<16xf32>,
        %mul3A_425 = arith.mulf %get3A_424, %get3A_358 : vector<16xf32>
        %swap3A_426 = arith.index_cast %select_n3A_297 : i32 to index
        %swap3A_427 = arith.index_cast %scan3A_314 : i32 to index
        %swap3A_428 = arith.constant 112 : index
        %swap3A_429 = tpu.vector_load %arg7[%swap3A_426, %swap3A_427, %swap3A_428] {strides = array<i32>} : memref<2x128x128xf32, #tpu.memory_space<vmem>>, vector<16xf32>,
        tpu.vector_store %arg7[%swap3A_426, %swap3A_427, %swap3A_428], %mul3A_425 {strides = array<i32>} : memref<2x128x128xf32, #tpu.memory_space<vmem>>, vector<16xf32>,
        %scan3A_430 = arith.constant 0 : i32
        scf.yield %scan3A_430 : i32
      }
      %scan3A_304 = arith.constant 128 : i32
      %mul3A_305 = arith.constant 16 : i32
      %mul3A_306 = arith.muli %scan3A_148, %mul3A_305 : i32
      %add3A_307 = arith.addi %arg1, %mul3A_306 : i32
      %lt3A_308 = arith.constant 1250 : i32
      %lt3A_309 = arith.cmpi slt, %add3A_307, %lt3A_308 : i32
      %convert_element_type3A_310 = arith.extui %lt3A_309 : i1 to i32
      %cond3A_311 = arith.constant 0 : i32
      %cond3A_312 = arith.cmpi ne, %convert_element_type3A_310, %cond3A_311 : i32
      scf.if %cond3A_312 {
        %jit3A_314 = arith.constant 2 : i32
        %eq3A_315 = arith.constant 0 : i32
        %eq3A_316 = arith.cmpi eq, %jit3A_314, %eq3A_315 : i32
        %jit3A_317 = arith.constant 1 : i32
        %select_n3A_318 = arith.select %eq3A_316, %jit3A_317, %jit3A_314 : i32
        %rem3A_319 = arith.remsi %scan3A_148, %select_n3A_318 : i32
        %ne3A_320 = arith.constant 0 : i32
        %ne3A_321 = arith.cmpi ne, %rem3A_319, %ne3A_320 : i32
        %lt3A_322 = arith.constant 0 : i32
        %lt3A_323 = arith.cmpi slt, %rem3A_319, %lt3A_322 : i32
        %lt3A_324 = arith.constant 0 : i32
        %lt3A_325 = arith.cmpi slt, %select_n3A_318, %lt3A_324 : i32
        %ne3A_326 = arith.xori %lt3A_323, %lt3A_325 : i1
        %and3A_327 = arith.andi %ne3A_326, %ne3A_321 : i1
        %add3A_328 = arith.addi %rem3A_319, %select_n3A_318 : i32
        %select_n3A_329 = arith.select %and3A_327, %add3A_328, %rem3A_319 : i32
        %jit3A_330 = arith.constant 4 : i32
        %eq3A_331 = arith.constant 0 : i32
        %eq3A_332 = arith.cmpi eq, %jit3A_330, %eq3A_331 : i32
        %jit3A_333 = arith.constant 1 : i32
        %select_n3A_334 = arith.select %eq3A_332, %jit3A_333, %jit3A_330 : i32
        %rem3A_335 = arith.remsi %scan3A_148, %select_n3A_334 : i32
        %ne3A_336 = arith.constant 0 : i32
        %ne3A_337 = arith.cmpi ne, %rem3A_335, %ne3A_336 : i32
        %lt3A_338 = arith.constant 0 : i32
        %lt3A_339 = arith.cmpi slt, %rem3A_335, %lt3A_338 : i32
        %lt3A_340 = arith.constant 0 : i32
        %lt3A_341 = arith.cmpi slt, %select_n3A_334, %lt3A_340 : i32
        %ne3A_342 = arith.xori %lt3A_339, %lt3A_341 : i1
        %and3A_343 = arith.andi %ne3A_342, %ne3A_337 : i1
        %add3A_344 = arith.addi %rem3A_335, %select_n3A_334 : i32
        %select_n3A_345 = arith.select %and3A_343, %add3A_344, %rem3A_335 : i32
        %jit3A_346 = arith.constant 2 : i32
        %eq3A_347 = arith.constant 0 : i32
        %eq3A_348 = arith.cmpi eq, %jit3A_346, %eq3A_347 : i32
        %jit3A_349 = arith.constant 1 : i32
        %select_n3A_350 = arith.select %eq3A_348, %jit3A_349, %jit3A_346 : i32
        %rem3A_351 = arith.remsi %scan3A_148, %select_n3A_350 : i32
        %ne3A_352 = arith.constant 0 : i32
        %ne3A_353 = arith.cmpi ne, %rem3A_351, %ne3A_352 : i32
        %lt3A_354 = arith.constant 0 : i32
        %lt3A_355 = arith.cmpi slt, %rem3A_351, %lt3A_354 : i32
        %lt3A_356 = arith.constant 0 : i32
        %lt3A_357 = arith.cmpi slt, %select_n3A_350, %lt3A_356 : i32
        %ne3A_358 = arith.xori %lt3A_355, %lt3A_357 : i1
        %and3A_359 = arith.andi %ne3A_358, %ne3A_353 : i1
        %add3A_360 = arith.addi %rem3A_351, %select_n3A_350 : i32
        %select_n3A_361 = arith.select %and3A_359, %add3A_360, %rem3A_351 : i32
        %dma_start3A_362 = arith.constant 2 : i32
        %dma_start3A_363 = arith.constant 0 : i32
        %dma_start3A_364 = arith.constant 0 : i32
        %dma_start3A_365 = tpu.memref_slice %arg7[%select_n3A_329, %dma_start3A_363, %dma_start3A_364] : memref<2x128x128xf32, #tpu.memory_space<vmem>> -> memref<1x128x128xf32, #tpu.memory_space<vmem>>
        %dma_start3A_366 = tpu.memref_squeeze %dma_start3A_365 : memref<1x128x128xf32, #tpu.memory_space<vmem>> -> memref<128x128xf32, #tpu.memory_space<vmem>>
        %dma_start3A_367 = arith.constant 0 : i32
        %dma_start3A_368 = tpu.memref_slice %arg9[%select_n3A_345, %dma_start3A_362, %dma_start3A_367] : memref<4x4x128xi32, #tpu.memory_space<vmem>> -> memref<1x1x128xi32, #tpu.memory_space<vmem>>
        %dma_start3A_369 = tpu.memref_squeeze %dma_start3A_368 : memref<1x1x128xi32, #tpu.memory_space<vmem>> -> memref<128xi32, #tpu.memory_space<vmem>>
        %dma_start3A_370 = arith.constant 0 : i32
        %dma_start3A_371 = arith.constant 0 : i32
        %dma_start3A_372 = tpu.memref_slice %arg6[%dma_start3A_370, %dma_start3A_371] : memref<10000x128xf32, #tpu.memory_space<vmem_shared>> -> memref<10000x128xf32, #tpu.memory_space<vmem_shared>>
        %dma_start3A_373 = tpu.memref_slice %arg12[%select_n3A_361] : memref<2x!tpu.dma_semaphore, #tpu.memory_space<semaphore_mem>> -> memref<1x!tpu.dma_semaphore, #tpu.memory_space<semaphore_mem>>
        %dma_start3A_374 = tpu.memref_squeeze %dma_start3A_373 : memref<1x!tpu.dma_semaphore, #tpu.memory_space<semaphore_mem>> -> memref<!tpu.dma_semaphore, #tpu.memory_space<semaphore_mem>>
        tpu.enqueue_indirect_dma source(%dma_start3A_366 : memref<128x128xf32, #tpu.memory_space<vmem>>) target(%dma_start3A_372 : memref<10000x128xf32, #tpu.memory_space<vmem_shared>>) offsets(%dma_start3A_369 : memref<128xi32, #tpu.memory_space<vmem>>) semaphore(%dma_start3A_374 : memref<!tpu.dma_semaphore, #tpu.memory_space<semaphore_mem>>) {add = true}
      } else {
      }
      %scan3A_313 = arith.constant 0 : i32
      scf.yield %scan3A_313 : i32
    }
    %scan3A_140 = arith.constant 79 : i32
    %add3A_141 = arith.constant 1248 : i32
    %add3A_142 = arith.addi %arg1, %add3A_141 : i32
    %lt3A = arith.constant 1250 : i32
    %lt3A_143 = arith.cmpi slt, %add3A_142, %lt3A : i32
    %convert_element_type3A = arith.extui %lt3A_143 : i1 to i32
    %cond3A = arith.constant 0 : i32
    %cond3A_144 = arith.cmpi ne, %convert_element_type3A, %cond3A : i32
    scf.if %cond3A_144 {
      %dma_wait3A_148 = arith.constant 0 : i32
      %dma_wait3A_149 = arith.constant 2 : i32
      %dma_wait3A_150 = arith.constant 2 : i32
      %dma_wait3A_151 = arith.constant 0 : i32
      %dma_wait3A_152 = arith.constant 0 : i32
      %dma_wait3A_153 = arith.constant 0 : i32
      %dma_wait3A_154 = tpu.memref_slice %arg7[%dma_wait3A_148, %dma_wait3A_152, %dma_wait3A_153] : memref<2x128x128xf32, #tpu.memory_space<vmem>> -> memref<1x128x128xf32, #tpu.memory_space<vmem>>
      %dma_wait3A_155 = tpu.memref_squeeze %dma_wait3A_154 : memref<1x128x128xf32, #tpu.memory_space<vmem>> -> memref<128x128xf32, #tpu.memory_space<vmem>>
      %dma_wait3A_156 = arith.constant 0 : i32
      %dma_wait3A_157 = tpu.memref_slice %arg9[%dma_wait3A_149, %dma_wait3A_150, %dma_wait3A_156] : memref<4x4x128xi32, #tpu.memory_space<vmem>> -> memref<1x1x128xi32, #tpu.memory_space<vmem>>
      %dma_wait3A_158 = tpu.memref_squeeze %dma_wait3A_157 : memref<1x1x128xi32, #tpu.memory_space<vmem>> -> memref<128xi32, #tpu.memory_space<vmem>>
      %dma_wait3A_159 = arith.constant 0 : i32
      %dma_wait3A_160 = arith.constant 0 : i32
      %dma_wait3A_161 = tpu.memref_slice %arg6[%dma_wait3A_159, %dma_wait3A_160] : memref<10000x128xf32, #tpu.memory_space<vmem_shared>> -> memref<10000x128xf32, #tpu.memory_space<vmem_shared>>
      %dma_wait3A_162 = tpu.memref_slice %arg12[%dma_wait3A_151] : memref<2x!tpu.dma_semaphore, #tpu.memory_space<semaphore_mem>> -> memref<1x!tpu.dma_semaphore, #tpu.memory_space<semaphore_mem>>
      %dma_wait3A_163 = tpu.memref_squeeze %dma_wait3A_162 : memref<1x!tpu.dma_semaphore, #tpu.memory_space<semaphore_mem>> -> memref<!tpu.dma_semaphore, #tpu.memory_space<semaphore_mem>>
      tpu.wait_indirect_dma semaphore(%dma_wait3A_163 : memref<!tpu.dma_semaphore, #tpu.memory_space<semaphore_mem>>) src(%dma_wait3A_155 : memref<128x128xf32, #tpu.memory_space<vmem>>) dst(%dma_wait3A_161 : memref<10000x128xf32, #tpu.memory_space<vmem_shared>>)
    } else {
    }
    %barrier3A_145 = arith.constant 0 : index
    tpu.barrier barrier_id(%barrier3A_145)
    %mul3A_146 = arith.constant 625 : i32
    %mul3A_147 = arith.muli %arg1, %mul3A_146 : i32
    "tpu.region"() ({
      %run_scoped3A_148 = tpu.sem_alloc : memref<!tpu.dma_semaphore, #tpu.memory_space<semaphore_mem>>
      %dma_start3A_149 = arith.constant 0 : i32
      %dma_start3A_150 = arith.constant 0 : i32
      %dma_start3A_151 = tpu.memref_slice %arg5[%arg0, %arg1, %dma_start3A_149, %dma_start3A_150] : memref<2x16x625x128xf32, #tpu.memory_space<hbm>> -> memref<1x1x625x128xf32, #tpu.memory_space<hbm>>
      %dma_start3A_152 = tpu.memref_squeeze %dma_start3A_151 : memref<1x1x625x128xf32, #tpu.memory_space<hbm>> -> memref<625x128xf32, #tpu.memory_space<hbm>>
      %dma_start3A_153 = arith.constant 0 : i32
      %dma_start3A_154 = tpu.memref_slice %arg6[%mul3A_147, %dma_start3A_153] : memref<10000x128xf32, #tpu.memory_space<vmem_shared>> -> memref<625x128xf32, #tpu.memory_space<vmem_shared>>
      tpu.enqueue_dma source(%dma_start3A_154 : memref<625x128xf32, #tpu.memory_space<vmem_shared>>) target(%dma_start3A_152 : memref<625x128xf32, #tpu.memory_space<hbm>>) target_semaphore(%run_scoped3A_148 : memref<!tpu.dma_semaphore, #tpu.memory_space<semaphore_mem>>)
      %dma_wait3A_155 = arith.constant 0 : i32
      %dma_wait3A_156 = arith.constant 0 : i32
      %dma_wait3A_157 = tpu.memref_slice %arg5[%arg0, %arg1, %dma_wait3A_155, %dma_wait3A_156] : memref<2x16x625x128xf32, #tpu.memory_space<hbm>> -> memref<1x1x625x128xf32, #tpu.memory_space<hbm>>
      %dma_wait3A_158 = tpu.memref_squeeze %dma_wait3A_157 : memref<1x1x625x128xf32, #tpu.memory_space<hbm>> -> memref<625x128xf32, #tpu.memory_space<hbm>>
      %dma_wait3A_159 = arith.constant 0 : i32
      %dma_wait3A_160 = tpu.memref_slice %arg6[%mul3A_147, %dma_wait3A_159] : memref<10000x128xf32, #tpu.memory_space<vmem_shared>> -> memref<625x128xf32, #tpu.memory_space<vmem_shared>>
      tpu.wait_dma2 semaphore(%run_scoped3A_148 : memref<!tpu.dma_semaphore, #tpu.memory_space<semaphore_mem>>) src(%dma_wait3A_160 : memref<625x128xf32, #tpu.memory_space<vmem_shared>>) dst(%dma_wait3A_158 : memref<625x128xf32, #tpu.memory_space<hbm>>)
      tpu.yield
    }) : () -> ()
    return
  }
}

#map = affine_map<(d0, d1) -> (0)>
#map1 = affine_map<(d0, d1) -> (0, 0, 0)>
#map2 = affine_map<(d0, d1) -> (0, 0)>
module attributes {stable_mosaic.version = 14 : i64} {
  func.func @k(%arg0: i32, %arg1: i32, %arg2: memref<40960xf32, #tpu.memory_space<hbm>>, %arg3: memref<1250x4x128xi32, #tpu.memory_space<hbm>>, %arg4: memref<20000x128xf32, #tpu.memory_space<hbm>>, %arg5: memref<40960xf32, #tpu.memory_space<vmem>>, %arg6: memref<16x128xf32, #tpu.memory_space<vmem>>, %arg7: memref<4x128xi32, #tpu.memory_space<vmem>>) attributes {dimension_semantics = [#tpu.dimension_semantics<core_parallel>, #tpu.dimension_semantics<subcore_parallel>], iteration_bounds = array<i64: 2, 16>, scalar_prefetch = 0 : i64, scratch_operands = 3 : i64, tpu.core_type = #tpu.core_type<sc_vector_subcore>, window_params = [{transform_indices = #map}, {transform_indices = #map1}, {transform_indices = #map2}]} {
    "tpu.region"() ({
      %run_scoped3A = tpu.sem_alloc : memref<!tpu.dma_semaphore, #tpu.memory_space<semaphore_mem>>
      tpu.enqueue_dma source(%arg2 : memref<40960xf32, #tpu.memory_space<hbm>>) target(%arg5 : memref<40960xf32, #tpu.memory_space<vmem>>) target_semaphore(%run_scoped3A : memref<!tpu.dma_semaphore, #tpu.memory_space<semaphore_mem>>)
      tpu.wait_dma2 semaphore(%run_scoped3A : memref<!tpu.dma_semaphore, #tpu.memory_space<semaphore_mem>>) src(%arg2 : memref<40960xf32, #tpu.memory_space<hbm>>) dst(%arg5 : memref<40960xf32, #tpu.memory_space<vmem>>)
      tpu.yield
    }) : () -> ()
    %scan3A = arith.constant 0 : i32
    %scan3A_0 = arith.constant 0 : i32
    %scan3A_1 = arith.constant 40 : i32
    %scan3A_2 = arith.addi %scan3A_0, %scan3A_1 : i32
    %scan3A_3 = arith.constant 1 : i32
    %scan3A_4 = scf.for %scan3A_6 = %scan3A_0 to %scan3A_2 step %scan3A_3 iter_args(%scan3A_7 = %scan3A) -> (i32)  : i32 {
      %mul3A = arith.constant 16 : i32
      %mul3A_8 = arith.muli %arg0, %mul3A : i32
      %add3A = arith.addi %mul3A_8, %arg1 : i32
      %mul3A_9 = arith.constant 32 : i32
      %mul3A_10 = arith.muli %scan3A_6, %mul3A_9 : i32
      %add3A_11 = arith.addi %add3A, %mul3A_10 : i32
      %lt3A = arith.constant 1250 : i32
      %lt3A_12 = arith.cmpi slt, %add3A_11, %lt3A : i32
      %convert_element_type3A = arith.extui %lt3A_12 : i1 to i32
      %cond3A = arith.constant 0 : i32
      %cond3A_13 = arith.cmpi ne, %convert_element_type3A, %cond3A : i32
      scf.if %cond3A_13 {
        "tpu.region"() ({
          %run_scoped3A = tpu.sem_alloc : memref<!tpu.dma_semaphore, #tpu.memory_space<semaphore_mem>>
          %dma_start3A = arith.constant 0 : i32
          %dma_start3A_24 = arith.constant 0 : i32
          %dma_start3A_25 = tpu.memref_slice %arg3[%add3A_11, %dma_start3A, %dma_start3A_24] : memref<1250x4x128xi32, #tpu.memory_space<hbm>> -> memref<1x4x128xi32, #tpu.memory_space<hbm>>
          %dma_start3A_26 = tpu.memref_squeeze %dma_start3A_25 : memref<1x4x128xi32, #tpu.memory_space<hbm>> -> memref<4x128xi32, #tpu.memory_space<hbm>>
          %dma_start3A_27 = arith.constant 0 : i32
          %dma_start3A_28 = arith.constant 0 : i32
          %dma_start3A_29 = tpu.memref_slice %arg3[%add3A_11, %dma_start3A_27, %dma_start3A_28] : memref<1250x4x128xi32, #tpu.memory_space<hbm>> -> memref<1x4x128xi32, #tpu.memory_space<hbm>>
          %dma_start3A_30 = tpu.memref_squeeze %dma_start3A_29 : memref<1x4x128xi32, #tpu.memory_space<hbm>> -> memref<4x128xi32, #tpu.memory_space<hbm>>
          tpu.enqueue_dma source(%dma_start3A_30 : memref<4x128xi32, #tpu.memory_space<hbm>>) target(%arg7 : memref<4x128xi32, #tpu.memory_space<vmem>>) target_semaphore(%run_scoped3A : memref<!tpu.dma_semaphore, #tpu.memory_space<semaphore_mem>>)
          %dma_wait3A = arith.constant 0 : i32
          %dma_wait3A_31 = arith.constant 0 : i32
          %dma_wait3A_32 = tpu.memref_slice %arg3[%add3A_11, %dma_wait3A, %dma_wait3A_31] : memref<1250x4x128xi32, #tpu.memory_space<hbm>> -> memref<1x4x128xi32, #tpu.memory_space<hbm>>
          %dma_wait3A_33 = tpu.memref_squeeze %dma_wait3A_32 : memref<1x4x128xi32, #tpu.memory_space<hbm>> -> memref<4x128xi32, #tpu.memory_space<hbm>>
          %dma_wait3A_34 = arith.constant 0 : i32
          %dma_wait3A_35 = arith.constant 0 : i32
          %dma_wait3A_36 = tpu.memref_slice %arg3[%add3A_11, %dma_wait3A_34, %dma_wait3A_35] : memref<1250x4x128xi32, #tpu.memory_space<hbm>> -> memref<1x4x128xi32, #tpu.memory_space<hbm>>
          %dma_wait3A_37 = tpu.memref_squeeze %dma_wait3A_36 : memref<1x4x128xi32, #tpu.memory_space<hbm>> -> memref<4x128xi32, #tpu.memory_space<hbm>>
          tpu.wait_dma2 semaphore(%run_scoped3A : memref<!tpu.dma_semaphore, #tpu.memory_space<semaphore_mem>>) src(%dma_wait3A_37 : memref<4x128xi32, #tpu.memory_space<hbm>>) dst(%arg7 : memref<4x128xi32, #tpu.memory_space<vmem>>)
          tpu.yield
        }) : () -> ()
        %scan3A_15 = arith.constant 0 : i32
        %scan3A_16 = arith.constant 0 : i32
        %scan3A_17 = arith.constant 128 : i32
        %scan3A_18 = arith.addi %scan3A_16, %scan3A_17 : i32
        %scan3A_19 = arith.constant 1 : i32
        %scan3A_20 = scf.for %scan3A_24 = %scan3A_16 to %scan3A_18 step %scan3A_19 iter_args(%scan3A_25 = %scan3A_15) -> (i32)  : i32 {
          %broadcast_in_dim3A = vector.broadcast %scan3A_24 : i32 to vector<16xi32>
          %gather3A = arith.constant 3 : i32
          %gather3A_26 = arith.constant 0 : i32
          %gather3A_27 = tpu.memref_slice %arg7[%gather3A, %gather3A_26] : memref<4x128xi32, #tpu.memory_space<vmem>> -> memref<1x128xi32, #tpu.memory_space<vmem>>
          %gather3A_28 = tpu.memref_squeeze %gather3A_27 : memref<1x128xi32, #tpu.memory_space<vmem>> -> memref<128xi32, #tpu.memory_space<vmem>>
          %gather3A_29 = tpu.vector_load_idx %gather3A_28[%broadcast_in_dim3A] : memref<128xi32, #tpu.memory_space<vmem>>[vector<16xi32>], vector<16xi32>,
          %gather3A_30 = tpu.vector_load_idx %arg5[%gather3A_29] : memref<40960xf32, #tpu.memory_space<vmem>>[vector<16xi32>], vector<16xf32>,
          %jit3A = arith.constant 8 : i32
          %div3A = arith.divsi %scan3A_24, %jit3A : i32
          %sign3A = arith.constant 0 : i32
          %sign3A_31 = arith.cmpi sgt, %scan3A_24, %sign3A : i32
          %sign3A_32 = arith.extui %sign3A_31 : i1 to i32
          %sign3A_33 = arith.constant 0 : i32
          %sign3A_34 = arith.cmpi slt, %scan3A_24, %sign3A_33 : i32
          %sign3A_35 = arith.extui %sign3A_34 : i1 to i32
          %sign3A_36 = arith.subi %sign3A_32, %sign3A_35 : i32
          %sign3A_37 = arith.constant 0 : i32
          %sign3A_38 = arith.cmpi sgt, %jit3A, %sign3A_37 : i32
          %sign3A_39 = arith.extui %sign3A_38 : i1 to i32
          %sign3A_40 = arith.constant 0 : i32
          %sign3A_41 = arith.cmpi slt, %jit3A, %sign3A_40 : i32
          %sign3A_42 = arith.extui %sign3A_41 : i1 to i32
          %sign3A_43 = arith.subi %sign3A_39, %sign3A_42 : i32
          %ne3A = arith.cmpi ne, %sign3A_36, %sign3A_43 : i32
          %rem3A = arith.remsi %scan3A_24, %jit3A : i32
          %ne3A_44 = arith.constant 0 : i32
          %ne3A_45 = arith.cmpi ne, %rem3A, %ne3A_44 : i32
          %and3A = arith.andi %ne3A, %ne3A_45 : i1
          %sub3A = arith.constant 1 : i32
          %sub3A_46 = arith.subi %div3A, %sub3A : i32
          %select_n3A = arith.select %and3A, %sub3A_46, %div3A : i32
          %jit3A_47 = arith.constant 8 : i32
          %eq3A = arith.constant 0 : i32
          %eq3A_48 = arith.cmpi eq, %jit3A_47, %eq3A : i32
          %jit3A_49 = arith.constant 1 : i32
          %select_n3A_50 = arith.select %eq3A_48, %jit3A_49, %jit3A_47 : i32
          %rem3A_51 = arith.remsi %scan3A_24, %select_n3A_50 : i32
          %ne3A_52 = arith.constant 0 : i32
          %ne3A_53 = arith.cmpi ne, %rem3A_51, %ne3A_52 : i32
          %lt3A_54 = arith.constant 0 : i32
          %lt3A_55 = arith.cmpi slt, %rem3A_51, %lt3A_54 : i32
          %lt3A_56 = arith.constant 0 : i32
          %lt3A_57 = arith.cmpi slt, %select_n3A_50, %lt3A_56 : i32
          %ne3A_58 = arith.xori %lt3A_55, %lt3A_57 : i1
          %and3A_59 = arith.andi %ne3A_58, %ne3A_53 : i1
          %add3A_60 = arith.addi %rem3A_51, %select_n3A_50 : i32
          %select_n3A_61 = arith.select %and3A_59, %add3A_60, %rem3A_51 : i32
          %mul3A_62 = arith.constant 16 : i32
          %mul3A_63 = arith.muli %select_n3A_61, %mul3A_62 : i32
          %swap3A = arith.index_cast %select_n3A : i32 to index
          %swap3A_64 = arith.index_cast %mul3A_63 : i32 to index
          %swap3A_65 = tpu.vector_load %arg6[%swap3A, %swap3A_64] {strides = array<i32>} : memref<16x128xf32, #tpu.memory_space<vmem>>, vector<16xf32>,
          tpu.vector_store %arg6[%swap3A, %swap3A_64], %gather3A_30 {strides = array<i32>} : memref<16x128xf32, #tpu.memory_space<vmem>>, vector<16xf32>,
          %scan3A_66 = arith.constant 0 : i32
          scf.yield %scan3A_66 : i32
        }
        %scan3A_21 = arith.constant 128 : i32
        %mul3A_22 = arith.constant 16 : i32
        %mul3A_23 = arith.muli %add3A_11, %mul3A_22 : i32
        "tpu.region"() ({
          %run_scoped3A = tpu.sem_alloc : memref<!tpu.dma_semaphore, #tpu.memory_space<semaphore_mem>>
          %dma_start3A = arith.constant 0 : i32
          %dma_start3A_24 = tpu.memref_slice %arg4[%mul3A_23, %dma_start3A] : memref<20000x128xf32, #tpu.memory_space<hbm>> -> memref<16x128xf32, #tpu.memory_space<hbm>>
          %dma_start3A_25 = arith.constant 0 : i32
          %dma_start3A_26 = tpu.memref_slice %arg4[%mul3A_23, %dma_start3A_25] : memref<20000x128xf32, #tpu.memory_space<hbm>> -> memref<16x128xf32, #tpu.memory_space<hbm>>
          tpu.enqueue_dma source(%arg6 : memref<16x128xf32, #tpu.memory_space<vmem>>) target(%dma_start3A_26 : memref<16x128xf32, #tpu.memory_space<hbm>>) target_semaphore(%run_scoped3A : memref<!tpu.dma_semaphore, #tpu.memory_space<semaphore_mem>>)
          %dma_wait3A = arith.constant 0 : i32
          %dma_wait3A_27 = tpu.memref_slice %arg4[%mul3A_23, %dma_wait3A] : memref<20000x128xf32, #tpu.memory_space<hbm>> -> memref<16x128xf32, #tpu.memory_space<hbm>>
          %dma_wait3A_28 = arith.constant 0 : i32
          %dma_wait3A_29 = tpu.memref_slice %arg4[%mul3A_23, %dma_wait3A_28] : memref<20000x128xf32, #tpu.memory_space<hbm>> -> memref<16x128xf32, #tpu.memory_space<hbm>>
          tpu.wait_dma2 semaphore(%run_scoped3A : memref<!tpu.dma_semaphore, #tpu.memory_space<semaphore_mem>>) src(%arg6 : memref<16x128xf32, #tpu.memory_space<vmem>>) dst(%dma_wait3A_29 : memref<16x128xf32, #tpu.memory_space<hbm>>)
          tpu.yield
        }) : () -> ()
      } else {
      }
      %scan3A_14 = arith.constant 0 : i32
      scf.yield %scan3A_14 : i32
    }
    %scan3A_5 = arith.constant 40 : i32
    return
  }
}

#map = affine_map<(d0, d1) -> (0, 0)>
#map1 = affine_map<(d0, d1) -> (0, 0, 0)>
#map2 = affine_map<(d0, d1) -> (0, 0, 0, 0)>
module attributes {stable_mosaic.version = 14 : i64} {
  func.func @k(%arg0: i32, %arg1: i32, %arg2: memref<80000x128xf32, #tpu.memory_space<hbm>>, %arg3: memref<20000x128xf32, #tpu.memory_space<hbm>>, %arg4: memref<1250x4x128xi32, #tpu.memory_space<hbm>>, %arg5: memref<2x16x625x128xf32, #tpu.memory_space<hbm>>, %arg6: memref<10000x128xf32, #tpu.memory_space<vmem_shared>>, %arg7: memref<2x128x128xf32, #tpu.memory_space<vmem>>, %arg8: memref<2x16x128xf32, #tpu.memory_space<vmem>>, %arg9: memref<4x4x128xi32, #tpu.memory_space<vmem>>, %arg10: memref<4x!tpu.dma_semaphore, #tpu.memory_space<semaphore_mem>>, %arg11: memref<2x!tpu.dma_semaphore, #tpu.memory_space<semaphore_mem>>, %arg12: memref<2x!tpu.dma_semaphore, #tpu.memory_space<semaphore_mem>>) attributes {dimension_semantics = [#tpu.dimension_semantics<core_parallel>, #tpu.dimension_semantics<subcore_parallel>], iteration_bounds = array<i64: 2, 16>, scalar_prefetch = 0 : i64, scratch_operands = 7 : i64, tpu.core_type = #tpu.core_type<sc_vector_subcore>, window_params = [{transform_indices = #map}, {transform_indices = #map}, {transform_indices = #map1}, {transform_indices = #map2}]} {
    %scan3A = arith.constant 0 : i32
    %scan3A_0 = arith.constant 0 : i32
    %scan3A_1 = arith.constant 125 : i32
    %scan3A_2 = arith.addi %scan3A_0, %scan3A_1 : i32
    %scan3A_3 = arith.constant 1 : i32
    %scan3A_4 = scf.for %scan3A_148 = %scan3A_0 to %scan3A_2 step %scan3A_3 iter_args(%scan3A_149 = %scan3A) -> (i32)  : i32 {
      %broadcast_in_dim3A = arith.constant 0.000000e+00 : f32
      %broadcast_in_dim3A_150 = vector.broadcast %broadcast_in_dim3A : f32 to vector<16xf32>
      %swap3A = arith.constant 0 : i32
      %swap3A_151 = arith.index_cast %swap3A : i32 to index
      %swap3A_152 = arith.index_cast %scan3A_148 : i32 to index
      %swap3A_153 = arith.constant 0 : index
      %swap3A_154 = tpu.vector_load %arg7[%swap3A_151, %swap3A_152, %swap3A_153] {strides = array<i32>} : memref<2x128x128xf32, #tpu.memory_space<vmem>>, vector<16xf32>,
      tpu.vector_store %arg7[%swap3A_151, %swap3A_152, %swap3A_153], %broadcast_in_dim3A_150 {strides = array<i32>} : memref<2x128x128xf32, #tpu.memory_space<vmem>>, vector<16xf32>,
      %broadcast_in_dim3A_155 = arith.constant 0.000000e+00 : f32
      %broadcast_in_dim3A_156 = vector.broadcast %broadcast_in_dim3A_155 : f32 to vector<16xf32>
      %swap3A_157 = arith.constant 0 : i32
      %swap3A_158 = arith.index_cast %swap3A_157 : i32 to index
      %swap3A_159 = arith.index_cast %scan3A_148 : i32 to index
      %swap3A_160 = arith.constant 16 : index
      %swap3A_161 = tpu.vector_load %arg7[%swap3A_158, %swap3A_159, %swap3A_160] {strides = array<i32>} : memref<2x128x128xf32, #tpu.memory_space<vmem>>, vector<16xf32>,
      tpu.vector_store %arg7[%swap3A_158, %swap3A_159, %swap3A_160], %broadcast_in_dim3A_156 {strides = array<i32>} : memref<2x128x128xf32, #tpu.memory_space<vmem>>, vector<16xf32>,
      %broadcast_in_dim3A_162 = arith.constant 0.000000e+00 : f32
      %broadcast_in_dim3A_163 = vector.broadcast %broadcast_in_dim3A_162 : f32 to vector<16xf32>
      %swap3A_164 = arith.constant 0 : i32
      %swap3A_165 = arith.index_cast %swap3A_164 : i32 to index
      %swap3A_166 = arith.index_cast %scan3A_148 : i32 to index
      %swap3A_167 = arith.constant 32 : index
      %swap3A_168 = tpu.vector_load %arg7[%swap3A_165, %swap3A_166, %swap3A_167] {strides = array<i32>} : memref<2x128x128xf32, #tpu.memory_space<vmem>>, vector<16xf32>,
      tpu.vector_store %arg7[%swap3A_165, %swap3A_166, %swap3A_167], %broadcast_in_dim3A_163 {strides = array<i32>} : memref<2x128x128xf32, #tpu.memory_space<vmem>>, vector<16xf32>,
      %broadcast_in_dim3A_169 = arith.constant 0.000000e+00 : f32
      %broadcast_in_dim3A_170 = vector.broadcast %broadcast_in_dim3A_169 : f32 to vector<16xf32>
      %swap3A_171 = arith.constant 0 : i32
      %swap3A_172 = arith.index_cast %swap3A_171 : i32 to index
      %swap3A_173 = arith.index_cast %scan3A_148 : i32 to index
      %swap3A_174 = arith.constant 48 : index
      %swap3A_175 = tpu.vector_load %arg7[%swap3A_172, %swap3A_173, %swap3A_174] {strides = array<i32>} : memref<2x128x128xf32, #tpu.memory_space<vmem>>, vector<16xf32>,
      tpu.vector_store %arg7[%swap3A_172, %swap3A_173, %swap3A_174], %broadcast_in_dim3A_170 {strides = array<i32>} : memref<2x128x128xf32, #tpu.memory_space<vmem>>, vector<16xf32>,
      %broadcast_in_dim3A_176 = arith.constant 0.000000e+00 : f32
      %broadcast_in_dim3A_177 = vector.broadcast %broadcast_in_dim3A_176 : f32 to vector<16xf32>
      %swap3A_178 = arith.constant 0 : i32
      %swap3A_179 = arith.index_cast %swap3A_178 : i32 to index
      %swap3A_180 = arith.index_cast %scan3A_148 : i32 to index
      %swap3A_181 = arith.constant 64 : index
      %swap3A_182 = tpu.vector_load %arg7[%swap3A_179, %swap3A_180, %swap3A_181] {strides = array<i32>} : memref<2x128x128xf32, #tpu.memory_space<vmem>>, vector<16xf32>,
      tpu.vector_store %arg7[%swap3A_179, %swap3A_180, %swap3A_181], %broadcast_in_dim3A_177 {strides = array<i32>} : memref<2x128x128xf32, #tpu.memory_space<vmem>>, vector<16xf32>,
      %broadcast_in_dim3A_183 = arith.constant 0.000000e+00 : f32
      %broadcast_in_dim3A_184 = vector.broadcast %broadcast_in_dim3A_183 : f32 to vector<16xf32>
      %swap3A_185 = arith.constant 0 : i32
      %swap3A_186 = arith.index_cast %swap3A_185 : i32 to index
      %swap3A_187 = arith.index_cast %scan3A_148 : i32 to index
      %swap3A_188 = arith.constant 80 : index
      %swap3A_189 = tpu.vector_load %arg7[%swap3A_186, %swap3A_187, %swap3A_188] {strides = array<i32>} : memref<2x128x128xf32, #tpu.memory_space<vmem>>, vector<16xf32>,
      tpu.vector_store %arg7[%swap3A_186, %swap3A_187, %swap3A_188], %broadcast_in_dim3A_184 {strides = array<i32>} : memref<2x128x128xf32, #tpu.memory_space<vmem>>, vector<16xf32>,
      %broadcast_in_dim3A_190 = arith.constant 0.000000e+00 : f32
      %broadcast_in_dim3A_191 = vector.broadcast %broadcast_in_dim3A_190 : f32 to vector<16xf32>
      %swap3A_192 = arith.constant 0 : i32
      %swap3A_193 = arith.index_cast %swap3A_192 : i32 to index
      %swap3A_194 = arith.index_cast %scan3A_148 : i32 to index
      %swap3A_195 = arith.constant 96 : index
      %swap3A_196 = tpu.vector_load %arg7[%swap3A_193, %swap3A_194, %swap3A_195] {strides = array<i32>} : memref<2x128x128xf32, #tpu.memory_space<vmem>>, vector<16xf32>,
      tpu.vector_store %arg7[%swap3A_193, %swap3A_194, %swap3A_195], %broadcast_in_dim3A_191 {strides = array<i32>} : memref<2x128x128xf32, #tpu.memory_space<vmem>>, vector<16xf32>,
      %broadcast_in_dim3A_197 = arith.constant 0.000000e+00 : f32
      %broadcast_in_dim3A_198 = vector.broadcast %broadcast_in_dim3A_197 : f32 to vector<16xf32>
      %swap3A_199 = arith.constant 0 : i32
      %swap3A_200 = arith.index_cast %swap3A_199 : i32 to index
      %swap3A_201 = arith.index_cast %scan3A_148 : i32 to index
      %swap3A_202 = arith.constant 112 : index
      %swap3A_203 = tpu.vector_load %arg7[%swap3A_200, %swap3A_201, %swap3A_202] {strides = array<i32>} : memref<2x128x128xf32, #tpu.memory_space<vmem>>, vector<16xf32>,
      tpu.vector_store %arg7[%swap3A_200, %swap3A_201, %swap3A_202], %broadcast_in_dim3A_198 {strides = array<i32>} : memref<2x128x128xf32, #tpu.memory_space<vmem>>, vector<16xf32>,
      %scan3A_204 = arith.constant 0 : i32
      scf.yield %scan3A_204 : i32
    }
    %scan3A_5 = arith.constant 125 : i32
    %mul3A = arith.constant 625 : i32
    %mul3A_6 = arith.muli %arg1, %mul3A : i32
    %add3A = arith.constant 0 : i32
    %add3A_7 = arith.addi %mul3A_6, %add3A : i32
    %run_scoped3A = arith.constant 0 : i32
    "tpu.region"() ({
      %run_scoped3A_148 = tpu.sem_alloc : memref<!tpu.dma_semaphore, #tpu.memory_space<semaphore_mem>>
      %dma_start3A_149 = arith.constant 0 : i32
      %dma_start3A_150 = arith.constant 0 : i32
      %dma_start3A_151 = tpu.memref_slice %arg7[%run_scoped3A, %dma_start3A_149, %dma_start3A_150] : memref<2x128x128xf32, #tpu.memory_space<vmem>> -> memref<1x125x128xf32, #tpu.memory_space<vmem>>
      %dma_start3A_152 = tpu.memref_squeeze %dma_start3A_151 : memref<1x125x128xf32, #tpu.memory_space<vmem>> -> memref<125x128xf32, #tpu.memory_space<vmem>>
      %dma_start3A_153 = arith.constant 0 : i32
      %dma_start3A_154 = tpu.memref_slice %arg6[%add3A_7, %dma_start3A_153] : memref<10000x128xf32, #tpu.memory_space<vmem_shared>> -> memref<125x128xf32, #tpu.memory_space<vmem_shared>>
      %dma_start3A_155 = arith.constant 0 : i32
      %dma_start3A_156 = tpu.memref_slice %arg6[%add3A_7, %dma_start3A_155] : memref<10000x128xf32, #tpu.memory_space<vmem_shared>> -> memref<125x128xf32, #tpu.memory_space<vmem_shared>>
      %dma_start3A_157 = arith.constant 0 : i32
      %dma_start3A_158 = arith.constant 0 : i32
      %dma_start3A_159 = tpu.memref_slice %arg7[%run_scoped3A, %dma_start3A_157, %dma_start3A_158] : memref<2x128x128xf32, #tpu.memory_space<vmem>> -> memref<1x125x128xf32, #tpu.memory_space<vmem>>
      %dma_start3A_160 = tpu.memref_squeeze %dma_start3A_159 : memref<1x125x128xf32, #tpu.memory_space<vmem>> -> memref<125x128xf32, #tpu.memory_space<vmem>>
      tpu.enqueue_dma source(%dma_start3A_160 : memref<125x128xf32, #tpu.memory_space<vmem>>) target(%dma_start3A_156 : memref<125x128xf32, #tpu.memory_space<vmem_shared>>) target_semaphore(%run_scoped3A_148 : memref<!tpu.dma_semaphore, #tpu.memory_space<semaphore_mem>>)
      %dma_wait3A_161 = arith.constant 0 : i32
      %dma_wait3A_162 = arith.constant 0 : i32
      %dma_wait3A_163 = tpu.memref_slice %arg7[%run_scoped3A, %dma_wait3A_161, %dma_wait3A_162] : memref<2x128x128xf32, #tpu.memory_space<vmem>> -> memref<1x125x128xf32, #tpu.memory_space<vmem>>
      %dma_wait3A_164 = tpu.memref_squeeze %dma_wait3A_163 : memref<1x125x128xf32, #tpu.memory_space<vmem>> -> memref<125x128xf32, #tpu.memory_space<vmem>>
      %dma_wait3A_165 = arith.constant 0 : i32
      %dma_wait3A_166 = tpu.memref_slice %arg6[%add3A_7, %dma_wait3A_165] : memref<10000x128xf32, #tpu.memory_space<vmem_shared>> -> memref<125x128xf32, #tpu.memory_space<vmem_shared>>
      %dma_wait3A_167 = arith.constant 0 : i32
      %dma_wait3A_168 = tpu.memref_slice %arg6[%add3A_7, %dma_wait3A_167] : memref<10000x128xf32, #tpu.memory_space<vmem_shared>> -> memref<125x128xf32, #tpu.memory_space<vmem_shared>>
      %dma_wait3A_169 = arith.constant 0 : i32
      %dma_wait3A_170 = arith.constant 0 : i32
      %dma_wait3A_171 = tpu.memref_slice %arg7[%run_scoped3A, %dma_wait3A_169, %dma_wait3A_170] : memref<2x128x128xf32, #tpu.memory_space<vmem>> -> memref<1x125x128xf32, #tpu.memory_space<vmem>>
      %dma_wait3A_172 = tpu.memref_squeeze %dma_wait3A_171 : memref<1x125x128xf32, #tpu.memory_space<vmem>> -> memref<125x128xf32, #tpu.memory_space<vmem>>
      tpu.wait_dma2 semaphore(%run_scoped3A_148 : memref<!tpu.dma_semaphore, #tpu.memory_space<semaphore_mem>>) src(%dma_wait3A_172 : memref<125x128xf32, #tpu.memory_space<vmem>>) dst(%dma_wait3A_168 : memref<125x128xf32, #tpu.memory_space<vmem_shared>>)
      tpu.yield
    }) : () -> ()
    %mul3A_8 = arith.constant 625 : i32
    %mul3A_9 = arith.muli %arg1, %mul3A_8 : i32
    %add3A_10 = arith.constant 125 : i32
    %add3A_11 = arith.addi %mul3A_9, %add3A_10 : i32
    %run_scoped3A_12 = arith.constant 0 : i32
    "tpu.region"() ({
      %run_scoped3A_148 = tpu.sem_alloc : memref<!tpu.dma_semaphore, #tpu.memory_space<semaphore_mem>>
      %dma_start3A_149 = arith.constant 0 : i32
      %dma_start3A_150 = arith.constant 0 : i32
      %dma_start3A_151 = tpu.memref_slice %arg7[%run_scoped3A_12, %dma_start3A_149, %dma_start3A_150] : memref<2x128x128xf32, #tpu.memory_space<vmem>> -> memref<1x125x128xf32, #tpu.memory_space<vmem>>
      %dma_start3A_152 = tpu.memref_squeeze %dma_start3A_151 : memref<1x125x128xf32, #tpu.memory_space<vmem>> -> memref<125x128xf32, #tpu.memory_space<vmem>>
      %dma_start3A_153 = arith.constant 0 : i32
      %dma_start3A_154 = tpu.memref_slice %arg6[%add3A_11, %dma_start3A_153] : memref<10000x128xf32, #tpu.memory_space<vmem_shared>> -> memref<125x128xf32, #tpu.memory_space<vmem_shared>>
      %dma_start3A_155 = arith.constant 0 : i32
      %dma_start3A_156 = tpu.memref_slice %arg6[%add3A_11, %dma_start3A_155] : memref<10000x128xf32, #tpu.memory_space<vmem_shared>> -> memref<125x128xf32, #tpu.memory_space<vmem_shared>>
      %dma_start3A_157 = arith.constant 0 : i32
      %dma_start3A_158 = arith.constant 0 : i32
      %dma_start3A_159 = tpu.memref_slice %arg7[%run_scoped3A_12, %dma_start3A_157, %dma_start3A_158] : memref<2x128x128xf32, #tpu.memory_space<vmem>> -> memref<1x125x128xf32, #tpu.memory_space<vmem>>
      %dma_start3A_160 = tpu.memref_squeeze %dma_start3A_159 : memref<1x125x128xf32, #tpu.memory_space<vmem>> -> memref<125x128xf32, #tpu.memory_space<vmem>>
      tpu.enqueue_dma source(%dma_start3A_160 : memref<125x128xf32, #tpu.memory_space<vmem>>) target(%dma_start3A_156 : memref<125x128xf32, #tpu.memory_space<vmem_shared>>) target_semaphore(%run_scoped3A_148 : memref<!tpu.dma_semaphore, #tpu.memory_space<semaphore_mem>>)
      %dma_wait3A_161 = arith.constant 0 : i32
      %dma_wait3A_162 = arith.constant 0 : i32
      %dma_wait3A_163 = tpu.memref_slice %arg7[%run_scoped3A_12, %dma_wait3A_161, %dma_wait3A_162] : memref<2x128x128xf32, #tpu.memory_space<vmem>> -> memref<1x125x128xf32, #tpu.memory_space<vmem>>
      %dma_wait3A_164 = tpu.memref_squeeze %dma_wait3A_163 : memref<1x125x128xf32, #tpu.memory_space<vmem>> -> memref<125x128xf32, #tpu.memory_space<vmem>>
      %dma_wait3A_165 = arith.constant 0 : i32
      %dma_wait3A_166 = tpu.memref_slice %arg6[%add3A_11, %dma_wait3A_165] : memref<10000x128xf32, #tpu.memory_space<vmem_shared>> -> memref<125x128xf32, #tpu.memory_space<vmem_shared>>
      %dma_wait3A_167 = arith.constant 0 : i32
      %dma_wait3A_168 = tpu.memref_slice %arg6[%add3A_11, %dma_wait3A_167] : memref<10000x128xf32, #tpu.memory_space<vmem_shared>> -> memref<125x128xf32, #tpu.memory_space<vmem_shared>>
      %dma_wait3A_169 = arith.constant 0 : i32
      %dma_wait3A_170 = arith.constant 0 : i32
      %dma_wait3A_171 = tpu.memref_slice %arg7[%run_scoped3A_12, %dma_wait3A_169, %dma_wait3A_170] : memref<2x128x128xf32, #tpu.memory_space<vmem>> -> memref<1x125x128xf32, #tpu.memory_space<vmem>>
      %dma_wait3A_172 = tpu.memref_squeeze %dma_wait3A_171 : memref<1x125x128xf32, #tpu.memory_space<vmem>> -> memref<125x128xf32, #tpu.memory_space<vmem>>
      tpu.wait_dma2 semaphore(%run_scoped3A_148 : memref<!tpu.dma_semaphore, #tpu.memory_space<semaphore_mem>>) src(%dma_wait3A_172 : memref<125x128xf32, #tpu.memory_space<vmem>>) dst(%dma_wait3A_168 : memref<125x128xf32, #tpu.memory_space<vmem_shared>>)
      tpu.yield
    }) : () -> ()
    %mul3A_13 = arith.constant 625 : i32
    %mul3A_14 = arith.muli %arg1, %mul3A_13 : i32
    %add3A_15 = arith.constant 250 : i32
    %add3A_16 = arith.addi %mul3A_14, %add3A_15 : i32
    %run_scoped3A_17 = arith.constant 0 : i32
    "tpu.region"() ({
      %run_scoped3A_148 = tpu.sem_alloc : memref<!tpu.dma_semaphore, #tpu.memory_space<semaphore_mem>>
      %dma_start3A_149 = arith.constant 0 : i32
      %dma_start3A_150 = arith.constant 0 : i32
      %dma_start3A_151 = tpu.memref_slice %arg7[%run_scoped3A_17, %dma_start3A_149, %dma_start3A_150] : memref<2x128x128xf32, #tpu.memory_space<vmem>> -> memref<1x125x128xf32, #tpu.memory_space<vmem>>
      %dma_start3A_152 = tpu.memref_squeeze %dma_start3A_151 : memref<1x125x128xf32, #tpu.memory_space<vmem>> -> memref<125x128xf32, #tpu.memory_space<vmem>>
      %dma_start3A_153 = arith.constant 0 : i32
      %dma_start3A_154 = tpu.memref_slice %arg6[%add3A_16, %dma_start3A_153] : memref<10000x128xf32, #tpu.memory_space<vmem_shared>> -> memref<125x128xf32, #tpu.memory_space<vmem_shared>>
      %dma_start3A_155 = arith.constant 0 : i32
      %dma_start3A_156 = tpu.memref_slice %arg6[%add3A_16, %dma_start3A_155] : memref<10000x128xf32, #tpu.memory_space<vmem_shared>> -> memref<125x128xf32, #tpu.memory_space<vmem_shared>>
      %dma_start3A_157 = arith.constant 0 : i32
      %dma_start3A_158 = arith.constant 0 : i32
      %dma_start3A_159 = tpu.memref_slice %arg7[%run_scoped3A_17, %dma_start3A_157, %dma_start3A_158] : memref<2x128x128xf32, #tpu.memory_space<vmem>> -> memref<1x125x128xf32, #tpu.memory_space<vmem>>
      %dma_start3A_160 = tpu.memref_squeeze %dma_start3A_159 : memref<1x125x128xf32, #tpu.memory_space<vmem>> -> memref<125x128xf32, #tpu.memory_space<vmem>>
      tpu.enqueue_dma source(%dma_start3A_160 : memref<125x128xf32, #tpu.memory_space<vmem>>) target(%dma_start3A_156 : memref<125x128xf32, #tpu.memory_space<vmem_shared>>) target_semaphore(%run_scoped3A_148 : memref<!tpu.dma_semaphore, #tpu.memory_space<semaphore_mem>>)
      %dma_wait3A_161 = arith.constant 0 : i32
      %dma_wait3A_162 = arith.constant 0 : i32
      %dma_wait3A_163 = tpu.memref_slice %arg7[%run_scoped3A_17, %dma_wait3A_161, %dma_wait3A_162] : memref<2x128x128xf32, #tpu.memory_space<vmem>> -> memref<1x125x128xf32, #tpu.memory_space<vmem>>
      %dma_wait3A_164 = tpu.memref_squeeze %dma_wait3A_163 : memref<1x125x128xf32, #tpu.memory_space<vmem>> -> memref<125x128xf32, #tpu.memory_space<vmem>>
      %dma_wait3A_165 = arith.constant 0 : i32
      %dma_wait3A_166 = tpu.memref_slice %arg6[%add3A_16, %dma_wait3A_165] : memref<10000x128xf32, #tpu.memory_space<vmem_shared>> -> memref<125x128xf32, #tpu.memory_space<vmem_shared>>
      %dma_wait3A_167 = arith.constant 0 : i32
      %dma_wait3A_168 = tpu.memref_slice %arg6[%add3A_16, %dma_wait3A_167] : memref<10000x128xf32, #tpu.memory_space<vmem_shared>> -> memref<125x128xf32, #tpu.memory_space<vmem_shared>>
      %dma_wait3A_169 = arith.constant 0 : i32
      %dma_wait3A_170 = arith.constant 0 : i32
      %dma_wait3A_171 = tpu.memref_slice %arg7[%run_scoped3A_17, %dma_wait3A_169, %dma_wait3A_170] : memref<2x128x128xf32, #tpu.memory_space<vmem>> -> memref<1x125x128xf32, #tpu.memory_space<vmem>>
      %dma_wait3A_172 = tpu.memref_squeeze %dma_wait3A_171 : memref<1x125x128xf32, #tpu.memory_space<vmem>> -> memref<125x128xf32, #tpu.memory_space<vmem>>
      tpu.wait_dma2 semaphore(%run_scoped3A_148 : memref<!tpu.dma_semaphore, #tpu.memory_space<semaphore_mem>>) src(%dma_wait3A_172 : memref<125x128xf32, #tpu.memory_space<vmem>>) dst(%dma_wait3A_168 : memref<125x128xf32, #tpu.memory_space<vmem_shared>>)
      tpu.yield
    }) : () -> ()
    %mul3A_18 = arith.constant 625 : i32
    %mul3A_19 = arith.muli %arg1, %mul3A_18 : i32
    %add3A_20 = arith.constant 375 : i32
    %add3A_21 = arith.addi %mul3A_19, %add3A_20 : i32
    %run_scoped3A_22 = arith.constant 0 : i32
    "tpu.region"() ({
      %run_scoped3A_148 = tpu.sem_alloc : memref<!tpu.dma_semaphore, #tpu.memory_space<semaphore_mem>>
      %dma_start3A_149 = arith.constant 0 : i32
      %dma_start3A_150 = arith.constant 0 : i32
      %dma_start3A_151 = tpu.memref_slice %arg7[%run_scoped3A_22, %dma_start3A_149, %dma_start3A_150] : memref<2x128x128xf32, #tpu.memory_space<vmem>> -> memref<1x125x128xf32, #tpu.memory_space<vmem>>
      %dma_start3A_152 = tpu.memref_squeeze %dma_start3A_151 : memref<1x125x128xf32, #tpu.memory_space<vmem>> -> memref<125x128xf32, #tpu.memory_space<vmem>>
      %dma_start3A_153 = arith.constant 0 : i32
      %dma_start3A_154 = tpu.memref_slice %arg6[%add3A_21, %dma_start3A_153] : memref<10000x128xf32, #tpu.memory_space<vmem_shared>> -> memref<125x128xf32, #tpu.memory_space<vmem_shared>>
      %dma_start3A_155 = arith.constant 0 : i32
      %dma_start3A_156 = tpu.memref_slice %arg6[%add3A_21, %dma_start3A_155] : memref<10000x128xf32, #tpu.memory_space<vmem_shared>> -> memref<125x128xf32, #tpu.memory_space<vmem_shared>>
      %dma_start3A_157 = arith.constant 0 : i32
      %dma_start3A_158 = arith.constant 0 : i32
      %dma_start3A_159 = tpu.memref_slice %arg7[%run_scoped3A_22, %dma_start3A_157, %dma_start3A_158] : memref<2x128x128xf32, #tpu.memory_space<vmem>> -> memref<1x125x128xf32, #tpu.memory_space<vmem>>
      %dma_start3A_160 = tpu.memref_squeeze %dma_start3A_159 : memref<1x125x128xf32, #tpu.memory_space<vmem>> -> memref<125x128xf32, #tpu.memory_space<vmem>>
      tpu.enqueue_dma source(%dma_start3A_160 : memref<125x128xf32, #tpu.memory_space<vmem>>) target(%dma_start3A_156 : memref<125x128xf32, #tpu.memory_space<vmem_shared>>) target_semaphore(%run_scoped3A_148 : memref<!tpu.dma_semaphore, #tpu.memory_space<semaphore_mem>>)
      %dma_wait3A_161 = arith.constant 0 : i32
      %dma_wait3A_162 = arith.constant 0 : i32
      %dma_wait3A_163 = tpu.memref_slice %arg7[%run_scoped3A_22, %dma_wait3A_161, %dma_wait3A_162] : memref<2x128x128xf32, #tpu.memory_space<vmem>> -> memref<1x125x128xf32, #tpu.memory_space<vmem>>
      %dma_wait3A_164 = tpu.memref_squeeze %dma_wait3A_163 : memref<1x125x128xf32, #tpu.memory_space<vmem>> -> memref<125x128xf32, #tpu.memory_space<vmem>>
      %dma_wait3A_165 = arith.constant 0 : i32
      %dma_wait3A_166 = tpu.memref_slice %arg6[%add3A_21, %dma_wait3A_165] : memref<10000x128xf32, #tpu.memory_space<vmem_shared>> -> memref<125x128xf32, #tpu.memory_space<vmem_shared>>
      %dma_wait3A_167 = arith.constant 0 : i32
      %dma_wait3A_168 = tpu.memref_slice %arg6[%add3A_21, %dma_wait3A_167] : memref<10000x128xf32, #tpu.memory_space<vmem_shared>> -> memref<125x128xf32, #tpu.memory_space<vmem_shared>>
      %dma_wait3A_169 = arith.constant 0 : i32
      %dma_wait3A_170 = arith.constant 0 : i32
      %dma_wait3A_171 = tpu.memref_slice %arg7[%run_scoped3A_22, %dma_wait3A_169, %dma_wait3A_170] : memref<2x128x128xf32, #tpu.memory_space<vmem>> -> memref<1x125x128xf32, #tpu.memory_space<vmem>>
      %dma_wait3A_172 = tpu.memref_squeeze %dma_wait3A_171 : memref<1x125x128xf32, #tpu.memory_space<vmem>> -> memref<125x128xf32, #tpu.memory_space<vmem>>
      tpu.wait_dma2 semaphore(%run_scoped3A_148 : memref<!tpu.dma_semaphore, #tpu.memory_space<semaphore_mem>>) src(%dma_wait3A_172 : memref<125x128xf32, #tpu.memory_space<vmem>>) dst(%dma_wait3A_168 : memref<125x128xf32, #tpu.memory_space<vmem_shared>>)
      tpu.yield
    }) : () -> ()
    %mul3A_23 = arith.constant 625 : i32
    %mul3A_24 = arith.muli %arg1, %mul3A_23 : i32
    %add3A_25 = arith.constant 500 : i32
    %add3A_26 = arith.addi %mul3A_24, %add3A_25 : i32
    %run_scoped3A_27 = arith.constant 0 : i32
    "tpu.region"() ({
      %run_scoped3A_148 = tpu.sem_alloc : memref<!tpu.dma_semaphore, #tpu.memory_space<semaphore_mem>>
      %dma_start3A_149 = arith.constant 0 : i32
      %dma_start3A_150 = arith.constant 0 : i32
      %dma_start3A_151 = tpu.memref_slice %arg7[%run_scoped3A_27, %dma_start3A_149, %dma_start3A_150] : memref<2x128x128xf32, #tpu.memory_space<vmem>> -> memref<1x125x128xf32, #tpu.memory_space<vmem>>
      %dma_start3A_152 = tpu.memref_squeeze %dma_start3A_151 : memref<1x125x128xf32, #tpu.memory_space<vmem>> -> memref<125x128xf32, #tpu.memory_space<vmem>>
      %dma_start3A_153 = arith.constant 0 : i32
      %dma_start3A_154 = tpu.memref_slice %arg6[%add3A_26, %dma_start3A_153] : memref<10000x128xf32, #tpu.memory_space<vmem_shared>> -> memref<125x128xf32, #tpu.memory_space<vmem_shared>>
      %dma_start3A_155 = arith.constant 0 : i32
      %dma_start3A_156 = tpu.memref_slice %arg6[%add3A_26, %dma_start3A_155] : memref<10000x128xf32, #tpu.memory_space<vmem_shared>> -> memref<125x128xf32, #tpu.memory_space<vmem_shared>>
      %dma_start3A_157 = arith.constant 0 : i32
      %dma_start3A_158 = arith.constant 0 : i32
      %dma_start3A_159 = tpu.memref_slice %arg7[%run_scoped3A_27, %dma_start3A_157, %dma_start3A_158] : memref<2x128x128xf32, #tpu.memory_space<vmem>> -> memref<1x125x128xf32, #tpu.memory_space<vmem>>
      %dma_start3A_160 = tpu.memref_squeeze %dma_start3A_159 : memref<1x125x128xf32, #tpu.memory_space<vmem>> -> memref<125x128xf32, #tpu.memory_space<vmem>>
      tpu.enqueue_dma source(%dma_start3A_160 : memref<125x128xf32, #tpu.memory_space<vmem>>) target(%dma_start3A_156 : memref<125x128xf32, #tpu.memory_space<vmem_shared>>) target_semaphore(%run_scoped3A_148 : memref<!tpu.dma_semaphore, #tpu.memory_space<semaphore_mem>>)
      %dma_wait3A_161 = arith.constant 0 : i32
      %dma_wait3A_162 = arith.constant 0 : i32
      %dma_wait3A_163 = tpu.memref_slice %arg7[%run_scoped3A_27, %dma_wait3A_161, %dma_wait3A_162] : memref<2x128x128xf32, #tpu.memory_space<vmem>> -> memref<1x125x128xf32, #tpu.memory_space<vmem>>
      %dma_wait3A_164 = tpu.memref_squeeze %dma_wait3A_163 : memref<1x125x128xf32, #tpu.memory_space<vmem>> -> memref<125x128xf32, #tpu.memory_space<vmem>>
      %dma_wait3A_165 = arith.constant 0 : i32
      %dma_wait3A_166 = tpu.memref_slice %arg6[%add3A_26, %dma_wait3A_165] : memref<10000x128xf32, #tpu.memory_space<vmem_shared>> -> memref<125x128xf32, #tpu.memory_space<vmem_shared>>
      %dma_wait3A_167 = arith.constant 0 : i32
      %dma_wait3A_168 = tpu.memref_slice %arg6[%add3A_26, %dma_wait3A_167] : memref<10000x128xf32, #tpu.memory_space<vmem_shared>> -> memref<125x128xf32, #tpu.memory_space<vmem_shared>>
      %dma_wait3A_169 = arith.constant 0 : i32
      %dma_wait3A_170 = arith.constant 0 : i32
      %dma_wait3A_171 = tpu.memref_slice %arg7[%run_scoped3A_27, %dma_wait3A_169, %dma_wait3A_170] : memref<2x128x128xf32, #tpu.memory_space<vmem>> -> memref<1x125x128xf32, #tpu.memory_space<vmem>>
      %dma_wait3A_172 = tpu.memref_squeeze %dma_wait3A_171 : memref<1x125x128xf32, #tpu.memory_space<vmem>> -> memref<125x128xf32, #tpu.memory_space<vmem>>
      tpu.wait_dma2 semaphore(%run_scoped3A_148 : memref<!tpu.dma_semaphore, #tpu.memory_space<semaphore_mem>>) src(%dma_wait3A_172 : memref<125x128xf32, #tpu.memory_space<vmem>>) dst(%dma_wait3A_168 : memref<125x128xf32, #tpu.memory_space<vmem_shared>>)
      tpu.yield
    }) : () -> ()
    %barrier3A = arith.constant 0 : index
    tpu.barrier barrier_id(%barrier3A)
    %add3A_28 = arith.constant 0 : i32
    %add3A_29 = arith.addi %arg1, %add3A_28 : i32
    %min3A = arith.constant 1249 : i32
    %min3A_30 = arith.minsi %add3A_29, %min3A : i32
    %dma_start3A = arith.constant 0 : i32
    %dma_start3A_31 = arith.constant 0 : i32
    %dma_start3A_32 = arith.constant 0 : i32
    %dma_start3A_33 = arith.constant 0 : i32
    %dma_start3A_34 = tpu.memref_slice %arg9[%dma_start3A, %dma_start3A_32, %dma_start3A_33] : memref<4x4x128xi32, #tpu.memory_space<vmem>> -> memref<1x4x128xi32, #tpu.memory_space<vmem>>
    %dma_start3A_35 = tpu.memref_squeeze %dma_start3A_34 : memref<1x4x128xi32, #tpu.memory_space<vmem>> -> memref<4x128xi32, #tpu.memory_space<vmem>>
    %dma_start3A_36 = arith.constant 0 : i32
    %dma_start3A_37 = arith.constant 0 : i32
    %dma_start3A_38 = tpu.memref_slice %arg4[%min3A_30, %dma_start3A_36, %dma_start3A_37] : memref<1250x4x128xi32, #tpu.memory_space<hbm>> -> memref<1x4x128xi32, #tpu.memory_space<hbm>>
    %dma_start3A_39 = tpu.memref_squeeze %dma_start3A_38 : memref<1x4x128xi32, #tpu.memory_space<hbm>> -> memref<4x128xi32, #tpu.memory_space<hbm>>
    %dma_start3A_40 = tpu.memref_slice %arg10[%dma_start3A_31] : memref<4x!tpu.dma_semaphore, #tpu.memory_space<semaphore_mem>> -> memref<1x!tpu.dma_semaphore, #tpu.memory_space<semaphore_mem>>
    %dma_start3A_41 = tpu.memref_squeeze %dma_start3A_40 : memref<1x!tpu.dma_semaphore, #tpu.memory_space<semaphore_mem>> -> memref<!tpu.dma_semaphore, #tpu.memory_space<semaphore_mem>>
    %dma_start3A_42 = arith.constant 0 : i32
    %dma_start3A_43 = arith.constant 0 : i32
    %dma_start3A_44 = tpu.memref_slice %arg9[%dma_start3A, %dma_start3A_42, %dma_start3A_43] : memref<4x4x128xi32, #tpu.memory_space<vmem>> -> memref<1x4x128xi32, #tpu.memory_space<vmem>>
    %dma_start3A_45 = tpu.memref_squeeze %dma_start3A_44 : memref<1x4x128xi32, #tpu.memory_space<vmem>> -> memref<4x128xi32, #tpu.memory_space<vmem>>
    %dma_start3A_46 = arith.constant 0 : i32
    %dma_start3A_47 = arith.constant 0 : i32
    %dma_start3A_48 = tpu.memref_slice %arg4[%min3A_30, %dma_start3A_46, %dma_start3A_47] : memref<1250x4x128xi32, #tpu.memory_space<hbm>> -> memref<1x4x128xi32, #tpu.memory_space<hbm>>
    %dma_start3A_49 = tpu.memref_squeeze %dma_start3A_48 : memref<1x4x128xi32, #tpu.memory_space<hbm>> -> memref<4x128xi32, #tpu.memory_space<hbm>>
    tpu.enqueue_dma source(%dma_start3A_49 : memref<4x128xi32, #tpu.memory_space<hbm>>) target(%dma_start3A_45 : memref<4x128xi32, #tpu.memory_space<vmem>>) target_semaphore(%dma_start3A_41 : memref<!tpu.dma_semaphore, #tpu.memory_space<semaphore_mem>>)
    %add3A_50 = arith.constant 0 : i32
    %add3A_51 = arith.addi %arg1, %add3A_50 : i32
    %min3A_52 = arith.constant 1249 : i32
    %min3A_53 = arith.minsi %add3A_51, %min3A_52 : i32
    %dma_wait3A = arith.constant 0 : i32
    %dma_wait3A_54 = arith.constant 0 : i32
    %dma_wait3A_55 = arith.constant 0 : i32
    %dma_wait3A_56 = arith.constant 0 : i32
    %dma_wait3A_57 = tpu.memref_slice %arg9[%dma_wait3A, %dma_wait3A_55, %dma_wait3A_56] : memref<4x4x128xi32, #tpu.memory_space<vmem>> -> memref<1x4x128xi32, #tpu.memory_space<vmem>>
    %dma_wait3A_58 = tpu.memref_squeeze %dma_wait3A_57 : memref<1x4x128xi32, #tpu.memory_space<vmem>> -> memref<4x128xi32, #tpu.memory_space<vmem>>
    %dma_wait3A_59 = arith.constant 0 : i32
    %dma_wait3A_60 = arith.constant 0 : i32
    %dma_wait3A_61 = tpu.memref_slice %arg4[%min3A_53, %dma_wait3A_59, %dma_wait3A_60] : memref<1250x4x128xi32, #tpu.memory_space<hbm>> -> memref<1x4x128xi32, #tpu.memory_space<hbm>>
    %dma_wait3A_62 = tpu.memref_squeeze %dma_wait3A_61 : memref<1x4x128xi32, #tpu.memory_space<hbm>> -> memref<4x128xi32, #tpu.memory_space<hbm>>
    %dma_wait3A_63 = tpu.memref_slice %arg10[%dma_wait3A_54] : memref<4x!tpu.dma_semaphore, #tpu.memory_space<semaphore_mem>> -> memref<1x!tpu.dma_semaphore, #tpu.memory_space<semaphore_mem>>
    %dma_wait3A_64 = tpu.memref_squeeze %dma_wait3A_63 : memref<1x!tpu.dma_semaphore, #tpu.memory_space<semaphore_mem>> -> memref<!tpu.dma_semaphore, #tpu.memory_space<semaphore_mem>>
    %dma_wait3A_65 = arith.constant 0 : i32
    %dma_wait3A_66 = arith.constant 0 : i32
    %dma_wait3A_67 = tpu.memref_slice %arg9[%dma_wait3A, %dma_wait3A_65, %dma_wait3A_66] : memref<4x4x128xi32, #tpu.memory_space<vmem>> -> memref<1x4x128xi32, #tpu.memory_space<vmem>>
    %dma_wait3A_68 = tpu.memref_squeeze %dma_wait3A_67 : memref<1x4x128xi32, #tpu.memory_space<vmem>> -> memref<4x128xi32, #tpu.memory_space<vmem>>
    %dma_wait3A_69 = arith.constant 0 : i32
    %dma_wait3A_70 = arith.constant 0 : i32
    %dma_wait3A_71 = tpu.memref_slice %arg4[%min3A_53, %dma_wait3A_69, %dma_wait3A_70] : memref<1250x4x128xi32, #tpu.memory_space<hbm>> -> memref<1x4x128xi32, #tpu.memory_space<hbm>>
    %dma_wait3A_72 = tpu.memref_squeeze %dma_wait3A_71 : memref<1x4x128xi32, #tpu.memory_space<hbm>> -> memref<4x128xi32, #tpu.memory_space<hbm>>
    tpu.wait_dma2 semaphore(%dma_wait3A_64 : memref<!tpu.dma_semaphore, #tpu.memory_space<semaphore_mem>>) src(%dma_wait3A_72 : memref<4x128xi32, #tpu.memory_space<hbm>>) dst(%dma_wait3A_68 : memref<4x128xi32, #tpu.memory_space<vmem>>)
    %dma_start3A_73 = arith.constant 0 : i32
    %dma_start3A_74 = arith.constant 0 : i32
    %dma_start3A_75 = arith.constant 0 : i32
    %dma_start3A_76 = arith.constant 0 : i32
    %dma_start3A_77 = arith.constant 0 : i32
    %dma_start3A_78 = tpu.memref_slice %arg7[%dma_start3A_74, %dma_start3A_76, %dma_start3A_77] : memref<2x128x128xf32, #tpu.memory_space<vmem>> -> memref<1x128x128xf32, #tpu.memory_space<vmem>>
    %dma_start3A_79 = tpu.memref_squeeze %dma_start3A_78 : memref<1x128x128xf32, #tpu.memory_space<vmem>> -> memref<128x128xf32, #tpu.memory_space<vmem>>
    %dma_start3A_80 = arith.constant 0 : i32
    %dma_start3A_81 = tpu.memref_slice %arg9[%dma_start3A_73, %arg0, %dma_start3A_80] : memref<4x4x128xi32, #tpu.memory_space<vmem>> -> memref<1x1x128xi32, #tpu.memory_space<vmem>>
    %dma_start3A_82 = tpu.memref_squeeze %dma_start3A_81 : memref<1x1x128xi32, #tpu.memory_space<vmem>> -> memref<128xi32, #tpu.memory_space<vmem>>
    %dma_start3A_83 = arith.constant 0 : i32
    %dma_start3A_84 = arith.constant 0 : i32
    %dma_start3A_85 = tpu.memref_slice %arg2[%dma_start3A_83, %dma_start3A_84] : memref<80000x128xf32, #tpu.memory_space<hbm>> -> memref<80000x128xf32, #tpu.memory_space<hbm>>
    %dma_start3A_86 = tpu.memref_slice %arg11[%dma_start3A_75] : memref<2x!tpu.dma_semaphore, #tpu.memory_space<semaphore_mem>> -> memref<1x!tpu.dma_semaphore, #tpu.memory_space<semaphore_mem>>
    %dma_start3A_87 = tpu.memref_squeeze %dma_start3A_86 : memref<1x!tpu.dma_semaphore, #tpu.memory_space<semaphore_mem>> -> memref<!tpu.dma_semaphore, #tpu.memory_space<semaphore_mem>>
    tpu.enqueue_indirect_dma source(%dma_start3A_85 : memref<80000x128xf32, #tpu.memory_space<hbm>>) target(%dma_start3A_79 : memref<128x128xf32, #tpu.memory_space<vmem>>) offsets(%dma_start3A_82 : memref<128xi32, #tpu.memory_space<vmem>>) semaphore(%dma_start3A_87 : memref<!tpu.dma_semaphore, #tpu.memory_space<semaphore_mem>>)
    %add3A_88 = arith.constant 0 : i32
    %add3A_89 = arith.addi %arg1, %add3A_88 : i32
    %min3A_90 = arith.constant 1249 : i32
    %min3A_91 = arith.minsi %add3A_89, %min3A_90 : i32
    %mul3A_92 = arith.constant 16 : i32
    %mul3A_93 = arith.muli %min3A_91, %mul3A_92 : i32
    %dma_start3A_94 = arith.constant 0 : i32
    %dma_start3A_95 = arith.constant 0 : i32
    %dma_start3A_96 = arith.constant 0 : i32
    %dma_start3A_97 = arith.constant 0 : i32
    %dma_start3A_98 = tpu.memref_slice %arg8[%dma_start3A_94, %dma_start3A_96, %dma_start3A_97] : memref<2x16x128xf32, #tpu.memory_space<vmem>> -> memref<1x16x128xf32, #tpu.memory_space<vmem>>
    %dma_start3A_99 = tpu.memref_squeeze %dma_start3A_98 : memref<1x16x128xf32, #tpu.memory_space<vmem>> -> memref<16x128xf32, #tpu.memory_space<vmem>>
    %dma_start3A_100 = arith.constant 0 : i32
    %dma_start3A_101 = tpu.memref_slice %arg3[%mul3A_93, %dma_start3A_100] : memref<20000x128xf32, #tpu.memory_space<hbm>> -> memref<16x128xf32, #tpu.memory_space<hbm>>
    %dma_start3A_102 = tpu.memref_slice %arg11[%dma_start3A_95] : memref<2x!tpu.dma_semaphore, #tpu.memory_space<semaphore_mem>> -> memref<1x!tpu.dma_semaphore, #tpu.memory_space<semaphore_mem>>
    %dma_start3A_103 = tpu.memref_squeeze %dma_start3A_102 : memref<1x!tpu.dma_semaphore, #tpu.memory_space<semaphore_mem>> -> memref<!tpu.dma_semaphore, #tpu.memory_space<semaphore_mem>>
    %dma_start3A_104 = arith.constant 0 : i32
    %dma_start3A_105 = arith.constant 0 : i32
    %dma_start3A_106 = tpu.memref_slice %arg8[%dma_start3A_94, %dma_start3A_104, %dma_start3A_105] : memref<2x16x128xf32, #tpu.memory_space<vmem>> -> memref<1x16x128xf32, #tpu.memory_space<vmem>>
    %dma_start3A_107 = tpu.memref_squeeze %dma_start3A_106 : memref<1x16x128xf32, #tpu.memory_space<vmem>> -> memref<16x128xf32, #tpu.memory_space<vmem>>
    %dma_start3A_108 = arith.constant 0 : i32
    %dma_start3A_109 = tpu.memref_slice %arg3[%mul3A_93, %dma_start3A_108] : memref<20000x128xf32, #tpu.memory_space<hbm>> -> memref<16x128xf32, #tpu.memory_space<hbm>>
    tpu.enqueue_dma source(%dma_start3A_109 : memref<16x128xf32, #tpu.memory_space<hbm>>) target(%dma_start3A_107 : memref<16x128xf32, #tpu.memory_space<vmem>>) target_semaphore(%dma_start3A_103 : memref<!tpu.dma_semaphore, #tpu.memory_space<semaphore_mem>>)
    %add3A_110 = arith.constant 16 : i32
    %add3A_111 = arith.addi %arg1, %add3A_110 : i32
    %min3A_112 = arith.constant 1249 : i32
    %min3A_113 = arith.minsi %add3A_111, %min3A_112 : i32
    %dma_start3A_114 = arith.constant 1 : i32
    %dma_start3A_115 = arith.constant 1 : i32
    %dma_start3A_116 = arith.constant 0 : i32
    %dma_start3A_117 = arith.constant 0 : i32
    %dma_start3A_118 = tpu.memref_slice %arg9[%dma_start3A_114, %dma_start3A_116, %dma_start3A_117] : memref<4x4x128xi32, #tpu.memory_space<vmem>> -> memref<1x4x128xi32, #tpu.memory_space<vmem>>
    %dma_start3A_119 = tpu.memref_squeeze %dma_start3A_118 : memref<1x4x128xi32, #tpu.memory_space<vmem>> -> memref<4x128xi32, #tpu.memory_space<vmem>>
    %dma_start3A_120 = arith.constant 0 : i32
    %dma_start3A_121 = arith.constant 0 : i32
    %dma_start3A_122 = tpu.memref_slice %arg4[%min3A_113, %dma_start3A_120, %dma_start3A_121] : memref<1250x4x128xi32, #tpu.memory_space<hbm>> -> memref<1x4x128xi32, #tpu.memory_space<hbm>>
    %dma_start3A_123 = tpu.memref_squeeze %dma_start3A_122 : memref<1x4x128xi32, #tpu.memory_space<hbm>> -> memref<4x128xi32, #tpu.memory_space<hbm>>
    %dma_start3A_124 = tpu.memref_slice %arg10[%dma_start3A_115] : memref<4x!tpu.dma_semaphore, #tpu.memory_space<semaphore_mem>> -> memref<1x!tpu.dma_semaphore, #tpu.memory_space<semaphore_mem>>
    %dma_start3A_125 = tpu.memref_squeeze %dma_start3A_124 : memref<1x!tpu.dma_semaphore, #tpu.memory_space<semaphore_mem>> -> memref<!tpu.dma_semaphore, #tpu.memory_space<semaphore_mem>>
    %dma_start3A_126 = arith.constant 0 : i32
    %dma_start3A_127 = arith.constant 0 : i32
    %dma_start3A_128 = tpu.memref_slice %arg9[%dma_start3A_114, %dma_start3A_126, %dma_start3A_127] : memref<4x4x128xi32, #tpu.memory_space<vmem>> -> memref<1x4x128xi32, #tpu.memory_space<vmem>>
    %dma_start3A_129 = tpu.memref_squeeze %dma_start3A_128 : memref<1x4x128xi32, #tpu.memory_space<vmem>> -> memref<4x128xi32, #tpu.memory_space<vmem>>
    %dma_start3A_130 = arith.constant 0 : i32
    %dma_start3A_131 = arith.constant 0 : i32
    %dma_start3A_132 = tpu.memref_slice %arg4[%min3A_113, %dma_start3A_130, %dma_start3A_131] : memref<1250x4x128xi32, #tpu.memory_space<hbm>> -> memref<1x4x128xi32, #tpu.memory_space<hbm>>
    %dma_start3A_133 = tpu.memref_squeeze %dma_start3A_132 : memref<1x4x128xi32, #tpu.memory_space<hbm>> -> memref<4x128xi32, #tpu.memory_space<hbm>>
    tpu.enqueue_dma source(%dma_start3A_133 : memref<4x128xi32, #tpu.memory_space<hbm>>) target(%dma_start3A_129 : memref<4x128xi32, #tpu.memory_space<vmem>>) target_semaphore(%dma_start3A_125 : memref<!tpu.dma_semaphore, #tpu.memory_space<semaphore_mem>>)
    %scan3A_134 = arith.constant 0 : i32
    %scan3A_135 = arith.constant 0 : i32
    %scan3A_136 = arith.constant 79 : i32
    %scan3A_137 = arith.addi %scan3A_135, %scan3A_136 : i32
    %scan3A_138 = arith.constant 1 : i32
    %scan3A_139 = scf.for %scan3A_148 = %scan3A_135 to %scan3A_137 step %scan3A_138 iter_args(%scan3A_149 = %scan3A_134) -> (i32)  : i32 {
      %ge3A = arith.constant 1 : i32
      %ge3A_150 = arith.cmpi sge, %scan3A_148, %ge3A : i32
      %sub3A = arith.constant 1 : i32
      %sub3A_151 = arith.subi %scan3A_148, %sub3A : i32
      %mul3A_152 = arith.constant 16 : i32
      %mul3A_153 = arith.muli %sub3A_151, %mul3A_152 : i32
      %add3A_154 = arith.addi %arg1, %mul3A_153 : i32
      %lt3A_155 = arith.constant 1250 : i32
      %lt3A_156 = arith.cmpi slt, %add3A_154, %lt3A_155 : i32
      %and3A = arith.andi %ge3A_150, %lt3A_156 : i1
      %convert_element_type3A_157 = arith.extui %and3A : i1 to i32
      %cond3A_158 = arith.constant 0 : i32
      %cond3A_159 = arith.cmpi ne, %convert_element_type3A_157, %cond3A_158 : i32
      scf.if %cond3A_159 {
        %sub3A_314 = arith.constant 1 : i32
        %sub3A_315 = arith.subi %scan3A_148, %sub3A_314 : i32
        %jit3A_316 = arith.constant 2 : i32
        %eq3A_317 = arith.constant 0 : i32
        %eq3A_318 = arith.cmpi eq, %jit3A_316, %eq3A_317 : i32
        %jit3A_319 = arith.constant 1 : i32
        %select_n3A_320 = arith.select %eq3A_318, %jit3A_319, %jit3A_316 : i32
        %rem3A_321 = arith.remsi %sub3A_315, %select_n3A_320 : i32
        %ne3A_322 = arith.constant 0 : i32
        %ne3A_323 = arith.cmpi ne, %rem3A_321, %ne3A_322 : i32
        %lt3A_324 = arith.constant 0 : i32
        %lt3A_325 = arith.cmpi slt, %rem3A_321, %lt3A_324 : i32
        %lt3A_326 = arith.constant 0 : i32
        %lt3A_327 = arith.cmpi slt, %select_n3A_320, %lt3A_326 : i32
        %ne3A_328 = arith.xori %lt3A_325, %lt3A_327 : i1
        %and3A_329 = arith.andi %ne3A_328, %ne3A_323 : i1
        %add3A_330 = arith.addi %rem3A_321, %select_n3A_320 : i32
        %select_n3A_331 = arith.select %and3A_329, %add3A_330, %rem3A_321 : i32
        %jit3A_332 = arith.constant 4 : i32
        %eq3A_333 = arith.constant 0 : i32
        %eq3A_334 = arith.cmpi eq, %jit3A_332, %eq3A_333 : i32
        %jit3A_335 = arith.constant 1 : i32
        %select_n3A_336 = arith.select %eq3A_334, %jit3A_335, %jit3A_332 : i32
        %rem3A_337 = arith.remsi %sub3A_315, %select_n3A_336 : i32
        %ne3A_338 = arith.constant 0 : i32
        %ne3A_339 = arith.cmpi ne, %rem3A_337, %ne3A_338 : i32
        %lt3A_340 = arith.constant 0 : i32
        %lt3A_341 = arith.cmpi slt, %rem3A_337, %lt3A_340 : i32
        %lt3A_342 = arith.constant 0 : i32
        %lt3A_343 = arith.cmpi slt, %select_n3A_336, %lt3A_342 : i32
        %ne3A_344 = arith.xori %lt3A_341, %lt3A_343 : i1
        %and3A_345 = arith.andi %ne3A_344, %ne3A_339 : i1
        %add3A_346 = arith.addi %rem3A_337, %select_n3A_336 : i32
        %select_n3A_347 = arith.select %and3A_345, %add3A_346, %rem3A_337 : i32
        %jit3A_348 = arith.constant 2 : i32
        %eq3A_349 = arith.constant 0 : i32
        %eq3A_350 = arith.cmpi eq, %jit3A_348, %eq3A_349 : i32
        %jit3A_351 = arith.constant 1 : i32
        %select_n3A_352 = arith.select %eq3A_350, %jit3A_351, %jit3A_348 : i32
        %rem3A_353 = arith.remsi %sub3A_315, %select_n3A_352 : i32
        %ne3A_354 = arith.constant 0 : i32
        %ne3A_355 = arith.cmpi ne, %rem3A_353, %ne3A_354 : i32
        %lt3A_356 = arith.constant 0 : i32
        %lt3A_357 = arith.cmpi slt, %rem3A_353, %lt3A_356 : i32
        %lt3A_358 = arith.constant 0 : i32
        %lt3A_359 = arith.cmpi slt, %select_n3A_352, %lt3A_358 : i32
        %ne3A_360 = arith.xori %lt3A_357, %lt3A_359 : i1
        %and3A_361 = arith.andi %ne3A_360, %ne3A_355 : i1
        %add3A_362 = arith.addi %rem3A_353, %select_n3A_352 : i32
        %select_n3A_363 = arith.select %and3A_361, %add3A_362, %rem3A_353 : i32
        %dma_wait3A_364 = arith.constant 2 : i32
        %dma_wait3A_365 = arith.constant 0 : i32
        %dma_wait3A_366 = arith.constant 0 : i32
        %dma_wait3A_367 = tpu.memref_slice %arg7[%select_n3A_331, %dma_wait3A_365, %dma_wait3A_366] : memref<2x128x128xf32, #tpu.memory_space<vmem>> -> memref<1x128x128xf32, #tpu.memory_space<vmem>>
        %dma_wait3A_368 = tpu.memref_squeeze %dma_wait3A_367 : memref<1x128x128xf32, #tpu.memory_space<vmem>> -> memref<128x128xf32, #tpu.memory_space<vmem>>
        %dma_wait3A_369 = arith.constant 0 : i32
        %dma_wait3A_370 = tpu.memref_slice %arg9[%select_n3A_347, %dma_wait3A_364, %dma_wait3A_369] : memref<4x4x128xi32, #tpu.memory_space<vmem>> -> memref<1x1x128xi32, #tpu.memory_space<vmem>>
        %dma_wait3A_371 = tpu.memref_squeeze %dma_wait3A_370 : memref<1x1x128xi32, #tpu.memory_space<vmem>> -> memref<128xi32, #tpu.memory_space<vmem>>
        %dma_wait3A_372 = arith.constant 0 : i32
        %dma_wait3A_373 = arith.constant 0 : i32
        %dma_wait3A_374 = tpu.memref_slice %arg6[%dma_wait3A_372, %dma_wait3A_373] : memref<10000x128xf32, #tpu.memory_space<vmem_shared>> -> memref<10000x128xf32, #tpu.memory_space<vmem_shared>>
        %dma_wait3A_375 = tpu.memref_slice %arg12[%select_n3A_363] : memref<2x!tpu.dma_semaphore, #tpu.memory_space<semaphore_mem>> -> memref<1x!tpu.dma_semaphore, #tpu.memory_space<semaphore_mem>>
        %dma_wait3A_376 = tpu.memref_squeeze %dma_wait3A_375 : memref<1x!tpu.dma_semaphore, #tpu.memory_space<semaphore_mem>> -> memref<!tpu.dma_semaphore, #tpu.memory_space<semaphore_mem>>
        tpu.wait_indirect_dma semaphore(%dma_wait3A_376 : memref<!tpu.dma_semaphore, #tpu.memory_space<semaphore_mem>>) src(%dma_wait3A_368 : memref<128x128xf32, #tpu.memory_space<vmem>>) dst(%dma_wait3A_374 : memref<10000x128xf32, #tpu.memory_space<vmem_shared>>)
      } else {
      }
      %add3A_160 = arith.constant 1 : i32
      %add3A_161 = arith.addi %scan3A_148, %add3A_160 : i32
      %lt3A_162 = arith.constant 79 : i32
      %lt3A_163 = arith.cmpi slt, %add3A_161, %lt3A_162 : i32
      %convert_element_type3A_164 = arith.extui %lt3A_163 : i1 to i32
      %cond3A_165 = arith.constant 0 : i32
      %cond3A_166 = arith.cmpi ne, %convert_element_type3A_164, %cond3A_165 : i32
      scf.if %cond3A_166 {
        %add3A_314 = arith.constant 1 : i32
        %add3A_315 = arith.addi %scan3A_148, %add3A_314 : i32
        %mul3A_316 = arith.constant 16 : i32
        %mul3A_317 = arith.muli %add3A_315, %mul3A_316 : i32
        %add3A_318 = arith.addi %arg1, %mul3A_317 : i32
        %min3A_319 = arith.constant 1249 : i32
        %min3A_320 = arith.minsi %add3A_318, %min3A_319 : i32
        %jit3A_321 = arith.constant 4 : i32
        %eq3A_322 = arith.constant 0 : i32
        %eq3A_323 = arith.cmpi eq, %jit3A_321, %eq3A_322 : i32
        %jit3A_324 = arith.constant 1 : i32
        %select_n3A_325 = arith.select %eq3A_323, %jit3A_324, %jit3A_321 : i32
        %rem3A_326 = arith.remsi %add3A_315, %select_n3A_325 : i32
        %ne3A_327 = arith.constant 0 : i32
        %ne3A_328 = arith.cmpi ne, %rem3A_326, %ne3A_327 : i32
        %lt3A_329 = arith.constant 0 : i32
        %lt3A_330 = arith.cmpi slt, %rem3A_326, %lt3A_329 : i32
        %lt3A_331 = arith.constant 0 : i32
        %lt3A_332 = arith.cmpi slt, %select_n3A_325, %lt3A_331 : i32
        %ne3A_333 = arith.xori %lt3A_330, %lt3A_332 : i1
        %and3A_334 = arith.andi %ne3A_333, %ne3A_328 : i1
        %add3A_335 = arith.addi %rem3A_326, %select_n3A_325 : i32
        %select_n3A_336 = arith.select %and3A_334, %add3A_335, %rem3A_326 : i32
        %jit3A_337 = arith.constant 4 : i32
        %eq3A_338 = arith.constant 0 : i32
        %eq3A_339 = arith.cmpi eq, %jit3A_337, %eq3A_338 : i32
        %jit3A_340 = arith.constant 1 : i32
        %select_n3A_341 = arith.select %eq3A_339, %jit3A_340, %jit3A_337 : i32
        %rem3A_342 = arith.remsi %add3A_315, %select_n3A_341 : i32
        %ne3A_343 = arith.constant 0 : i32
        %ne3A_344 = arith.cmpi ne, %rem3A_342, %ne3A_343 : i32
        %lt3A_345 = arith.constant 0 : i32
        %lt3A_346 = arith.cmpi slt, %rem3A_342, %lt3A_345 : i32
        %lt3A_347 = arith.constant 0 : i32
        %lt3A_348 = arith.cmpi slt, %select_n3A_341, %lt3A_347 : i32
        %ne3A_349 = arith.xori %lt3A_346, %lt3A_348 : i1
        %and3A_350 = arith.andi %ne3A_349, %ne3A_344 : i1
        %add3A_351 = arith.addi %rem3A_342, %select_n3A_341 : i32
        %select_n3A_352 = arith.select %and3A_350, %add3A_351, %rem3A_342 : i32
        %dma_wait3A_353 = arith.constant 0 : i32
        %dma_wait3A_354 = arith.constant 0 : i32
        %dma_wait3A_355 = tpu.memref_slice %arg9[%select_n3A_336, %dma_wait3A_353, %dma_wait3A_354] : memref<4x4x128xi32, #tpu.memory_space<vmem>> -> memref<1x4x128xi32, #tpu.memory_space<vmem>>
        %dma_wait3A_356 = tpu.memref_squeeze %dma_wait3A_355 : memref<1x4x128xi32, #tpu.memory_space<vmem>> -> memref<4x128xi32, #tpu.memory_space<vmem>>
        %dma_wait3A_357 = arith.constant 0 : i32
        %dma_wait3A_358 = arith.constant 0 : i32
        %dma_wait3A_359 = tpu.memref_slice %arg4[%min3A_320, %dma_wait3A_357, %dma_wait3A_358] : memref<1250x4x128xi32, #tpu.memory_space<hbm>> -> memref<1x4x128xi32, #tpu.memory_space<hbm>>
        %dma_wait3A_360 = tpu.memref_squeeze %dma_wait3A_359 : memref<1x4x128xi32, #tpu.memory_space<hbm>> -> memref<4x128xi32, #tpu.memory_space<hbm>>
        %dma_wait3A_361 = tpu.memref_slice %arg10[%select_n3A_352] : memref<4x!tpu.dma_semaphore, #tpu.memory_space<semaphore_mem>> -> memref<1x!tpu.dma_semaphore, #tpu.memory_space<semaphore_mem>>
        %dma_wait3A_362 = tpu.memref_squeeze %dma_wait3A_361 : memref<1x!tpu.dma_semaphore, #tpu.memory_space<semaphore_mem>> -> memref<!tpu.dma_semaphore, #tpu.memory_space<semaphore_mem>>
        %dma_wait3A_363 = arith.constant 0 : i32
        %dma_wait3A_364 = arith.constant 0 : i32
        %dma_wait3A_365 = tpu.memref_slice %arg9[%select_n3A_336, %dma_wait3A_363, %dma_wait3A_364] : memref<4x4x128xi32, #tpu.memory_space<vmem>> -> memref<1x4x128xi32, #tpu.memory_space<vmem>>
        %dma_wait3A_366 = tpu.memref_squeeze %dma_wait3A_365 : memref<1x4x128xi32, #tpu.memory_space<vmem>> -> memref<4x128xi32, #tpu.memory_space<vmem>>
        %dma_wait3A_367 = arith.constant 0 : i32
        %dma_wait3A_368 = arith.constant 0 : i32
        %dma_wait3A_369 = tpu.memref_slice %arg4[%min3A_320, %dma_wait3A_367, %dma_wait3A_368] : memref<1250x4x128xi32, #tpu.memory_space<hbm>> -> memref<1x4x128xi32, #tpu.memory_space<hbm>>
        %dma_wait3A_370 = tpu.memref_squeeze %dma_wait3A_369 : memref<1x4x128xi32, #tpu.memory_space<hbm>> -> memref<4x128xi32, #tpu.memory_space<hbm>>
        tpu.wait_dma2 semaphore(%dma_wait3A_362 : memref<!tpu.dma_semaphore, #tpu.memory_space<semaphore_mem>>) src(%dma_wait3A_370 : memref<4x128xi32, #tpu.memory_space<hbm>>) dst(%dma_wait3A_366 : memref<4x128xi32, #tpu.memory_space<vmem>>)
        %add3A_371 = arith.constant 1 : i32
        %add3A_372 = arith.addi %scan3A_148, %add3A_371 : i32
        %jit3A_373 = arith.constant 4 : i32
        %eq3A_374 = arith.constant 0 : i32
        %eq3A_375 = arith.cmpi eq, %jit3A_373, %eq3A_374 : i32
        %jit3A_376 = arith.constant 1 : i32
        %select_n3A_377 = arith.select %eq3A_375, %jit3A_376, %jit3A_373 : i32
        %rem3A_378 = arith.remsi %add3A_372, %select_n3A_377 : i32
        %ne3A_379 = arith.constant 0 : i32
        %ne3A_380 = arith.cmpi ne, %rem3A_378, %ne3A_379 : i32
        %lt3A_381 = arith.constant 0 : i32
        %lt3A_382 = arith.cmpi slt, %rem3A_378, %lt3A_381 : i32
        %lt3A_383 = arith.constant 0 : i32
        %lt3A_384 = arith.cmpi slt, %select_n3A_377, %lt3A_383 : i32
        %ne3A_385 = arith.xori %lt3A_382, %lt3A_384 : i1
        %and3A_386 = arith.andi %ne3A_385, %ne3A_380 : i1
        %add3A_387 = arith.addi %rem3A_378, %select_n3A_377 : i32
        %select_n3A_388 = arith.select %and3A_386, %add3A_387, %rem3A_378 : i32
        %jit3A_389 = arith.constant 2 : i32
        %eq3A_390 = arith.constant 0 : i32
        %eq3A_391 = arith.cmpi eq, %jit3A_389, %eq3A_390 : i32
        %jit3A_392 = arith.constant 1 : i32
        %select_n3A_393 = arith.select %eq3A_391, %jit3A_392, %jit3A_389 : i32
        %rem3A_394 = arith.remsi %add3A_372, %select_n3A_393 : i32
        %ne3A_395 = arith.constant 0 : i32
        %ne3A_396 = arith.cmpi ne, %rem3A_394, %ne3A_395 : i32
        %lt3A_397 = arith.constant 0 : i32
        %lt3A_398 = arith.cmpi slt, %rem3A_394, %lt3A_397 : i32
        %lt3A_399 = arith.constant 0 : i32
        %lt3A_400 = arith.cmpi slt, %select_n3A_393, %lt3A_399 : i32
        %ne3A_401 = arith.xori %lt3A_398, %lt3A_400 : i1
        %and3A_402 = arith.andi %ne3A_401, %ne3A_396 : i1
        %add3A_403 = arith.addi %rem3A_394, %select_n3A_393 : i32
        %select_n3A_404 = arith.select %and3A_402, %add3A_403, %rem3A_394 : i32
        %jit3A_405 = arith.constant 2 : i32
        %eq3A_406 = arith.constant 0 : i32
        %eq3A_407 = arith.cmpi eq, %jit3A_405, %eq3A_406 : i32
        %jit3A_408 = arith.constant 1 : i32
        %select_n3A_409 = arith.select %eq3A_407, %jit3A_408, %jit3A_405 : i32
        %rem3A_410 = arith.remsi %add3A_372, %select_n3A_409 : i32
        %ne3A_411 = arith.constant 0 : i32
        %ne3A_412 = arith.cmpi ne, %rem3A_410, %ne3A_411 : i32
        %lt3A_413 = arith.constant 0 : i32
        %lt3A_414 = arith.cmpi slt, %rem3A_410, %lt3A_413 : i32
        %lt3A_415 = arith.constant 0 : i32
        %lt3A_416 = arith.cmpi slt, %select_n3A_409, %lt3A_415 : i32
        %ne3A_417 = arith.xori %lt3A_414, %lt3A_416 : i1
        %and3A_418 = arith.andi %ne3A_417, %ne3A_412 : i1
        %add3A_419 = arith.addi %rem3A_410, %select_n3A_409 : i32
        %select_n3A_420 = arith.select %and3A_418, %add3A_419, %rem3A_410 : i32
        %dma_start3A_421 = arith.constant 0 : i32
        %dma_start3A_422 = arith.constant 0 : i32
        %dma_start3A_423 = tpu.memref_slice %arg7[%select_n3A_404, %dma_start3A_421, %dma_start3A_422] : memref<2x128x128xf32, #tpu.memory_space<vmem>> -> memref<1x128x128xf32, #tpu.memory_space<vmem>>
        %dma_start3A_424 = tpu.memref_squeeze %dma_start3A_423 : memref<1x128x128xf32, #tpu.memory_space<vmem>> -> memref<128x128xf32, #tpu.memory_space<vmem>>
        %dma_start3A_425 = arith.constant 0 : i32
        %dma_start3A_426 = tpu.memref_slice %arg9[%select_n3A_388, %arg0, %dma_start3A_425] : memref<4x4x128xi32, #tpu.memory_space<vmem>> -> memref<1x1x128xi32, #tpu.memory_space<vmem>>
        %dma_start3A_427 = tpu.memref_squeeze %dma_start3A_426 : memref<1x1x128xi32, #tpu.memory_space<vmem>> -> memref<128xi32, #tpu.memory_space<vmem>>
        %dma_start3A_428 = arith.constant 0 : i32
        %dma_start3A_429 = arith.constant 0 : i32
        %dma_start3A_430 = tpu.memref_slice %arg2[%dma_start3A_428, %dma_start3A_429] : memref<80000x128xf32, #tpu.memory_space<hbm>> -> memref<80000x128xf32, #tpu.memory_space<hbm>>
        %dma_start3A_431 = tpu.memref_slice %arg11[%select_n3A_420] : memref<2x!tpu.dma_semaphore, #tpu.memory_space<semaphore_mem>> -> memref<1x!tpu.dma_semaphore, #tpu.memory_space<semaphore_mem>>
        %dma_start3A_432 = tpu.memref_squeeze %dma_start3A_431 : memref<1x!tpu.dma_semaphore, #tpu.memory_space<semaphore_mem>> -> memref<!tpu.dma_semaphore, #tpu.memory_space<semaphore_mem>>
        tpu.enqueue_indirect_dma source(%dma_start3A_430 : memref<80000x128xf32, #tpu.memory_space<hbm>>) target(%dma_start3A_424 : memref<128x128xf32, #tpu.memory_space<vmem>>) offsets(%dma_start3A_427 : memref<128xi32, #tpu.memory_space<vmem>>) semaphore(%dma_start3A_432 : memref<!tpu.dma_semaphore, #tpu.memory_space<semaphore_mem>>)
        %mul3A_433 = arith.constant 16 : i32
        %mul3A_434 = arith.muli %add3A_372, %mul3A_433 : i32
        %add3A_435 = arith.addi %arg1, %mul3A_434 : i32
        %min3A_436 = arith.constant 1249 : i32
        %min3A_437 = arith.minsi %add3A_435, %min3A_436 : i32
        %mul3A_438 = arith.constant 16 : i32
        %mul3A_439 = arith.muli %min3A_437, %mul3A_438 : i32
        %jit3A_440 = arith.constant 2 : i32
        %eq3A_441 = arith.constant 0 : i32
        %eq3A_442 = arith.cmpi eq, %jit3A_440, %eq3A_441 : i32
        %jit3A_443 = arith.constant 1 : i32
        %select_n3A_444 = arith.select %eq3A_442, %jit3A_443, %jit3A_440 : i32
        %rem3A_445 = arith.remsi %add3A_372, %select_n3A_444 : i32
        %ne3A_446 = arith.constant 0 : i32
        %ne3A_447 = arith.cmpi ne, %rem3A_445, %ne3A_446 : i32
        %lt3A_448 = arith.constant 0 : i32
        %lt3A_449 = arith.cmpi slt, %rem3A_445, %lt3A_448 : i32
        %lt3A_450 = arith.constant 0 : i32
        %lt3A_451 = arith.cmpi slt, %select_n3A_444, %lt3A_450 : i32
        %ne3A_452 = arith.xori %lt3A_449, %lt3A_451 : i1
        %and3A_453 = arith.andi %ne3A_452, %ne3A_447 : i1
        %add3A_454 = arith.addi %rem3A_445, %select_n3A_444 : i32
        %select_n3A_455 = arith.select %and3A_453, %add3A_454, %rem3A_445 : i32
        %jit3A_456 = arith.constant 2 : i32
        %eq3A_457 = arith.constant 0 : i32
        %eq3A_458 = arith.cmpi eq, %jit3A_456, %eq3A_457 : i32
        %jit3A_459 = arith.constant 1 : i32
        %select_n3A_460 = arith.select %eq3A_458, %jit3A_459, %jit3A_456 : i32
        %rem3A_461 = arith.remsi %add3A_372, %select_n3A_460 : i32
        %ne3A_462 = arith.constant 0 : i32
        %ne3A_463 = arith.cmpi ne, %rem3A_461, %ne3A_462 : i32
        %lt3A_464 = arith.constant 0 : i32
        %lt3A_465 = arith.cmpi slt, %rem3A_461, %lt3A_464 : i32
        %lt3A_466 = arith.constant 0 : i32
        %lt3A_467 = arith.cmpi slt, %select_n3A_460, %lt3A_466 : i32
        %ne3A_468 = arith.xori %lt3A_465, %lt3A_467 : i1
        %and3A_469 = arith.andi %ne3A_468, %ne3A_463 : i1
        %add3A_470 = arith.addi %rem3A_461, %select_n3A_460 : i32
        %select_n3A_471 = arith.select %and3A_469, %add3A_470, %rem3A_461 : i32
        %dma_start3A_472 = arith.constant 0 : i32
        %dma_start3A_473 = arith.constant 0 : i32
        %dma_start3A_474 = tpu.memref_slice %arg8[%select_n3A_455, %dma_start3A_472, %dma_start3A_473] : memref<2x16x128xf32, #tpu.memory_space<vmem>> -> memref<1x16x128xf32, #tpu.memory_space<vmem>>
        %dma_start3A_475 = tpu.memref_squeeze %dma_start3A_474 : memref<1x16x128xf32, #tpu.memory_space<vmem>> -> memref<16x128xf32, #tpu.memory_space<vmem>>
        %dma_start3A_476 = arith.constant 0 : i32
        %dma_start3A_477 = tpu.memref_slice %arg3[%mul3A_439, %dma_start3A_476] : memref<20000x128xf32, #tpu.memory_space<hbm>> -> memref<16x128xf32, #tpu.memory_space<hbm>>
        %dma_start3A_478 = tpu.memref_slice %arg11[%select_n3A_471] : memref<2x!tpu.dma_semaphore, #tpu.memory_space<semaphore_mem>> -> memref<1x!tpu.dma_semaphore, #tpu.memory_space<semaphore_mem>>
        %dma_start3A_479 = tpu.memref_squeeze %dma_start3A_478 : memref<1x!tpu.dma_semaphore, #tpu.memory_space<semaphore_mem>> -> memref<!tpu.dma_semaphore, #tpu.memory_space<semaphore_mem>>
        %dma_start3A_480 = arith.constant 0 : i32
        %dma_start3A_481 = arith.constant 0 : i32
        %dma_start3A_482 = tpu.memref_slice %arg8[%select_n3A_455, %dma_start3A_480, %dma_start3A_481] : memref<2x16x128xf32, #tpu.memory_space<vmem>> -> memref<1x16x128xf32, #tpu.memory_space<vmem>>
        %dma_start3A_483 = tpu.memref_squeeze %dma_start3A_482 : memref<1x16x128xf32, #tpu.memory_space<vmem>> -> memref<16x128xf32, #tpu.memory_space<vmem>>
        %dma_start3A_484 = arith.constant 0 : i32
        %dma_start3A_485 = tpu.memref_slice %arg3[%mul3A_439, %dma_start3A_484] : memref<20000x128xf32, #tpu.memory_space<hbm>> -> memref<16x128xf32, #tpu.memory_space<hbm>>
        tpu.enqueue_dma source(%dma_start3A_485 : memref<16x128xf32, #tpu.memory_space<hbm>>) target(%dma_start3A_483 : memref<16x128xf32, #tpu.memory_space<vmem>>) target_semaphore(%dma_start3A_479 : memref<!tpu.dma_semaphore, #tpu.memory_space<semaphore_mem>>)
      } else {
      }
      %add3A_167 = arith.constant 2 : i32
      %add3A_168 = arith.addi %scan3A_148, %add3A_167 : i32
      %lt3A_169 = arith.constant 79 : i32
      %lt3A_170 = arith.cmpi slt, %add3A_168, %lt3A_169 : i32
      %convert_element_type3A_171 = arith.extui %lt3A_170 : i1 to i32
      %cond3A_172 = arith.constant 0 : i32
      %cond3A_173 = arith.cmpi ne, %convert_element_type3A_171, %cond3A_172 : i32
      scf.if %cond3A_173 {
        %add3A_314 = arith.constant 2 : i32
        %add3A_315 = arith.addi %scan3A_148, %add3A_314 : i32
        %mul3A_316 = arith.constant 16 : i32
        %mul3A_317 = arith.muli %add3A_315, %mul3A_316 : i32
        %add3A_318 = arith.addi %arg1, %mul3A_317 : i32
        %min3A_319 = arith.constant 1249 : i32
        %min3A_320 = arith.minsi %add3A_318, %min3A_319 : i32
        %jit3A_321 = arith.constant 4 : i32
        %eq3A_322 = arith.constant 0 : i32
        %eq3A_323 = arith.cmpi eq, %jit3A_321, %eq3A_322 : i32
        %jit3A_324 = arith.constant 1 : i32
        %select_n3A_325 = arith.select %eq3A_323, %jit3A_324, %jit3A_321 : i32
        %rem3A_326 = arith.remsi %add3A_315, %select_n3A_325 : i32
        %ne3A_327 = arith.constant 0 : i32
        %ne3A_328 = arith.cmpi ne, %rem3A_326, %ne3A_327 : i32
        %lt3A_329 = arith.constant 0 : i32
        %lt3A_330 = arith.cmpi slt, %rem3A_326, %lt3A_329 : i32
        %lt3A_331 = arith.constant 0 : i32
        %lt3A_332 = arith.cmpi slt, %select_n3A_325, %lt3A_331 : i32
        %ne3A_333 = arith.xori %lt3A_330, %lt3A_332 : i1
        %and3A_334 = arith.andi %ne3A_333, %ne3A_328 : i1
        %add3A_335 = arith.addi %rem3A_326, %select_n3A_325 : i32
        %select_n3A_336 = arith.select %and3A_334, %add3A_335, %rem3A_326 : i32
        %jit3A_337 = arith.constant 4 : i32
        %eq3A_338 = arith.constant 0 : i32
        %eq3A_339 = arith.cmpi eq, %jit3A_337, %eq3A_338 : i32
        %jit3A_340 = arith.constant 1 : i32
        %select_n3A_341 = arith.select %eq3A_339, %jit3A_340, %jit3A_337 : i32
        %rem3A_342 = arith.remsi %add3A_315, %select_n3A_341 : i32
        %ne3A_343 = arith.constant 0 : i32
        %ne3A_344 = arith.cmpi ne, %rem3A_342, %ne3A_343 : i32
        %lt3A_345 = arith.constant 0 : i32
        %lt3A_346 = arith.cmpi slt, %rem3A_342, %lt3A_345 : i32
        %lt3A_347 = arith.constant 0 : i32
        %lt3A_348 = arith.cmpi slt, %select_n3A_341, %lt3A_347 : i32
        %ne3A_349 = arith.xori %lt3A_346, %lt3A_348 : i1
        %and3A_350 = arith.andi %ne3A_349, %ne3A_344 : i1
        %add3A_351 = arith.addi %rem3A_342, %select_n3A_341 : i32
        %select_n3A_352 = arith.select %and3A_350, %add3A_351, %rem3A_342 : i32
        %dma_start3A_353 = arith.constant 0 : i32
        %dma_start3A_354 = arith.constant 0 : i32
        %dma_start3A_355 = tpu.memref_slice %arg9[%select_n3A_336, %dma_start3A_353, %dma_start3A_354] : memref<4x4x128xi32, #tpu.memory_space<vmem>> -> memref<1x4x128xi32, #tpu.memory_space<vmem>>
        %dma_start3A_356 = tpu.memref_squeeze %dma_start3A_355 : memref<1x4x128xi32, #tpu.memory_space<vmem>> -> memref<4x128xi32, #tpu.memory_space<vmem>>
        %dma_start3A_357 = arith.constant 0 : i32
        %dma_start3A_358 = arith.constant 0 : i32
        %dma_start3A_359 = tpu.memref_slice %arg4[%min3A_320, %dma_start3A_357, %dma_start3A_358] : memref<1250x4x128xi32, #tpu.memory_space<hbm>> -> memref<1x4x128xi32, #tpu.memory_space<hbm>>
        %dma_start3A_360 = tpu.memref_squeeze %dma_start3A_359 : memref<1x4x128xi32, #tpu.memory_space<hbm>> -> memref<4x128xi32, #tpu.memory_space<hbm>>
        %dma_start3A_361 = tpu.memref_slice %arg10[%select_n3A_352] : memref<4x!tpu.dma_semaphore, #tpu.memory_space<semaphore_mem>> -> memref<1x!tpu.dma_semaphore, #tpu.memory_space<semaphore_mem>>
        %dma_start3A_362 = tpu.memref_squeeze %dma_start3A_361 : memref<1x!tpu.dma_semaphore, #tpu.memory_space<semaphore_mem>> -> memref<!tpu.dma_semaphore, #tpu.memory_space<semaphore_mem>>
        %dma_start3A_363 = arith.constant 0 : i32
        %dma_start3A_364 = arith.constant 0 : i32
        %dma_start3A_365 = tpu.memref_slice %arg9[%select_n3A_336, %dma_start3A_363, %dma_start3A_364] : memref<4x4x128xi32, #tpu.memory_space<vmem>> -> memref<1x4x128xi32, #tpu.memory_space<vmem>>
        %dma_start3A_366 = tpu.memref_squeeze %dma_start3A_365 : memref<1x4x128xi32, #tpu.memory_space<vmem>> -> memref<4x128xi32, #tpu.memory_space<vmem>>
        %dma_start3A_367 = arith.constant 0 : i32
        %dma_start3A_368 = arith.constant 0 : i32
        %dma_start3A_369 = tpu.memref_slice %arg4[%min3A_320, %dma_start3A_367, %dma_start3A_368] : memref<1250x4x128xi32, #tpu.memory_space<hbm>> -> memref<1x4x128xi32, #tpu.memory_space<hbm>>
        %dma_start3A_370 = tpu.memref_squeeze %dma_start3A_369 : memref<1x4x128xi32, #tpu.memory_space<hbm>> -> memref<4x128xi32, #tpu.memory_space<hbm>>
        tpu.enqueue_dma source(%dma_start3A_370 : memref<4x128xi32, #tpu.memory_space<hbm>>) target(%dma_start3A_366 : memref<4x128xi32, #tpu.memory_space<vmem>>) target_semaphore(%dma_start3A_362 : memref<!tpu.dma_semaphore, #tpu.memory_space<semaphore_mem>>)
      } else {
      }
      %jit3A = arith.constant 4 : i32
      %eq3A = arith.constant 0 : i32
      %eq3A_174 = arith.cmpi eq, %jit3A, %eq3A : i32
      %jit3A_175 = arith.constant 1 : i32
      %select_n3A = arith.select %eq3A_174, %jit3A_175, %jit3A : i32
      %rem3A = arith.remsi %scan3A_148, %select_n3A : i32
      %ne3A = arith.constant 0 : i32
      %ne3A_176 = arith.cmpi ne, %rem3A, %ne3A : i32
      %lt3A_177 = arith.constant 0 : i32
      %lt3A_178 = arith.cmpi slt, %rem3A, %lt3A_177 : i32
      %lt3A_179 = arith.constant 0 : i32
      %lt3A_180 = arith.cmpi slt, %select_n3A, %lt3A_179 : i32
      %ne3A_181 = arith.xori %lt3A_178, %lt3A_180 : i1
      %and3A_182 = arith.andi %ne3A_181, %ne3A_176 : i1
      %add3A_183 = arith.addi %rem3A, %select_n3A : i32
      %select_n3A_184 = arith.select %and3A_182, %add3A_183, %rem3A : i32
      %jit3A_185 = arith.constant 2 : i32
      %eq3A_186 = arith.constant 0 : i32
      %eq3A_187 = arith.cmpi eq, %jit3A_185, %eq3A_186 : i32
      %jit3A_188 = arith.constant 1 : i32
      %select_n3A_189 = arith.select %eq3A_187, %jit3A_188, %jit3A_185 : i32
      %rem3A_190 = arith.remsi %scan3A_148, %select_n3A_189 : i32
      %ne3A_191 = arith.constant 0 : i32
      %ne3A_192 = arith.cmpi ne, %rem3A_190, %ne3A_191 : i32
      %lt3A_193 = arith.constant 0 : i32
      %lt3A_194 = arith.cmpi slt, %rem3A_190, %lt3A_193 : i32
      %lt3A_195 = arith.constant 0 : i32
      %lt3A_196 = arith.cmpi slt, %select_n3A_189, %lt3A_195 : i32
      %ne3A_197 = arith.xori %lt3A_194, %lt3A_196 : i1
      %and3A_198 = arith.andi %ne3A_197, %ne3A_192 : i1
      %add3A_199 = arith.addi %rem3A_190, %select_n3A_189 : i32
      %select_n3A_200 = arith.select %and3A_198, %add3A_199, %rem3A_190 : i32
      %jit3A_201 = arith.constant 2 : i32
      %eq3A_202 = arith.constant 0 : i32
      %eq3A_203 = arith.cmpi eq, %jit3A_201, %eq3A_202 : i32
      %jit3A_204 = arith.constant 1 : i32
      %select_n3A_205 = arith.select %eq3A_203, %jit3A_204, %jit3A_201 : i32
      %rem3A_206 = arith.remsi %scan3A_148, %select_n3A_205 : i32
      %ne3A_207 = arith.constant 0 : i32
      %ne3A_208 = arith.cmpi ne, %rem3A_206, %ne3A_207 : i32
      %lt3A_209 = arith.constant 0 : i32
      %lt3A_210 = arith.cmpi slt, %rem3A_206, %lt3A_209 : i32
      %lt3A_211 = arith.constant 0 : i32
      %lt3A_212 = arith.cmpi slt, %select_n3A_205, %lt3A_211 : i32
      %ne3A_213 = arith.xori %lt3A_210, %lt3A_212 : i1
      %and3A_214 = arith.andi %ne3A_213, %ne3A_208 : i1
      %add3A_215 = arith.addi %rem3A_206, %select_n3A_205 : i32
      %select_n3A_216 = arith.select %and3A_214, %add3A_215, %rem3A_206 : i32
      %dma_wait3A_217 = arith.constant 0 : i32
      %dma_wait3A_218 = arith.constant 0 : i32
      %dma_wait3A_219 = tpu.memref_slice %arg7[%select_n3A_200, %dma_wait3A_217, %dma_wait3A_218] : memref<2x128x128xf32, #tpu.memory_space<vmem>> -> memref<1x128x128xf32, #tpu.memory_space<vmem>>
      %dma_wait3A_220 = tpu.memref_squeeze %dma_wait3A_219 : memref<1x128x128xf32, #tpu.memory_space<vmem>> -> memref<128x128xf32, #tpu.memory_space<vmem>>
      %dma_wait3A_221 = arith.constant 0 : i32
      %dma_wait3A_222 = tpu.memref_slice %arg9[%select_n3A_184, %arg0, %dma_wait3A_221] : memref<4x4x128xi32, #tpu.memory_space<vmem>> -> memref<1x1x128xi32, #tpu.memory_space<vmem>>
      %dma_wait3A_223 = tpu.memref_squeeze %dma_wait3A_222 : memref<1x1x128xi32, #tpu.memory_space<vmem>> -> memref<128xi32, #tpu.memory_space<vmem>>
      %dma_wait3A_224 = arith.constant 0 : i32
      %dma_wait3A_225 = arith.constant 0 : i32
      %dma_wait3A_226 = tpu.memref_slice %arg2[%dma_wait3A_224, %dma_wait3A_225] : memref<80000x128xf32, #tpu.memory_space<hbm>> -> memref<80000x128xf32, #tpu.memory_space<hbm>>
      %dma_wait3A_227 = tpu.memref_slice %arg11[%select_n3A_216] : memref<2x!tpu.dma_semaphore, #tpu.memory_space<semaphore_mem>> -> memref<1x!tpu.dma_semaphore, #tpu.memory_space<semaphore_mem>>
      %dma_wait3A_228 = tpu.memref_squeeze %dma_wait3A_227 : memref<1x!tpu.dma_semaphore, #tpu.memory_space<semaphore_mem>> -> memref<!tpu.dma_semaphore, #tpu.memory_space<semaphore_mem>>
      tpu.wait_indirect_dma semaphore(%dma_wait3A_228 : memref<!tpu.dma_semaphore, #tpu.memory_space<semaphore_mem>>) src(%dma_wait3A_226 : memref<80000x128xf32, #tpu.memory_space<hbm>>) dst(%dma_wait3A_220 : memref<128x128xf32, #tpu.memory_space<vmem>>)
      %mul3A_229 = arith.constant 16 : i32
      %mul3A_230 = arith.muli %scan3A_148, %mul3A_229 : i32
      %add3A_231 = arith.addi %arg1, %mul3A_230 : i32
      %min3A_232 = arith.constant 1249 : i32
      %min3A_233 = arith.minsi %add3A_231, %min3A_232 : i32
      %mul3A_234 = arith.constant 16 : i32
      %mul3A_235 = arith.muli %min3A_233, %mul3A_234 : i32
      %jit3A_236 = arith.constant 2 : i32
      %eq3A_237 = arith.constant 0 : i32
      %eq3A_238 = arith.cmpi eq, %jit3A_236, %eq3A_237 : i32
      %jit3A_239 = arith.constant 1 : i32
      %select_n3A_240 = arith.select %eq3A_238, %jit3A_239, %jit3A_236 : i32
      %rem3A_241 = arith.remsi %scan3A_148, %select_n3A_240 : i32
      %ne3A_242 = arith.constant 0 : i32
      %ne3A_243 = arith.cmpi ne, %rem3A_241, %ne3A_242 : i32
      %lt3A_244 = arith.constant 0 : i32
      %lt3A_245 = arith.cmpi slt, %rem3A_241, %lt3A_244 : i32
      %lt3A_246 = arith.constant 0 : i32
      %lt3A_247 = arith.cmpi slt, %select_n3A_240, %lt3A_246 : i32
      %ne3A_248 = arith.xori %lt3A_245, %lt3A_247 : i1
      %and3A_249 = arith.andi %ne3A_248, %ne3A_243 : i1
      %add3A_250 = arith.addi %rem3A_241, %select_n3A_240 : i32
      %select_n3A_251 = arith.select %and3A_249, %add3A_250, %rem3A_241 : i32
      %jit3A_252 = arith.constant 2 : i32
      %eq3A_253 = arith.constant 0 : i32
      %eq3A_254 = arith.cmpi eq, %jit3A_252, %eq3A_253 : i32
      %jit3A_255 = arith.constant 1 : i32
      %select_n3A_256 = arith.select %eq3A_254, %jit3A_255, %jit3A_252 : i32
      %rem3A_257 = arith.remsi %scan3A_148, %select_n3A_256 : i32
      %ne3A_258 = arith.constant 0 : i32
      %ne3A_259 = arith.cmpi ne, %rem3A_257, %ne3A_258 : i32
      %lt3A_260 = arith.constant 0 : i32
      %lt3A_261 = arith.cmpi slt, %rem3A_257, %lt3A_260 : i32
      %lt3A_262 = arith.constant 0 : i32
      %lt3A_263 = arith.cmpi slt, %select_n3A_256, %lt3A_262 : i32
      %ne3A_264 = arith.xori %lt3A_261, %lt3A_263 : i1
      %and3A_265 = arith.andi %ne3A_264, %ne3A_259 : i1
      %add3A_266 = arith.addi %rem3A_257, %select_n3A_256 : i32
      %select_n3A_267 = arith.select %and3A_265, %add3A_266, %rem3A_257 : i32
      %dma_wait3A_268 = arith.constant 0 : i32
      %dma_wait3A_269 = arith.constant 0 : i32
      %dma_wait3A_270 = tpu.memref_slice %arg8[%select_n3A_251, %dma_wait3A_268, %dma_wait3A_269] : memref<2x16x128xf32, #tpu.memory_space<vmem>> -> memref<1x16x128xf32, #tpu.memory_space<vmem>>
      %dma_wait3A_271 = tpu.memref_squeeze %dma_wait3A_270 : memref<1x16x128xf32, #tpu.memory_space<vmem>> -> memref<16x128xf32, #tpu.memory_space<vmem>>
      %dma_wait3A_272 = arith.constant 0 : i32
      %dma_wait3A_273 = tpu.memref_slice %arg3[%mul3A_235, %dma_wait3A_272] : memref<20000x128xf32, #tpu.memory_space<hbm>> -> memref<16x128xf32, #tpu.memory_space<hbm>>
      %dma_wait3A_274 = tpu.memref_slice %arg11[%select_n3A_267] : memref<2x!tpu.dma_semaphore, #tpu.memory_space<semaphore_mem>> -> memref<1x!tpu.dma_semaphore, #tpu.memory_space<semaphore_mem>>
      %dma_wait3A_275 = tpu.memref_squeeze %dma_wait3A_274 : memref<1x!tpu.dma_semaphore, #tpu.memory_space<semaphore_mem>> -> memref<!tpu.dma_semaphore, #tpu.memory_space<semaphore_mem>>
      %dma_wait3A_276 = arith.constant 0 : i32
      %dma_wait3A_277 = arith.constant 0 : i32
      %dma_wait3A_278 = tpu.memref_slice %arg8[%select_n3A_251, %dma_wait3A_276, %dma_wait3A_277] : memref<2x16x128xf32, #tpu.memory_space<vmem>> -> memref<1x16x128xf32, #tpu.memory_space<vmem>>
      %dma_wait3A_279 = tpu.memref_squeeze %dma_wait3A_278 : memref<1x16x128xf32, #tpu.memory_space<vmem>> -> memref<16x128xf32, #tpu.memory_space<vmem>>
      %dma_wait3A_280 = arith.constant 0 : i32
      %dma_wait3A_281 = tpu.memref_slice %arg3[%mul3A_235, %dma_wait3A_280] : memref<20000x128xf32, #tpu.memory_space<hbm>> -> memref<16x128xf32, #tpu.memory_space<hbm>>
      tpu.wait_dma2 semaphore(%dma_wait3A_275 : memref<!tpu.dma_semaphore, #tpu.memory_space<semaphore_mem>>) src(%dma_wait3A_281 : memref<16x128xf32, #tpu.memory_space<hbm>>) dst(%dma_wait3A_279 : memref<16x128xf32, #tpu.memory_space<vmem>>)
      %jit3A_282 = arith.constant 2 : i32
      %eq3A_283 = arith.constant 0 : i32
      %eq3A_284 = arith.cmpi eq, %jit3A_282, %eq3A_283 : i32
      %jit3A_285 = arith.constant 1 : i32
      %select_n3A_286 = arith.select %eq3A_284, %jit3A_285, %jit3A_282 : i32
      %rem3A_287 = arith.remsi %scan3A_148, %select_n3A_286 : i32
      %ne3A_288 = arith.constant 0 : i32
      %ne3A_289 = arith.cmpi ne, %rem3A_287, %ne3A_288 : i32
      %lt3A_290 = arith.constant 0 : i32
      %lt3A_291 = arith.cmpi slt, %rem3A_287, %lt3A_290 : i32
      %lt3A_292 = arith.constant 0 : i32
      %lt3A_293 = arith.cmpi slt, %select_n3A_286, %lt3A_292 : i32
      %ne3A_294 = arith.xori %lt3A_291, %lt3A_293 : i1
      %and3A_295 = arith.andi %ne3A_294, %ne3A_289 : i1
      %add3A_296 = arith.addi %rem3A_287, %select_n3A_286 : i32
      %select_n3A_297 = arith.select %and3A_295, %add3A_296, %rem3A_287 : i32
      %scan3A_298 = arith.constant 0 : i32
      %scan3A_299 = arith.constant 0 : i32
      %scan3A_300 = arith.constant 128 : i32
      %scan3A_301 = arith.addi %scan3A_299, %scan3A_300 : i32
      %scan3A_302 = arith.constant 1 : i32
      %scan3A_303 = scf.for %scan3A_314 = %scan3A_299 to %scan3A_301 step %scan3A_302 iter_args(%scan3A_315 = %scan3A_298) -> (i32)  : i32 {
        %jit3A_316 = arith.constant 8 : i32
        %div3A = arith.divsi %scan3A_314, %jit3A_316 : i32
        %sign3A = arith.constant 0 : i32
        %sign3A_317 = arith.cmpi sgt, %scan3A_314, %sign3A : i32
        %sign3A_318 = arith.extui %sign3A_317 : i1 to i32
        %sign3A_319 = arith.constant 0 : i32
        %sign3A_320 = arith.cmpi slt, %scan3A_314, %sign3A_319 : i32
        %sign3A_321 = arith.extui %sign3A_320 : i1 to i32
        %sign3A_322 = arith.subi %sign3A_318, %sign3A_321 : i32
        %sign3A_323 = arith.constant 0 : i32
        %sign3A_324 = arith.cmpi sgt, %jit3A_316, %sign3A_323 : i32
        %sign3A_325 = arith.extui %sign3A_324 : i1 to i32
        %sign3A_326 = arith.constant 0 : i32
        %sign3A_327 = arith.cmpi slt, %jit3A_316, %sign3A_326 : i32
        %sign3A_328 = arith.extui %sign3A_327 : i1 to i32
        %sign3A_329 = arith.subi %sign3A_325, %sign3A_328 : i32
        %ne3A_330 = arith.cmpi ne, %sign3A_322, %sign3A_329 : i32
        %rem3A_331 = arith.remsi %scan3A_314, %jit3A_316 : i32
        %ne3A_332 = arith.constant 0 : i32
        %ne3A_333 = arith.cmpi ne, %rem3A_331, %ne3A_332 : i32
        %and3A_334 = arith.andi %ne3A_330, %ne3A_333 : i1
        %sub3A_335 = arith.constant 1 : i32
        %sub3A_336 = arith.subi %div3A, %sub3A_335 : i32
        %select_n3A_337 = arith.select %and3A_334, %sub3A_336, %div3A : i32
        %jit3A_338 = arith.constant 8 : i32
        %eq3A_339 = arith.constant 0 : i32
        %eq3A_340 = arith.cmpi eq, %jit3A_338, %eq3A_339 : i32
        %jit3A_341 = arith.constant 1 : i32
        %select_n3A_342 = arith.select %eq3A_340, %jit3A_341, %jit3A_338 : i32
        %rem3A_343 = arith.remsi %scan3A_314, %select_n3A_342 : i32
        %ne3A_344 = arith.constant 0 : i32
        %ne3A_345 = arith.cmpi ne, %rem3A_343, %ne3A_344 : i32
        %lt3A_346 = arith.constant 0 : i32
        %lt3A_347 = arith.cmpi slt, %rem3A_343, %lt3A_346 : i32
        %lt3A_348 = arith.constant 0 : i32
        %lt3A_349 = arith.cmpi slt, %select_n3A_342, %lt3A_348 : i32
        %ne3A_350 = arith.xori %lt3A_347, %lt3A_349 : i1
        %and3A_351 = arith.andi %ne3A_350, %ne3A_345 : i1
        %add3A_352 = arith.addi %rem3A_343, %select_n3A_342 : i32
        %select_n3A_353 = arith.select %and3A_351, %add3A_352, %rem3A_343 : i32
        %mul3A_354 = arith.constant 16 : i32
        %mul3A_355 = arith.muli %select_n3A_353, %mul3A_354 : i32
        %get3A = arith.index_cast %select_n3A_297 : i32 to index
        %get3A_356 = arith.index_cast %select_n3A_337 : i32 to index
        %get3A_357 = arith.index_cast %mul3A_355 : i32 to index
        %get3A_358 = tpu.vector_load %arg8[%get3A, %get3A_356, %get3A_357] {strides = array<i32>} : memref<2x16x128xf32, #tpu.memory_space<vmem>>, vector<16xf32>,
        %get3A_359 = arith.index_cast %select_n3A_297 : i32 to index
        %get3A_360 = arith.index_cast %scan3A_314 : i32 to index
        %get3A_361 = arith.constant 0 : index
        %get3A_362 = tpu.vector_load %arg7[%get3A_359, %get3A_360, %get3A_361] {strides = array<i32>} : memref<2x128x128xf32, #tpu.memory_space<vmem>>, vector<16xf32>,
        %mul3A_363 = arith.mulf %get3A_362, %get3A_358 : vector<16xf32>
        %swap3A = arith.index_cast %select_n3A_297 : i32 to index
        %swap3A_364 = arith.index_cast %scan3A_314 : i32 to index
        %swap3A_365 = arith.constant 0 : index
        %swap3A_366 = tpu.vector_load %arg7[%swap3A, %swap3A_364, %swap3A_365] {strides = array<i32>} : memref<2x128x128xf32, #tpu.memory_space<vmem>>, vector<16xf32>,
        tpu.vector_store %arg7[%swap3A, %swap3A_364, %swap3A_365], %mul3A_363 {strides = array<i32>} : memref<2x128x128xf32, #tpu.memory_space<vmem>>, vector<16xf32>,
        %get3A_367 = arith.index_cast %select_n3A_297 : i32 to index
        %get3A_368 = arith.index_cast %scan3A_314 : i32 to index
        %get3A_369 = arith.constant 16 : index
        %get3A_370 = tpu.vector_load %arg7[%get3A_367, %get3A_368, %get3A_369] {strides = array<i32>} : memref<2x128x128xf32, #tpu.memory_space<vmem>>, vector<16xf32>,
        %mul3A_371 = arith.mulf %get3A_370, %get3A_358 : vector<16xf32>
        %swap3A_372 = arith.index_cast %select_n3A_297 : i32 to index
        %swap3A_373 = arith.index_cast %scan3A_314 : i32 to index
        %swap3A_374 = arith.constant 16 : index
        %swap3A_375 = tpu.vector_load %arg7[%swap3A_372, %swap3A_373, %swap3A_374] {strides = array<i32>} : memref<2x128x128xf32, #tpu.memory_space<vmem>>, vector<16xf32>,
        tpu.vector_store %arg7[%swap3A_372, %swap3A_373, %swap3A_374], %mul3A_371 {strides = array<i32>} : memref<2x128x128xf32, #tpu.memory_space<vmem>>, vector<16xf32>,
        %get3A_376 = arith.index_cast %select_n3A_297 : i32 to index
        %get3A_377 = arith.index_cast %scan3A_314 : i32 to index
        %get3A_378 = arith.constant 32 : index
        %get3A_379 = tpu.vector_load %arg7[%get3A_376, %get3A_377, %get3A_378] {strides = array<i32>} : memref<2x128x128xf32, #tpu.memory_space<vmem>>, vector<16xf32>,
        %mul3A_380 = arith.mulf %get3A_379, %get3A_358 : vector<16xf32>
        %swap3A_381 = arith.index_cast %select_n3A_297 : i32 to index
        %swap3A_382 = arith.index_cast %scan3A_314 : i32 to index
        %swap3A_383 = arith.constant 32 : index
        %swap3A_384 = tpu.vector_load %arg7[%swap3A_381, %swap3A_382, %swap3A_383] {strides = array<i32>} : memref<2x128x128xf32, #tpu.memory_space<vmem>>, vector<16xf32>,
        tpu.vector_store %arg7[%swap3A_381, %swap3A_382, %swap3A_383], %mul3A_380 {strides = array<i32>} : memref<2x128x128xf32, #tpu.memory_space<vmem>>, vector<16xf32>,
        %get3A_385 = arith.index_cast %select_n3A_297 : i32 to index
        %get3A_386 = arith.index_cast %scan3A_314 : i32 to index
        %get3A_387 = arith.constant 48 : index
        %get3A_388 = tpu.vector_load %arg7[%get3A_385, %get3A_386, %get3A_387] {strides = array<i32>} : memref<2x128x128xf32, #tpu.memory_space<vmem>>, vector<16xf32>,
        %mul3A_389 = arith.mulf %get3A_388, %get3A_358 : vector<16xf32>
        %swap3A_390 = arith.index_cast %select_n3A_297 : i32 to index
        %swap3A_391 = arith.index_cast %scan3A_314 : i32 to index
        %swap3A_392 = arith.constant 48 : index
        %swap3A_393 = tpu.vector_load %arg7[%swap3A_390, %swap3A_391, %swap3A_392] {strides = array<i32>} : memref<2x128x128xf32, #tpu.memory_space<vmem>>, vector<16xf32>,
        tpu.vector_store %arg7[%swap3A_390, %swap3A_391, %swap3A_392], %mul3A_389 {strides = array<i32>} : memref<2x128x128xf32, #tpu.memory_space<vmem>>, vector<16xf32>,
        %get3A_394 = arith.index_cast %select_n3A_297 : i32 to index
        %get3A_395 = arith.index_cast %scan3A_314 : i32 to index
        %get3A_396 = arith.constant 64 : index
        %get3A_397 = tpu.vector_load %arg7[%get3A_394, %get3A_395, %get3A_396] {strides = array<i32>} : memref<2x128x128xf32, #tpu.memory_space<vmem>>, vector<16xf32>,
        %mul3A_398 = arith.mulf %get3A_397, %get3A_358 : vector<16xf32>
        %swap3A_399 = arith.index_cast %select_n3A_297 : i32 to index
        %swap3A_400 = arith.index_cast %scan3A_314 : i32 to index
        %swap3A_401 = arith.constant 64 : index
        %swap3A_402 = tpu.vector_load %arg7[%swap3A_399, %swap3A_400, %swap3A_401] {strides = array<i32>} : memref<2x128x128xf32, #tpu.memory_space<vmem>>, vector<16xf32>,
        tpu.vector_store %arg7[%swap3A_399, %swap3A_400, %swap3A_401], %mul3A_398 {strides = array<i32>} : memref<2x128x128xf32, #tpu.memory_space<vmem>>, vector<16xf32>,
        %get3A_403 = arith.index_cast %select_n3A_297 : i32 to index
        %get3A_404 = arith.index_cast %scan3A_314 : i32 to index
        %get3A_405 = arith.constant 80 : index
        %get3A_406 = tpu.vector_load %arg7[%get3A_403, %get3A_404, %get3A_405] {strides = array<i32>} : memref<2x128x128xf32, #tpu.memory_space<vmem>>, vector<16xf32>,
        %mul3A_407 = arith.mulf %get3A_406, %get3A_358 : vector<16xf32>
        %swap3A_408 = arith.index_cast %select_n3A_297 : i32 to index
        %swap3A_409 = arith.index_cast %scan3A_314 : i32 to index
        %swap3A_410 = arith.constant 80 : index
        %swap3A_411 = tpu.vector_load %arg7[%swap3A_408, %swap3A_409, %swap3A_410] {strides = array<i32>} : memref<2x128x128xf32, #tpu.memory_space<vmem>>, vector<16xf32>,
        tpu.vector_store %arg7[%swap3A_408, %swap3A_409, %swap3A_410], %mul3A_407 {strides = array<i32>} : memref<2x128x128xf32, #tpu.memory_space<vmem>>, vector<16xf32>,
        %get3A_412 = arith.index_cast %select_n3A_297 : i32 to index
        %get3A_413 = arith.index_cast %scan3A_314 : i32 to index
        %get3A_414 = arith.constant 96 : index
        %get3A_415 = tpu.vector_load %arg7[%get3A_412, %get3A_413, %get3A_414] {strides = array<i32>} : memref<2x128x128xf32, #tpu.memory_space<vmem>>, vector<16xf32>,
        %mul3A_416 = arith.mulf %get3A_415, %get3A_358 : vector<16xf32>
        %swap3A_417 = arith.index_cast %select_n3A_297 : i32 to index
        %swap3A_418 = arith.index_cast %scan3A_314 : i32 to index
        %swap3A_419 = arith.constant 96 : index
        %swap3A_420 = tpu.vector_load %arg7[%swap3A_417, %swap3A_418, %swap3A_419] {strides = array<i32>} : memref<2x128x128xf32, #tpu.memory_space<vmem>>, vector<16xf32>,
        tpu.vector_store %arg7[%swap3A_417, %swap3A_418, %swap3A_419], %mul3A_416 {strides = array<i32>} : memref<2x128x128xf32, #tpu.memory_space<vmem>>, vector<16xf32>,
        %get3A_421 = arith.index_cast %select_n3A_297 : i32 to index
        %get3A_422 = arith.index_cast %scan3A_314 : i32 to index
        %get3A_423 = arith.constant 112 : index
        %get3A_424 = tpu.vector_load %arg7[%get3A_421, %get3A_422, %get3A_423] {strides = array<i32>} : memref<2x128x128xf32, #tpu.memory_space<vmem>>, vector<16xf32>,
        %mul3A_425 = arith.mulf %get3A_424, %get3A_358 : vector<16xf32>
        %swap3A_426 = arith.index_cast %select_n3A_297 : i32 to index
        %swap3A_427 = arith.index_cast %scan3A_314 : i32 to index
        %swap3A_428 = arith.constant 112 : index
        %swap3A_429 = tpu.vector_load %arg7[%swap3A_426, %swap3A_427, %swap3A_428] {strides = array<i32>} : memref<2x128x128xf32, #tpu.memory_space<vmem>>, vector<16xf32>,
        tpu.vector_store %arg7[%swap3A_426, %swap3A_427, %swap3A_428], %mul3A_425 {strides = array<i32>} : memref<2x128x128xf32, #tpu.memory_space<vmem>>, vector<16xf32>,
        %scan3A_430 = arith.constant 0 : i32
        scf.yield %scan3A_430 : i32
      }
      %scan3A_304 = arith.constant 128 : i32
      %mul3A_305 = arith.constant 16 : i32
      %mul3A_306 = arith.muli %scan3A_148, %mul3A_305 : i32
      %add3A_307 = arith.addi %arg1, %mul3A_306 : i32
      %lt3A_308 = arith.constant 1250 : i32
      %lt3A_309 = arith.cmpi slt, %add3A_307, %lt3A_308 : i32
      %convert_element_type3A_310 = arith.extui %lt3A_309 : i1 to i32
      %cond3A_311 = arith.constant 0 : i32
      %cond3A_312 = arith.cmpi ne, %convert_element_type3A_310, %cond3A_311 : i32
      scf.if %cond3A_312 {
        %jit3A_314 = arith.constant 2 : i32
        %eq3A_315 = arith.constant 0 : i32
        %eq3A_316 = arith.cmpi eq, %jit3A_314, %eq3A_315 : i32
        %jit3A_317 = arith.constant 1 : i32
        %select_n3A_318 = arith.select %eq3A_316, %jit3A_317, %jit3A_314 : i32
        %rem3A_319 = arith.remsi %scan3A_148, %select_n3A_318 : i32
        %ne3A_320 = arith.constant 0 : i32
        %ne3A_321 = arith.cmpi ne, %rem3A_319, %ne3A_320 : i32
        %lt3A_322 = arith.constant 0 : i32
        %lt3A_323 = arith.cmpi slt, %rem3A_319, %lt3A_322 : i32
        %lt3A_324 = arith.constant 0 : i32
        %lt3A_325 = arith.cmpi slt, %select_n3A_318, %lt3A_324 : i32
        %ne3A_326 = arith.xori %lt3A_323, %lt3A_325 : i1
        %and3A_327 = arith.andi %ne3A_326, %ne3A_321 : i1
        %add3A_328 = arith.addi %rem3A_319, %select_n3A_318 : i32
        %select_n3A_329 = arith.select %and3A_327, %add3A_328, %rem3A_319 : i32
        %jit3A_330 = arith.constant 4 : i32
        %eq3A_331 = arith.constant 0 : i32
        %eq3A_332 = arith.cmpi eq, %jit3A_330, %eq3A_331 : i32
        %jit3A_333 = arith.constant 1 : i32
        %select_n3A_334 = arith.select %eq3A_332, %jit3A_333, %jit3A_330 : i32
        %rem3A_335 = arith.remsi %scan3A_148, %select_n3A_334 : i32
        %ne3A_336 = arith.constant 0 : i32
        %ne3A_337 = arith.cmpi ne, %rem3A_335, %ne3A_336 : i32
        %lt3A_338 = arith.constant 0 : i32
        %lt3A_339 = arith.cmpi slt, %rem3A_335, %lt3A_338 : i32
        %lt3A_340 = arith.constant 0 : i32
        %lt3A_341 = arith.cmpi slt, %select_n3A_334, %lt3A_340 : i32
        %ne3A_342 = arith.xori %lt3A_339, %lt3A_341 : i1
        %and3A_343 = arith.andi %ne3A_342, %ne3A_337 : i1
        %add3A_344 = arith.addi %rem3A_335, %select_n3A_334 : i32
        %select_n3A_345 = arith.select %and3A_343, %add3A_344, %rem3A_335 : i32
        %jit3A_346 = arith.constant 2 : i32
        %eq3A_347 = arith.constant 0 : i32
        %eq3A_348 = arith.cmpi eq, %jit3A_346, %eq3A_347 : i32
        %jit3A_349 = arith.constant 1 : i32
        %select_n3A_350 = arith.select %eq3A_348, %jit3A_349, %jit3A_346 : i32
        %rem3A_351 = arith.remsi %scan3A_148, %select_n3A_350 : i32
        %ne3A_352 = arith.constant 0 : i32
        %ne3A_353 = arith.cmpi ne, %rem3A_351, %ne3A_352 : i32
        %lt3A_354 = arith.constant 0 : i32
        %lt3A_355 = arith.cmpi slt, %rem3A_351, %lt3A_354 : i32
        %lt3A_356 = arith.constant 0 : i32
        %lt3A_357 = arith.cmpi slt, %select_n3A_350, %lt3A_356 : i32
        %ne3A_358 = arith.xori %lt3A_355, %lt3A_357 : i1
        %and3A_359 = arith.andi %ne3A_358, %ne3A_353 : i1
        %add3A_360 = arith.addi %rem3A_351, %select_n3A_350 : i32
        %select_n3A_361 = arith.select %and3A_359, %add3A_360, %rem3A_351 : i32
        %dma_start3A_362 = arith.constant 2 : i32
        %dma_start3A_363 = arith.constant 0 : i32
        %dma_start3A_364 = arith.constant 0 : i32
        %dma_start3A_365 = tpu.memref_slice %arg7[%select_n3A_329, %dma_start3A_363, %dma_start3A_364] : memref<2x128x128xf32, #tpu.memory_space<vmem>> -> memref<1x128x128xf32, #tpu.memory_space<vmem>>
        %dma_start3A_366 = tpu.memref_squeeze %dma_start3A_365 : memref<1x128x128xf32, #tpu.memory_space<vmem>> -> memref<128x128xf32, #tpu.memory_space<vmem>>
        %dma_start3A_367 = arith.constant 0 : i32
        %dma_start3A_368 = tpu.memref_slice %arg9[%select_n3A_345, %dma_start3A_362, %dma_start3A_367] : memref<4x4x128xi32, #tpu.memory_space<vmem>> -> memref<1x1x128xi32, #tpu.memory_space<vmem>>
        %dma_start3A_369 = tpu.memref_squeeze %dma_start3A_368 : memref<1x1x128xi32, #tpu.memory_space<vmem>> -> memref<128xi32, #tpu.memory_space<vmem>>
        %dma_start3A_370 = arith.constant 0 : i32
        %dma_start3A_371 = arith.constant 0 : i32
        %dma_start3A_372 = tpu.memref_slice %arg6[%dma_start3A_370, %dma_start3A_371] : memref<10000x128xf32, #tpu.memory_space<vmem_shared>> -> memref<10000x128xf32, #tpu.memory_space<vmem_shared>>
        %dma_start3A_373 = tpu.memref_slice %arg12[%select_n3A_361] : memref<2x!tpu.dma_semaphore, #tpu.memory_space<semaphore_mem>> -> memref<1x!tpu.dma_semaphore, #tpu.memory_space<semaphore_mem>>
        %dma_start3A_374 = tpu.memref_squeeze %dma_start3A_373 : memref<1x!tpu.dma_semaphore, #tpu.memory_space<semaphore_mem>> -> memref<!tpu.dma_semaphore, #tpu.memory_space<semaphore_mem>>
        tpu.enqueue_indirect_dma source(%dma_start3A_366 : memref<128x128xf32, #tpu.memory_space<vmem>>) target(%dma_start3A_372 : memref<10000x128xf32, #tpu.memory_space<vmem_shared>>) offsets(%dma_start3A_369 : memref<128xi32, #tpu.memory_space<vmem>>) semaphore(%dma_start3A_374 : memref<!tpu.dma_semaphore, #tpu.memory_space<semaphore_mem>>) {add = true}
      } else {
      }
      %scan3A_313 = arith.constant 0 : i32
      scf.yield %scan3A_313 : i32
    }
    %scan3A_140 = arith.constant 79 : i32
    %add3A_141 = arith.constant 1248 : i32
    %add3A_142 = arith.addi %arg1, %add3A_141 : i32
    %lt3A = arith.constant 1250 : i32
    %lt3A_143 = arith.cmpi slt, %add3A_142, %lt3A : i32
    %convert_element_type3A = arith.extui %lt3A_143 : i1 to i32
    %cond3A = arith.constant 0 : i32
    %cond3A_144 = arith.cmpi ne, %convert_element_type3A, %cond3A : i32
    scf.if %cond3A_144 {
      %dma_wait3A_148 = arith.constant 0 : i32
      %dma_wait3A_149 = arith.constant 2 : i32
      %dma_wait3A_150 = arith.constant 2 : i32
      %dma_wait3A_151 = arith.constant 0 : i32
      %dma_wait3A_152 = arith.constant 0 : i32
      %dma_wait3A_153 = arith.constant 0 : i32
      %dma_wait3A_154 = tpu.memref_slice %arg7[%dma_wait3A_148, %dma_wait3A_152, %dma_wait3A_153] : memref<2x128x128xf32, #tpu.memory_space<vmem>> -> memref<1x128x128xf32, #tpu.memory_space<vmem>>
      %dma_wait3A_155 = tpu.memref_squeeze %dma_wait3A_154 : memref<1x128x128xf32, #tpu.memory_space<vmem>> -> memref<128x128xf32, #tpu.memory_space<vmem>>
      %dma_wait3A_156 = arith.constant 0 : i32
      %dma_wait3A_157 = tpu.memref_slice %arg9[%dma_wait3A_149, %dma_wait3A_150, %dma_wait3A_156] : memref<4x4x128xi32, #tpu.memory_space<vmem>> -> memref<1x1x128xi32, #tpu.memory_space<vmem>>
      %dma_wait3A_158 = tpu.memref_squeeze %dma_wait3A_157 : memref<1x1x128xi32, #tpu.memory_space<vmem>> -> memref<128xi32, #tpu.memory_space<vmem>>
      %dma_wait3A_159 = arith.constant 0 : i32
      %dma_wait3A_160 = arith.constant 0 : i32
      %dma_wait3A_161 = tpu.memref_slice %arg6[%dma_wait3A_159, %dma_wait3A_160] : memref<10000x128xf32, #tpu.memory_space<vmem_shared>> -> memref<10000x128xf32, #tpu.memory_space<vmem_shared>>
      %dma_wait3A_162 = tpu.memref_slice %arg12[%dma_wait3A_151] : memref<2x!tpu.dma_semaphore, #tpu.memory_space<semaphore_mem>> -> memref<1x!tpu.dma_semaphore, #tpu.memory_space<semaphore_mem>>
      %dma_wait3A_163 = tpu.memref_squeeze %dma_wait3A_162 : memref<1x!tpu.dma_semaphore, #tpu.memory_space<semaphore_mem>> -> memref<!tpu.dma_semaphore, #tpu.memory_space<semaphore_mem>>
      tpu.wait_indirect_dma semaphore(%dma_wait3A_163 : memref<!tpu.dma_semaphore, #tpu.memory_space<semaphore_mem>>) src(%dma_wait3A_155 : memref<128x128xf32, #tpu.memory_space<vmem>>) dst(%dma_wait3A_161 : memref<10000x128xf32, #tpu.memory_space<vmem_shared>>)
    } else {
    }
    %barrier3A_145 = arith.constant 0 : index
    tpu.barrier barrier_id(%barrier3A_145)
    %mul3A_146 = arith.constant 625 : i32
    %mul3A_147 = arith.muli %arg1, %mul3A_146 : i32
    "tpu.region"() ({
      %run_scoped3A_148 = tpu.sem_alloc : memref<!tpu.dma_semaphore, #tpu.memory_space<semaphore_mem>>
      %dma_start3A_149 = arith.constant 0 : i32
      %dma_start3A_150 = arith.constant 0 : i32
      %dma_start3A_151 = tpu.memref_slice %arg5[%arg0, %arg1, %dma_start3A_149, %dma_start3A_150] : memref<2x16x625x128xf32, #tpu.memory_space<hbm>> -> memref<1x1x625x128xf32, #tpu.memory_space<hbm>>
      %dma_start3A_152 = tpu.memref_squeeze %dma_start3A_151 : memref<1x1x625x128xf32, #tpu.memory_space<hbm>> -> memref<625x128xf32, #tpu.memory_space<hbm>>
      %dma_start3A_153 = arith.constant 0 : i32
      %dma_start3A_154 = tpu.memref_slice %arg6[%mul3A_147, %dma_start3A_153] : memref<10000x128xf32, #tpu.memory_space<vmem_shared>> -> memref<625x128xf32, #tpu.memory_space<vmem_shared>>
      tpu.enqueue_dma source(%dma_start3A_154 : memref<625x128xf32, #tpu.memory_space<vmem_shared>>) target(%dma_start3A_152 : memref<625x128xf32, #tpu.memory_space<hbm>>) target_semaphore(%run_scoped3A_148 : memref<!tpu.dma_semaphore, #tpu.memory_space<semaphore_mem>>)
      %dma_wait3A_155 = arith.constant 0 : i32
      %dma_wait3A_156 = arith.constant 0 : i32
      %dma_wait3A_157 = tpu.memref_slice %arg5[%arg0, %arg1, %dma_wait3A_155, %dma_wait3A_156] : memref<2x16x625x128xf32, #tpu.memory_space<hbm>> -> memref<1x1x625x128xf32, #tpu.memory_space<hbm>>
      %dma_wait3A_158 = tpu.memref_squeeze %dma_wait3A_157 : memref<1x1x625x128xf32, #tpu.memory_space<hbm>> -> memref<625x128xf32, #tpu.memory_space<hbm>>
      %dma_wait3A_159 = arith.constant 0 : i32
      %dma_wait3A_160 = tpu.memref_slice %arg6[%mul3A_147, %dma_wait3A_159] : memref<10000x128xf32, #tpu.memory_space<vmem_shared>> -> memref<625x128xf32, #tpu.memory_space<vmem_shared>>
      tpu.wait_dma2 semaphore(%run_scoped3A_148 : memref<!tpu.dma_semaphore, #tpu.memory_space<semaphore_mem>>) src(%dma_wait3A_160 : memref<625x128xf32, #tpu.memory_space<vmem_shared>>) dst(%dma_wait3A_158 : memref<625x128xf32, #tpu.memory_space<hbm>>)
      tpu.yield
    }) : () -> ()
    return
  }
}

#map = affine_map<(d0, d1) -> (0, 0)>
#map1 = affine_map<(d0, d1) -> (0, 0, 0)>
#map2 = affine_map<(d0, d1) -> (0, 0, 0, 0)>
module attributes {stable_mosaic.version = 14 : i64} {
  func.func @k(%arg0: i32, %arg1: i32, %arg2: memref<40000x128xf32, #tpu.memory_space<hbm>>, %arg3: memref<20000x128xf32, #tpu.memory_space<hbm>>, %arg4: memref<1250x4x128xi32, #tpu.memory_space<hbm>>, %arg5: memref<2x16x625x128xf32, #tpu.memory_space<hbm>>, %arg6: memref<10000x128xf32, #tpu.memory_space<vmem_shared>>, %arg7: memref<2x128x128xf32, #tpu.memory_space<vmem>>, %arg8: memref<2x16x128xf32, #tpu.memory_space<vmem>>, %arg9: memref<4x4x128xi32, #tpu.memory_space<vmem>>, %arg10: memref<4x!tpu.dma_semaphore, #tpu.memory_space<semaphore_mem>>, %arg11: memref<2x!tpu.dma_semaphore, #tpu.memory_space<semaphore_mem>>, %arg12: memref<2x!tpu.dma_semaphore, #tpu.memory_space<semaphore_mem>>) attributes {dimension_semantics = [#tpu.dimension_semantics<core_parallel>, #tpu.dimension_semantics<subcore_parallel>], iteration_bounds = array<i64: 2, 16>, scalar_prefetch = 0 : i64, scratch_operands = 7 : i64, tpu.core_type = #tpu.core_type<sc_vector_subcore>, window_params = [{transform_indices = #map}, {transform_indices = #map}, {transform_indices = #map1}, {transform_indices = #map2}]} {
    %scan3A = arith.constant 0 : i32
    %scan3A_0 = arith.constant 0 : i32
    %scan3A_1 = arith.constant 125 : i32
    %scan3A_2 = arith.addi %scan3A_0, %scan3A_1 : i32
    %scan3A_3 = arith.constant 1 : i32
    %scan3A_4 = scf.for %scan3A_164 = %scan3A_0 to %scan3A_2 step %scan3A_3 iter_args(%scan3A_165 = %scan3A) -> (i32)  : i32 {
      %broadcast_in_dim3A = arith.constant 0.000000e+00 : f32
      %broadcast_in_dim3A_166 = vector.broadcast %broadcast_in_dim3A : f32 to vector<16xf32>
      %swap3A = arith.constant 0 : i32
      %swap3A_167 = arith.index_cast %swap3A : i32 to index
      %swap3A_168 = arith.index_cast %scan3A_164 : i32 to index
      %swap3A_169 = arith.constant 0 : index
      %swap3A_170 = tpu.vector_load %arg7[%swap3A_167, %swap3A_168, %swap3A_169] {strides = array<i32>} : memref<2x128x128xf32, #tpu.memory_space<vmem>>, vector<16xf32>,
      tpu.vector_store %arg7[%swap3A_167, %swap3A_168, %swap3A_169], %broadcast_in_dim3A_166 {strides = array<i32>} : memref<2x128x128xf32, #tpu.memory_space<vmem>>, vector<16xf32>,
      %broadcast_in_dim3A_171 = arith.constant 0.000000e+00 : f32
      %broadcast_in_dim3A_172 = vector.broadcast %broadcast_in_dim3A_171 : f32 to vector<16xf32>
      %swap3A_173 = arith.constant 0 : i32
      %swap3A_174 = arith.index_cast %swap3A_173 : i32 to index
      %swap3A_175 = arith.index_cast %scan3A_164 : i32 to index
      %swap3A_176 = arith.constant 16 : index
      %swap3A_177 = tpu.vector_load %arg7[%swap3A_174, %swap3A_175, %swap3A_176] {strides = array<i32>} : memref<2x128x128xf32, #tpu.memory_space<vmem>>, vector<16xf32>,
      tpu.vector_store %arg7[%swap3A_174, %swap3A_175, %swap3A_176], %broadcast_in_dim3A_172 {strides = array<i32>} : memref<2x128x128xf32, #tpu.memory_space<vmem>>, vector<16xf32>,
      %broadcast_in_dim3A_178 = arith.constant 0.000000e+00 : f32
      %broadcast_in_dim3A_179 = vector.broadcast %broadcast_in_dim3A_178 : f32 to vector<16xf32>
      %swap3A_180 = arith.constant 0 : i32
      %swap3A_181 = arith.index_cast %swap3A_180 : i32 to index
      %swap3A_182 = arith.index_cast %scan3A_164 : i32 to index
      %swap3A_183 = arith.constant 32 : index
      %swap3A_184 = tpu.vector_load %arg7[%swap3A_181, %swap3A_182, %swap3A_183] {strides = array<i32>} : memref<2x128x128xf32, #tpu.memory_space<vmem>>, vector<16xf32>,
      tpu.vector_store %arg7[%swap3A_181, %swap3A_182, %swap3A_183], %broadcast_in_dim3A_179 {strides = array<i32>} : memref<2x128x128xf32, #tpu.memory_space<vmem>>, vector<16xf32>,
      %broadcast_in_dim3A_185 = arith.constant 0.000000e+00 : f32
      %broadcast_in_dim3A_186 = vector.broadcast %broadcast_in_dim3A_185 : f32 to vector<16xf32>
      %swap3A_187 = arith.constant 0 : i32
      %swap3A_188 = arith.index_cast %swap3A_187 : i32 to index
      %swap3A_189 = arith.index_cast %scan3A_164 : i32 to index
      %swap3A_190 = arith.constant 48 : index
      %swap3A_191 = tpu.vector_load %arg7[%swap3A_188, %swap3A_189, %swap3A_190] {strides = array<i32>} : memref<2x128x128xf32, #tpu.memory_space<vmem>>, vector<16xf32>,
      tpu.vector_store %arg7[%swap3A_188, %swap3A_189, %swap3A_190], %broadcast_in_dim3A_186 {strides = array<i32>} : memref<2x128x128xf32, #tpu.memory_space<vmem>>, vector<16xf32>,
      %broadcast_in_dim3A_192 = arith.constant 0.000000e+00 : f32
      %broadcast_in_dim3A_193 = vector.broadcast %broadcast_in_dim3A_192 : f32 to vector<16xf32>
      %swap3A_194 = arith.constant 0 : i32
      %swap3A_195 = arith.index_cast %swap3A_194 : i32 to index
      %swap3A_196 = arith.index_cast %scan3A_164 : i32 to index
      %swap3A_197 = arith.constant 64 : index
      %swap3A_198 = tpu.vector_load %arg7[%swap3A_195, %swap3A_196, %swap3A_197] {strides = array<i32>} : memref<2x128x128xf32, #tpu.memory_space<vmem>>, vector<16xf32>,
      tpu.vector_store %arg7[%swap3A_195, %swap3A_196, %swap3A_197], %broadcast_in_dim3A_193 {strides = array<i32>} : memref<2x128x128xf32, #tpu.memory_space<vmem>>, vector<16xf32>,
      %broadcast_in_dim3A_199 = arith.constant 0.000000e+00 : f32
      %broadcast_in_dim3A_200 = vector.broadcast %broadcast_in_dim3A_199 : f32 to vector<16xf32>
      %swap3A_201 = arith.constant 0 : i32
      %swap3A_202 = arith.index_cast %swap3A_201 : i32 to index
      %swap3A_203 = arith.index_cast %scan3A_164 : i32 to index
      %swap3A_204 = arith.constant 80 : index
      %swap3A_205 = tpu.vector_load %arg7[%swap3A_202, %swap3A_203, %swap3A_204] {strides = array<i32>} : memref<2x128x128xf32, #tpu.memory_space<vmem>>, vector<16xf32>,
      tpu.vector_store %arg7[%swap3A_202, %swap3A_203, %swap3A_204], %broadcast_in_dim3A_200 {strides = array<i32>} : memref<2x128x128xf32, #tpu.memory_space<vmem>>, vector<16xf32>,
      %broadcast_in_dim3A_206 = arith.constant 0.000000e+00 : f32
      %broadcast_in_dim3A_207 = vector.broadcast %broadcast_in_dim3A_206 : f32 to vector<16xf32>
      %swap3A_208 = arith.constant 0 : i32
      %swap3A_209 = arith.index_cast %swap3A_208 : i32 to index
      %swap3A_210 = arith.index_cast %scan3A_164 : i32 to index
      %swap3A_211 = arith.constant 96 : index
      %swap3A_212 = tpu.vector_load %arg7[%swap3A_209, %swap3A_210, %swap3A_211] {strides = array<i32>} : memref<2x128x128xf32, #tpu.memory_space<vmem>>, vector<16xf32>,
      tpu.vector_store %arg7[%swap3A_209, %swap3A_210, %swap3A_211], %broadcast_in_dim3A_207 {strides = array<i32>} : memref<2x128x128xf32, #tpu.memory_space<vmem>>, vector<16xf32>,
      %broadcast_in_dim3A_213 = arith.constant 0.000000e+00 : f32
      %broadcast_in_dim3A_214 = vector.broadcast %broadcast_in_dim3A_213 : f32 to vector<16xf32>
      %swap3A_215 = arith.constant 0 : i32
      %swap3A_216 = arith.index_cast %swap3A_215 : i32 to index
      %swap3A_217 = arith.index_cast %scan3A_164 : i32 to index
      %swap3A_218 = arith.constant 112 : index
      %swap3A_219 = tpu.vector_load %arg7[%swap3A_216, %swap3A_217, %swap3A_218] {strides = array<i32>} : memref<2x128x128xf32, #tpu.memory_space<vmem>>, vector<16xf32>,
      tpu.vector_store %arg7[%swap3A_216, %swap3A_217, %swap3A_218], %broadcast_in_dim3A_214 {strides = array<i32>} : memref<2x128x128xf32, #tpu.memory_space<vmem>>, vector<16xf32>,
      %scan3A_220 = arith.constant 0 : i32
      scf.yield %scan3A_220 : i32
    }
    %scan3A_5 = arith.constant 125 : i32
    %mul3A = arith.constant 625 : i32
    %mul3A_6 = arith.muli %arg1, %mul3A : i32
    %add3A = arith.constant 0 : i32
    %add3A_7 = arith.addi %mul3A_6, %add3A : i32
    %run_scoped3A = arith.constant 0 : i32
    "tpu.region"() ({
      %run_scoped3A_164 = tpu.sem_alloc : memref<!tpu.dma_semaphore, #tpu.memory_space<semaphore_mem>>
      %dma_start3A_165 = arith.constant 0 : i32
      %dma_start3A_166 = arith.constant 0 : i32
      %dma_start3A_167 = tpu.memref_slice %arg7[%run_scoped3A, %dma_start3A_165, %dma_start3A_166] : memref<2x128x128xf32, #tpu.memory_space<vmem>> -> memref<1x125x128xf32, #tpu.memory_space<vmem>>
      %dma_start3A_168 = tpu.memref_squeeze %dma_start3A_167 : memref<1x125x128xf32, #tpu.memory_space<vmem>> -> memref<125x128xf32, #tpu.memory_space<vmem>>
      %dma_start3A_169 = arith.constant 0 : i32
      %dma_start3A_170 = tpu.memref_slice %arg6[%add3A_7, %dma_start3A_169] : memref<10000x128xf32, #tpu.memory_space<vmem_shared>> -> memref<125x128xf32, #tpu.memory_space<vmem_shared>>
      %dma_start3A_171 = arith.constant 0 : i32
      %dma_start3A_172 = tpu.memref_slice %arg6[%add3A_7, %dma_start3A_171] : memref<10000x128xf32, #tpu.memory_space<vmem_shared>> -> memref<125x128xf32, #tpu.memory_space<vmem_shared>>
      %dma_start3A_173 = arith.constant 0 : i32
      %dma_start3A_174 = arith.constant 0 : i32
      %dma_start3A_175 = tpu.memref_slice %arg7[%run_scoped3A, %dma_start3A_173, %dma_start3A_174] : memref<2x128x128xf32, #tpu.memory_space<vmem>> -> memref<1x125x128xf32, #tpu.memory_space<vmem>>
      %dma_start3A_176 = tpu.memref_squeeze %dma_start3A_175 : memref<1x125x128xf32, #tpu.memory_space<vmem>> -> memref<125x128xf32, #tpu.memory_space<vmem>>
      tpu.enqueue_dma source(%dma_start3A_176 : memref<125x128xf32, #tpu.memory_space<vmem>>) target(%dma_start3A_172 : memref<125x128xf32, #tpu.memory_space<vmem_shared>>) target_semaphore(%run_scoped3A_164 : memref<!tpu.dma_semaphore, #tpu.memory_space<semaphore_mem>>)
      %dma_wait3A_177 = arith.constant 0 : i32
      %dma_wait3A_178 = arith.constant 0 : i32
      %dma_wait3A_179 = tpu.memref_slice %arg7[%run_scoped3A, %dma_wait3A_177, %dma_wait3A_178] : memref<2x128x128xf32, #tpu.memory_space<vmem>> -> memref<1x125x128xf32, #tpu.memory_space<vmem>>
      %dma_wait3A_180 = tpu.memref_squeeze %dma_wait3A_179 : memref<1x125x128xf32, #tpu.memory_space<vmem>> -> memref<125x128xf32, #tpu.memory_space<vmem>>
      %dma_wait3A_181 = arith.constant 0 : i32
      %dma_wait3A_182 = tpu.memref_slice %arg6[%add3A_7, %dma_wait3A_181] : memref<10000x128xf32, #tpu.memory_space<vmem_shared>> -> memref<125x128xf32, #tpu.memory_space<vmem_shared>>
      %dma_wait3A_183 = arith.constant 0 : i32
      %dma_wait3A_184 = tpu.memref_slice %arg6[%add3A_7, %dma_wait3A_183] : memref<10000x128xf32, #tpu.memory_space<vmem_shared>> -> memref<125x128xf32, #tpu.memory_space<vmem_shared>>
      %dma_wait3A_185 = arith.constant 0 : i32
      %dma_wait3A_186 = arith.constant 0 : i32
      %dma_wait3A_187 = tpu.memref_slice %arg7[%run_scoped3A, %dma_wait3A_185, %dma_wait3A_186] : memref<2x128x128xf32, #tpu.memory_space<vmem>> -> memref<1x125x128xf32, #tpu.memory_space<vmem>>
      %dma_wait3A_188 = tpu.memref_squeeze %dma_wait3A_187 : memref<1x125x128xf32, #tpu.memory_space<vmem>> -> memref<125x128xf32, #tpu.memory_space<vmem>>
      tpu.wait_dma2 semaphore(%run_scoped3A_164 : memref<!tpu.dma_semaphore, #tpu.memory_space<semaphore_mem>>) src(%dma_wait3A_188 : memref<125x128xf32, #tpu.memory_space<vmem>>) dst(%dma_wait3A_184 : memref<125x128xf32, #tpu.memory_space<vmem_shared>>)
      tpu.yield
    }) : () -> ()
    %mul3A_8 = arith.constant 625 : i32
    %mul3A_9 = arith.muli %arg1, %mul3A_8 : i32
    %add3A_10 = arith.constant 125 : i32
    %add3A_11 = arith.addi %mul3A_9, %add3A_10 : i32
    %run_scoped3A_12 = arith.constant 0 : i32
    "tpu.region"() ({
      %run_scoped3A_164 = tpu.sem_alloc : memref<!tpu.dma_semaphore, #tpu.memory_space<semaphore_mem>>
      %dma_start3A_165 = arith.constant 0 : i32
      %dma_start3A_166 = arith.constant 0 : i32
      %dma_start3A_167 = tpu.memref_slice %arg7[%run_scoped3A_12, %dma_start3A_165, %dma_start3A_166] : memref<2x128x128xf32, #tpu.memory_space<vmem>> -> memref<1x125x128xf32, #tpu.memory_space<vmem>>
      %dma_start3A_168 = tpu.memref_squeeze %dma_start3A_167 : memref<1x125x128xf32, #tpu.memory_space<vmem>> -> memref<125x128xf32, #tpu.memory_space<vmem>>
      %dma_start3A_169 = arith.constant 0 : i32
      %dma_start3A_170 = tpu.memref_slice %arg6[%add3A_11, %dma_start3A_169] : memref<10000x128xf32, #tpu.memory_space<vmem_shared>> -> memref<125x128xf32, #tpu.memory_space<vmem_shared>>
      %dma_start3A_171 = arith.constant 0 : i32
      %dma_start3A_172 = tpu.memref_slice %arg6[%add3A_11, %dma_start3A_171] : memref<10000x128xf32, #tpu.memory_space<vmem_shared>> -> memref<125x128xf32, #tpu.memory_space<vmem_shared>>
      %dma_start3A_173 = arith.constant 0 : i32
      %dma_start3A_174 = arith.constant 0 : i32
      %dma_start3A_175 = tpu.memref_slice %arg7[%run_scoped3A_12, %dma_start3A_173, %dma_start3A_174] : memref<2x128x128xf32, #tpu.memory_space<vmem>> -> memref<1x125x128xf32, #tpu.memory_space<vmem>>
      %dma_start3A_176 = tpu.memref_squeeze %dma_start3A_175 : memref<1x125x128xf32, #tpu.memory_space<vmem>> -> memref<125x128xf32, #tpu.memory_space<vmem>>
      tpu.enqueue_dma source(%dma_start3A_176 : memref<125x128xf32, #tpu.memory_space<vmem>>) target(%dma_start3A_172 : memref<125x128xf32, #tpu.memory_space<vmem_shared>>) target_semaphore(%run_scoped3A_164 : memref<!tpu.dma_semaphore, #tpu.memory_space<semaphore_mem>>)
      %dma_wait3A_177 = arith.constant 0 : i32
      %dma_wait3A_178 = arith.constant 0 : i32
      %dma_wait3A_179 = tpu.memref_slice %arg7[%run_scoped3A_12, %dma_wait3A_177, %dma_wait3A_178] : memref<2x128x128xf32, #tpu.memory_space<vmem>> -> memref<1x125x128xf32, #tpu.memory_space<vmem>>
      %dma_wait3A_180 = tpu.memref_squeeze %dma_wait3A_179 : memref<1x125x128xf32, #tpu.memory_space<vmem>> -> memref<125x128xf32, #tpu.memory_space<vmem>>
      %dma_wait3A_181 = arith.constant 0 : i32
      %dma_wait3A_182 = tpu.memref_slice %arg6[%add3A_11, %dma_wait3A_181] : memref<10000x128xf32, #tpu.memory_space<vmem_shared>> -> memref<125x128xf32, #tpu.memory_space<vmem_shared>>
      %dma_wait3A_183 = arith.constant 0 : i32
      %dma_wait3A_184 = tpu.memref_slice %arg6[%add3A_11, %dma_wait3A_183] : memref<10000x128xf32, #tpu.memory_space<vmem_shared>> -> memref<125x128xf32, #tpu.memory_space<vmem_shared>>
      %dma_wait3A_185 = arith.constant 0 : i32
      %dma_wait3A_186 = arith.constant 0 : i32
      %dma_wait3A_187 = tpu.memref_slice %arg7[%run_scoped3A_12, %dma_wait3A_185, %dma_wait3A_186] : memref<2x128x128xf32, #tpu.memory_space<vmem>> -> memref<1x125x128xf32, #tpu.memory_space<vmem>>
      %dma_wait3A_188 = tpu.memref_squeeze %dma_wait3A_187 : memref<1x125x128xf32, #tpu.memory_space<vmem>> -> memref<125x128xf32, #tpu.memory_space<vmem>>
      tpu.wait_dma2 semaphore(%run_scoped3A_164 : memref<!tpu.dma_semaphore, #tpu.memory_space<semaphore_mem>>) src(%dma_wait3A_188 : memref<125x128xf32, #tpu.memory_space<vmem>>) dst(%dma_wait3A_184 : memref<125x128xf32, #tpu.memory_space<vmem_shared>>)
      tpu.yield
    }) : () -> ()
    %mul3A_13 = arith.constant 625 : i32
    %mul3A_14 = arith.muli %arg1, %mul3A_13 : i32
    %add3A_15 = arith.constant 250 : i32
    %add3A_16 = arith.addi %mul3A_14, %add3A_15 : i32
    %run_scoped3A_17 = arith.constant 0 : i32
    "tpu.region"() ({
      %run_scoped3A_164 = tpu.sem_alloc : memref<!tpu.dma_semaphore, #tpu.memory_space<semaphore_mem>>
      %dma_start3A_165 = arith.constant 0 : i32
      %dma_start3A_166 = arith.constant 0 : i32
      %dma_start3A_167 = tpu.memref_slice %arg7[%run_scoped3A_17, %dma_start3A_165, %dma_start3A_166] : memref<2x128x128xf32, #tpu.memory_space<vmem>> -> memref<1x125x128xf32, #tpu.memory_space<vmem>>
      %dma_start3A_168 = tpu.memref_squeeze %dma_start3A_167 : memref<1x125x128xf32, #tpu.memory_space<vmem>> -> memref<125x128xf32, #tpu.memory_space<vmem>>
      %dma_start3A_169 = arith.constant 0 : i32
      %dma_start3A_170 = tpu.memref_slice %arg6[%add3A_16, %dma_start3A_169] : memref<10000x128xf32, #tpu.memory_space<vmem_shared>> -> memref<125x128xf32, #tpu.memory_space<vmem_shared>>
      %dma_start3A_171 = arith.constant 0 : i32
      %dma_start3A_172 = tpu.memref_slice %arg6[%add3A_16, %dma_start3A_171] : memref<10000x128xf32, #tpu.memory_space<vmem_shared>> -> memref<125x128xf32, #tpu.memory_space<vmem_shared>>
      %dma_start3A_173 = arith.constant 0 : i32
      %dma_start3A_174 = arith.constant 0 : i32
      %dma_start3A_175 = tpu.memref_slice %arg7[%run_scoped3A_17, %dma_start3A_173, %dma_start3A_174] : memref<2x128x128xf32, #tpu.memory_space<vmem>> -> memref<1x125x128xf32, #tpu.memory_space<vmem>>
      %dma_start3A_176 = tpu.memref_squeeze %dma_start3A_175 : memref<1x125x128xf32, #tpu.memory_space<vmem>> -> memref<125x128xf32, #tpu.memory_space<vmem>>
      tpu.enqueue_dma source(%dma_start3A_176 : memref<125x128xf32, #tpu.memory_space<vmem>>) target(%dma_start3A_172 : memref<125x128xf32, #tpu.memory_space<vmem_shared>>) target_semaphore(%run_scoped3A_164 : memref<!tpu.dma_semaphore, #tpu.memory_space<semaphore_mem>>)
      %dma_wait3A_177 = arith.constant 0 : i32
      %dma_wait3A_178 = arith.constant 0 : i32
      %dma_wait3A_179 = tpu.memref_slice %arg7[%run_scoped3A_17, %dma_wait3A_177, %dma_wait3A_178] : memref<2x128x128xf32, #tpu.memory_space<vmem>> -> memref<1x125x128xf32, #tpu.memory_space<vmem>>
      %dma_wait3A_180 = tpu.memref_squeeze %dma_wait3A_179 : memref<1x125x128xf32, #tpu.memory_space<vmem>> -> memref<125x128xf32, #tpu.memory_space<vmem>>
      %dma_wait3A_181 = arith.constant 0 : i32
      %dma_wait3A_182 = tpu.memref_slice %arg6[%add3A_16, %dma_wait3A_181] : memref<10000x128xf32, #tpu.memory_space<vmem_shared>> -> memref<125x128xf32, #tpu.memory_space<vmem_shared>>
      %dma_wait3A_183 = arith.constant 0 : i32
      %dma_wait3A_184 = tpu.memref_slice %arg6[%add3A_16, %dma_wait3A_183] : memref<10000x128xf32, #tpu.memory_space<vmem_shared>> -> memref<125x128xf32, #tpu.memory_space<vmem_shared>>
      %dma_wait3A_185 = arith.constant 0 : i32
      %dma_wait3A_186 = arith.constant 0 : i32
      %dma_wait3A_187 = tpu.memref_slice %arg7[%run_scoped3A_17, %dma_wait3A_185, %dma_wait3A_186] : memref<2x128x128xf32, #tpu.memory_space<vmem>> -> memref<1x125x128xf32, #tpu.memory_space<vmem>>
      %dma_wait3A_188 = tpu.memref_squeeze %dma_wait3A_187 : memref<1x125x128xf32, #tpu.memory_space<vmem>> -> memref<125x128xf32, #tpu.memory_space<vmem>>
      tpu.wait_dma2 semaphore(%run_scoped3A_164 : memref<!tpu.dma_semaphore, #tpu.memory_space<semaphore_mem>>) src(%dma_wait3A_188 : memref<125x128xf32, #tpu.memory_space<vmem>>) dst(%dma_wait3A_184 : memref<125x128xf32, #tpu.memory_space<vmem_shared>>)
      tpu.yield
    }) : () -> ()
    %mul3A_18 = arith.constant 625 : i32
    %mul3A_19 = arith.muli %arg1, %mul3A_18 : i32
    %add3A_20 = arith.constant 375 : i32
    %add3A_21 = arith.addi %mul3A_19, %add3A_20 : i32
    %run_scoped3A_22 = arith.constant 0 : i32
    "tpu.region"() ({
      %run_scoped3A_164 = tpu.sem_alloc : memref<!tpu.dma_semaphore, #tpu.memory_space<semaphore_mem>>
      %dma_start3A_165 = arith.constant 0 : i32
      %dma_start3A_166 = arith.constant 0 : i32
      %dma_start3A_167 = tpu.memref_slice %arg7[%run_scoped3A_22, %dma_start3A_165, %dma_start3A_166] : memref<2x128x128xf32, #tpu.memory_space<vmem>> -> memref<1x125x128xf32, #tpu.memory_space<vmem>>
      %dma_start3A_168 = tpu.memref_squeeze %dma_start3A_167 : memref<1x125x128xf32, #tpu.memory_space<vmem>> -> memref<125x128xf32, #tpu.memory_space<vmem>>
      %dma_start3A_169 = arith.constant 0 : i32
      %dma_start3A_170 = tpu.memref_slice %arg6[%add3A_21, %dma_start3A_169] : memref<10000x128xf32, #tpu.memory_space<vmem_shared>> -> memref<125x128xf32, #tpu.memory_space<vmem_shared>>
      %dma_start3A_171 = arith.constant 0 : i32
      %dma_start3A_172 = tpu.memref_slice %arg6[%add3A_21, %dma_start3A_171] : memref<10000x128xf32, #tpu.memory_space<vmem_shared>> -> memref<125x128xf32, #tpu.memory_space<vmem_shared>>
      %dma_start3A_173 = arith.constant 0 : i32
      %dma_start3A_174 = arith.constant 0 : i32
      %dma_start3A_175 = tpu.memref_slice %arg7[%run_scoped3A_22, %dma_start3A_173, %dma_start3A_174] : memref<2x128x128xf32, #tpu.memory_space<vmem>> -> memref<1x125x128xf32, #tpu.memory_space<vmem>>
      %dma_start3A_176 = tpu.memref_squeeze %dma_start3A_175 : memref<1x125x128xf32, #tpu.memory_space<vmem>> -> memref<125x128xf32, #tpu.memory_space<vmem>>
      tpu.enqueue_dma source(%dma_start3A_176 : memref<125x128xf32, #tpu.memory_space<vmem>>) target(%dma_start3A_172 : memref<125x128xf32, #tpu.memory_space<vmem_shared>>) target_semaphore(%run_scoped3A_164 : memref<!tpu.dma_semaphore, #tpu.memory_space<semaphore_mem>>)
      %dma_wait3A_177 = arith.constant 0 : i32
      %dma_wait3A_178 = arith.constant 0 : i32
      %dma_wait3A_179 = tpu.memref_slice %arg7[%run_scoped3A_22, %dma_wait3A_177, %dma_wait3A_178] : memref<2x128x128xf32, #tpu.memory_space<vmem>> -> memref<1x125x128xf32, #tpu.memory_space<vmem>>
      %dma_wait3A_180 = tpu.memref_squeeze %dma_wait3A_179 : memref<1x125x128xf32, #tpu.memory_space<vmem>> -> memref<125x128xf32, #tpu.memory_space<vmem>>
      %dma_wait3A_181 = arith.constant 0 : i32
      %dma_wait3A_182 = tpu.memref_slice %arg6[%add3A_21, %dma_wait3A_181] : memref<10000x128xf32, #tpu.memory_space<vmem_shared>> -> memref<125x128xf32, #tpu.memory_space<vmem_shared>>
      %dma_wait3A_183 = arith.constant 0 : i32
      %dma_wait3A_184 = tpu.memref_slice %arg6[%add3A_21, %dma_wait3A_183] : memref<10000x128xf32, #tpu.memory_space<vmem_shared>> -> memref<125x128xf32, #tpu.memory_space<vmem_shared>>
      %dma_wait3A_185 = arith.constant 0 : i32
      %dma_wait3A_186 = arith.constant 0 : i32
      %dma_wait3A_187 = tpu.memref_slice %arg7[%run_scoped3A_22, %dma_wait3A_185, %dma_wait3A_186] : memref<2x128x128xf32, #tpu.memory_space<vmem>> -> memref<1x125x128xf32, #tpu.memory_space<vmem>>
      %dma_wait3A_188 = tpu.memref_squeeze %dma_wait3A_187 : memref<1x125x128xf32, #tpu.memory_space<vmem>> -> memref<125x128xf32, #tpu.memory_space<vmem>>
      tpu.wait_dma2 semaphore(%run_scoped3A_164 : memref<!tpu.dma_semaphore, #tpu.memory_space<semaphore_mem>>) src(%dma_wait3A_188 : memref<125x128xf32, #tpu.memory_space<vmem>>) dst(%dma_wait3A_184 : memref<125x128xf32, #tpu.memory_space<vmem_shared>>)
      tpu.yield
    }) : () -> ()
    %mul3A_23 = arith.constant 625 : i32
    %mul3A_24 = arith.muli %arg1, %mul3A_23 : i32
    %add3A_25 = arith.constant 500 : i32
    %add3A_26 = arith.addi %mul3A_24, %add3A_25 : i32
    %run_scoped3A_27 = arith.constant 0 : i32
    "tpu.region"() ({
      %run_scoped3A_164 = tpu.sem_alloc : memref<!tpu.dma_semaphore, #tpu.memory_space<semaphore_mem>>
      %dma_start3A_165 = arith.constant 0 : i32
      %dma_start3A_166 = arith.constant 0 : i32
      %dma_start3A_167 = tpu.memref_slice %arg7[%run_scoped3A_27, %dma_start3A_165, %dma_start3A_166] : memref<2x128x128xf32, #tpu.memory_space<vmem>> -> memref<1x125x128xf32, #tpu.memory_space<vmem>>
      %dma_start3A_168 = tpu.memref_squeeze %dma_start3A_167 : memref<1x125x128xf32, #tpu.memory_space<vmem>> -> memref<125x128xf32, #tpu.memory_space<vmem>>
      %dma_start3A_169 = arith.constant 0 : i32
      %dma_start3A_170 = tpu.memref_slice %arg6[%add3A_26, %dma_start3A_169] : memref<10000x128xf32, #tpu.memory_space<vmem_shared>> -> memref<125x128xf32, #tpu.memory_space<vmem_shared>>
      %dma_start3A_171 = arith.constant 0 : i32
      %dma_start3A_172 = tpu.memref_slice %arg6[%add3A_26, %dma_start3A_171] : memref<10000x128xf32, #tpu.memory_space<vmem_shared>> -> memref<125x128xf32, #tpu.memory_space<vmem_shared>>
      %dma_start3A_173 = arith.constant 0 : i32
      %dma_start3A_174 = arith.constant 0 : i32
      %dma_start3A_175 = tpu.memref_slice %arg7[%run_scoped3A_27, %dma_start3A_173, %dma_start3A_174] : memref<2x128x128xf32, #tpu.memory_space<vmem>> -> memref<1x125x128xf32, #tpu.memory_space<vmem>>
      %dma_start3A_176 = tpu.memref_squeeze %dma_start3A_175 : memref<1x125x128xf32, #tpu.memory_space<vmem>> -> memref<125x128xf32, #tpu.memory_space<vmem>>
      tpu.enqueue_dma source(%dma_start3A_176 : memref<125x128xf32, #tpu.memory_space<vmem>>) target(%dma_start3A_172 : memref<125x128xf32, #tpu.memory_space<vmem_shared>>) target_semaphore(%run_scoped3A_164 : memref<!tpu.dma_semaphore, #tpu.memory_space<semaphore_mem>>)
      %dma_wait3A_177 = arith.constant 0 : i32
      %dma_wait3A_178 = arith.constant 0 : i32
      %dma_wait3A_179 = tpu.memref_slice %arg7[%run_scoped3A_27, %dma_wait3A_177, %dma_wait3A_178] : memref<2x128x128xf32, #tpu.memory_space<vmem>> -> memref<1x125x128xf32, #tpu.memory_space<vmem>>
      %dma_wait3A_180 = tpu.memref_squeeze %dma_wait3A_179 : memref<1x125x128xf32, #tpu.memory_space<vmem>> -> memref<125x128xf32, #tpu.memory_space<vmem>>
      %dma_wait3A_181 = arith.constant 0 : i32
      %dma_wait3A_182 = tpu.memref_slice %arg6[%add3A_26, %dma_wait3A_181] : memref<10000x128xf32, #tpu.memory_space<vmem_shared>> -> memref<125x128xf32, #tpu.memory_space<vmem_shared>>
      %dma_wait3A_183 = arith.constant 0 : i32
      %dma_wait3A_184 = tpu.memref_slice %arg6[%add3A_26, %dma_wait3A_183] : memref<10000x128xf32, #tpu.memory_space<vmem_shared>> -> memref<125x128xf32, #tpu.memory_space<vmem_shared>>
      %dma_wait3A_185 = arith.constant 0 : i32
      %dma_wait3A_186 = arith.constant 0 : i32
      %dma_wait3A_187 = tpu.memref_slice %arg7[%run_scoped3A_27, %dma_wait3A_185, %dma_wait3A_186] : memref<2x128x128xf32, #tpu.memory_space<vmem>> -> memref<1x125x128xf32, #tpu.memory_space<vmem>>
      %dma_wait3A_188 = tpu.memref_squeeze %dma_wait3A_187 : memref<1x125x128xf32, #tpu.memory_space<vmem>> -> memref<125x128xf32, #tpu.memory_space<vmem>>
      tpu.wait_dma2 semaphore(%run_scoped3A_164 : memref<!tpu.dma_semaphore, #tpu.memory_space<semaphore_mem>>) src(%dma_wait3A_188 : memref<125x128xf32, #tpu.memory_space<vmem>>) dst(%dma_wait3A_184 : memref<125x128xf32, #tpu.memory_space<vmem_shared>>)
      tpu.yield
    }) : () -> ()
    %barrier3A = arith.constant 0 : index
    tpu.barrier barrier_id(%barrier3A)
    %mul3A_28 = arith.constant 16 : i32
    %mul3A_29 = arith.muli %arg0, %mul3A_28 : i32
    %add3A_30 = arith.addi %mul3A_29, %arg1 : i32
    %add3A_31 = arith.constant 0 : i32
    %add3A_32 = arith.addi %add3A_30, %add3A_31 : i32
    %min3A = arith.constant 1249 : i32
    %min3A_33 = arith.minsi %add3A_32, %min3A : i32
    %dma_start3A = arith.constant 0 : i32
    %dma_start3A_34 = arith.constant 0 : i32
    %dma_start3A_35 = arith.constant 0 : i32
    %dma_start3A_36 = arith.constant 0 : i32
    %dma_start3A_37 = tpu.memref_slice %arg9[%dma_start3A, %dma_start3A_35, %dma_start3A_36] : memref<4x4x128xi32, #tpu.memory_space<vmem>> -> memref<1x4x128xi32, #tpu.memory_space<vmem>>
    %dma_start3A_38 = tpu.memref_squeeze %dma_start3A_37 : memref<1x4x128xi32, #tpu.memory_space<vmem>> -> memref<4x128xi32, #tpu.memory_space<vmem>>
    %dma_start3A_39 = arith.constant 0 : i32
    %dma_start3A_40 = arith.constant 0 : i32
    %dma_start3A_41 = tpu.memref_slice %arg4[%min3A_33, %dma_start3A_39, %dma_start3A_40] : memref<1250x4x128xi32, #tpu.memory_space<hbm>> -> memref<1x4x128xi32, #tpu.memory_space<hbm>>
    %dma_start3A_42 = tpu.memref_squeeze %dma_start3A_41 : memref<1x4x128xi32, #tpu.memory_space<hbm>> -> memref<4x128xi32, #tpu.memory_space<hbm>>
    %dma_start3A_43 = tpu.memref_slice %arg10[%dma_start3A_34] : memref<4x!tpu.dma_semaphore, #tpu.memory_space<semaphore_mem>> -> memref<1x!tpu.dma_semaphore, #tpu.memory_space<semaphore_mem>>
    %dma_start3A_44 = tpu.memref_squeeze %dma_start3A_43 : memref<1x!tpu.dma_semaphore, #tpu.memory_space<semaphore_mem>> -> memref<!tpu.dma_semaphore, #tpu.memory_space<semaphore_mem>>
    %dma_start3A_45 = arith.constant 0 : i32
    %dma_start3A_46 = arith.constant 0 : i32
    %dma_start3A_47 = tpu.memref_slice %arg9[%dma_start3A, %dma_start3A_45, %dma_start3A_46] : memref<4x4x128xi32, #tpu.memory_space<vmem>> -> memref<1x4x128xi32, #tpu.memory_space<vmem>>
    %dma_start3A_48 = tpu.memref_squeeze %dma_start3A_47 : memref<1x4x128xi32, #tpu.memory_space<vmem>> -> memref<4x128xi32, #tpu.memory_space<vmem>>
    %dma_start3A_49 = arith.constant 0 : i32
    %dma_start3A_50 = arith.constant 0 : i32
    %dma_start3A_51 = tpu.memref_slice %arg4[%min3A_33, %dma_start3A_49, %dma_start3A_50] : memref<1250x4x128xi32, #tpu.memory_space<hbm>> -> memref<1x4x128xi32, #tpu.memory_space<hbm>>
    %dma_start3A_52 = tpu.memref_squeeze %dma_start3A_51 : memref<1x4x128xi32, #tpu.memory_space<hbm>> -> memref<4x128xi32, #tpu.memory_space<hbm>>
    tpu.enqueue_dma source(%dma_start3A_52 : memref<4x128xi32, #tpu.memory_space<hbm>>) target(%dma_start3A_48 : memref<4x128xi32, #tpu.memory_space<vmem>>) target_semaphore(%dma_start3A_44 : memref<!tpu.dma_semaphore, #tpu.memory_space<semaphore_mem>>)
    %mul3A_53 = arith.constant 16 : i32
    %mul3A_54 = arith.muli %arg0, %mul3A_53 : i32
    %add3A_55 = arith.addi %mul3A_54, %arg1 : i32
    %add3A_56 = arith.constant 0 : i32
    %add3A_57 = arith.addi %add3A_55, %add3A_56 : i32
    %min3A_58 = arith.constant 1249 : i32
    %min3A_59 = arith.minsi %add3A_57, %min3A_58 : i32
    %dma_wait3A = arith.constant 0 : i32
    %dma_wait3A_60 = arith.constant 0 : i32
    %dma_wait3A_61 = arith.constant 0 : i32
    %dma_wait3A_62 = arith.constant 0 : i32
    %dma_wait3A_63 = tpu.memref_slice %arg9[%dma_wait3A, %dma_wait3A_61, %dma_wait3A_62] : memref<4x4x128xi32, #tpu.memory_space<vmem>> -> memref<1x4x128xi32, #tpu.memory_space<vmem>>
    %dma_wait3A_64 = tpu.memref_squeeze %dma_wait3A_63 : memref<1x4x128xi32, #tpu.memory_space<vmem>> -> memref<4x128xi32, #tpu.memory_space<vmem>>
    %dma_wait3A_65 = arith.constant 0 : i32
    %dma_wait3A_66 = arith.constant 0 : i32
    %dma_wait3A_67 = tpu.memref_slice %arg4[%min3A_59, %dma_wait3A_65, %dma_wait3A_66] : memref<1250x4x128xi32, #tpu.memory_space<hbm>> -> memref<1x4x128xi32, #tpu.memory_space<hbm>>
    %dma_wait3A_68 = tpu.memref_squeeze %dma_wait3A_67 : memref<1x4x128xi32, #tpu.memory_space<hbm>> -> memref<4x128xi32, #tpu.memory_space<hbm>>
    %dma_wait3A_69 = tpu.memref_slice %arg10[%dma_wait3A_60] : memref<4x!tpu.dma_semaphore, #tpu.memory_space<semaphore_mem>> -> memref<1x!tpu.dma_semaphore, #tpu.memory_space<semaphore_mem>>
    %dma_wait3A_70 = tpu.memref_squeeze %dma_wait3A_69 : memref<1x!tpu.dma_semaphore, #tpu.memory_space<semaphore_mem>> -> memref<!tpu.dma_semaphore, #tpu.memory_space<semaphore_mem>>
    %dma_wait3A_71 = arith.constant 0 : i32
    %dma_wait3A_72 = arith.constant 0 : i32
    %dma_wait3A_73 = tpu.memref_slice %arg9[%dma_wait3A, %dma_wait3A_71, %dma_wait3A_72] : memref<4x4x128xi32, #tpu.memory_space<vmem>> -> memref<1x4x128xi32, #tpu.memory_space<vmem>>
    %dma_wait3A_74 = tpu.memref_squeeze %dma_wait3A_73 : memref<1x4x128xi32, #tpu.memory_space<vmem>> -> memref<4x128xi32, #tpu.memory_space<vmem>>
    %dma_wait3A_75 = arith.constant 0 : i32
    %dma_wait3A_76 = arith.constant 0 : i32
    %dma_wait3A_77 = tpu.memref_slice %arg4[%min3A_59, %dma_wait3A_75, %dma_wait3A_76] : memref<1250x4x128xi32, #tpu.memory_space<hbm>> -> memref<1x4x128xi32, #tpu.memory_space<hbm>>
    %dma_wait3A_78 = tpu.memref_squeeze %dma_wait3A_77 : memref<1x4x128xi32, #tpu.memory_space<hbm>> -> memref<4x128xi32, #tpu.memory_space<hbm>>
    tpu.wait_dma2 semaphore(%dma_wait3A_70 : memref<!tpu.dma_semaphore, #tpu.memory_space<semaphore_mem>>) src(%dma_wait3A_78 : memref<4x128xi32, #tpu.memory_space<hbm>>) dst(%dma_wait3A_74 : memref<4x128xi32, #tpu.memory_space<vmem>>)
    %dma_start3A_79 = arith.constant 0 : i32
    %dma_start3A_80 = arith.constant 0 : i32
    %dma_start3A_81 = arith.constant 0 : i32
    %dma_start3A_82 = arith.constant 0 : i32
    %dma_start3A_83 = arith.constant 0 : i32
    %dma_start3A_84 = arith.constant 0 : i32
    %dma_start3A_85 = tpu.memref_slice %arg7[%dma_start3A_81, %dma_start3A_83, %dma_start3A_84] : memref<2x128x128xf32, #tpu.memory_space<vmem>> -> memref<1x128x128xf32, #tpu.memory_space<vmem>>
    %dma_start3A_86 = tpu.memref_squeeze %dma_start3A_85 : memref<1x128x128xf32, #tpu.memory_space<vmem>> -> memref<128x128xf32, #tpu.memory_space<vmem>>
    %dma_start3A_87 = arith.constant 0 : i32
    %dma_start3A_88 = tpu.memref_slice %arg9[%dma_start3A_79, %dma_start3A_80, %dma_start3A_87] : memref<4x4x128xi32, #tpu.memory_space<vmem>> -> memref<1x1x128xi32, #tpu.memory_space<vmem>>
    %dma_start3A_89 = tpu.memref_squeeze %dma_start3A_88 : memref<1x1x128xi32, #tpu.memory_space<vmem>> -> memref<128xi32, #tpu.memory_space<vmem>>
    %dma_start3A_90 = arith.constant 0 : i32
    %dma_start3A_91 = arith.constant 0 : i32
    %dma_start3A_92 = tpu.memref_slice %arg2[%dma_start3A_90, %dma_start3A_91] : memref<40000x128xf32, #tpu.memory_space<hbm>> -> memref<40000x128xf32, #tpu.memory_space<hbm>>
    %dma_start3A_93 = tpu.memref_slice %arg11[%dma_start3A_82] : memref<2x!tpu.dma_semaphore, #tpu.memory_space<semaphore_mem>> -> memref<1x!tpu.dma_semaphore, #tpu.memory_space<semaphore_mem>>
    %dma_start3A_94 = tpu.memref_squeeze %dma_start3A_93 : memref<1x!tpu.dma_semaphore, #tpu.memory_space<semaphore_mem>> -> memref<!tpu.dma_semaphore, #tpu.memory_space<semaphore_mem>>
    tpu.enqueue_indirect_dma source(%dma_start3A_92 : memref<40000x128xf32, #tpu.memory_space<hbm>>) target(%dma_start3A_86 : memref<128x128xf32, #tpu.memory_space<vmem>>) offsets(%dma_start3A_89 : memref<128xi32, #tpu.memory_space<vmem>>) semaphore(%dma_start3A_94 : memref<!tpu.dma_semaphore, #tpu.memory_space<semaphore_mem>>)
    %mul3A_95 = arith.constant 16 : i32
    %mul3A_96 = arith.muli %arg0, %mul3A_95 : i32
    %add3A_97 = arith.addi %mul3A_96, %arg1 : i32
    %add3A_98 = arith.constant 0 : i32
    %add3A_99 = arith.addi %add3A_97, %add3A_98 : i32
    %min3A_100 = arith.constant 1249 : i32
    %min3A_101 = arith.minsi %add3A_99, %min3A_100 : i32
    %mul3A_102 = arith.constant 16 : i32
    %mul3A_103 = arith.muli %min3A_101, %mul3A_102 : i32
    %dma_start3A_104 = arith.constant 0 : i32
    %dma_start3A_105 = arith.constant 0 : i32
    %dma_start3A_106 = arith.constant 0 : i32
    %dma_start3A_107 = arith.constant 0 : i32
    %dma_start3A_108 = tpu.memref_slice %arg8[%dma_start3A_104, %dma_start3A_106, %dma_start3A_107] : memref<2x16x128xf32, #tpu.memory_space<vmem>> -> memref<1x16x128xf32, #tpu.memory_space<vmem>>
    %dma_start3A_109 = tpu.memref_squeeze %dma_start3A_108 : memref<1x16x128xf32, #tpu.memory_space<vmem>> -> memref<16x128xf32, #tpu.memory_space<vmem>>
    %dma_start3A_110 = arith.constant 0 : i32
    %dma_start3A_111 = tpu.memref_slice %arg3[%mul3A_103, %dma_start3A_110] : memref<20000x128xf32, #tpu.memory_space<hbm>> -> memref<16x128xf32, #tpu.memory_space<hbm>>
    %dma_start3A_112 = tpu.memref_slice %arg11[%dma_start3A_105] : memref<2x!tpu.dma_semaphore, #tpu.memory_space<semaphore_mem>> -> memref<1x!tpu.dma_semaphore, #tpu.memory_space<semaphore_mem>>
    %dma_start3A_113 = tpu.memref_squeeze %dma_start3A_112 : memref<1x!tpu.dma_semaphore, #tpu.memory_space<semaphore_mem>> -> memref<!tpu.dma_semaphore, #tpu.memory_space<semaphore_mem>>
    %dma_start3A_114 = arith.constant 0 : i32
    %dma_start3A_115 = arith.constant 0 : i32
    %dma_start3A_116 = tpu.memref_slice %arg8[%dma_start3A_104, %dma_start3A_114, %dma_start3A_115] : memref<2x16x128xf32, #tpu.memory_space<vmem>> -> memref<1x16x128xf32, #tpu.memory_space<vmem>>
    %dma_start3A_117 = tpu.memref_squeeze %dma_start3A_116 : memref<1x16x128xf32, #tpu.memory_space<vmem>> -> memref<16x128xf32, #tpu.memory_space<vmem>>
    %dma_start3A_118 = arith.constant 0 : i32
    %dma_start3A_119 = tpu.memref_slice %arg3[%mul3A_103, %dma_start3A_118] : memref<20000x128xf32, #tpu.memory_space<hbm>> -> memref<16x128xf32, #tpu.memory_space<hbm>>
    tpu.enqueue_dma source(%dma_start3A_119 : memref<16x128xf32, #tpu.memory_space<hbm>>) target(%dma_start3A_117 : memref<16x128xf32, #tpu.memory_space<vmem>>) target_semaphore(%dma_start3A_113 : memref<!tpu.dma_semaphore, #tpu.memory_space<semaphore_mem>>)
    %mul3A_120 = arith.constant 16 : i32
    %mul3A_121 = arith.muli %arg0, %mul3A_120 : i32
    %add3A_122 = arith.addi %mul3A_121, %arg1 : i32
    %add3A_123 = arith.constant 32 : i32
    %add3A_124 = arith.addi %add3A_122, %add3A_123 : i32
    %min3A_125 = arith.constant 1249 : i32
    %min3A_126 = arith.minsi %add3A_124, %min3A_125 : i32
    %dma_start3A_127 = arith.constant 1 : i32
    %dma_start3A_128 = arith.constant 1 : i32
    %dma_start3A_129 = arith.constant 0 : i32
    %dma_start3A_130 = arith.constant 0 : i32
    %dma_start3A_131 = tpu.memref_slice %arg9[%dma_start3A_127, %dma_start3A_129, %dma_start3A_130] : memref<4x4x128xi32, #tpu.memory_space<vmem>> -> memref<1x4x128xi32, #tpu.memory_space<vmem>>
    %dma_start3A_132 = tpu.memref_squeeze %dma_start3A_131 : memref<1x4x128xi32, #tpu.memory_space<vmem>> -> memref<4x128xi32, #tpu.memory_space<vmem>>
    %dma_start3A_133 = arith.constant 0 : i32
    %dma_start3A_134 = arith.constant 0 : i32
    %dma_start3A_135 = tpu.memref_slice %arg4[%min3A_126, %dma_start3A_133, %dma_start3A_134] : memref<1250x4x128xi32, #tpu.memory_space<hbm>> -> memref<1x4x128xi32, #tpu.memory_space<hbm>>
    %dma_start3A_136 = tpu.memref_squeeze %dma_start3A_135 : memref<1x4x128xi32, #tpu.memory_space<hbm>> -> memref<4x128xi32, #tpu.memory_space<hbm>>
    %dma_start3A_137 = tpu.memref_slice %arg10[%dma_start3A_128] : memref<4x!tpu.dma_semaphore, #tpu.memory_space<semaphore_mem>> -> memref<1x!tpu.dma_semaphore, #tpu.memory_space<semaphore_mem>>
    %dma_start3A_138 = tpu.memref_squeeze %dma_start3A_137 : memref<1x!tpu.dma_semaphore, #tpu.memory_space<semaphore_mem>> -> memref<!tpu.dma_semaphore, #tpu.memory_space<semaphore_mem>>
    %dma_start3A_139 = arith.constant 0 : i32
    %dma_start3A_140 = arith.constant 0 : i32
    %dma_start3A_141 = tpu.memref_slice %arg9[%dma_start3A_127, %dma_start3A_139, %dma_start3A_140] : memref<4x4x128xi32, #tpu.memory_space<vmem>> -> memref<1x4x128xi32, #tpu.memory_space<vmem>>
    %dma_start3A_142 = tpu.memref_squeeze %dma_start3A_141 : memref<1x4x128xi32, #tpu.memory_space<vmem>> -> memref<4x128xi32, #tpu.memory_space<vmem>>
    %dma_start3A_143 = arith.constant 0 : i32
    %dma_start3A_144 = arith.constant 0 : i32
    %dma_start3A_145 = tpu.memref_slice %arg4[%min3A_126, %dma_start3A_143, %dma_start3A_144] : memref<1250x4x128xi32, #tpu.memory_space<hbm>> -> memref<1x4x128xi32, #tpu.memory_space<hbm>>
    %dma_start3A_146 = tpu.memref_squeeze %dma_start3A_145 : memref<1x4x128xi32, #tpu.memory_space<hbm>> -> memref<4x128xi32, #tpu.memory_space<hbm>>
    tpu.enqueue_dma source(%dma_start3A_146 : memref<4x128xi32, #tpu.memory_space<hbm>>) target(%dma_start3A_142 : memref<4x128xi32, #tpu.memory_space<vmem>>) target_semaphore(%dma_start3A_138 : memref<!tpu.dma_semaphore, #tpu.memory_space<semaphore_mem>>)
    %scan3A_147 = arith.constant 0 : i32
    %scan3A_148 = arith.constant 0 : i32
    %scan3A_149 = arith.constant 40 : i32
    %scan3A_150 = arith.addi %scan3A_148, %scan3A_149 : i32
    %scan3A_151 = arith.constant 1 : i32
    %scan3A_152 = scf.for %scan3A_164 = %scan3A_148 to %scan3A_150 step %scan3A_151 iter_args(%scan3A_165 = %scan3A_147) -> (i32)  : i32 {
      %ge3A = arith.constant 1 : i32
      %ge3A_166 = arith.cmpi sge, %scan3A_164, %ge3A : i32
      %sub3A = arith.constant 1 : i32
      %sub3A_167 = arith.subi %scan3A_164, %sub3A : i32
      %mul3A_168 = arith.constant 16 : i32
      %mul3A_169 = arith.muli %arg0, %mul3A_168 : i32
      %add3A_170 = arith.addi %mul3A_169, %arg1 : i32
      %mul3A_171 = arith.constant 32 : i32
      %mul3A_172 = arith.muli %sub3A_167, %mul3A_171 : i32
      %add3A_173 = arith.addi %add3A_170, %mul3A_172 : i32
      %lt3A_174 = arith.constant 1250 : i32
      %lt3A_175 = arith.cmpi slt, %add3A_173, %lt3A_174 : i32
      %and3A = arith.andi %ge3A_166, %lt3A_175 : i1
      %convert_element_type3A_176 = arith.extui %and3A : i1 to i32
      %cond3A_177 = arith.constant 0 : i32
      %cond3A_178 = arith.cmpi ne, %convert_element_type3A_176, %cond3A_177 : i32
      scf.if %cond3A_178 {
        %sub3A_340 = arith.constant 1 : i32
        %sub3A_341 = arith.subi %scan3A_164, %sub3A_340 : i32
        %jit3A_342 = arith.constant 2 : i32
        %eq3A_343 = arith.constant 0 : i32
        %eq3A_344 = arith.cmpi eq, %jit3A_342, %eq3A_343 : i32
        %jit3A_345 = arith.constant 1 : i32
        %select_n3A_346 = arith.select %eq3A_344, %jit3A_345, %jit3A_342 : i32
        %rem3A_347 = arith.remsi %sub3A_341, %select_n3A_346 : i32
        %ne3A_348 = arith.constant 0 : i32
        %ne3A_349 = arith.cmpi ne, %rem3A_347, %ne3A_348 : i32
        %lt3A_350 = arith.constant 0 : i32
        %lt3A_351 = arith.cmpi slt, %rem3A_347, %lt3A_350 : i32
        %lt3A_352 = arith.constant 0 : i32
        %lt3A_353 = arith.cmpi slt, %select_n3A_346, %lt3A_352 : i32
        %ne3A_354 = arith.xori %lt3A_351, %lt3A_353 : i1
        %and3A_355 = arith.andi %ne3A_354, %ne3A_349 : i1
        %add3A_356 = arith.addi %rem3A_347, %select_n3A_346 : i32
        %select_n3A_357 = arith.select %and3A_355, %add3A_356, %rem3A_347 : i32
        %jit3A_358 = arith.constant 4 : i32
        %eq3A_359 = arith.constant 0 : i32
        %eq3A_360 = arith.cmpi eq, %jit3A_358, %eq3A_359 : i32
        %jit3A_361 = arith.constant 1 : i32
        %select_n3A_362 = arith.select %eq3A_360, %jit3A_361, %jit3A_358 : i32
        %rem3A_363 = arith.remsi %sub3A_341, %select_n3A_362 : i32
        %ne3A_364 = arith.constant 0 : i32
        %ne3A_365 = arith.cmpi ne, %rem3A_363, %ne3A_364 : i32
        %lt3A_366 = arith.constant 0 : i32
        %lt3A_367 = arith.cmpi slt, %rem3A_363, %lt3A_366 : i32
        %lt3A_368 = arith.constant 0 : i32
        %lt3A_369 = arith.cmpi slt, %select_n3A_362, %lt3A_368 : i32
        %ne3A_370 = arith.xori %lt3A_367, %lt3A_369 : i1
        %and3A_371 = arith.andi %ne3A_370, %ne3A_365 : i1
        %add3A_372 = arith.addi %rem3A_363, %select_n3A_362 : i32
        %select_n3A_373 = arith.select %and3A_371, %add3A_372, %rem3A_363 : i32
        %jit3A_374 = arith.constant 2 : i32
        %eq3A_375 = arith.constant 0 : i32
        %eq3A_376 = arith.cmpi eq, %jit3A_374, %eq3A_375 : i32
        %jit3A_377 = arith.constant 1 : i32
        %select_n3A_378 = arith.select %eq3A_376, %jit3A_377, %jit3A_374 : i32
        %rem3A_379 = arith.remsi %sub3A_341, %select_n3A_378 : i32
        %ne3A_380 = arith.constant 0 : i32
        %ne3A_381 = arith.cmpi ne, %rem3A_379, %ne3A_380 : i32
        %lt3A_382 = arith.constant 0 : i32
        %lt3A_383 = arith.cmpi slt, %rem3A_379, %lt3A_382 : i32
        %lt3A_384 = arith.constant 0 : i32
        %lt3A_385 = arith.cmpi slt, %select_n3A_378, %lt3A_384 : i32
        %ne3A_386 = arith.xori %lt3A_383, %lt3A_385 : i1
        %and3A_387 = arith.andi %ne3A_386, %ne3A_381 : i1
        %add3A_388 = arith.addi %rem3A_379, %select_n3A_378 : i32
        %select_n3A_389 = arith.select %and3A_387, %add3A_388, %rem3A_379 : i32
        %dma_wait3A_390 = arith.constant 2 : i32
        %dma_wait3A_391 = arith.constant 0 : i32
        %dma_wait3A_392 = arith.constant 0 : i32
        %dma_wait3A_393 = tpu.memref_slice %arg7[%select_n3A_357, %dma_wait3A_391, %dma_wait3A_392] : memref<2x128x128xf32, #tpu.memory_space<vmem>> -> memref<1x128x128xf32, #tpu.memory_space<vmem>>
        %dma_wait3A_394 = tpu.memref_squeeze %dma_wait3A_393 : memref<1x128x128xf32, #tpu.memory_space<vmem>> -> memref<128x128xf32, #tpu.memory_space<vmem>>
        %dma_wait3A_395 = arith.constant 0 : i32
        %dma_wait3A_396 = tpu.memref_slice %arg9[%select_n3A_373, %dma_wait3A_390, %dma_wait3A_395] : memref<4x4x128xi32, #tpu.memory_space<vmem>> -> memref<1x1x128xi32, #tpu.memory_space<vmem>>
        %dma_wait3A_397 = tpu.memref_squeeze %dma_wait3A_396 : memref<1x1x128xi32, #tpu.memory_space<vmem>> -> memref<128xi32, #tpu.memory_space<vmem>>
        %dma_wait3A_398 = arith.constant 0 : i32
        %dma_wait3A_399 = arith.constant 0 : i32
        %dma_wait3A_400 = tpu.memref_slice %arg6[%dma_wait3A_398, %dma_wait3A_399] : memref<10000x128xf32, #tpu.memory_space<vmem_shared>> -> memref<10000x128xf32, #tpu.memory_space<vmem_shared>>
        %dma_wait3A_401 = tpu.memref_slice %arg12[%select_n3A_389] : memref<2x!tpu.dma_semaphore, #tpu.memory_space<semaphore_mem>> -> memref<1x!tpu.dma_semaphore, #tpu.memory_space<semaphore_mem>>
        %dma_wait3A_402 = tpu.memref_squeeze %dma_wait3A_401 : memref<1x!tpu.dma_semaphore, #tpu.memory_space<semaphore_mem>> -> memref<!tpu.dma_semaphore, #tpu.memory_space<semaphore_mem>>
        tpu.wait_indirect_dma semaphore(%dma_wait3A_402 : memref<!tpu.dma_semaphore, #tpu.memory_space<semaphore_mem>>) src(%dma_wait3A_394 : memref<128x128xf32, #tpu.memory_space<vmem>>) dst(%dma_wait3A_400 : memref<10000x128xf32, #tpu.memory_space<vmem_shared>>)
      } else {
      }
      %add3A_179 = arith.constant 1 : i32
      %add3A_180 = arith.addi %scan3A_164, %add3A_179 : i32
      %lt3A_181 = arith.constant 40 : i32
      %lt3A_182 = arith.cmpi slt, %add3A_180, %lt3A_181 : i32
      %convert_element_type3A_183 = arith.extui %lt3A_182 : i1 to i32
      %cond3A_184 = arith.constant 0 : i32
      %cond3A_185 = arith.cmpi ne, %convert_element_type3A_183, %cond3A_184 : i32
      scf.if %cond3A_185 {
        %add3A_340 = arith.constant 1 : i32
        %add3A_341 = arith.addi %scan3A_164, %add3A_340 : i32
        %mul3A_342 = arith.constant 16 : i32
        %mul3A_343 = arith.muli %arg0, %mul3A_342 : i32
        %add3A_344 = arith.addi %mul3A_343, %arg1 : i32
        %mul3A_345 = arith.constant 32 : i32
        %mul3A_346 = arith.muli %add3A_341, %mul3A_345 : i32
        %add3A_347 = arith.addi %add3A_344, %mul3A_346 : i32
        %min3A_348 = arith.constant 1249 : i32
        %min3A_349 = arith.minsi %add3A_347, %min3A_348 : i32
        %jit3A_350 = arith.constant 4 : i32
        %eq3A_351 = arith.constant 0 : i32
        %eq3A_352 = arith.cmpi eq, %jit3A_350, %eq3A_351 : i32
        %jit3A_353 = arith.constant 1 : i32
        %select_n3A_354 = arith.select %eq3A_352, %jit3A_353, %jit3A_350 : i32
        %rem3A_355 = arith.remsi %add3A_341, %select_n3A_354 : i32
        %ne3A_356 = arith.constant 0 : i32
        %ne3A_357 = arith.cmpi ne, %rem3A_355, %ne3A_356 : i32
        %lt3A_358 = arith.constant 0 : i32
        %lt3A_359 = arith.cmpi slt, %rem3A_355, %lt3A_358 : i32
        %lt3A_360 = arith.constant 0 : i32
        %lt3A_361 = arith.cmpi slt, %select_n3A_354, %lt3A_360 : i32
        %ne3A_362 = arith.xori %lt3A_359, %lt3A_361 : i1
        %and3A_363 = arith.andi %ne3A_362, %ne3A_357 : i1
        %add3A_364 = arith.addi %rem3A_355, %select_n3A_354 : i32
        %select_n3A_365 = arith.select %and3A_363, %add3A_364, %rem3A_355 : i32
        %jit3A_366 = arith.constant 4 : i32
        %eq3A_367 = arith.constant 0 : i32
        %eq3A_368 = arith.cmpi eq, %jit3A_366, %eq3A_367 : i32
        %jit3A_369 = arith.constant 1 : i32
        %select_n3A_370 = arith.select %eq3A_368, %jit3A_369, %jit3A_366 : i32
        %rem3A_371 = arith.remsi %add3A_341, %select_n3A_370 : i32
        %ne3A_372 = arith.constant 0 : i32
        %ne3A_373 = arith.cmpi ne, %rem3A_371, %ne3A_372 : i32
        %lt3A_374 = arith.constant 0 : i32
        %lt3A_375 = arith.cmpi slt, %rem3A_371, %lt3A_374 : i32
        %lt3A_376 = arith.constant 0 : i32
        %lt3A_377 = arith.cmpi slt, %select_n3A_370, %lt3A_376 : i32
        %ne3A_378 = arith.xori %lt3A_375, %lt3A_377 : i1
        %and3A_379 = arith.andi %ne3A_378, %ne3A_373 : i1
        %add3A_380 = arith.addi %rem3A_371, %select_n3A_370 : i32
        %select_n3A_381 = arith.select %and3A_379, %add3A_380, %rem3A_371 : i32
        %dma_wait3A_382 = arith.constant 0 : i32
        %dma_wait3A_383 = arith.constant 0 : i32
        %dma_wait3A_384 = tpu.memref_slice %arg9[%select_n3A_365, %dma_wait3A_382, %dma_wait3A_383] : memref<4x4x128xi32, #tpu.memory_space<vmem>> -> memref<1x4x128xi32, #tpu.memory_space<vmem>>
        %dma_wait3A_385 = tpu.memref_squeeze %dma_wait3A_384 : memref<1x4x128xi32, #tpu.memory_space<vmem>> -> memref<4x128xi32, #tpu.memory_space<vmem>>
        %dma_wait3A_386 = arith.constant 0 : i32
        %dma_wait3A_387 = arith.constant 0 : i32
        %dma_wait3A_388 = tpu.memref_slice %arg4[%min3A_349, %dma_wait3A_386, %dma_wait3A_387] : memref<1250x4x128xi32, #tpu.memory_space<hbm>> -> memref<1x4x128xi32, #tpu.memory_space<hbm>>
        %dma_wait3A_389 = tpu.memref_squeeze %dma_wait3A_388 : memref<1x4x128xi32, #tpu.memory_space<hbm>> -> memref<4x128xi32, #tpu.memory_space<hbm>>
        %dma_wait3A_390 = tpu.memref_slice %arg10[%select_n3A_381] : memref<4x!tpu.dma_semaphore, #tpu.memory_space<semaphore_mem>> -> memref<1x!tpu.dma_semaphore, #tpu.memory_space<semaphore_mem>>
        %dma_wait3A_391 = tpu.memref_squeeze %dma_wait3A_390 : memref<1x!tpu.dma_semaphore, #tpu.memory_space<semaphore_mem>> -> memref<!tpu.dma_semaphore, #tpu.memory_space<semaphore_mem>>
        %dma_wait3A_392 = arith.constant 0 : i32
        %dma_wait3A_393 = arith.constant 0 : i32
        %dma_wait3A_394 = tpu.memref_slice %arg9[%select_n3A_365, %dma_wait3A_392, %dma_wait3A_393] : memref<4x4x128xi32, #tpu.memory_space<vmem>> -> memref<1x4x128xi32, #tpu.memory_space<vmem>>
        %dma_wait3A_395 = tpu.memref_squeeze %dma_wait3A_394 : memref<1x4x128xi32, #tpu.memory_space<vmem>> -> memref<4x128xi32, #tpu.memory_space<vmem>>
        %dma_wait3A_396 = arith.constant 0 : i32
        %dma_wait3A_397 = arith.constant 0 : i32
        %dma_wait3A_398 = tpu.memref_slice %arg4[%min3A_349, %dma_wait3A_396, %dma_wait3A_397] : memref<1250x4x128xi32, #tpu.memory_space<hbm>> -> memref<1x4x128xi32, #tpu.memory_space<hbm>>
        %dma_wait3A_399 = tpu.memref_squeeze %dma_wait3A_398 : memref<1x4x128xi32, #tpu.memory_space<hbm>> -> memref<4x128xi32, #tpu.memory_space<hbm>>
        tpu.wait_dma2 semaphore(%dma_wait3A_391 : memref<!tpu.dma_semaphore, #tpu.memory_space<semaphore_mem>>) src(%dma_wait3A_399 : memref<4x128xi32, #tpu.memory_space<hbm>>) dst(%dma_wait3A_395 : memref<4x128xi32, #tpu.memory_space<vmem>>)
        %add3A_400 = arith.constant 1 : i32
        %add3A_401 = arith.addi %scan3A_164, %add3A_400 : i32
        %jit3A_402 = arith.constant 4 : i32
        %eq3A_403 = arith.constant 0 : i32
        %eq3A_404 = arith.cmpi eq, %jit3A_402, %eq3A_403 : i32
        %jit3A_405 = arith.constant 1 : i32
        %select_n3A_406 = arith.select %eq3A_404, %jit3A_405, %jit3A_402 : i32
        %rem3A_407 = arith.remsi %add3A_401, %select_n3A_406 : i32
        %ne3A_408 = arith.constant 0 : i32
        %ne3A_409 = arith.cmpi ne, %rem3A_407, %ne3A_408 : i32
        %lt3A_410 = arith.constant 0 : i32
        %lt3A_411 = arith.cmpi slt, %rem3A_407, %lt3A_410 : i32
        %lt3A_412 = arith.constant 0 : i32
        %lt3A_413 = arith.cmpi slt, %select_n3A_406, %lt3A_412 : i32
        %ne3A_414 = arith.xori %lt3A_411, %lt3A_413 : i1
        %and3A_415 = arith.andi %ne3A_414, %ne3A_409 : i1
        %add3A_416 = arith.addi %rem3A_407, %select_n3A_406 : i32
        %select_n3A_417 = arith.select %and3A_415, %add3A_416, %rem3A_407 : i32
        %jit3A_418 = arith.constant 2 : i32
        %eq3A_419 = arith.constant 0 : i32
        %eq3A_420 = arith.cmpi eq, %jit3A_418, %eq3A_419 : i32
        %jit3A_421 = arith.constant 1 : i32
        %select_n3A_422 = arith.select %eq3A_420, %jit3A_421, %jit3A_418 : i32
        %rem3A_423 = arith.remsi %add3A_401, %select_n3A_422 : i32
        %ne3A_424 = arith.constant 0 : i32
        %ne3A_425 = arith.cmpi ne, %rem3A_423, %ne3A_424 : i32
        %lt3A_426 = arith.constant 0 : i32
        %lt3A_427 = arith.cmpi slt, %rem3A_423, %lt3A_426 : i32
        %lt3A_428 = arith.constant 0 : i32
        %lt3A_429 = arith.cmpi slt, %select_n3A_422, %lt3A_428 : i32
        %ne3A_430 = arith.xori %lt3A_427, %lt3A_429 : i1
        %and3A_431 = arith.andi %ne3A_430, %ne3A_425 : i1
        %add3A_432 = arith.addi %rem3A_423, %select_n3A_422 : i32
        %select_n3A_433 = arith.select %and3A_431, %add3A_432, %rem3A_423 : i32
        %jit3A_434 = arith.constant 2 : i32
        %eq3A_435 = arith.constant 0 : i32
        %eq3A_436 = arith.cmpi eq, %jit3A_434, %eq3A_435 : i32
        %jit3A_437 = arith.constant 1 : i32
        %select_n3A_438 = arith.select %eq3A_436, %jit3A_437, %jit3A_434 : i32
        %rem3A_439 = arith.remsi %add3A_401, %select_n3A_438 : i32
        %ne3A_440 = arith.constant 0 : i32
        %ne3A_441 = arith.cmpi ne, %rem3A_439, %ne3A_440 : i32
        %lt3A_442 = arith.constant 0 : i32
        %lt3A_443 = arith.cmpi slt, %rem3A_439, %lt3A_442 : i32
        %lt3A_444 = arith.constant 0 : i32
        %lt3A_445 = arith.cmpi slt, %select_n3A_438, %lt3A_444 : i32
        %ne3A_446 = arith.xori %lt3A_443, %lt3A_445 : i1
        %and3A_447 = arith.andi %ne3A_446, %ne3A_441 : i1
        %add3A_448 = arith.addi %rem3A_439, %select_n3A_438 : i32
        %select_n3A_449 = arith.select %and3A_447, %add3A_448, %rem3A_439 : i32
        %dma_start3A_450 = arith.constant 0 : i32
        %dma_start3A_451 = arith.constant 0 : i32
        %dma_start3A_452 = arith.constant 0 : i32
        %dma_start3A_453 = tpu.memref_slice %arg7[%select_n3A_433, %dma_start3A_451, %dma_start3A_452] : memref<2x128x128xf32, #tpu.memory_space<vmem>> -> memref<1x128x128xf32, #tpu.memory_space<vmem>>
        %dma_start3A_454 = tpu.memref_squeeze %dma_start3A_453 : memref<1x128x128xf32, #tpu.memory_space<vmem>> -> memref<128x128xf32, #tpu.memory_space<vmem>>
        %dma_start3A_455 = arith.constant 0 : i32
        %dma_start3A_456 = tpu.memref_slice %arg9[%select_n3A_417, %dma_start3A_450, %dma_start3A_455] : memref<4x4x128xi32, #tpu.memory_space<vmem>> -> memref<1x1x128xi32, #tpu.memory_space<vmem>>
        %dma_start3A_457 = tpu.memref_squeeze %dma_start3A_456 : memref<1x1x128xi32, #tpu.memory_space<vmem>> -> memref<128xi32, #tpu.memory_space<vmem>>
        %dma_start3A_458 = arith.constant 0 : i32
        %dma_start3A_459 = arith.constant 0 : i32
        %dma_start3A_460 = tpu.memref_slice %arg2[%dma_start3A_458, %dma_start3A_459] : memref<40000x128xf32, #tpu.memory_space<hbm>> -> memref<40000x128xf32, #tpu.memory_space<hbm>>
        %dma_start3A_461 = tpu.memref_slice %arg11[%select_n3A_449] : memref<2x!tpu.dma_semaphore, #tpu.memory_space<semaphore_mem>> -> memref<1x!tpu.dma_semaphore, #tpu.memory_space<semaphore_mem>>
        %dma_start3A_462 = tpu.memref_squeeze %dma_start3A_461 : memref<1x!tpu.dma_semaphore, #tpu.memory_space<semaphore_mem>> -> memref<!tpu.dma_semaphore, #tpu.memory_space<semaphore_mem>>
        tpu.enqueue_indirect_dma source(%dma_start3A_460 : memref<40000x128xf32, #tpu.memory_space<hbm>>) target(%dma_start3A_454 : memref<128x128xf32, #tpu.memory_space<vmem>>) offsets(%dma_start3A_457 : memref<128xi32, #tpu.memory_space<vmem>>) semaphore(%dma_start3A_462 : memref<!tpu.dma_semaphore, #tpu.memory_space<semaphore_mem>>)
        %mul3A_463 = arith.constant 16 : i32
        %mul3A_464 = arith.muli %arg0, %mul3A_463 : i32
        %add3A_465 = arith.addi %mul3A_464, %arg1 : i32
        %mul3A_466 = arith.constant 32 : i32
        %mul3A_467 = arith.muli %add3A_401, %mul3A_466 : i32
        %add3A_468 = arith.addi %add3A_465, %mul3A_467 : i32
        %min3A_469 = arith.constant 1249 : i32
        %min3A_470 = arith.minsi %add3A_468, %min3A_469 : i32
        %mul3A_471 = arith.constant 16 : i32
        %mul3A_472 = arith.muli %min3A_470, %mul3A_471 : i32
        %jit3A_473 = arith.constant 2 : i32
        %eq3A_474 = arith.constant 0 : i32
        %eq3A_475 = arith.cmpi eq, %jit3A_473, %eq3A_474 : i32
        %jit3A_476 = arith.constant 1 : i32
        %select_n3A_477 = arith.select %eq3A_475, %jit3A_476, %jit3A_473 : i32
        %rem3A_478 = arith.remsi %add3A_401, %select_n3A_477 : i32
        %ne3A_479 = arith.constant 0 : i32
        %ne3A_480 = arith.cmpi ne, %rem3A_478, %ne3A_479 : i32
        %lt3A_481 = arith.constant 0 : i32
        %lt3A_482 = arith.cmpi slt, %rem3A_478, %lt3A_481 : i32
        %lt3A_483 = arith.constant 0 : i32
        %lt3A_484 = arith.cmpi slt, %select_n3A_477, %lt3A_483 : i32
        %ne3A_485 = arith.xori %lt3A_482, %lt3A_484 : i1
        %and3A_486 = arith.andi %ne3A_485, %ne3A_480 : i1
        %add3A_487 = arith.addi %rem3A_478, %select_n3A_477 : i32
        %select_n3A_488 = arith.select %and3A_486, %add3A_487, %rem3A_478 : i32
        %jit3A_489 = arith.constant 2 : i32
        %eq3A_490 = arith.constant 0 : i32
        %eq3A_491 = arith.cmpi eq, %jit3A_489, %eq3A_490 : i32
        %jit3A_492 = arith.constant 1 : i32
        %select_n3A_493 = arith.select %eq3A_491, %jit3A_492, %jit3A_489 : i32
        %rem3A_494 = arith.remsi %add3A_401, %select_n3A_493 : i32
        %ne3A_495 = arith.constant 0 : i32
        %ne3A_496 = arith.cmpi ne, %rem3A_494, %ne3A_495 : i32
        %lt3A_497 = arith.constant 0 : i32
        %lt3A_498 = arith.cmpi slt, %rem3A_494, %lt3A_497 : i32
        %lt3A_499 = arith.constant 0 : i32
        %lt3A_500 = arith.cmpi slt, %select_n3A_493, %lt3A_499 : i32
        %ne3A_501 = arith.xori %lt3A_498, %lt3A_500 : i1
        %and3A_502 = arith.andi %ne3A_501, %ne3A_496 : i1
        %add3A_503 = arith.addi %rem3A_494, %select_n3A_493 : i32
        %select_n3A_504 = arith.select %and3A_502, %add3A_503, %rem3A_494 : i32
        %dma_start3A_505 = arith.constant 0 : i32
        %dma_start3A_506 = arith.constant 0 : i32
        %dma_start3A_507 = tpu.memref_slice %arg8[%select_n3A_488, %dma_start3A_505, %dma_start3A_506] : memref<2x16x128xf32, #tpu.memory_space<vmem>> -> memref<1x16x128xf32, #tpu.memory_space<vmem>>
        %dma_start3A_508 = tpu.memref_squeeze %dma_start3A_507 : memref<1x16x128xf32, #tpu.memory_space<vmem>> -> memref<16x128xf32, #tpu.memory_space<vmem>>
        %dma_start3A_509 = arith.constant 0 : i32
        %dma_start3A_510 = tpu.memref_slice %arg3[%mul3A_472, %dma_start3A_509] : memref<20000x128xf32, #tpu.memory_space<hbm>> -> memref<16x128xf32, #tpu.memory_space<hbm>>
        %dma_start3A_511 = tpu.memref_slice %arg11[%select_n3A_504] : memref<2x!tpu.dma_semaphore, #tpu.memory_space<semaphore_mem>> -> memref<1x!tpu.dma_semaphore, #tpu.memory_space<semaphore_mem>>
        %dma_start3A_512 = tpu.memref_squeeze %dma_start3A_511 : memref<1x!tpu.dma_semaphore, #tpu.memory_space<semaphore_mem>> -> memref<!tpu.dma_semaphore, #tpu.memory_space<semaphore_mem>>
        %dma_start3A_513 = arith.constant 0 : i32
        %dma_start3A_514 = arith.constant 0 : i32
        %dma_start3A_515 = tpu.memref_slice %arg8[%select_n3A_488, %dma_start3A_513, %dma_start3A_514] : memref<2x16x128xf32, #tpu.memory_space<vmem>> -> memref<1x16x128xf32, #tpu.memory_space<vmem>>
        %dma_start3A_516 = tpu.memref_squeeze %dma_start3A_515 : memref<1x16x128xf32, #tpu.memory_space<vmem>> -> memref<16x128xf32, #tpu.memory_space<vmem>>
        %dma_start3A_517 = arith.constant 0 : i32
        %dma_start3A_518 = tpu.memref_slice %arg3[%mul3A_472, %dma_start3A_517] : memref<20000x128xf32, #tpu.memory_space<hbm>> -> memref<16x128xf32, #tpu.memory_space<hbm>>
        tpu.enqueue_dma source(%dma_start3A_518 : memref<16x128xf32, #tpu.memory_space<hbm>>) target(%dma_start3A_516 : memref<16x128xf32, #tpu.memory_space<vmem>>) target_semaphore(%dma_start3A_512 : memref<!tpu.dma_semaphore, #tpu.memory_space<semaphore_mem>>)
      } else {
      }
      %add3A_186 = arith.constant 2 : i32
      %add3A_187 = arith.addi %scan3A_164, %add3A_186 : i32
      %lt3A_188 = arith.constant 40 : i32
      %lt3A_189 = arith.cmpi slt, %add3A_187, %lt3A_188 : i32
      %convert_element_type3A_190 = arith.extui %lt3A_189 : i1 to i32
      %cond3A_191 = arith.constant 0 : i32
      %cond3A_192 = arith.cmpi ne, %convert_element_type3A_190, %cond3A_191 : i32
      scf.if %cond3A_192 {
        %add3A_340 = arith.constant 2 : i32
        %add3A_341 = arith.addi %scan3A_164, %add3A_340 : i32
        %mul3A_342 = arith.constant 16 : i32
        %mul3A_343 = arith.muli %arg0, %mul3A_342 : i32
        %add3A_344 = arith.addi %mul3A_343, %arg1 : i32
        %mul3A_345 = arith.constant 32 : i32
        %mul3A_346 = arith.muli %add3A_341, %mul3A_345 : i32
        %add3A_347 = arith.addi %add3A_344, %mul3A_346 : i32
        %min3A_348 = arith.constant 1249 : i32
        %min3A_349 = arith.minsi %add3A_347, %min3A_348 : i32
        %jit3A_350 = arith.constant 4 : i32
        %eq3A_351 = arith.constant 0 : i32
        %eq3A_352 = arith.cmpi eq, %jit3A_350, %eq3A_351 : i32
        %jit3A_353 = arith.constant 1 : i32
        %select_n3A_354 = arith.select %eq3A_352, %jit3A_353, %jit3A_350 : i32
        %rem3A_355 = arith.remsi %add3A_341, %select_n3A_354 : i32
        %ne3A_356 = arith.constant 0 : i32
        %ne3A_357 = arith.cmpi ne, %rem3A_355, %ne3A_356 : i32
        %lt3A_358 = arith.constant 0 : i32
        %lt3A_359 = arith.cmpi slt, %rem3A_355, %lt3A_358 : i32
        %lt3A_360 = arith.constant 0 : i32
        %lt3A_361 = arith.cmpi slt, %select_n3A_354, %lt3A_360 : i32
        %ne3A_362 = arith.xori %lt3A_359, %lt3A_361 : i1
        %and3A_363 = arith.andi %ne3A_362, %ne3A_357 : i1
        %add3A_364 = arith.addi %rem3A_355, %select_n3A_354 : i32
        %select_n3A_365 = arith.select %and3A_363, %add3A_364, %rem3A_355 : i32
        %jit3A_366 = arith.constant 4 : i32
        %eq3A_367 = arith.constant 0 : i32
        %eq3A_368 = arith.cmpi eq, %jit3A_366, %eq3A_367 : i32
        %jit3A_369 = arith.constant 1 : i32
        %select_n3A_370 = arith.select %eq3A_368, %jit3A_369, %jit3A_366 : i32
        %rem3A_371 = arith.remsi %add3A_341, %select_n3A_370 : i32
        %ne3A_372 = arith.constant 0 : i32
        %ne3A_373 = arith.cmpi ne, %rem3A_371, %ne3A_372 : i32
        %lt3A_374 = arith.constant 0 : i32
        %lt3A_375 = arith.cmpi slt, %rem3A_371, %lt3A_374 : i32
        %lt3A_376 = arith.constant 0 : i32
        %lt3A_377 = arith.cmpi slt, %select_n3A_370, %lt3A_376 : i32
        %ne3A_378 = arith.xori %lt3A_375, %lt3A_377 : i1
        %and3A_379 = arith.andi %ne3A_378, %ne3A_373 : i1
        %add3A_380 = arith.addi %rem3A_371, %select_n3A_370 : i32
        %select_n3A_381 = arith.select %and3A_379, %add3A_380, %rem3A_371 : i32
        %dma_start3A_382 = arith.constant 0 : i32
        %dma_start3A_383 = arith.constant 0 : i32
        %dma_start3A_384 = tpu.memref_slice %arg9[%select_n3A_365, %dma_start3A_382, %dma_start3A_383] : memref<4x4x128xi32, #tpu.memory_space<vmem>> -> memref<1x4x128xi32, #tpu.memory_space<vmem>>
        %dma_start3A_385 = tpu.memref_squeeze %dma_start3A_384 : memref<1x4x128xi32, #tpu.memory_space<vmem>> -> memref<4x128xi32, #tpu.memory_space<vmem>>
        %dma_start3A_386 = arith.constant 0 : i32
        %dma_start3A_387 = arith.constant 0 : i32
        %dma_start3A_388 = tpu.memref_slice %arg4[%min3A_349, %dma_start3A_386, %dma_start3A_387] : memref<1250x4x128xi32, #tpu.memory_space<hbm>> -> memref<1x4x128xi32, #tpu.memory_space<hbm>>
        %dma_start3A_389 = tpu.memref_squeeze %dma_start3A_388 : memref<1x4x128xi32, #tpu.memory_space<hbm>> -> memref<4x128xi32, #tpu.memory_space<hbm>>
        %dma_start3A_390 = tpu.memref_slice %arg10[%select_n3A_381] : memref<4x!tpu.dma_semaphore, #tpu.memory_space<semaphore_mem>> -> memref<1x!tpu.dma_semaphore, #tpu.memory_space<semaphore_mem>>
        %dma_start3A_391 = tpu.memref_squeeze %dma_start3A_390 : memref<1x!tpu.dma_semaphore, #tpu.memory_space<semaphore_mem>> -> memref<!tpu.dma_semaphore, #tpu.memory_space<semaphore_mem>>
        %dma_start3A_392 = arith.constant 0 : i32
        %dma_start3A_393 = arith.constant 0 : i32
        %dma_start3A_394 = tpu.memref_slice %arg9[%select_n3A_365, %dma_start3A_392, %dma_start3A_393] : memref<4x4x128xi32, #tpu.memory_space<vmem>> -> memref<1x4x128xi32, #tpu.memory_space<vmem>>
        %dma_start3A_395 = tpu.memref_squeeze %dma_start3A_394 : memref<1x4x128xi32, #tpu.memory_space<vmem>> -> memref<4x128xi32, #tpu.memory_space<vmem>>
        %dma_start3A_396 = arith.constant 0 : i32
        %dma_start3A_397 = arith.constant 0 : i32
        %dma_start3A_398 = tpu.memref_slice %arg4[%min3A_349, %dma_start3A_396, %dma_start3A_397] : memref<1250x4x128xi32, #tpu.memory_space<hbm>> -> memref<1x4x128xi32, #tpu.memory_space<hbm>>
        %dma_start3A_399 = tpu.memref_squeeze %dma_start3A_398 : memref<1x4x128xi32, #tpu.memory_space<hbm>> -> memref<4x128xi32, #tpu.memory_space<hbm>>
        tpu.enqueue_dma source(%dma_start3A_399 : memref<4x128xi32, #tpu.memory_space<hbm>>) target(%dma_start3A_395 : memref<4x128xi32, #tpu.memory_space<vmem>>) target_semaphore(%dma_start3A_391 : memref<!tpu.dma_semaphore, #tpu.memory_space<semaphore_mem>>)
      } else {
      }
      %jit3A = arith.constant 4 : i32
      %eq3A = arith.constant 0 : i32
      %eq3A_193 = arith.cmpi eq, %jit3A, %eq3A : i32
      %jit3A_194 = arith.constant 1 : i32
      %select_n3A = arith.select %eq3A_193, %jit3A_194, %jit3A : i32
      %rem3A = arith.remsi %scan3A_164, %select_n3A : i32
      %ne3A = arith.constant 0 : i32
      %ne3A_195 = arith.cmpi ne, %rem3A, %ne3A : i32
      %lt3A_196 = arith.constant 0 : i32
      %lt3A_197 = arith.cmpi slt, %rem3A, %lt3A_196 : i32
      %lt3A_198 = arith.constant 0 : i32
      %lt3A_199 = arith.cmpi slt, %select_n3A, %lt3A_198 : i32
      %ne3A_200 = arith.xori %lt3A_197, %lt3A_199 : i1
      %and3A_201 = arith.andi %ne3A_200, %ne3A_195 : i1
      %add3A_202 = arith.addi %rem3A, %select_n3A : i32
      %select_n3A_203 = arith.select %and3A_201, %add3A_202, %rem3A : i32
      %jit3A_204 = arith.constant 2 : i32
      %eq3A_205 = arith.constant 0 : i32
      %eq3A_206 = arith.cmpi eq, %jit3A_204, %eq3A_205 : i32
      %jit3A_207 = arith.constant 1 : i32
      %select_n3A_208 = arith.select %eq3A_206, %jit3A_207, %jit3A_204 : i32
      %rem3A_209 = arith.remsi %scan3A_164, %select_n3A_208 : i32
      %ne3A_210 = arith.constant 0 : i32
      %ne3A_211 = arith.cmpi ne, %rem3A_209, %ne3A_210 : i32
      %lt3A_212 = arith.constant 0 : i32
      %lt3A_213 = arith.cmpi slt, %rem3A_209, %lt3A_212 : i32
      %lt3A_214 = arith.constant 0 : i32
      %lt3A_215 = arith.cmpi slt, %select_n3A_208, %lt3A_214 : i32
      %ne3A_216 = arith.xori %lt3A_213, %lt3A_215 : i1
      %and3A_217 = arith.andi %ne3A_216, %ne3A_211 : i1
      %add3A_218 = arith.addi %rem3A_209, %select_n3A_208 : i32
      %select_n3A_219 = arith.select %and3A_217, %add3A_218, %rem3A_209 : i32
      %jit3A_220 = arith.constant 2 : i32
      %eq3A_221 = arith.constant 0 : i32
      %eq3A_222 = arith.cmpi eq, %jit3A_220, %eq3A_221 : i32
      %jit3A_223 = arith.constant 1 : i32
      %select_n3A_224 = arith.select %eq3A_222, %jit3A_223, %jit3A_220 : i32
      %rem3A_225 = arith.remsi %scan3A_164, %select_n3A_224 : i32
      %ne3A_226 = arith.constant 0 : i32
      %ne3A_227 = arith.cmpi ne, %rem3A_225, %ne3A_226 : i32
      %lt3A_228 = arith.constant 0 : i32
      %lt3A_229 = arith.cmpi slt, %rem3A_225, %lt3A_228 : i32
      %lt3A_230 = arith.constant 0 : i32
      %lt3A_231 = arith.cmpi slt, %select_n3A_224, %lt3A_230 : i32
      %ne3A_232 = arith.xori %lt3A_229, %lt3A_231 : i1
      %and3A_233 = arith.andi %ne3A_232, %ne3A_227 : i1
      %add3A_234 = arith.addi %rem3A_225, %select_n3A_224 : i32
      %select_n3A_235 = arith.select %and3A_233, %add3A_234, %rem3A_225 : i32
      %dma_wait3A_236 = arith.constant 0 : i32
      %dma_wait3A_237 = arith.constant 0 : i32
      %dma_wait3A_238 = arith.constant 0 : i32
      %dma_wait3A_239 = tpu.memref_slice %arg7[%select_n3A_219, %dma_wait3A_237, %dma_wait3A_238] : memref<2x128x128xf32, #tpu.memory_space<vmem>> -> memref<1x128x128xf32, #tpu.memory_space<vmem>>
      %dma_wait3A_240 = tpu.memref_squeeze %dma_wait3A_239 : memref<1x128x128xf32, #tpu.memory_space<vmem>> -> memref<128x128xf32, #tpu.memory_space<vmem>>
      %dma_wait3A_241 = arith.constant 0 : i32
      %dma_wait3A_242 = tpu.memref_slice %arg9[%select_n3A_203, %dma_wait3A_236, %dma_wait3A_241] : memref<4x4x128xi32, #tpu.memory_space<vmem>> -> memref<1x1x128xi32, #tpu.memory_space<vmem>>
      %dma_wait3A_243 = tpu.memref_squeeze %dma_wait3A_242 : memref<1x1x128xi32, #tpu.memory_space<vmem>> -> memref<128xi32, #tpu.memory_space<vmem>>
      %dma_wait3A_244 = arith.constant 0 : i32
      %dma_wait3A_245 = arith.constant 0 : i32
      %dma_wait3A_246 = tpu.memref_slice %arg2[%dma_wait3A_244, %dma_wait3A_245] : memref<40000x128xf32, #tpu.memory_space<hbm>> -> memref<40000x128xf32, #tpu.memory_space<hbm>>
      %dma_wait3A_247 = tpu.memref_slice %arg11[%select_n3A_235] : memref<2x!tpu.dma_semaphore, #tpu.memory_space<semaphore_mem>> -> memref<1x!tpu.dma_semaphore, #tpu.memory_space<semaphore_mem>>
      %dma_wait3A_248 = tpu.memref_squeeze %dma_wait3A_247 : memref<1x!tpu.dma_semaphore, #tpu.memory_space<semaphore_mem>> -> memref<!tpu.dma_semaphore, #tpu.memory_space<semaphore_mem>>
      tpu.wait_indirect_dma semaphore(%dma_wait3A_248 : memref<!tpu.dma_semaphore, #tpu.memory_space<semaphore_mem>>) src(%dma_wait3A_246 : memref<40000x128xf32, #tpu.memory_space<hbm>>) dst(%dma_wait3A_240 : memref<128x128xf32, #tpu.memory_space<vmem>>)
      %mul3A_249 = arith.constant 16 : i32
      %mul3A_250 = arith.muli %arg0, %mul3A_249 : i32
      %add3A_251 = arith.addi %mul3A_250, %arg1 : i32
      %mul3A_252 = arith.constant 32 : i32
      %mul3A_253 = arith.muli %scan3A_164, %mul3A_252 : i32
      %add3A_254 = arith.addi %add3A_251, %mul3A_253 : i32
      %min3A_255 = arith.constant 1249 : i32
      %min3A_256 = arith.minsi %add3A_254, %min3A_255 : i32
      %mul3A_257 = arith.constant 16 : i32
      %mul3A_258 = arith.muli %min3A_256, %mul3A_257 : i32
      %jit3A_259 = arith.constant 2 : i32
      %eq3A_260 = arith.constant 0 : i32
      %eq3A_261 = arith.cmpi eq, %jit3A_259, %eq3A_260 : i32
      %jit3A_262 = arith.constant 1 : i32
      %select_n3A_263 = arith.select %eq3A_261, %jit3A_262, %jit3A_259 : i32
      %rem3A_264 = arith.remsi %scan3A_164, %select_n3A_263 : i32
      %ne3A_265 = arith.constant 0 : i32
      %ne3A_266 = arith.cmpi ne, %rem3A_264, %ne3A_265 : i32
      %lt3A_267 = arith.constant 0 : i32
      %lt3A_268 = arith.cmpi slt, %rem3A_264, %lt3A_267 : i32
      %lt3A_269 = arith.constant 0 : i32
      %lt3A_270 = arith.cmpi slt, %select_n3A_263, %lt3A_269 : i32
      %ne3A_271 = arith.xori %lt3A_268, %lt3A_270 : i1
      %and3A_272 = arith.andi %ne3A_271, %ne3A_266 : i1
      %add3A_273 = arith.addi %rem3A_264, %select_n3A_263 : i32
      %select_n3A_274 = arith.select %and3A_272, %add3A_273, %rem3A_264 : i32
      %jit3A_275 = arith.constant 2 : i32
      %eq3A_276 = arith.constant 0 : i32
      %eq3A_277 = arith.cmpi eq, %jit3A_275, %eq3A_276 : i32
      %jit3A_278 = arith.constant 1 : i32
      %select_n3A_279 = arith.select %eq3A_277, %jit3A_278, %jit3A_275 : i32
      %rem3A_280 = arith.remsi %scan3A_164, %select_n3A_279 : i32
      %ne3A_281 = arith.constant 0 : i32
      %ne3A_282 = arith.cmpi ne, %rem3A_280, %ne3A_281 : i32
      %lt3A_283 = arith.constant 0 : i32
      %lt3A_284 = arith.cmpi slt, %rem3A_280, %lt3A_283 : i32
      %lt3A_285 = arith.constant 0 : i32
      %lt3A_286 = arith.cmpi slt, %select_n3A_279, %lt3A_285 : i32
      %ne3A_287 = arith.xori %lt3A_284, %lt3A_286 : i1
      %and3A_288 = arith.andi %ne3A_287, %ne3A_282 : i1
      %add3A_289 = arith.addi %rem3A_280, %select_n3A_279 : i32
      %select_n3A_290 = arith.select %and3A_288, %add3A_289, %rem3A_280 : i32
      %dma_wait3A_291 = arith.constant 0 : i32
      %dma_wait3A_292 = arith.constant 0 : i32
      %dma_wait3A_293 = tpu.memref_slice %arg8[%select_n3A_274, %dma_wait3A_291, %dma_wait3A_292] : memref<2x16x128xf32, #tpu.memory_space<vmem>> -> memref<1x16x128xf32, #tpu.memory_space<vmem>>
      %dma_wait3A_294 = tpu.memref_squeeze %dma_wait3A_293 : memref<1x16x128xf32, #tpu.memory_space<vmem>> -> memref<16x128xf32, #tpu.memory_space<vmem>>
      %dma_wait3A_295 = arith.constant 0 : i32
      %dma_wait3A_296 = tpu.memref_slice %arg3[%mul3A_258, %dma_wait3A_295] : memref<20000x128xf32, #tpu.memory_space<hbm>> -> memref<16x128xf32, #tpu.memory_space<hbm>>
      %dma_wait3A_297 = tpu.memref_slice %arg11[%select_n3A_290] : memref<2x!tpu.dma_semaphore, #tpu.memory_space<semaphore_mem>> -> memref<1x!tpu.dma_semaphore, #tpu.memory_space<semaphore_mem>>
      %dma_wait3A_298 = tpu.memref_squeeze %dma_wait3A_297 : memref<1x!tpu.dma_semaphore, #tpu.memory_space<semaphore_mem>> -> memref<!tpu.dma_semaphore, #tpu.memory_space<semaphore_mem>>
      %dma_wait3A_299 = arith.constant 0 : i32
      %dma_wait3A_300 = arith.constant 0 : i32
      %dma_wait3A_301 = tpu.memref_slice %arg8[%select_n3A_274, %dma_wait3A_299, %dma_wait3A_300] : memref<2x16x128xf32, #tpu.memory_space<vmem>> -> memref<1x16x128xf32, #tpu.memory_space<vmem>>
      %dma_wait3A_302 = tpu.memref_squeeze %dma_wait3A_301 : memref<1x16x128xf32, #tpu.memory_space<vmem>> -> memref<16x128xf32, #tpu.memory_space<vmem>>
      %dma_wait3A_303 = arith.constant 0 : i32
      %dma_wait3A_304 = tpu.memref_slice %arg3[%mul3A_258, %dma_wait3A_303] : memref<20000x128xf32, #tpu.memory_space<hbm>> -> memref<16x128xf32, #tpu.memory_space<hbm>>
      tpu.wait_dma2 semaphore(%dma_wait3A_298 : memref<!tpu.dma_semaphore, #tpu.memory_space<semaphore_mem>>) src(%dma_wait3A_304 : memref<16x128xf32, #tpu.memory_space<hbm>>) dst(%dma_wait3A_302 : memref<16x128xf32, #tpu.memory_space<vmem>>)
      %jit3A_305 = arith.constant 2 : i32
      %eq3A_306 = arith.constant 0 : i32
      %eq3A_307 = arith.cmpi eq, %jit3A_305, %eq3A_306 : i32
      %jit3A_308 = arith.constant 1 : i32
      %select_n3A_309 = arith.select %eq3A_307, %jit3A_308, %jit3A_305 : i32
      %rem3A_310 = arith.remsi %scan3A_164, %select_n3A_309 : i32
      %ne3A_311 = arith.constant 0 : i32
      %ne3A_312 = arith.cmpi ne, %rem3A_310, %ne3A_311 : i32
      %lt3A_313 = arith.constant 0 : i32
      %lt3A_314 = arith.cmpi slt, %rem3A_310, %lt3A_313 : i32
      %lt3A_315 = arith.constant 0 : i32
      %lt3A_316 = arith.cmpi slt, %select_n3A_309, %lt3A_315 : i32
      %ne3A_317 = arith.xori %lt3A_314, %lt3A_316 : i1
      %and3A_318 = arith.andi %ne3A_317, %ne3A_312 : i1
      %add3A_319 = arith.addi %rem3A_310, %select_n3A_309 : i32
      %select_n3A_320 = arith.select %and3A_318, %add3A_319, %rem3A_310 : i32
      %scan3A_321 = arith.constant 0 : i32
      %scan3A_322 = arith.constant 0 : i32
      %scan3A_323 = arith.constant 128 : i32
      %scan3A_324 = arith.addi %scan3A_322, %scan3A_323 : i32
      %scan3A_325 = arith.constant 1 : i32
      %scan3A_326 = scf.for %scan3A_340 = %scan3A_322 to %scan3A_324 step %scan3A_325 iter_args(%scan3A_341 = %scan3A_321) -> (i32)  : i32 {
        %jit3A_342 = arith.constant 8 : i32
        %div3A = arith.divsi %scan3A_340, %jit3A_342 : i32
        %sign3A = arith.constant 0 : i32
        %sign3A_343 = arith.cmpi sgt, %scan3A_340, %sign3A : i32
        %sign3A_344 = arith.extui %sign3A_343 : i1 to i32
        %sign3A_345 = arith.constant 0 : i32
        %sign3A_346 = arith.cmpi slt, %scan3A_340, %sign3A_345 : i32
        %sign3A_347 = arith.extui %sign3A_346 : i1 to i32
        %sign3A_348 = arith.subi %sign3A_344, %sign3A_347 : i32
        %sign3A_349 = arith.constant 0 : i32
        %sign3A_350 = arith.cmpi sgt, %jit3A_342, %sign3A_349 : i32
        %sign3A_351 = arith.extui %sign3A_350 : i1 to i32
        %sign3A_352 = arith.constant 0 : i32
        %sign3A_353 = arith.cmpi slt, %jit3A_342, %sign3A_352 : i32
        %sign3A_354 = arith.extui %sign3A_353 : i1 to i32
        %sign3A_355 = arith.subi %sign3A_351, %sign3A_354 : i32
        %ne3A_356 = arith.cmpi ne, %sign3A_348, %sign3A_355 : i32
        %rem3A_357 = arith.remsi %scan3A_340, %jit3A_342 : i32
        %ne3A_358 = arith.constant 0 : i32
        %ne3A_359 = arith.cmpi ne, %rem3A_357, %ne3A_358 : i32
        %and3A_360 = arith.andi %ne3A_356, %ne3A_359 : i1
        %sub3A_361 = arith.constant 1 : i32
        %sub3A_362 = arith.subi %div3A, %sub3A_361 : i32
        %select_n3A_363 = arith.select %and3A_360, %sub3A_362, %div3A : i32
        %jit3A_364 = arith.constant 8 : i32
        %eq3A_365 = arith.constant 0 : i32
        %eq3A_366 = arith.cmpi eq, %jit3A_364, %eq3A_365 : i32
        %jit3A_367 = arith.constant 1 : i32
        %select_n3A_368 = arith.select %eq3A_366, %jit3A_367, %jit3A_364 : i32
        %rem3A_369 = arith.remsi %scan3A_340, %select_n3A_368 : i32
        %ne3A_370 = arith.constant 0 : i32
        %ne3A_371 = arith.cmpi ne, %rem3A_369, %ne3A_370 : i32
        %lt3A_372 = arith.constant 0 : i32
        %lt3A_373 = arith.cmpi slt, %rem3A_369, %lt3A_372 : i32
        %lt3A_374 = arith.constant 0 : i32
        %lt3A_375 = arith.cmpi slt, %select_n3A_368, %lt3A_374 : i32
        %ne3A_376 = arith.xori %lt3A_373, %lt3A_375 : i1
        %and3A_377 = arith.andi %ne3A_376, %ne3A_371 : i1
        %add3A_378 = arith.addi %rem3A_369, %select_n3A_368 : i32
        %select_n3A_379 = arith.select %and3A_377, %add3A_378, %rem3A_369 : i32
        %mul3A_380 = arith.constant 16 : i32
        %mul3A_381 = arith.muli %select_n3A_379, %mul3A_380 : i32
        %get3A = arith.index_cast %select_n3A_320 : i32 to index
        %get3A_382 = arith.index_cast %select_n3A_363 : i32 to index
        %get3A_383 = arith.index_cast %mul3A_381 : i32 to index
        %get3A_384 = tpu.vector_load %arg8[%get3A, %get3A_382, %get3A_383] {strides = array<i32>} : memref<2x16x128xf32, #tpu.memory_space<vmem>>, vector<16xf32>,
        %get3A_385 = arith.index_cast %select_n3A_320 : i32 to index
        %get3A_386 = arith.index_cast %scan3A_340 : i32 to index
        %get3A_387 = arith.constant 0 : index
        %get3A_388 = tpu.vector_load %arg7[%get3A_385, %get3A_386, %get3A_387] {strides = array<i32>} : memref<2x128x128xf32, #tpu.memory_space<vmem>>, vector<16xf32>,
        %mul3A_389 = arith.mulf %get3A_388, %get3A_384 : vector<16xf32>
        %swap3A = arith.index_cast %select_n3A_320 : i32 to index
        %swap3A_390 = arith.index_cast %scan3A_340 : i32 to index
        %swap3A_391 = arith.constant 0 : index
        %swap3A_392 = tpu.vector_load %arg7[%swap3A, %swap3A_390, %swap3A_391] {strides = array<i32>} : memref<2x128x128xf32, #tpu.memory_space<vmem>>, vector<16xf32>,
        tpu.vector_store %arg7[%swap3A, %swap3A_390, %swap3A_391], %mul3A_389 {strides = array<i32>} : memref<2x128x128xf32, #tpu.memory_space<vmem>>, vector<16xf32>,
        %get3A_393 = arith.index_cast %select_n3A_320 : i32 to index
        %get3A_394 = arith.index_cast %scan3A_340 : i32 to index
        %get3A_395 = arith.constant 16 : index
        %get3A_396 = tpu.vector_load %arg7[%get3A_393, %get3A_394, %get3A_395] {strides = array<i32>} : memref<2x128x128xf32, #tpu.memory_space<vmem>>, vector<16xf32>,
        %mul3A_397 = arith.mulf %get3A_396, %get3A_384 : vector<16xf32>
        %swap3A_398 = arith.index_cast %select_n3A_320 : i32 to index
        %swap3A_399 = arith.index_cast %scan3A_340 : i32 to index
        %swap3A_400 = arith.constant 16 : index
        %swap3A_401 = tpu.vector_load %arg7[%swap3A_398, %swap3A_399, %swap3A_400] {strides = array<i32>} : memref<2x128x128xf32, #tpu.memory_space<vmem>>, vector<16xf32>,
        tpu.vector_store %arg7[%swap3A_398, %swap3A_399, %swap3A_400], %mul3A_397 {strides = array<i32>} : memref<2x128x128xf32, #tpu.memory_space<vmem>>, vector<16xf32>,
        %get3A_402 = arith.index_cast %select_n3A_320 : i32 to index
        %get3A_403 = arith.index_cast %scan3A_340 : i32 to index
        %get3A_404 = arith.constant 32 : index
        %get3A_405 = tpu.vector_load %arg7[%get3A_402, %get3A_403, %get3A_404] {strides = array<i32>} : memref<2x128x128xf32, #tpu.memory_space<vmem>>, vector<16xf32>,
        %mul3A_406 = arith.mulf %get3A_405, %get3A_384 : vector<16xf32>
        %swap3A_407 = arith.index_cast %select_n3A_320 : i32 to index
        %swap3A_408 = arith.index_cast %scan3A_340 : i32 to index
        %swap3A_409 = arith.constant 32 : index
        %swap3A_410 = tpu.vector_load %arg7[%swap3A_407, %swap3A_408, %swap3A_409] {strides = array<i32>} : memref<2x128x128xf32, #tpu.memory_space<vmem>>, vector<16xf32>,
        tpu.vector_store %arg7[%swap3A_407, %swap3A_408, %swap3A_409], %mul3A_406 {strides = array<i32>} : memref<2x128x128xf32, #tpu.memory_space<vmem>>, vector<16xf32>,
        %get3A_411 = arith.index_cast %select_n3A_320 : i32 to index
        %get3A_412 = arith.index_cast %scan3A_340 : i32 to index
        %get3A_413 = arith.constant 48 : index
        %get3A_414 = tpu.vector_load %arg7[%get3A_411, %get3A_412, %get3A_413] {strides = array<i32>} : memref<2x128x128xf32, #tpu.memory_space<vmem>>, vector<16xf32>,
        %mul3A_415 = arith.mulf %get3A_414, %get3A_384 : vector<16xf32>
        %swap3A_416 = arith.index_cast %select_n3A_320 : i32 to index
        %swap3A_417 = arith.index_cast %scan3A_340 : i32 to index
        %swap3A_418 = arith.constant 48 : index
        %swap3A_419 = tpu.vector_load %arg7[%swap3A_416, %swap3A_417, %swap3A_418] {strides = array<i32>} : memref<2x128x128xf32, #tpu.memory_space<vmem>>, vector<16xf32>,
        tpu.vector_store %arg7[%swap3A_416, %swap3A_417, %swap3A_418], %mul3A_415 {strides = array<i32>} : memref<2x128x128xf32, #tpu.memory_space<vmem>>, vector<16xf32>,
        %get3A_420 = arith.index_cast %select_n3A_320 : i32 to index
        %get3A_421 = arith.index_cast %scan3A_340 : i32 to index
        %get3A_422 = arith.constant 64 : index
        %get3A_423 = tpu.vector_load %arg7[%get3A_420, %get3A_421, %get3A_422] {strides = array<i32>} : memref<2x128x128xf32, #tpu.memory_space<vmem>>, vector<16xf32>,
        %mul3A_424 = arith.mulf %get3A_423, %get3A_384 : vector<16xf32>
        %swap3A_425 = arith.index_cast %select_n3A_320 : i32 to index
        %swap3A_426 = arith.index_cast %scan3A_340 : i32 to index
        %swap3A_427 = arith.constant 64 : index
        %swap3A_428 = tpu.vector_load %arg7[%swap3A_425, %swap3A_426, %swap3A_427] {strides = array<i32>} : memref<2x128x128xf32, #tpu.memory_space<vmem>>, vector<16xf32>,
        tpu.vector_store %arg7[%swap3A_425, %swap3A_426, %swap3A_427], %mul3A_424 {strides = array<i32>} : memref<2x128x128xf32, #tpu.memory_space<vmem>>, vector<16xf32>,
        %get3A_429 = arith.index_cast %select_n3A_320 : i32 to index
        %get3A_430 = arith.index_cast %scan3A_340 : i32 to index
        %get3A_431 = arith.constant 80 : index
        %get3A_432 = tpu.vector_load %arg7[%get3A_429, %get3A_430, %get3A_431] {strides = array<i32>} : memref<2x128x128xf32, #tpu.memory_space<vmem>>, vector<16xf32>,
        %mul3A_433 = arith.mulf %get3A_432, %get3A_384 : vector<16xf32>
        %swap3A_434 = arith.index_cast %select_n3A_320 : i32 to index
        %swap3A_435 = arith.index_cast %scan3A_340 : i32 to index
        %swap3A_436 = arith.constant 80 : index
        %swap3A_437 = tpu.vector_load %arg7[%swap3A_434, %swap3A_435, %swap3A_436] {strides = array<i32>} : memref<2x128x128xf32, #tpu.memory_space<vmem>>, vector<16xf32>,
        tpu.vector_store %arg7[%swap3A_434, %swap3A_435, %swap3A_436], %mul3A_433 {strides = array<i32>} : memref<2x128x128xf32, #tpu.memory_space<vmem>>, vector<16xf32>,
        %get3A_438 = arith.index_cast %select_n3A_320 : i32 to index
        %get3A_439 = arith.index_cast %scan3A_340 : i32 to index
        %get3A_440 = arith.constant 96 : index
        %get3A_441 = tpu.vector_load %arg7[%get3A_438, %get3A_439, %get3A_440] {strides = array<i32>} : memref<2x128x128xf32, #tpu.memory_space<vmem>>, vector<16xf32>,
        %mul3A_442 = arith.mulf %get3A_441, %get3A_384 : vector<16xf32>
        %swap3A_443 = arith.index_cast %select_n3A_320 : i32 to index
        %swap3A_444 = arith.index_cast %scan3A_340 : i32 to index
        %swap3A_445 = arith.constant 96 : index
        %swap3A_446 = tpu.vector_load %arg7[%swap3A_443, %swap3A_444, %swap3A_445] {strides = array<i32>} : memref<2x128x128xf32, #tpu.memory_space<vmem>>, vector<16xf32>,
        tpu.vector_store %arg7[%swap3A_443, %swap3A_444, %swap3A_445], %mul3A_442 {strides = array<i32>} : memref<2x128x128xf32, #tpu.memory_space<vmem>>, vector<16xf32>,
        %get3A_447 = arith.index_cast %select_n3A_320 : i32 to index
        %get3A_448 = arith.index_cast %scan3A_340 : i32 to index
        %get3A_449 = arith.constant 112 : index
        %get3A_450 = tpu.vector_load %arg7[%get3A_447, %get3A_448, %get3A_449] {strides = array<i32>} : memref<2x128x128xf32, #tpu.memory_space<vmem>>, vector<16xf32>,
        %mul3A_451 = arith.mulf %get3A_450, %get3A_384 : vector<16xf32>
        %swap3A_452 = arith.index_cast %select_n3A_320 : i32 to index
        %swap3A_453 = arith.index_cast %scan3A_340 : i32 to index
        %swap3A_454 = arith.constant 112 : index
        %swap3A_455 = tpu.vector_load %arg7[%swap3A_452, %swap3A_453, %swap3A_454] {strides = array<i32>} : memref<2x128x128xf32, #tpu.memory_space<vmem>>, vector<16xf32>,
        tpu.vector_store %arg7[%swap3A_452, %swap3A_453, %swap3A_454], %mul3A_451 {strides = array<i32>} : memref<2x128x128xf32, #tpu.memory_space<vmem>>, vector<16xf32>,
        %scan3A_456 = arith.constant 0 : i32
        scf.yield %scan3A_456 : i32
      }
      %scan3A_327 = arith.constant 128 : i32
      %mul3A_328 = arith.constant 16 : i32
      %mul3A_329 = arith.muli %arg0, %mul3A_328 : i32
      %add3A_330 = arith.addi %mul3A_329, %arg1 : i32
      %mul3A_331 = arith.constant 32 : i32
      %mul3A_332 = arith.muli %scan3A_164, %mul3A_331 : i32
      %add3A_333 = arith.addi %add3A_330, %mul3A_332 : i32
      %lt3A_334 = arith.constant 1250 : i32
      %lt3A_335 = arith.cmpi slt, %add3A_333, %lt3A_334 : i32
      %convert_element_type3A_336 = arith.extui %lt3A_335 : i1 to i32
      %cond3A_337 = arith.constant 0 : i32
      %cond3A_338 = arith.cmpi ne, %convert_element_type3A_336, %cond3A_337 : i32
      scf.if %cond3A_338 {
        %jit3A_340 = arith.constant 2 : i32
        %eq3A_341 = arith.constant 0 : i32
        %eq3A_342 = arith.cmpi eq, %jit3A_340, %eq3A_341 : i32
        %jit3A_343 = arith.constant 1 : i32
        %select_n3A_344 = arith.select %eq3A_342, %jit3A_343, %jit3A_340 : i32
        %rem3A_345 = arith.remsi %scan3A_164, %select_n3A_344 : i32
        %ne3A_346 = arith.constant 0 : i32
        %ne3A_347 = arith.cmpi ne, %rem3A_345, %ne3A_346 : i32
        %lt3A_348 = arith.constant 0 : i32
        %lt3A_349 = arith.cmpi slt, %rem3A_345, %lt3A_348 : i32
        %lt3A_350 = arith.constant 0 : i32
        %lt3A_351 = arith.cmpi slt, %select_n3A_344, %lt3A_350 : i32
        %ne3A_352 = arith.xori %lt3A_349, %lt3A_351 : i1
        %and3A_353 = arith.andi %ne3A_352, %ne3A_347 : i1
        %add3A_354 = arith.addi %rem3A_345, %select_n3A_344 : i32
        %select_n3A_355 = arith.select %and3A_353, %add3A_354, %rem3A_345 : i32
        %jit3A_356 = arith.constant 4 : i32
        %eq3A_357 = arith.constant 0 : i32
        %eq3A_358 = arith.cmpi eq, %jit3A_356, %eq3A_357 : i32
        %jit3A_359 = arith.constant 1 : i32
        %select_n3A_360 = arith.select %eq3A_358, %jit3A_359, %jit3A_356 : i32
        %rem3A_361 = arith.remsi %scan3A_164, %select_n3A_360 : i32
        %ne3A_362 = arith.constant 0 : i32
        %ne3A_363 = arith.cmpi ne, %rem3A_361, %ne3A_362 : i32
        %lt3A_364 = arith.constant 0 : i32
        %lt3A_365 = arith.cmpi slt, %rem3A_361, %lt3A_364 : i32
        %lt3A_366 = arith.constant 0 : i32
        %lt3A_367 = arith.cmpi slt, %select_n3A_360, %lt3A_366 : i32
        %ne3A_368 = arith.xori %lt3A_365, %lt3A_367 : i1
        %and3A_369 = arith.andi %ne3A_368, %ne3A_363 : i1
        %add3A_370 = arith.addi %rem3A_361, %select_n3A_360 : i32
        %select_n3A_371 = arith.select %and3A_369, %add3A_370, %rem3A_361 : i32
        %jit3A_372 = arith.constant 2 : i32
        %eq3A_373 = arith.constant 0 : i32
        %eq3A_374 = arith.cmpi eq, %jit3A_372, %eq3A_373 : i32
        %jit3A_375 = arith.constant 1 : i32
        %select_n3A_376 = arith.select %eq3A_374, %jit3A_375, %jit3A_372 : i32
        %rem3A_377 = arith.remsi %scan3A_164, %select_n3A_376 : i32
        %ne3A_378 = arith.constant 0 : i32
        %ne3A_379 = arith.cmpi ne, %rem3A_377, %ne3A_378 : i32
        %lt3A_380 = arith.constant 0 : i32
        %lt3A_381 = arith.cmpi slt, %rem3A_377, %lt3A_380 : i32
        %lt3A_382 = arith.constant 0 : i32
        %lt3A_383 = arith.cmpi slt, %select_n3A_376, %lt3A_382 : i32
        %ne3A_384 = arith.xori %lt3A_381, %lt3A_383 : i1
        %and3A_385 = arith.andi %ne3A_384, %ne3A_379 : i1
        %add3A_386 = arith.addi %rem3A_377, %select_n3A_376 : i32
        %select_n3A_387 = arith.select %and3A_385, %add3A_386, %rem3A_377 : i32
        %dma_start3A_388 = arith.constant 2 : i32
        %dma_start3A_389 = arith.constant 0 : i32
        %dma_start3A_390 = arith.constant 0 : i32
        %dma_start3A_391 = tpu.memref_slice %arg7[%select_n3A_355, %dma_start3A_389, %dma_start3A_390] : memref<2x128x128xf32, #tpu.memory_space<vmem>> -> memref<1x128x128xf32, #tpu.memory_space<vmem>>
        %dma_start3A_392 = tpu.memref_squeeze %dma_start3A_391 : memref<1x128x128xf32, #tpu.memory_space<vmem>> -> memref<128x128xf32, #tpu.memory_space<vmem>>
        %dma_start3A_393 = arith.constant 0 : i32
        %dma_start3A_394 = tpu.memref_slice %arg9[%select_n3A_371, %dma_start3A_388, %dma_start3A_393] : memref<4x4x128xi32, #tpu.memory_space<vmem>> -> memref<1x1x128xi32, #tpu.memory_space<vmem>>
        %dma_start3A_395 = tpu.memref_squeeze %dma_start3A_394 : memref<1x1x128xi32, #tpu.memory_space<vmem>> -> memref<128xi32, #tpu.memory_space<vmem>>
        %dma_start3A_396 = arith.constant 0 : i32
        %dma_start3A_397 = arith.constant 0 : i32
        %dma_start3A_398 = tpu.memref_slice %arg6[%dma_start3A_396, %dma_start3A_397] : memref<10000x128xf32, #tpu.memory_space<vmem_shared>> -> memref<10000x128xf32, #tpu.memory_space<vmem_shared>>
        %dma_start3A_399 = tpu.memref_slice %arg12[%select_n3A_387] : memref<2x!tpu.dma_semaphore, #tpu.memory_space<semaphore_mem>> -> memref<1x!tpu.dma_semaphore, #tpu.memory_space<semaphore_mem>>
        %dma_start3A_400 = tpu.memref_squeeze %dma_start3A_399 : memref<1x!tpu.dma_semaphore, #tpu.memory_space<semaphore_mem>> -> memref<!tpu.dma_semaphore, #tpu.memory_space<semaphore_mem>>
        tpu.enqueue_indirect_dma source(%dma_start3A_392 : memref<128x128xf32, #tpu.memory_space<vmem>>) target(%dma_start3A_398 : memref<10000x128xf32, #tpu.memory_space<vmem_shared>>) offsets(%dma_start3A_395 : memref<128xi32, #tpu.memory_space<vmem>>) semaphore(%dma_start3A_400 : memref<!tpu.dma_semaphore, #tpu.memory_space<semaphore_mem>>) {add = true}
      } else {
      }
      %scan3A_339 = arith.constant 0 : i32
      scf.yield %scan3A_339 : i32
    }
    %scan3A_153 = arith.constant 40 : i32
    %mul3A_154 = arith.constant 16 : i32
    %mul3A_155 = arith.muli %arg0, %mul3A_154 : i32
    %add3A_156 = arith.addi %mul3A_155, %arg1 : i32
    %add3A_157 = arith.constant 1248 : i32
    %add3A_158 = arith.addi %add3A_156, %add3A_157 : i32
    %lt3A = arith.constant 1250 : i32
    %lt3A_159 = arith.cmpi slt, %add3A_158, %lt3A : i32
    %convert_element_type3A = arith.extui %lt3A_159 : i1 to i32
    %cond3A = arith.constant 0 : i32
    %cond3A_160 = arith.cmpi ne, %convert_element_type3A, %cond3A : i32
    scf.if %cond3A_160 {
      %dma_wait3A_164 = arith.constant 1 : i32
      %dma_wait3A_165 = arith.constant 3 : i32
      %dma_wait3A_166 = arith.constant 2 : i32
      %dma_wait3A_167 = arith.constant 1 : i32
      %dma_wait3A_168 = arith.constant 0 : i32
      %dma_wait3A_169 = arith.constant 0 : i32
      %dma_wait3A_170 = tpu.memref_slice %arg7[%dma_wait3A_164, %dma_wait3A_168, %dma_wait3A_169] : memref<2x128x128xf32, #tpu.memory_space<vmem>> -> memref<1x128x128xf32, #tpu.memory_space<vmem>>
      %dma_wait3A_171 = tpu.memref_squeeze %dma_wait3A_170 : memref<1x128x128xf32, #tpu.memory_space<vmem>> -> memref<128x128xf32, #tpu.memory_space<vmem>>
      %dma_wait3A_172 = arith.constant 0 : i32
      %dma_wait3A_173 = tpu.memref_slice %arg9[%dma_wait3A_165, %dma_wait3A_166, %dma_wait3A_172] : memref<4x4x128xi32, #tpu.memory_space<vmem>> -> memref<1x1x128xi32, #tpu.memory_space<vmem>>
      %dma_wait3A_174 = tpu.memref_squeeze %dma_wait3A_173 : memref<1x1x128xi32, #tpu.memory_space<vmem>> -> memref<128xi32, #tpu.memory_space<vmem>>
      %dma_wait3A_175 = arith.constant 0 : i32
      %dma_wait3A_176 = arith.constant 0 : i32
      %dma_wait3A_177 = tpu.memref_slice %arg6[%dma_wait3A_175, %dma_wait3A_176] : memref<10000x128xf32, #tpu.memory_space<vmem_shared>> -> memref<10000x128xf32, #tpu.memory_space<vmem_shared>>
      %dma_wait3A_178 = tpu.memref_slice %arg12[%dma_wait3A_167] : memref<2x!tpu.dma_semaphore, #tpu.memory_space<semaphore_mem>> -> memref<1x!tpu.dma_semaphore, #tpu.memory_space<semaphore_mem>>
      %dma_wait3A_179 = tpu.memref_squeeze %dma_wait3A_178 : memref<1x!tpu.dma_semaphore, #tpu.memory_space<semaphore_mem>> -> memref<!tpu.dma_semaphore, #tpu.memory_space<semaphore_mem>>
      tpu.wait_indirect_dma semaphore(%dma_wait3A_179 : memref<!tpu.dma_semaphore, #tpu.memory_space<semaphore_mem>>) src(%dma_wait3A_171 : memref<128x128xf32, #tpu.memory_space<vmem>>) dst(%dma_wait3A_177 : memref<10000x128xf32, #tpu.memory_space<vmem_shared>>)
    } else {
    }
    %barrier3A_161 = arith.constant 0 : index
    tpu.barrier barrier_id(%barrier3A_161)
    %mul3A_162 = arith.constant 625 : i32
    %mul3A_163 = arith.muli %arg1, %mul3A_162 : i32
    "tpu.region"() ({
      %run_scoped3A_164 = tpu.sem_alloc : memref<!tpu.dma_semaphore, #tpu.memory_space<semaphore_mem>>
      %dma_start3A_165 = arith.constant 0 : i32
      %dma_start3A_166 = arith.constant 0 : i32
      %dma_start3A_167 = tpu.memref_slice %arg5[%arg0, %arg1, %dma_start3A_165, %dma_start3A_166] : memref<2x16x625x128xf32, #tpu.memory_space<hbm>> -> memref<1x1x625x128xf32, #tpu.memory_space<hbm>>
      %dma_start3A_168 = tpu.memref_squeeze %dma_start3A_167 : memref<1x1x625x128xf32, #tpu.memory_space<hbm>> -> memref<625x128xf32, #tpu.memory_space<hbm>>
      %dma_start3A_169 = arith.constant 0 : i32
      %dma_start3A_170 = tpu.memref_slice %arg6[%mul3A_163, %dma_start3A_169] : memref<10000x128xf32, #tpu.memory_space<vmem_shared>> -> memref<625x128xf32, #tpu.memory_space<vmem_shared>>
      tpu.enqueue_dma source(%dma_start3A_170 : memref<625x128xf32, #tpu.memory_space<vmem_shared>>) target(%dma_start3A_168 : memref<625x128xf32, #tpu.memory_space<hbm>>) target_semaphore(%run_scoped3A_164 : memref<!tpu.dma_semaphore, #tpu.memory_space<semaphore_mem>>)
      %dma_wait3A_171 = arith.constant 0 : i32
      %dma_wait3A_172 = arith.constant 0 : i32
      %dma_wait3A_173 = tpu.memref_slice %arg5[%arg0, %arg1, %dma_wait3A_171, %dma_wait3A_172] : memref<2x16x625x128xf32, #tpu.memory_space<hbm>> -> memref<1x1x625x128xf32, #tpu.memory_space<hbm>>
      %dma_wait3A_174 = tpu.memref_squeeze %dma_wait3A_173 : memref<1x1x625x128xf32, #tpu.memory_space<hbm>> -> memref<625x128xf32, #tpu.memory_space<hbm>>
      %dma_wait3A_175 = arith.constant 0 : i32
      %dma_wait3A_176 = tpu.memref_slice %arg6[%mul3A_163, %dma_wait3A_175] : memref<10000x128xf32, #tpu.memory_space<vmem_shared>> -> memref<625x128xf32, #tpu.memory_space<vmem_shared>>
      tpu.wait_dma2 semaphore(%run_scoped3A_164 : memref<!tpu.dma_semaphore, #tpu.memory_space<semaphore_mem>>) src(%dma_wait3A_176 : memref<625x128xf32, #tpu.memory_space<vmem_shared>>) dst(%dma_wait3A_174 : memref<625x128xf32, #tpu.memory_space<hbm>>)
      tpu.yield
    }) : () -> ()
    return
  }
}

module attributes {stable_mosaic.version = 14 : i64} {
  func.func @body(%arg0: i32, %arg1: memref<32x8x128xf32, #tpu.memory_space<vmem>>, %arg2: memref<8x128xf32, #tpu.memory_space<vmem>>) attributes {dimension_semantics = [#tpu.dimension_semantics<arbitrary>], iteration_bounds = array<i64: 40>, scalar_prefetch = 0 : i64, scratch_operands = 0 : i64, tpu.core_type = #tpu.core_type<tc>, window_params = [{transform_indices = @transform_0, window_bounds = array<i64: 32, 8, 128>}, {transform_indices = @transform_1, window_bounds = array<i64: 8, 128>}]} {
    %get3A = arith.constant 0 : index
    %get3A_0 = arith.constant 0 : index
    %get3A_1 = arith.constant 0 : index
    %get3A_2 = vector.load %arg1[%get3A, %get3A_0, %get3A_1] : memref<32x8x128xf32, #tpu.memory_space<vmem>>, vector<32x8x128xf32>
    %reduce_sum3A = arith.constant dense<0.000000e+00> : vector<8x128xf32>
    %reduce_sum3A_3 = vector.multi_reduction <add>, %get3A_2, %reduce_sum3A [0] : vector<32x8x128xf32> to vector<8x128xf32>
    %max3A = arith.constant 1.000000e+00 : f32
    %max3A_4 = vector.broadcast %max3A : f32 to vector<8x128xf32>
    %max3A_5 = arith.maximumf %reduce_sum3A_3, %max3A_4 : vector<8x128xf32>
    %div3A = arith.constant 1.000000e+00 : f32
    %div3A_6 = vector.broadcast %div3A : f32 to vector<8x128xf32>
    %div3A_7 = arith.divf %div3A_6, %max3A_5 : vector<8x128xf32>
    %swap3A = arith.constant 0 : index
    %swap3A_8 = arith.constant 0 : index
    %swap3A_9 = vector.load %arg2[%swap3A, %swap3A_8] : memref<8x128xf32, #tpu.memory_space<vmem>>, vector<8x128xf32>
    tpu.vector_store %arg2[%swap3A, %swap3A_8], %div3A_7 {strides = array<i32>} : memref<8x128xf32, #tpu.memory_space<vmem>>, vector<8x128xf32>,
    return
  }
  func.func @transform_0(%arg0: i32) -> (i32, i32, i32) {
    %c0_i32 = arith.constant 0 : i32
    %c0_i32_0 = arith.constant 0 : i32
    %c0_i32_1 = arith.constant 0 : i32
    return %c0_i32, %arg0, %c0_i32_0 : i32, i32, i32
  }
  func.func @transform_1(%arg0: i32) -> (i32, i32) {
    %c0_i32 = arith.constant 0 : i32
    %c0_i32_0 = arith.constant 0 : i32
    return %arg0, %c0_i32 : i32, i32
  }
}

module attributes {stable_mosaic.version = 14 : i64} {
  func.func @body(%arg0: memref<1250x128xi32, #tpu.memory_space<vmem>>, %arg1: memref<1250x128xi32, #tpu.memory_space<vmem>>, %arg2: memref<1250x128xi32, #tpu.memory_space<vmem>>, %arg3: memref<1250x4x128xi32, #tpu.memory_space<vmem>>) attributes {dimension_semantics = [], scalar_prefetch = 0 : i64, scratch_operands = 0 : i64, tpu.core_type = #tpu.core_type<tc>} {
    %get3A = arith.constant 0 : index
    %get3A_0 = arith.constant 0 : index
    %get3A_1 = vector.load %arg2[%get3A, %get3A_0] : memref<1250x128xi32, #tpu.memory_space<vmem>>, vector<1250x128xi32>
    %mul3A = arith.constant 10000 : i32
    %mul3A_2 = vector.broadcast %mul3A : i32 to vector<1250x128xi32>
    %mul3A_3 = arith.muli %get3A_1, %mul3A_2 : vector<1250x128xi32>
    %get3A_4 = arith.constant 0 : index
    %get3A_5 = arith.constant 0 : index
    %get3A_6 = vector.load %arg0[%get3A_4, %get3A_5] : memref<1250x128xi32, #tpu.memory_space<vmem>>, vector<1250x128xi32>
    %add3A = arith.addi %mul3A_3, %get3A_6 : vector<1250x128xi32>
    %swap3A = arith.constant 0 : index
    %swap3A_7 = arith.constant 0 : index
    %swap3A_8 = arith.constant 0 : index
    %swap3A_9 = vector.load %arg3[%swap3A, %swap3A_7, %swap3A_8] : memref<1250x4x128xi32, #tpu.memory_space<vmem>>, vector<1250x1x128xi32>
    %swap3A_10 = vector.shape_cast %swap3A_9 : vector<1250x1x128xi32> to vector<1250x128xi32>
    %swap3A_11 = vector.shape_cast %add3A : vector<1250x128xi32> to vector<1250x1x128xi32>
    tpu.vector_store %arg3[%swap3A, %swap3A_7, %swap3A_8], %swap3A_11 {strides = array<i32>} : memref<1250x4x128xi32, #tpu.memory_space<vmem>>, vector<1250x1x128xi32>,
    %add3A_12 = arith.constant 40000 : i32
    %add3A_13 = vector.broadcast %add3A_12 : i32 to vector<1250x128xi32>
    %add3A_14 = arith.addi %add3A, %add3A_13 : vector<1250x128xi32>
    %swap3A_15 = arith.constant 0 : index
    %swap3A_16 = arith.constant 1 : index
    %swap3A_17 = arith.constant 0 : index
    %swap3A_18 = vector.load %arg3[%swap3A_15, %swap3A_16, %swap3A_17] : memref<1250x4x128xi32, #tpu.memory_space<vmem>>, vector<1250x1x128xi32>
    %swap3A_19 = vector.shape_cast %swap3A_18 : vector<1250x1x128xi32> to vector<1250x128xi32>
    %swap3A_20 = vector.shape_cast %add3A_14 : vector<1250x128xi32> to vector<1250x1x128xi32>
    tpu.vector_store %arg3[%swap3A_15, %swap3A_16, %swap3A_17], %swap3A_20 {strides = array<i32>} : memref<1250x4x128xi32, #tpu.memory_space<vmem>>, vector<1250x1x128xi32>,
    %get3A_21 = arith.constant 0 : index
    %get3A_22 = arith.constant 0 : index
    %get3A_23 = vector.load %arg1[%get3A_21, %get3A_22] : memref<1250x128xi32, #tpu.memory_space<vmem>>, vector<1250x128xi32>
    %swap3A_24 = arith.constant 0 : index
    %swap3A_25 = arith.constant 2 : index
    %swap3A_26 = arith.constant 0 : index
    %swap3A_27 = vector.load %arg3[%swap3A_24, %swap3A_25, %swap3A_26] : memref<1250x4x128xi32, #tpu.memory_space<vmem>>, vector<1250x1x128xi32>
    %swap3A_28 = vector.shape_cast %swap3A_27 : vector<1250x1x128xi32> to vector<1250x128xi32>
    %swap3A_29 = vector.shape_cast %get3A_23 : vector<1250x128xi32> to vector<1250x1x128xi32>
    tpu.vector_store %arg3[%swap3A_24, %swap3A_25, %swap3A_26], %swap3A_29 {strides = array<i32>} : memref<1250x4x128xi32, #tpu.memory_space<vmem>>, vector<1250x1x128xi32>,
    %get3A_30 = arith.constant 0 : index
    %get3A_31 = arith.constant 0 : index
    %get3A_32 = vector.load %arg2[%get3A_30, %get3A_31] : memref<1250x128xi32, #tpu.memory_space<vmem>>, vector<1250x128xi32>
    %mul3A_33 = arith.constant 10000 : i32
    %mul3A_34 = vector.broadcast %mul3A_33 : i32 to vector<1250x128xi32>
    %mul3A_35 = arith.muli %get3A_32, %mul3A_34 : vector<1250x128xi32>
    %get3A_36 = arith.constant 0 : index
    %get3A_37 = arith.constant 0 : index
    %get3A_38 = vector.load %arg1[%get3A_36, %get3A_37] : memref<1250x128xi32, #tpu.memory_space<vmem>>, vector<1250x128xi32>
    %add3A_39 = arith.addi %mul3A_35, %get3A_38 : vector<1250x128xi32>
    %swap3A_40 = arith.constant 0 : index
    %swap3A_41 = arith.constant 3 : index
    %swap3A_42 = arith.constant 0 : index
    %swap3A_43 = vector.load %arg3[%swap3A_40, %swap3A_41, %swap3A_42] : memref<1250x4x128xi32, #tpu.memory_space<vmem>>, vector<1250x1x128xi32>
    %swap3A_44 = vector.shape_cast %swap3A_43 : vector<1250x1x128xi32> to vector<1250x128xi32>
    %swap3A_45 = vector.shape_cast %add3A_39 : vector<1250x128xi32> to vector<1250x1x128xi32>
    tpu.vector_store %arg3[%swap3A_40, %swap3A_41, %swap3A_42], %swap3A_45 {strides = array<i32>} : memref<1250x4x128xi32, #tpu.memory_space<vmem>>, vector<1250x1x128xi32>,
    return
  }
}

module attributes {stable_mosaic.version = 14 : i64} {
  func.func @body(%arg0: i32, %arg1: i32, %arg2: i32, %arg3: memref<1000x256xf32, #tpu.memory_space<vmem>>, %arg4: memref<2x256x128xf32, #tpu.memory_space<vmem>>, %arg5: memref<4x2xf32, #tpu.memory_space<smem>>, %arg6: memref<1x1000x128xf32, #tpu.memory_space<vmem>>) attributes {dimension_semantics = [#tpu.dimension_semantics<arbitrary>, #tpu.dimension_semantics<arbitrary>, #tpu.dimension_semantics<arbitrary>], iteration_bounds = array<i64: 4, 10, 2>, scalar_prefetch = 0 : i64, scratch_operands = 0 : i64, tpu.core_type = #tpu.core_type<tc>, window_params = [{transform_indices = @transform_0, window_bounds = array<i64: 1000, 256>}, {transform_indices = @transform_1, window_bounds = array<i64: 2, 256, 128>}, {transform_indices = @transform_2, window_bounds = array<i64: 4, 2>}, {transform_indices = @transform_3, window_bounds = array<i64: 1, 1000, 128>}]} {
    %get3A = arith.index_cast %arg0 : i32 to index
    %get3A_0 = arith.constant 0 : index
    %get3A_1 = memref.load %arg5[%get3A, %get3A_0] : memref<4x2xf32, #tpu.memory_space<smem>>
    %get3A_2 = arith.constant 0 : index
    %get3A_3 = arith.constant 0 : index
    %get3A_4 = arith.constant 0 : index
    %get3A_5 = vector.load %arg4[%get3A_2, %get3A_3, %get3A_4] : memref<2x256x128xf32, #tpu.memory_space<vmem>>, vector<1x256x128xf32>
    %get3A_6 = vector.shape_cast %get3A_5 : vector<1x256x128xf32> to vector<256x128xf32>
    %mul3A = vector.broadcast %get3A_1 : f32 to vector<256x128xf32>
    %mul3A_7 = arith.mulf %mul3A, %get3A_6 : vector<256x128xf32>
    %get3A_8 = arith.index_cast %arg0 : i32 to index
    %get3A_9 = arith.constant 1 : index
    %get3A_10 = memref.load %arg5[%get3A_8, %get3A_9] : memref<4x2xf32, #tpu.memory_space<smem>>
    %get3A_11 = arith.constant 1 : index
    %get3A_12 = arith.constant 0 : index
    %get3A_13 = arith.constant 0 : index
    %get3A_14 = vector.load %arg4[%get3A_11, %get3A_12, %get3A_13] : memref<2x256x128xf32, #tpu.memory_space<vmem>>, vector<1x256x128xf32>
    %get3A_15 = vector.shape_cast %get3A_14 : vector<1x256x128xf32> to vector<256x128xf32>
    %mul3A_16 = vector.broadcast %get3A_10 : f32 to vector<256x128xf32>
    %mul3A_17 = arith.mulf %mul3A_16, %get3A_15 : vector<256x128xf32>
    %add3A = arith.addf %mul3A_7, %mul3A_17 : vector<256x128xf32>
    %get3A_18 = arith.constant 0 : index
    %get3A_19 = arith.constant 0 : index
    %get3A_20 = vector.load %arg3[%get3A_18, %get3A_19] : memref<1000x256xf32, #tpu.memory_space<vmem>>, vector<1000x256xf32>
    %dot_general3A = arith.constant dense<0.000000e+00> : vector<1000x128xf32>
    %dot_general3A_21 = tpu.matmul %get3A_20, %add3A, %dot_general3A {dimension_numbers = #tpu.dot_dimension_numbers<[1], [0], [0], [1], [0, 0, 1, 1], [], []>, transpose_lhs_hint = false} : vector<1000x256xf32>, vector<256x128xf32>, vector<1000x128xf32> -> vector<1000x128xf32>
    %swap3A = arith.constant 0 : index
    %swap3A_22 = arith.constant 0 : index
    %swap3A_23 = arith.constant 0 : index
    %swap3A_24 = vector.load %arg6[%swap3A, %swap3A_22, %swap3A_23] : memref<1x1000x128xf32, #tpu.memory_space<vmem>>, vector<1x1000x128xf32>
    %swap3A_25 = vector.shape_cast %swap3A_24 : vector<1x1000x128xf32> to vector<1000x128xf32>
    %swap3A_26 = vector.shape_cast %dot_general3A_21 : vector<1000x128xf32> to vector<1x1000x128xf32>
    tpu.vector_store %arg6[%swap3A, %swap3A_22, %swap3A_23], %swap3A_26 {strides = array<i32>} : memref<1x1000x128xf32, #tpu.memory_space<vmem>>, vector<1x1000x128xf32>,
    return
  }
  func.func @transform_0(%arg0: i32, %arg1: i32, %arg2: i32) -> (i32, i32) {
    %c0_i32 = arith.constant 0 : i32
    %c0_i32_0 = arith.constant 0 : i32
    return %arg1, %c0_i32 : i32, i32
  }
  func.func @transform_1(%arg0: i32, %arg1: i32, %arg2: i32) -> (i32, i32, i32) {
    %c0_i32 = arith.constant 0 : i32
    %c0_i32_0 = arith.constant 0 : i32
    %c0_i32_1 = arith.constant 0 : i32
    return %c0_i32, %c0_i32_0, %arg2 : i32, i32, i32
  }
  func.func @transform_2(%arg0: i32, %arg1: i32, %arg2: i32) -> (i32, i32) {
    %c0_i32 = arith.constant 0 : i32
    %c0_i32_0 = arith.constant 0 : i32
    %c0_i32_1 = arith.constant 0 : i32
    return %c0_i32, %c0_i32_0 : i32, i32
  }
  func.func @transform_3(%arg0: i32, %arg1: i32, %arg2: i32) -> (i32, i32, i32) {
    %mul3A = arith.constant 10 : i32
    %mul3A_0 = arith.muli %arg0, %mul3A : i32
    %add3A = arith.addi %mul3A_0, %arg1 : i32
    %c0_i32 = arith.constant 0 : i32
    %c0_i32_1 = arith.constant 0 : i32
    return %arg2, %add3A, %c0_i32 : i32, i32, i32
  }
}

module attributes {stable_mosaic.version = 14 : i64} {
  func.func @body(%arg0: i32, %arg1: i32, %arg2: memref<1x1000x128xf32, #tpu.memory_space<vmem>>, %arg3: memref<1000x256xf32, #tpu.memory_space<vmem>>, %arg4: memref<256x128xf32, #tpu.memory_space<vmem>>, %arg5: memref<1x128xf32, #tpu.memory_space<vmem>>, %arg6: memref<1000x128xf32, #tpu.memory_space<vmem>>) attributes {dimension_semantics = [#tpu.dimension_semantics<arbitrary>, #tpu.dimension_semantics<arbitrary>], iteration_bounds = array<i64: 10, 2>, scalar_prefetch = 0 : i64, scratch_operands = 0 : i64, tpu.core_type = #tpu.core_type<tc>, window_params = [{transform_indices = @transform_0, window_bounds = array<i64: 1, 1000, 128>}, {transform_indices = @transform_1, window_bounds = array<i64: 1000, 256>}, {transform_indices = @transform_2, window_bounds = array<i64: 256, 128>}, {transform_indices = @transform_3, window_bounds = array<i64: 1, 128>}, {transform_indices = @transform_4, window_bounds = array<i64: 1000, 128>}]} {
    %get3A = arith.constant 0 : index
    %get3A_0 = arith.constant 0 : index
    %get3A_1 = arith.constant 0 : index
    %get3A_2 = vector.load %arg2[%get3A, %get3A_0, %get3A_1] : memref<1x1000x128xf32, #tpu.memory_space<vmem>>, vector<1x1000x128xf32>
    %get3A_3 = vector.shape_cast %get3A_2 : vector<1x1000x128xf32> to vector<1000x128xf32>
    %get3A_4 = arith.constant 0 : index
    %get3A_5 = arith.constant 0 : index
    %get3A_6 = vector.load %arg3[%get3A_4, %get3A_5] : memref<1000x256xf32, #tpu.memory_space<vmem>>, vector<1000x256xf32>
    %get3A_7 = arith.constant 0 : index
    %get3A_8 = arith.constant 0 : index
    %get3A_9 = vector.load %arg4[%get3A_7, %get3A_8] : memref<256x128xf32, #tpu.memory_space<vmem>>, vector<256x128xf32>
    %dot_general3A = arith.constant dense<0.000000e+00> : vector<1000x128xf32>
    %dot_general3A_10 = tpu.matmul %get3A_6, %get3A_9, %dot_general3A {dimension_numbers = #tpu.dot_dimension_numbers<[1], [0], [0], [1], [0, 0, 1, 1], [], []>, transpose_lhs_hint = false} : vector<1000x256xf32>, vector<256x128xf32>, vector<1000x128xf32> -> vector<1000x128xf32>
    %add3A = arith.addf %get3A_3, %dot_general3A_10 : vector<1000x128xf32>
    %get3A_11 = arith.constant 0 : index
    %get3A_12 = arith.constant 0 : index
    %get3A_13 = vector.load %arg5[%get3A_11, %get3A_12] : memref<1x128xf32, #tpu.memory_space<vmem>>, vector<1x128xf32>
    %add3A_14 = vector.broadcast %get3A_13 : vector<1x128xf32> to vector<1000x128xf32>
    %add3A_15 = arith.addf %add3A, %add3A_14 : vector<1000x128xf32>
    %max3A = arith.constant 0.000000e+00 : f32
    %max3A_16 = vector.broadcast %max3A : f32 to vector<1000x128xf32>
    %max3A_17 = arith.maximumf %add3A_15, %max3A_16 : vector<1000x128xf32>
    %swap3A = arith.constant 0 : index
    %swap3A_18 = arith.constant 0 : index
    %swap3A_19 = vector.load %arg6[%swap3A, %swap3A_18] : memref<1000x128xf32, #tpu.memory_space<vmem>>, vector<1000x128xf32>
    tpu.vector_store %arg6[%swap3A, %swap3A_18], %max3A_17 {strides = array<i32>} : memref<1000x128xf32, #tpu.memory_space<vmem>>, vector<1000x128xf32>,
    return
  }
  func.func @transform_0(%arg0: i32, %arg1: i32) -> (i32, i32, i32) {
    %c0_i32 = arith.constant 0 : i32
    %c0_i32_0 = arith.constant 0 : i32
    return %arg1, %arg0, %c0_i32 : i32, i32, i32
  }
  func.func @transform_1(%arg0: i32, %arg1: i32) -> (i32, i32) {
    %c0_i32 = arith.constant 0 : i32
    %c0_i32_0 = arith.constant 0 : i32
    return %arg0, %c0_i32 : i32, i32
  }
  func.func @transform_2(%arg0: i32, %arg1: i32) -> (i32, i32) {
    %c0_i32 = arith.constant 0 : i32
    %c0_i32_0 = arith.constant 0 : i32
    return %c0_i32, %arg1 : i32, i32
  }
  func.func @transform_3(%arg0: i32, %arg1: i32) -> (i32, i32) {
    %c0_i32 = arith.constant 0 : i32
    %c0_i32_0 = arith.constant 0 : i32
    return %c0_i32, %arg1 : i32, i32
  }
  func.func @transform_4(%arg0: i32, %arg1: i32) -> (i32, i32) {
    %c0_i32 = arith.constant 0 : i32
    return %arg0, %arg1 : i32, i32
  }
}

module attributes {stable_mosaic.version = 14 : i64} {
  func.func @body(%arg0: i32, %arg1: i32, %arg2: memref<1000x256xf32, #tpu.memory_space<vmem>>, %arg3: memref<2x256x16xf32, #tpu.memory_space<vmem>>, %arg4: memref<4x2xf32, #tpu.memory_space<smem>>, %arg5: memref<1000x128xf32, #tpu.memory_space<vmem>>) attributes {dimension_semantics = [#tpu.dimension_semantics<arbitrary>, #tpu.dimension_semantics<arbitrary>], iteration_bounds = array<i64: 4, 10>, scalar_prefetch = 0 : i64, scratch_operands = 0 : i64, tpu.core_type = #tpu.core_type<tc>, window_params = [{transform_indices = @transform_0, window_bounds = array<i64: 1000, 256>}, {pipeline_mode = #tpu.pipeline_mode<synchronous>, transform_indices = @transform_1, window_bounds = array<i64: 2, 256, 16>}, {transform_indices = @transform_2, window_bounds = array<i64: 4, 2>}, {transform_indices = @transform_3, window_bounds = array<i64: 1000, 128>}]} {
    %get3A = arith.index_cast %arg0 : i32 to index
    %get3A_0 = arith.constant 0 : index
    %get3A_1 = memref.load %arg4[%get3A, %get3A_0] : memref<4x2xf32, #tpu.memory_space<smem>>
    %get3A_2 = arith.constant 0 : index
    %get3A_3 = arith.constant 0 : index
    %get3A_4 = arith.constant 0 : index
    %get3A_5 = vector.load %arg3[%get3A_2, %get3A_3, %get3A_4] : memref<2x256x16xf32, #tpu.memory_space<vmem>>, vector<1x256x16xf32>
    %get3A_6 = vector.shape_cast %get3A_5 : vector<1x256x16xf32> to vector<256x16xf32>
    %mul3A = vector.broadcast %get3A_1 : f32 to vector<256x16xf32>
    %mul3A_7 = arith.mulf %mul3A, %get3A_6 : vector<256x16xf32>
    %get3A_8 = arith.index_cast %arg0 : i32 to index
    %get3A_9 = arith.constant 1 : index
    %get3A_10 = memref.load %arg4[%get3A_8, %get3A_9] : memref<4x2xf32, #tpu.memory_space<smem>>
    %get3A_11 = arith.constant 1 : index
    %get3A_12 = arith.constant 0 : index
    %get3A_13 = arith.constant 0 : index
    %get3A_14 = vector.load %arg3[%get3A_11, %get3A_12, %get3A_13] : memref<2x256x16xf32, #tpu.memory_space<vmem>>, vector<1x256x16xf32>
    %get3A_15 = vector.shape_cast %get3A_14 : vector<1x256x16xf32> to vector<256x16xf32>
    %mul3A_16 = vector.broadcast %get3A_10 : f32 to vector<256x16xf32>
    %mul3A_17 = arith.mulf %mul3A_16, %get3A_15 : vector<256x16xf32>
    %add3A = arith.addf %mul3A_7, %mul3A_17 : vector<256x16xf32>
    %get3A_18 = arith.constant 0 : index
    %get3A_19 = arith.constant 0 : index
    %get3A_20 = vector.load %arg2[%get3A_18, %get3A_19] : memref<1000x256xf32, #tpu.memory_space<vmem>>, vector<1000x256xf32>
    %dot_general3A = arith.constant dense<0.000000e+00> : vector<1000x16xf32>
    %dot_general3A_21 = tpu.matmul %get3A_20, %add3A, %dot_general3A {dimension_numbers = #tpu.dot_dimension_numbers<[1], [0], [0], [1], [0, 0, 1, 1], [], []>, transpose_lhs_hint = false} : vector<1000x256xf32>, vector<256x16xf32>, vector<1000x16xf32> -> vector<1000x16xf32>
    %broadcast_in_dim3A = arith.constant 0.000000e+00 : f32
    %broadcast_in_dim3A_22 = vector.broadcast %broadcast_in_dim3A : f32 to vector<1000x112xf32>
    %concatenate3A = tpu.concatenate %dot_general3A_21, %broadcast_in_dim3A_22 in 1 : vector<1000x16xf32>, vector<1000x112xf32> -> vector<1000x128xf32>
    %swap3A = arith.constant 0 : index
    %swap3A_23 = arith.constant 0 : index
    %swap3A_24 = vector.load %arg5[%swap3A, %swap3A_23] : memref<1000x128xf32, #tpu.memory_space<vmem>>, vector<1000x128xf32>
    tpu.vector_store %arg5[%swap3A, %swap3A_23], %concatenate3A {strides = array<i32>} : memref<1000x128xf32, #tpu.memory_space<vmem>>, vector<1000x128xf32>,
    return
  }
  func.func @transform_0(%arg0: i32, %arg1: i32) -> (i32, i32) {
    %c0_i32 = arith.constant 0 : i32
    %c0_i32_0 = arith.constant 0 : i32
    return %arg1, %c0_i32 : i32, i32
  }
  func.func @transform_1(%arg0: i32, %arg1: i32) -> (i32, i32, i32) {
    %c0_i32 = arith.constant 0 : i32
    %c0_i32_0 = arith.constant 0 : i32
    %c0_i32_1 = arith.constant 0 : i32
    %c0_i32_2 = arith.constant 0 : i32
    return %c0_i32, %c0_i32_0, %c0_i32_1 : i32, i32, i32
  }
  func.func @transform_2(%arg0: i32, %arg1: i32) -> (i32, i32) {
    %c0_i32 = arith.constant 0 : i32
    %c0_i32_0 = arith.constant 0 : i32
    %c0_i32_1 = arith.constant 0 : i32
    return %c0_i32, %c0_i32_0 : i32, i32
  }
  func.func @transform_3(%arg0: i32, %arg1: i32) -> (i32, i32) {
    %mul3A = arith.constant 10 : i32
    %mul3A_0 = arith.muli %arg0, %mul3A : i32
    %add3A = arith.addi %mul3A_0, %arg1 : i32
    %c0_i32 = arith.constant 0 : i32
    %c0_i32_1 = arith.constant 0 : i32
    return %add3A, %c0_i32 : i32, i32
  }
}

module attributes {stable_mosaic.version = 14 : i64} {
  func.func @body(%arg0: i32, %arg1: memref<2x1000x16xf32, #tpu.memory_space<vmem>>, %arg2: memref<1000x256xf32, #tpu.memory_space<vmem>>, %arg3: memref<256x16xf32, #tpu.memory_space<vmem>>, %arg4: memref<1x16xf32, #tpu.memory_space<vmem>>, %arg5: memref<1000x16xf32, #tpu.memory_space<vmem>>) attributes {dimension_semantics = [#tpu.dimension_semantics<arbitrary>], iteration_bounds = array<i64: 10>, scalar_prefetch = 0 : i64, scratch_operands = 0 : i64, tpu.core_type = #tpu.core_type<tc>, window_params = [{transform_indices = @transform_0, window_bounds = array<i64: 2, 1000, 16>}, {transform_indices = @transform_1, window_bounds = array<i64: 1000, 256>}, {pipeline_mode = #tpu.pipeline_mode<synchronous>, transform_indices = @transform_2, window_bounds = array<i64: 256, 16>}, {pipeline_mode = #tpu.pipeline_mode<synchronous>, transform_indices = @transform_3, window_bounds = array<i64: 1, 16>}, {transform_indices = @transform_4, window_bounds = array<i64: 1000, 16>}]} {
    %get3A = arith.constant 0 : index
    %get3A_0 = arith.constant 0 : index
    %get3A_1 = arith.constant 0 : index
    %get3A_2 = vector.load %arg1[%get3A, %get3A_0, %get3A_1] : memref<2x1000x16xf32, #tpu.memory_space<vmem>>, vector<1x1000x16xf32>
    %get3A_3 = vector.shape_cast %get3A_2 : vector<1x1000x16xf32> to vector<1000x16xf32>
    %get3A_4 = arith.constant 1 : index
    %get3A_5 = arith.constant 0 : index
    %get3A_6 = arith.constant 0 : index
    %get3A_7 = vector.load %arg1[%get3A_4, %get3A_5, %get3A_6] : memref<2x1000x16xf32, #tpu.memory_space<vmem>>, vector<1x1000x16xf32>
    %get3A_8 = vector.shape_cast %get3A_7 : vector<1x1000x16xf32> to vector<1000x16xf32>
    %add3A = arith.addf %get3A_3, %get3A_8 : vector<1000x16xf32>
    %get3A_9 = arith.constant 0 : index
    %get3A_10 = arith.constant 0 : index
    %get3A_11 = vector.load %arg2[%get3A_9, %get3A_10] : memref<1000x256xf32, #tpu.memory_space<vmem>>, vector<1000x256xf32>
    %get3A_12 = arith.constant 0 : index
    %get3A_13 = arith.constant 0 : index
    %get3A_14 = vector.load %arg3[%get3A_12, %get3A_13] : memref<256x16xf32, #tpu.memory_space<vmem>>, vector<256x16xf32>
    %dot_general3A = arith.constant dense<0.000000e+00> : vector<1000x16xf32>
    %dot_general3A_15 = tpu.matmul %get3A_11, %get3A_14, %dot_general3A {dimension_numbers = #tpu.dot_dimension_numbers<[1], [0], [0], [1], [0, 0, 1, 1], [], []>, transpose_lhs_hint = false} : vector<1000x256xf32>, vector<256x16xf32>, vector<1000x16xf32> -> vector<1000x16xf32>
    %add3A_16 = arith.addf %add3A, %dot_general3A_15 : vector<1000x16xf32>
    %get3A_17 = arith.constant 0 : index
    %get3A_18 = arith.constant 0 : index
    %get3A_19 = vector.load %arg4[%get3A_17, %get3A_18] : memref<1x16xf32, #tpu.memory_space<vmem>>, vector<1x16xf32>
    %add3A_20 = vector.broadcast %get3A_19 : vector<1x16xf32> to vector<1000x16xf32>
    %add3A_21 = arith.addf %add3A_16, %add3A_20 : vector<1000x16xf32>
    %swap3A = arith.constant 0 : index
    %swap3A_22 = arith.constant 0 : index
    %swap3A_23 = vector.load %arg5[%swap3A, %swap3A_22] : memref<1000x16xf32, #tpu.memory_space<vmem>>, vector<1000x16xf32>
    tpu.vector_store %arg5[%swap3A, %swap3A_22], %add3A_21 {strides = array<i32>} : memref<1000x16xf32, #tpu.memory_space<vmem>>, vector<1000x16xf32>,
    return
  }
  func.func @transform_0(%arg0: i32) -> (i32, i32, i32) {
    %c0_i32 = arith.constant 0 : i32
    %c0_i32_0 = arith.constant 0 : i32
    %c0_i32_1 = arith.constant 0 : i32
    return %c0_i32, %arg0, %c0_i32_0 : i32, i32, i32
  }
  func.func @transform_1(%arg0: i32) -> (i32, i32) {
    %c0_i32 = arith.constant 0 : i32
    %c0_i32_0 = arith.constant 0 : i32
    return %arg0, %c0_i32 : i32, i32
  }
  func.func @transform_2(%arg0: i32) -> (i32, i32) {
    %c0_i32 = arith.constant 0 : i32
    %c0_i32_0 = arith.constant 0 : i32
    %c0_i32_1 = arith.constant 0 : i32
    return %c0_i32, %c0_i32_0 : i32, i32
  }
  func.func @transform_3(%arg0: i32) -> (i32, i32) {
    %c0_i32 = arith.constant 0 : i32
    %c0_i32_0 = arith.constant 0 : i32
    %c0_i32_1 = arith.constant 0 : i32
    return %c0_i32, %c0_i32_0 : i32, i32
  }
  func.func @transform_4(%arg0: i32) -> (i32, i32) {
    %c0_i32 = arith.constant 0 : i32
    %c0_i32_0 = arith.constant 0 : i32
    return %arg0, %c0_i32 : i32, i32
  }
}

</mosaic_0001>

<sc_bundles>
// kernel: kernel.15.cloned.1.call-start
scs
__scs_entry_jumppad:
0x0: {  	(pc) =	sbr.rel $0x88, $3  }
0x1: {  	(tag) =	ssettag $0x0;
	lr =	simm.s32 $0x1  }
0x2: {  	[smem:$0x3F92] =	sst lr;
	_ =	strace $0xD0000000  }
0x3: {  	_ = 	snop  }
0x4: {  	_ = 	snop  }
0x5: {  	_ = 	snop  }
0x6: {  	_ = 	snop  }
0x7: {  	_ = 	snop  }
__scs_overlays_trampoline_lowered:
0x8: {  	[smem:$0x3FA1] =	sst s0  }
0x9: {  	[smem:$0x3FA2] =	sst s1  }
0xa: {  	[smem:$0x3FA3] =	sst s2  }
0xb: {  	[smem:$0x3FA4] =	sst s3  }
0xc: {  	[smem:$0x3FA5] =	sst s4  }
0xd: {  	[smem:$0x3FA6] =	sst s5  }
0xe: {  	[smem:$0x3FA7] =	sst s6  }
0xf: {  	[smem:$0x3FA8] =	sst s7  }
0x10: {  	[smem:$0x3FA9] =	sst s8  }
0x11: {  	[smem:$0x3FAA] =	sst s9;
	s0 =	simm.s32 @!p0 $0x0  }
0x12: {  	s1 =	sld [smem:$0x3F90];
	s0 =	simm.s32 @p0 $0x1  }
0x13: {  	[smem:$0x3FAB] =	sst s0;
	s0 =	simm.s32 @!p1 $0x0  }
0x14: {  	s2 =	sld [smem:$0x3F8F];
	s0 =	simm.s32 @p1 $0x1  }
0x15: {  	[smem:$0x3FAC] =	sst s0;
	s0 =	simm.s32 @!p2 $0x0  }
0x16: {  	s3 =	sld [smem:$0x3FDB];
	s0 =	simm.s32 @p2 $0x1  }
0x17: {  	s4 =	simm.s32 $0x1BF5;
	[smem:$0x3FAE] =	sst s0  }
0x18: {  	s0 =	sld [smem:$0x3F91];
	_ =	swait.ge [sflag:s4], $0x0  }
0x19: {  	s7 =	sld [smem:$0x3F92]  }
0x1a: {  	s8 =	sadd.s32 $0xFFFFE003, lr  }
0x1b: {  	s9 =	sadd.s32 $0xFFFFFEF7, lr;
	s5 =	simm.s32 $0xFFFFFFFF;
	p2 =	slt.u32 s8, $0xFFFFF086  }
0x1c: {  	p1 =	slt.u32 s9, $0xF7A;
	s5 =	simm.s32 @!p2 $0x0  }
0x1d: {  	s5 =	simm.s32 @p1 $0x1;
	p0 =	seq.s32 s7, s2  }
0x1e: {  	s7 =	smul.u32 @!p0 $0xF7A, s2;
	p2 =	seq.s32 @!p0 s5, $0x0  }
0x1f: {  	s9 =	smul.u32 $0xF7A, s1;
	s8 =	simm.s32 @!p0 $0x1BF5;
	p2 =	por !p2, p0  }
0x20: {  	[sflag:s8] =	ssyncset.s32 @!p0 $0xFFFFF086;
	s6 =	sadd.s32 @!p0 s3, s7;
	s7 =	simm.s32 @!p0 $0x108  }
0x21: {  	s3 =	sadd.s32 s3, s9;
	s6 =	sadd.s32 @!p0 $0x88, s6;
	s7 =	simm.s32 @p2 $0x1082  }
0x22: {  	[simem:s7], [sflag:s8] =	dma.local @!p0 [hbm:s6], $0xF7A  }
0x23: {  	s9 =	sor.u32 $0xD0000000, s2;
	s6 =	simm.s32 $0x108;
	_ =	swait.ge @!p0 [sflag:s8], $0x0  }
0x24: {  	s3 =	sadd.s32 $0x88, s3;
	s6 =	simm.s32 @!p1 $0x1082;
	[sflag:s4] =	ssyncset.s32 $0xFFFFF086  }
0x25: {  	[simem:s6], [sflag:s4] =	dma.local [hbm:s3], $0xF7A  }
0x26: {  	[smem:$0x3F92] =	sst s1;
	(tag) =	ssettag s2;
	_ =	strace s9  }
0x27: {  	s1 =	sld [smem:$0x3FA2]  }
0x28: {  	s2 =	sld [smem:$0x3FA3]  }
0x29: {  	s4 =	sld [smem:$0x3FA5]  }
0x2a: {  	p0 =	seq.s32 s5, $0x0;
	s5 =	sld [smem:$0x3FA6]  }
0x2b: {  	s6 =	sld [smem:$0x3FA7]  }
0x2c: {  	s7 =	sld [smem:$0x3FA8]  }
0x2d: {  	s3 =	simm.s32 $0x108;
	s8 =	sld [smem:$0x3FA9]  }
0x2e: {  	s3 =	simm.s32 @!p0 $0x1082;
	s9 =	sld [smem:$0x3FAA]  }
0x2f: {  	lr =	sadd.s32 s0, s3;
	s0 =	sld [smem:$0x3FA1]  }
0x30: {  	s3 =	sld [smem:$0x3FA4]  }
0x31: {  	[smem:$0x3FAD] =	sst s10  }
0x32: {  	s10 =	sld [smem:$0x3FAB];
	_ =	sdelay $0x3  }
0x33: {  	p0 =	seq.s32 s10, $0x1;
	s10 =	sld [smem:$0x3FAD];
	_ =	sdelay $0x3  }
0x34: {  	[smem:$0x3FAD] =	sst s10  }
0x35: {  	s10 =	sld [smem:$0x3FAC];
	_ =	sdelay $0x3  }
0x36: {  	p1 =	seq.s32 s10, $0x1;
	s10 =	sld [smem:$0x3FAD];
	_ =	sdelay $0x3  }
0x37: {  	[smem:$0x3FAD] =	sst s10  }
0x38: {  	s10 =	sld [smem:$0x3FAE]  }
0x39: {  	_ = 	snop;
	(pc) =	sbr.ind lr, $3  }
0x3a: {  	_ = 	snop  }
0x3b: {  	_ = 	snop  }
0x3c: {  	p2 =	seq.s32 s10, $0x1;
	s10 =	sld [smem:$0x3FAD]  }
0x3d: {  	_ =	shalt  }
0x3e: {  	_ =	shalt  }
0x3f: {  	_ =	shalt  }
0x40: {  	_ =	shalt  }
0x41: {  	_ =	shalt  }
0x42: {  	_ =	shalt  }
0x43: {  	_ =	shalt  }
0x44: {  	_ =	shalt  }
0x45: {  	_ =	shalt  }
0x46: {  	_ =	shalt  }
0x47: {  	_ =	shalt  }
0x48: {  	_ =	shalt  }
0x49: {  	_ =	shalt  }
0x4a: {  	_ =	shalt  }
0x4b: {  	_ =	shalt  }
0x4c: {  	_ =	shalt  }
0x4d: {  	_ =	shalt  }
0x4e: {  	_ =	shalt  }
0x4f: {  	_ =	shalt  }
0x50: {  	_ =	shalt  }
0x51: {  	_ =	shalt  }
0x52: {  	_ =	shalt  }
0x53: {  	_ =	shalt  }
0x54: {  	_ =	shalt  }
0x55: {  	_ =	shalt  }
0x56: {  	_ =	shalt  }
0x57: {  	_ =	shalt  }
0x58: {  	_ =	shalt  }
0x59: {  	_ =	shalt  }
0x5a: {  	_ =	shalt  }
0x5b: {  	_ =	shalt  }
0x5c: {  	_ =	shalt  }
0x5d: {  	_ =	shalt  }
0x5e: {  	_ =	shalt  }
0x5f: {  	_ =	shalt  }
0x60: {  	_ =	shalt  }
0x61: {  	_ =	shalt  }
0x62: {  	_ =	shalt  }
0x63: {  	_ =	shalt  }
0x64: {  	_ =	shalt  }
0x65: {  	_ =	shalt  }
0x66: {  	_ =	shalt  }
0x67: {  	_ =	shalt  }
0x68: {  	_ =	shalt  }
0x69: {  	_ =	shalt  }
0x6a: {  	_ =	shalt  }
0x6b: {  	_ =	shalt  }
0x6c: {  	_ =	shalt  }
0x6d: {  	_ =	shalt  }
0x6e: {  	_ =	shalt  }
0x6f: {  	_ =	shalt  }
0x70: {  	_ =	shalt  }
0x71: {  	_ =	shalt  }
0x72: {  	_ =	shalt  }
0x73: {  	_ =	shalt  }
0x74: {  	_ =	shalt  }
0x75: {  	_ =	shalt  }
0x76: {  	_ =	shalt  }
0x77: {  	_ =	shalt  }
0x78: {  	_ =	shalt  }
0x79: {  	_ =	shalt  }
0x7a: {  	_ =	shalt  }
0x7b: {  	_ =	shalt  }
0x7c: {  	_ =	shalt  }
0x7d: {  	_ =	shalt  }
0x7e: {  	_ =	shalt  }
0x7f: {  	_ =	shalt  }
0x80: {  	_ =	shalt  }
0x81: {  	_ =	shalt  }
0x82: {  	_ =	shalt  }
0x83: {  	_ =	shalt  }
0x84: {  	_ =	shalt  }
0x85: {  	_ =	shalt  }
0x86: {  	_ =	shalt  }
0x87: {  	_ =	shalt  }
.Lfunc_end0:
.L_simem_size_0:
called_computation_lowered:
.L_overlay_start_0:
0x88: {  	s2 =	sld [smem:$0x3FD9]  }
0x89: {  	s3 =	sld [smem:$0x3FFE];
	_ =	sdelay $0x1  }
0x8a: {  	s1 =	srdreg.scid  }
0x8b: {  	s0 =	sand.u32 $0x1, s1  }
0x8c: {  	s16 =	sshll.u32 s0, $0xA;
	s2 =	sadd.s32 s3, s2  }
0x8d: {  	s2 =	sadd.s32 s2, s16  }
0x8e: {  	[smem:$0x3FB9] =	sst s2  }
0x8f: {  	_ = 	snop  }
0x90: {  	(tm) =	ssettm $0x1  }
0x91: {  	s17 =	sld [smem:$0x3FFB];
	_ =	sdelay $0x3  }
0x92: {  	_ =	strace s17  }
0x93: {  	s2 =	sld [smem:$0x3FFC];
	_ =	sdelay $0x3  }
0x94: {  	_ =	strace s2  }
0x95: {  	s2 =	sld [smem:$0x3FFD];
	_ =	sdelay $0x3  }
0x96: {  	_ =	strace s2  }
0x97: {  	_ =	strace $0x8FFFFFFF  }
0x98: {  	s18 =	sld [smem:$0x3FDB];
	_ =	sdelay $0x1  }
0x99: {  	s19 =	simm.s32 $_scs_section_size  }
0x9a: {  	s4 =	simm.s32 $_size__tile_overlayer_lowered;
	s5 =	simm.s32 $_tile_overlayer_lowered  }
0x9b: {  	s22 =	simm.s32 $0x1BFF;
	s21 =	sshll.u32 s5, $0x1;
	s2 =	sadd.s32 s19, s18  }
0x9c: {  	s6 =	simm.s32 $0x0;
	s20 =	sshll.u32 s4, $0x1;
	s4 =	sadd.s32 s21, s2  }
0x9d: {  	[timem:s6], [sflag:s22] =	dma.local [hbm:s4], s20  }
0x9e: {  	_ =	swait.ge [sflag:s22], s20  }
0x9f: {  	s3 =	ssub.s32 $0x0, s20;
	[sflag:s22] =	ssyncset.done $0x0  }
0xa0: {  	[sflag:s22] =	ssyncadd.s32 s3;
	_ =	sdelay $0x1  }
0xa1: {  	s23 =	simm.s32 $0x1B8B  }
0xa2: {  	_ =	swait.ge [sflag:s23], $0x1  }
0xa3: {  	[sflag:s23] =	ssyncset.done $0x0  }
0xa4: {  	s25 =	simm.s32 $0x1B8E;
	s24 =	sld [smem:$0x3FFE];
	[sflag:s23] =	ssyncadd.s32 $0xFFFFFFFF  }
0xa5: {  	s26 =	simm.s32 $execute0_lowered;
	[smem:$0x3FD2] =	sst s25  }
0xa6: {  	s4 =	sshll.u32 s26, $0x1;
	_ =	strace $0x80000046;
	[dreg:$0x1] =	wrdreg $0xFFFFFFFF  }
0xa7: {  	s28 =	simm.s32 $_size_execute0_lowered;
	s2 =	sadd.s32 s2, s4;
	[dreg:$0x0] =	wrdreg $0x0  }
0xa8: {  	s4 =	sshll.u32 s28, $0x1;
	[dreg:$0x2] =	wrdreg s2  }
0xa9: {  	[dreg:$0x3] =	wrdreg s4  }
0xaa: {  	[dreg:$0x4] =	wrdreg $0xC0  }
0xab: {  	_ =	task [dreg:s6], $0x5FFFF  }
0xac: {  	[dreg:$0x1] =	wrdreg $0xFFFFFFFF  }
0xad: {  	[dreg:$0x0] =	wrdreg $0x60  }
0xae: {  	[dreg:$0x2] =	wrdreg s24  }
0xaf: {  	[dreg:$0x3] =	wrdreg $0x9  }
0xb0: {  	_ =	task.clear_ibuf [dreg:s6], $0x4FFFF;
	_ =	strace $0x90000046  }
0xb1: {  	s29 =	simm.s32 $0x9;
	_ =	strace $0x80000048  }
0xb2: {  	_ =	swait.ge [sflag:s29], $0x1  }
0xb3: {  	[sflag:s29] =	ssyncadd.s32 $0xFFFFFFFF  }
0xb4: {  	_ =	strace $0x90000048  }
0xb5: {  	_ =	sfence  }
0xb6: {  	s30 =	sld [smem:$0x0];
	_ =	sdelay $0x2  }
0xb7: {  	s31 =	sshll.u32 s1, $0xD;
	s1 =	sshrl.u32 s1, $0x2  }
0xb8: {  	s3 =	sand.u32 $0x4000, s31;
	s1 =	sadd.s32 s1, s30  }
0xb9: {  	s0 =	sor.u32 s3, s0;
	s1 =	sshll.u32 s1, $0x11  }
0xba: {  	s0 =	sor.u32 s1, s0  }
0xbb: {  	s0 =	sadd.s32 $0x8F2B, s0  }
0xbc: {  	[sflag:s0] =	ssyncadd.remote.s32 $0x1  }
0xbd: {  	_ =	sfence.sel $0xFFFF  }
0xbe: {  	[dreg:$0x0] =	wrdreg $0xFFFFFFFF;
	(pc) =	sbr.abs _section_cstart, $3  }
0xbf: {  	[dreg:$0x1] =	wrdreg $0xFFFFFFFF  }
0xc0: {  	_ =	task.clear_ibuf [dreg:s6], $0x2FFFF;
	_ =	strace $0x9FFFFFFF  }
0xc1: {  	(tm) =	ssettm $0x7FFFFFFF  }
tec
execute0_lowered:
.L_overlay_start_1:
0x0: {  	(tag) =	ssettag $0x1  }
0x1: {  	s0 =	srdreg.scid;
	s5 =	rddreg [dreg:$0x0];
	s2 =	simm.s32 $0x0  }
0x2: {  	s9 =	simm.s32 $0x1;
	s3 =	sand.u32 $0x1, s0;
	s0 =	stileid.u32  }
0x3: {  	s10 =	simm.s32 $0x0;
	[smem:$0x7FF] =	sst s2;
	s4 =	smul.u32 $0xA0000, s3  }
0x4: {  	s1 =	sshrl.u32 s0, $0x3;
	s7 =	sshll.u32 s0, $0x7;
	s26 =	sshll.u32 s3, $0xA  }
0x5: {  	s28 =	ssub.s32 $0x2, s3;
	s30 =	sshll.u32 s3, $0x4;
	s6 =	smul.u32 $0x50000, s1  }
0x6: {  	s8 =	sshll.u32 s0, $0x6;
	s1 =	rddreg [dreg:$0x1];
	s25 =	sand.u32 $0x380, s7  }
0x7: {  	_ =	strace $0x80000047;
	s29 =	sshrl.u32 s28, $0x1;
	s4 =	sadd.s32 s4, s6  }
0x8: {  	s7 =	simm.s32 $0x80;
	s6 =	sadd.s32 s26, s5;
	s4 =	sor.u32 s25, s4  }
0x9: {  	s31 =	sadd.s32 s8, s6;
	s6 =	sor.u32 s30, s0;
	s4 =	sshrl.u32 s4, $0x3  }
0xa: {  	s8 =	simm.s32 $0x400;
	s4 =	sadd.s32 s4, s5;
	s5 =	ssub.s32 s28, s29  }
0xb: {  	v0 =	vimm.f32 $0.0e+00;
	s3 =	sadd.s32 $0x17400, s4;
	s4 =	smax.u32 s5, $0x1;
	s5 =	sadd.s32 $0x3A00, s31  }
.LBB2_1:
0xc: {  	s11 =	simm.s32 $0x0  }
.LBB2_2:
0xd: {  	p0 =	sne.s32 s11, $0x27FC0  }
.Ltmp0:
0xe: {  	_ = 	snop;
	(pc) =	sbr.rel @p0 .LBB2_2-.Ltmp0, $3  }
0xf: {  	_ =	sdelay $0x1  }
0x10: {  	s12 =	sshra.s32 s11, $0x2  }
0x11: {  	s11 =	sadd.s32 $0x40, s11;
	[tilespmem:s12+$0x0] =	vst v0  }
0x12: {  	s11 =	simm.s32 $0x0;
	s12 =	smov.u32 s5  }
.LBB2_4:
0x13: {  	s13 =	sadd.s32 s11, s6  }
0x14: {  	p0 =	sgt.u32 s13, $0x4E1  }
0x15: {  	s13 =	simm.s32 @!p0 $0x0;
	s14 =	simm.s32 @!p0 $0xA000  }
0x16: {  	[tilespmem:s14], [sflag:$0x1] =	stream.linear.gather @!p0 [hbm4b:s12+s13], $0x200, $0x38;
	[tilespmem:$0xA200] =	vst v63  }
0x17: {  	s14 =	simm.s32 @!p0 $0x1  }
0x18: {  	_ =	swait.ge @!p0 [sflag:s14], $0x200  }
0x19: {  	[sflag:s14] =	ssyncset.done @!p0 $0x0  }
0x1a: {  	[sflag:s14] =	ssyncadd.s32 @!p0 $0xFFFFFE00  }
0x1b: {  	v1 =	vld @!p0 [tilespmem:$0xA180];
	_ =	sdelay $0x6  }
0x1c: {  	v2 =	vimm.f32 @!p0 $1.000000000e+00  }
0x1d: {  	[tilespmem:v1+s13+$0x0] =	vst.idx.add.f32.msk @!p0 $0xffff, v2  }
0x1e: {  	v1 =	vld @!p0 [tilespmem:$0xA190];
	_ =	sdelay $0x7  }
0x1f: {  	[tilespmem:v1+s13+$0x0] =	vst.idx.add.f32.msk @!p0 $0xffff, v2  }
0x20: {  	v1 =	vld @!p0 [tilespmem:$0xA1A0];
	_ =	sdelay $0x7  }
0x21: {  	[tilespmem:v1+s13+$0x0] =	vst.idx.add.f32.msk @!p0 $0xffff, v2  }
0x22: {  	v1 =	vld @!p0 [tilespmem:$0xA1B0];
	_ =	sdelay $0x7  }
0x23: {  	[tilespmem:v1+s13+$0x0] =	vst.idx.add.f32.msk @!p0 $0xffff, v2  }
0x24: {  	v1 =	vld @!p0 [tilespmem:$0xA1C0];
	_ =	sdelay $0x7  }
0x25: {  	[tilespmem:v1+s13+$0x0] =	vst.idx.add.f32.msk @!p0 $0xffff, v2  }
0x26: {  	v1 =	vld @!p0 [tilespmem:$0xA1D0];
	_ =	sdelay $0x7  }
0x27: {  	[tilespmem:v1+s13+$0x0] =	vst.idx.add.f32.msk @!p0 $0xffff, v2  }
0x28: {  	v1 =	vld @!p0 [tilespmem:$0xA1E0];
	_ =	sdelay $0x7  }
0x29: {  	[tilespmem:v1+s13+$0x0] =	vst.idx.add.f32.msk @!p0 $0xffff, v2  }
0x2a: {  	v1 =	vld @!p0 [tilespmem:$0xA1F0];
	_ =	sdelay $0x1  }
0x2b: {  	s11 =	sadd.s32 $0x20, s11  }
0x2c: {  	p1 =	sne.s32 s11, $0x500  }
.Ltmp1:
0x2d: {  	_ = 	snop;
	(pc) =	sbr.rel @p1 .LBB2_4-.Ltmp1, $2  }
0x2e: {  	_ =	sdelay $0x2  }
0x2f: {  	s12 =	sadd.s32 $0x800, s12;
	[tilespmem:v1+s13+$0x0] =	vst.idx.add.f32.msk @!p0 $0xffff, v2  }
0x30: {  	s10 =	sadd.s32 $0x1, s10  }
0x31: {  	p0 =	sne.s32 s10, s4  }
.Ltmp2:
0x32: {  	_ = 	snop;
	(pc) =	sbr.rel @p0 .LBB2_1-.Ltmp2, $4  }
0x33: {  	[hbm4b:s3+s7] =	stream.strided.scatter [tilespmem:s2], [sflag:$0x1], $0xA000, s8, s7, $0x38;
	[tilespmem:$0xA200] =	vst v63  }
0x34: {  	_ =	swait.ge [sflag:s9], $0xA000  }
0x35: {  	[sflag:s9] =	ssyncset.done $0x0  }
0x36: {  	[sflag:s9] =	ssyncadd.s32 $0xFFFF6000  }
0x37: {  	_ =	sfence.sel $0x180000  }
0x38: {  	[bflag:$0x0] =	sbarrier.arrive $0xFFFF  }
0x39: {  	p0 =	sne.s32 s0, $0x0;
	_ =	strace $0x90000047  }
0x3a: {  	s0 =	sadd.s32 @!p0 $0x100000, s1;
	[bflag:$0x2] =	sbarrier.arrive $0xFFFF  }
0x3b: {  	[sflag:s0] =	ssyncadd.tile.s32 @!p0 $0x1;
	_ =	shalt  }
.Lfunc_end2:
_tile_overlayer_lowered:
.L_overlay_start_2:
0x3c: {  	(tag) =	ssettag $0x2  }
0x3d: {  	s0 =	rddreg [dreg:$0x0];
	s2 =	stileid.u32  }
0x3e: {  	s1 =	rddreg [dreg:$0x1];
	p0 =	sne.s32 s2, $0x0  }
0x3f: {  	s3 =	rddreg [dreg:$0x2];
	[bflag:$0x3] =	sbarrier.arrive $0xFFFF;
	s2 =	simm.s32 @!p0 $0x1C01  }
0x40: {  	[timem:s3], [sflag:s2] =	dma.local @!p0 [hbm:s0], s1  }
0x41: {  	s0 =	simm.s32 @!p0 $0x1  }
0x42: {  	_ =	swait.ge @!p0 [sflag:s0], s1  }
0x43: {  	s1 =	ssub.s32 @!p0 $0x0, s1;
	[sflag:s0] =	ssyncset.done @!p0 $0x0  }
0x44: {  	[sflag:s0] =	ssyncadd.s32 @!p0 s1  }
0x45: {  	[bflag:$0x3] =	sbarrier.arrive $0xFFFF  }
0x46: {  	_ =	shalt  }

// kernel: kernel.18.cloned.1.call-start
scs
__scs_entry_jumppad:
0x0: {  	(pc) =	sbr.rel $0x88, $3  }
0x1: {  	(tag) =	ssettag $0x0;
	lr =	simm.s32 $0x1  }
0x2: {  	[smem:$0x3F92] =	sst lr;
	_ =	strace $0xD0000000  }
0x3: {  	_ = 	snop  }
0x4: {  	_ = 	snop  }
0x5: {  	_ = 	snop  }
0x6: {  	_ = 	snop  }
0x7: {  	_ = 	snop  }
__scs_overlays_trampoline_lowered:
0x8: {  	[smem:$0x3FA1] =	sst s0  }
0x9: {  	[smem:$0x3FA2] =	sst s1  }
0xa: {  	[smem:$0x3FA3] =	sst s2  }
0xb: {  	[smem:$0x3FA4] =	sst s3  }
0xc: {  	[smem:$0x3FA5] =	sst s4  }
0xd: {  	[smem:$0x3FA6] =	sst s5  }
0xe: {  	[smem:$0x3FA7] =	sst s6  }
0xf: {  	[smem:$0x3FA8] =	sst s7  }
0x10: {  	[smem:$0x3FA9] =	sst s8  }
0x11: {  	[smem:$0x3FAA] =	sst s9;
	s0 =	simm.s32 @!p0 $0x0  }
0x12: {  	s1 =	sld [smem:$0x3F90];
	s0 =	simm.s32 @p0 $0x1  }
0x13: {  	[smem:$0x3FAB] =	sst s0;
	s0 =	simm.s32 @!p1 $0x0  }
0x14: {  	s2 =	sld [smem:$0x3F8F];
	s0 =	simm.s32 @p1 $0x1  }
0x15: {  	[smem:$0x3FAC] =	sst s0;
	s0 =	simm.s32 @!p2 $0x0  }
0x16: {  	s3 =	sld [smem:$0x3FDB];
	s0 =	simm.s32 @p2 $0x1  }
0x17: {  	s4 =	simm.s32 $0x1BF5;
	[smem:$0x3FAE] =	sst s0  }
0x18: {  	s0 =	sld [smem:$0x3F91];
	_ =	swait.ge [sflag:s4], $0x0  }
0x19: {  	s7 =	sld [smem:$0x3F92]  }
0x1a: {  	s8 =	sadd.s32 $0xFFFFE003, lr  }
0x1b: {  	s9 =	sadd.s32 $0xFFFFFEF7, lr;
	s5 =	simm.s32 $0xFFFFFFFF;
	p2 =	slt.u32 s8, $0xFFFFF086  }
0x1c: {  	p1 =	slt.u32 s9, $0xF7A;
	s5 =	simm.s32 @!p2 $0x0  }
0x1d: {  	s5 =	simm.s32 @p1 $0x1;
	p0 =	seq.s32 s7, s2  }
0x1e: {  	s7 =	smul.u32 @!p0 $0xF7A, s2;
	p2 =	seq.s32 @!p0 s5, $0x0  }
0x1f: {  	s9 =	smul.u32 $0xF7A, s1;
	s8 =	simm.s32 @!p0 $0x1BF5;
	p2 =	por !p2, p0  }
0x20: {  	[sflag:s8] =	ssyncset.s32 @!p0 $0xFFFFF086;
	s6 =	sadd.s32 @!p0 s3, s7;
	s7 =	simm.s32 @!p0 $0x108  }
0x21: {  	s3 =	sadd.s32 s3, s9;
	s6 =	sadd.s32 @!p0 $0x88, s6;
	s7 =	simm.s32 @p2 $0x1082  }
0x22: {  	[simem:s7], [sflag:s8] =	dma.local @!p0 [hbm:s6], $0xF7A  }
0x23: {  	s9 =	sor.u32 $0xD0000000, s2;
	s6 =	simm.s32 $0x108;
	_ =	swait.ge @!p0 [sflag:s8], $0x0  }
0x24: {  	s3 =	sadd.s32 $0x88, s3;
	s6 =	simm.s32 @!p1 $0x1082;
	[sflag:s4] =	ssyncset.s32 $0xFFFFF086  }
0x25: {  	[simem:s6], [sflag:s4] =	dma.local [hbm:s3], $0xF7A  }
0x26: {  	[smem:$0x3F92] =	sst s1;
	(tag) =	ssettag s2;
	_ =	strace s9  }
0x27: {  	s1 =	sld [smem:$0x3FA2]  }
0x28: {  	s2 =	sld [smem:$0x3FA3]  }
0x29: {  	s4 =	sld [smem:$0x3FA5]  }
0x2a: {  	p0 =	seq.s32 s5, $0x0;
	s5 =	sld [smem:$0x3FA6]  }
0x2b: {  	s6 =	sld [smem:$0x3FA7]  }
0x2c: {  	s7 =	sld [smem:$0x3FA8]  }
0x2d: {  	s3 =	simm.s32 $0x108;
	s8 =	sld [smem:$0x3FA9]  }
0x2e: {  	s3 =	simm.s32 @!p0 $0x1082;
	s9 =	sld [smem:$0x3FAA]  }
0x2f: {  	lr =	sadd.s32 s0, s3;
	s0 =	sld [smem:$0x3FA1]  }
0x30: {  	s3 =	sld [smem:$0x3FA4]  }
0x31: {  	[smem:$0x3FAD] =	sst s10  }
0x32: {  	s10 =	sld [smem:$0x3FAB];
	_ =	sdelay $0x3  }
0x33: {  	p0 =	seq.s32 s10, $0x1;
	s10 =	sld [smem:$0x3FAD];
	_ =	sdelay $0x3  }
0x34: {  	[smem:$0x3FAD] =	sst s10  }
0x35: {  	s10 =	sld [smem:$0x3FAC];
	_ =	sdelay $0x3  }
0x36: {  	p1 =	seq.s32 s10, $0x1;
	s10 =	sld [smem:$0x3FAD];
	_ =	sdelay $0x3  }
0x37: {  	[smem:$0x3FAD] =	sst s10  }
0x38: {  	s10 =	sld [smem:$0x3FAE]  }
0x39: {  	_ = 	snop;
	(pc) =	sbr.ind lr, $3  }
0x3a: {  	_ = 	snop  }
0x3b: {  	_ = 	snop  }
0x3c: {  	p2 =	seq.s32 s10, $0x1;
	s10 =	sld [smem:$0x3FAD]  }
0x3d: {  	_ =	shalt  }
0x3e: {  	_ =	shalt  }
0x3f: {  	_ =	shalt  }
0x40: {  	_ =	shalt  }
0x41: {  	_ =	shalt  }
0x42: {  	_ =	shalt  }
0x43: {  	_ =	shalt  }
0x44: {  	_ =	shalt  }
0x45: {  	_ =	shalt  }
0x46: {  	_ =	shalt  }
0x47: {  	_ =	shalt  }
0x48: {  	_ =	shalt  }
0x49: {  	_ =	shalt  }
0x4a: {  	_ =	shalt  }
0x4b: {  	_ =	shalt  }
0x4c: {  	_ =	shalt  }
0x4d: {  	_ =	shalt  }
0x4e: {  	_ =	shalt  }
0x4f: {  	_ =	shalt  }
0x50: {  	_ =	shalt  }
0x51: {  	_ =	shalt  }
0x52: {  	_ =	shalt  }
0x53: {  	_ =	shalt  }
0x54: {  	_ =	shalt  }
0x55: {  	_ =	shalt  }
0x56: {  	_ =	shalt  }
0x57: {  	_ =	shalt  }
0x58: {  	_ =	shalt  }
0x59: {  	_ =	shalt  }
0x5a: {  	_ =	shalt  }
0x5b: {  	_ =	shalt  }
0x5c: {  	_ =	shalt  }
0x5d: {  	_ =	shalt  }
0x5e: {  	_ =	shalt  }
0x5f: {  	_ =	shalt  }
0x60: {  	_ =	shalt  }
0x61: {  	_ =	shalt  }
0x62: {  	_ =	shalt  }
0x63: {  	_ =	shalt  }
0x64: {  	_ =	shalt  }
0x65: {  	_ =	shalt  }
0x66: {  	_ =	shalt  }
0x67: {  	_ =	shalt  }
0x68: {  	_ =	shalt  }
0x69: {  	_ =	shalt  }
0x6a: {  	_ =	shalt  }
0x6b: {  	_ =	shalt  }
0x6c: {  	_ =	shalt  }
0x6d: {  	_ =	shalt  }
0x6e: {  	_ =	shalt  }
0x6f: {  	_ =	shalt  }
0x70: {  	_ =	shalt  }
0x71: {  	_ =	shalt  }
0x72: {  	_ =	shalt  }
0x73: {  	_ =	shalt  }
0x74: {  	_ =	shalt  }
0x75: {  	_ =	shalt  }
0x76: {  	_ =	shalt  }
0x77: {  	_ =	shalt  }
0x78: {  	_ =	shalt  }
0x79: {  	_ =	shalt  }
0x7a: {  	_ =	shalt  }
0x7b: {  	_ =	shalt  }
0x7c: {  	_ =	shalt  }
0x7d: {  	_ =	shalt  }
0x7e: {  	_ =	shalt  }
0x7f: {  	_ =	shalt  }
0x80: {  	_ =	shalt  }
0x81: {  	_ =	shalt  }
0x82: {  	_ =	shalt  }
0x83: {  	_ =	shalt  }
0x84: {  	_ =	shalt  }
0x85: {  	_ =	shalt  }
0x86: {  	_ =	shalt  }
0x87: {  	_ =	shalt  }
.Lfunc_end0:
.L_simem_size_0:
called_computation.1_lowered:
.L_overlay_start_0:
0x88: {  	s2 =	sld [smem:$0x3FD9]  }
0x89: {  	s3 =	sld [smem:$0x3FFE];
	_ =	sdelay $0x1  }
0x8a: {  	s1 =	srdreg.scid  }
0x8b: {  	s0 =	sand.u32 $0x1, s1  }
0x8c: {  	s17 =	sshll.u32 s0, $0xA;
	s2 =	sadd.s32 s3, s2  }
0x8d: {  	s2 =	sadd.s32 s2, s17  }
0x8e: {  	[smem:$0x3FB9] =	sst s2  }
0x8f: {  	_ = 	snop  }
0x90: {  	s2 =	sld [smem:$0x3FD0];
	(tm) =	ssettm $0x1  }
0x91: {  	s18 =	sld [smem:$0x3FFB];
	_ =	sdelay $0x3  }
0x92: {  	_ =	strace s18  }
0x93: {  	s3 =	sld [smem:$0x3FFC];
	_ =	sdelay $0x3  }
0x94: {  	_ =	strace s3  }
0x95: {  	s3 =	sld [smem:$0x3FFD];
	_ =	sdelay $0x3  }
0x96: {  	_ =	strace s3  }
0x97: {  	_ =	strace $0x8FFFFFFF  }
0x98: {  	s19 =	sld [smem:$0x3FDB];
	_ =	sdelay $0x1  }
0x99: {  	s4 =	simm.s32 $_scs_section_size  }
0x9a: {  	s5 =	simm.s32 $_size__tile_overlayer_lowered;
	s6 =	simm.s32 $_tile_overlayer_lowered  }
0x9b: {  	s22 =	simm.s32 $0x1BFF;
	s21 =	sshll.u32 s6, $0x1;
	s3 =	sadd.s32 s4, s19  }
0x9c: {  	s7 =	simm.s32 $0x0;
	s20 =	sshll.u32 s5, $0x1;
	s5 =	sadd.s32 s21, s3  }
0x9d: {  	[timem:s7], [sflag:s22] =	dma.local [hbm:s5], s20  }
0x9e: {  	_ =	swait.ge [sflag:s22], s20  }
0x9f: {  	s4 =	ssub.s32 $0x0, s20;
	[sflag:s22] =	ssyncset.done $0x0  }
0xa0: {  	[sflag:s22] =	ssyncadd.s32 s4;
	_ =	sdelay $0x1  }
0xa1: {  	s23 =	simm.s32 $0x1B8B  }
0xa2: {  	_ =	swait.ge [sflag:s23], $0x1  }
0xa3: {  	[sflag:s23] =	ssyncset.done $0x0  }
0xa4: {  	s25 =	simm.s32 $0x1B8E;
	s24 =	sld [smem:$0x3FFE];
	[sflag:s23] =	ssyncadd.s32 $0xFFFFFFFF  }
0xa5: {  	s26 =	simm.s32 $execute0_lowered;
	[smem:$0x3FD2] =	sst s25  }
0xa6: {  	s5 =	sshll.u32 s26, $0x1;
	_ =	strace $0x80000049;
	[dreg:$0x1] =	wrdreg $0xFFFFFFFF  }
0xa7: {  	s28 =	simm.s32 $_size_execute0_lowered;
	s3 =	sadd.s32 s3, s5;
	[dreg:$0x0] =	wrdreg $0x0  }
0xa8: {  	s5 =	sshll.u32 s28, $0x1;
	[dreg:$0x2] =	wrdreg s3  }
0xa9: {  	[dreg:$0x3] =	wrdreg s5  }
0xaa: {  	[dreg:$0x4] =	wrdreg $0xC0  }
0xab: {  	_ =	task [dreg:s7], $0x5FFFF  }
0xac: {  	[dreg:$0x1] =	wrdreg $0xFFFFFFFF  }
0xad: {  	[dreg:$0x0] =	wrdreg $0x60  }
0xae: {  	[dreg:$0x2] =	wrdreg s2  }
0xaf: {  	[dreg:$0x3] =	wrdreg s24  }
0xb0: {  	[dreg:$0x4] =	wrdreg $0x9  }
0xb1: {  	_ =	task.clear_ibuf [dreg:s7], $0x5FFFF;
	_ =	strace $0x90000049  }
0xb2: {  	s29 =	simm.s32 $0x9;
	_ =	strace $0x8000004B  }
0xb3: {  	_ =	swait.ge [sflag:s29], $0x1  }
0xb4: {  	[sflag:s29] =	ssyncadd.s32 $0xFFFFFFFF  }
0xb5: {  	_ =	strace $0x9000004B  }
0xb6: {  	_ =	sfence  }
0xb7: {  	s30 =	sld [smem:$0x0];
	_ =	sdelay $0x2  }
0xb8: {  	s31 =	sshll.u32 s1, $0xD;
	s1 =	sshrl.u32 s1, $0x2  }
0xb9: {  	s3 =	sand.u32 $0x4000, s31;
	s1 =	sadd.s32 s1, s30  }
0xba: {  	s0 =	sor.u32 s3, s0;
	s1 =	sshll.u32 s1, $0x11  }
0xbb: {  	s0 =	sor.u32 s1, s0  }
0xbc: {  	s0 =	sadd.s32 $0x8F2B, s0  }
0xbd: {  	[sflag:s0] =	ssyncadd.remote.s32 $0x1  }
0xbe: {  	_ =	sfence.sel $0xFFFF  }
0xbf: {  	[dreg:$0x0] =	wrdreg $0xFFFFFFFF;
	(pc) =	sbr.abs _section_cstart, $3  }
0xc0: {  	[dreg:$0x1] =	wrdreg $0xFFFFFFFF  }
0xc1: {  	_ =	task.clear_ibuf [dreg:s7], $0x2FFFF;
	_ =	strace $0x9FFFFFFF  }
0xc2: {  	(tm) =	ssettm $0x7FFFFFFF  }
0xc3: {  	_ =	shalt  }
tec
execute0_lowered:
.L_overlay_start_1:
0x0: {  	(tag) =	ssettag $0x1  }
0x1: {  	s1 =	rddreg [dreg:$0x0]  }
0x2: {  	s3 =	rddreg [dreg:$0x1]  }
0x3: {  	s4 =	srdreg.scid;
	s0 =	rddreg [dreg:$0x2];
	s2 =	simm.s32 $0x0  }
0x4: {  	s9 =	simm.s32 $0xA800;
	s10 =	simm.s32 $0x2;
	s11 =	simm.s32 $0xA980  }
.Ltmp0:
0x5: {  	s12 =	simm.s32 $0xA000;
	s6 =	sand.u32 $0x1, s4;
	(pc) =	sbr.rel .LBB2_1-.Ltmp0, $4  }
0x6: {  	s13 =	simm.s32 $0x0;
	[smem:$0x7FF] =	sst s2;
	s7 =	ssub.s32 $0x2, s6  }
0x7: {  	s4 =	sadd.s32 $0x3A00, s3;
	s5 =	sadd.s32 $0x17400, s3;
	s8 =	sshrl.u32 s7, $0x1  }
0x8: {  	s3 =	stileid.u32;
	_ =	strace $0x8000004A;
	s7 =	ssub.s32 s7, s8  }
0x9: {  	s6 =	sshll.u32 s6, $0x4;
	s8 =	simm.s32 $0x1;
	s7 =	smax.u32 s7, $0x1  }
.LBB2_7:
0xa: {  	s13 =	sadd.s32 $0x1, s13  }
0xb: {  	p0 =	sne.s32 s13, s7  }
.Ltmp1:
0xc: {  	_ = 	snop;
	(pc) =	sbr.rel @!p0 .LBB2_8-.Ltmp1, $1  }
0xd: {  	_ =	sdelay $0x3  }
.LBB2_1:
.Ltmp2:
0xe: {  	(pc) =	sbr.rel .LBB2_2-.Ltmp2, $4  }
0xf: {  	[tilespmem:s2], [sflag:$0x1] =	stream.linear.gather [hbm4b:s1+s2], $0xA000, $0x38;
	[tilespmem:$0xAA00] =	vst v63  }
0x10: {  	_ =	swait.ge [sflag:s8], $0xA000  }
0x11: {  	[sflag:s8] =	ssyncset.done $0x0  }
0x12: {  	s14 =	simm.s32 $0x0;
	[sflag:s8] =	ssyncadd.s32 $0xFFFF6000  }
.LBB2_6:
0x13: {  	s14 =	sadd.s32 $0x1, s14  }
0x14: {  	p0 =	sne.s32 s14, $0x28  }
.Ltmp3:
0x15: {  	_ = 	snop;
	(pc) =	sbr.rel @!p0 .LBB2_7-.Ltmp3, $1  }
0x16: {  	_ =	sdelay $0x3  }
.LBB2_2:
0x17: {  	s15 =	sshll.u32 s14, $0x5  }
0x18: {  	s15 =	sor.u32 s15, s6  }
0x19: {  	s15 =	sor.u32 s3, s15  }
0x1a: {  	p0 =	sgt.u32 s15, $0x4E1  }
.Ltmp4:
0x1b: {  	_ = 	snop;
	(pc) =	sbr.rel @p0 .LBB2_6-.Ltmp4, $1  }
0x1c: {  	_ =	sdelay $0x3  }
0x1d: {  	s17 =	sshll.u32 s15, $0x6;
	s16 =	simm.s32 $0x0  }
0x1e: {  	s17 =	sadd.s32 s4, s17;
	v0 =	vmov s16  }
0x1f: {  	[tilespmem:s9], [sflag:$0x2] =	stream.linear.gather [hbm4b:s17+s16], $0x200, $0x38;
	[tilespmem:$0xAA00] =	vst v63  }
0x20: {  	_ =	swait.ge [sflag:s10], $0x200  }
0x21: {  	[sflag:s10] =	ssyncset.done $0x0  }
0x22: {  	[sflag:s10] =	ssyncadd.s32 $0xFFFFFE00  }
0x23: {  	v0 =	vld.idx.msk [tilespmem:v0+s11+$0x0], $0xffff;
	_ =	sdelay $0x7  }
0x24: {  	s29 =	simm.s32 $0x1;
	v0 =	vld.idx.msk [tilespmem:v0+s2+$0x0], $0xffff  }
0x25: {  	v1 =	vmov s29  }
0x26: {  	s30 =	sand.u32 $0x1E00, s16  }
0x27: {  	s18 =	sand.u32 $0x70, s16;
	s17 =	sshrl.u32 s30, $0x2  }
0x28: {  	s17 =	sor.u32 s18, s17  }
0x29: {  	[tilespmem:s17+$0xA000] =	vst v0  }
0x2a: {  	v0 =	vld.idx.msk [tilespmem:v1+s11+$0x0], $0xffff;
	_ =	sdelay $0x7  }
0x2b: {  	s31 =	simm.s32 $0x2;
	v0 =	vld.idx.msk [tilespmem:v0+s2+$0x0], $0xffff  }
0x2c: {  	s18 =	simm.s32 $0x3;
	s17 =	simm.s32 $0x40;
	v1 =	vmov s31  }
.LBB2_4:
0x2d: {  	p0 =	sne.s32 s18, $0x7F;
	s19 =	sand.u32 $0x1E00, s17;
	s16 =	sadd.s32 $0x10, s16  }
0x2e: {  	s20 =	sand.u32 $0x70, s16;
	s19 =	sshrl.u32 s19, $0x2  }
0x2f: {  	s19 =	sor.u32 s20, s19  }
0x30: {  	[tilespmem:s19+$0xA000] =	vst v0  }
0x31: {  	v0 =	vld.idx.msk [tilespmem:v1+s11+$0x0], $0xffff;
	_ =	sdelay $0x5  }
.Ltmp5:
0x32: {  	(pc) =	sbr.rel @p0 .LBB2_4-.Ltmp5, $3  }
0x33: {  	_ = 	snop  }
0x34: {  	v0 =	vld.idx.msk [tilespmem:v0+s2+$0x0], $0xffff;
	_ =	sdelay $0x1  }
0x35: {  	s17 =	sadd.s32 $0x40, s17;
	v1 =	vmov s18;
	s18 =	sadd.s32 $0x1, s18  }
0x36: {  	s18 =	sand.u32 $0x1E00, s17;
	s16 =	sadd.s32 $0x10, s16  }
0x37: {  	s19 =	sand.u32 $0x70, s16;
	s18 =	sshrl.u32 s18, $0x2  }
0x38: {  	s18 =	sor.u32 s19, s18  }
0x39: {  	[tilespmem:s18+$0xA000] =	vst v0  }
0x3a: {  	v0 =	vld.idx.msk [tilespmem:v1+s11+$0x0], $0xffff;
	_ =	sdelay $0x7  }
0x3b: {  	v0 =	vld.idx.msk [tilespmem:v0+s2+$0x0], $0xffff  }
0x3c: {  	s31 =	sadd.s32 $0x40, s17  }
0x3d: {  	s17 =	sand.u32 $0x1E00, s31;
	s16 =	sadd.s32 $0x10, s16  }
0x3e: {  	s16 =	sand.u32 $0x70, s16;
	s17 =	sshrl.u32 s17, $0x2  }
0x3f: {  	s15 =	sshll.u32 s15, $0x8;
	s16 =	sor.u32 s16, s17  }
.Ltmp6:
0x40: {  	s15 =	sadd.s32 s5, s15;
	[tilespmem:s16+$0xA000] =	vst v0;
	(pc) =	sbr.rel .LBB2_6-.Ltmp6, $4  }
0x41: {  	[hbm4b:s15+s2] =	stream.linear.scatter [tilespmem:s12], [sflag:$0x1], $0x800, $0x38;
	[tilespmem:$0xAA00] =	vst v63  }
0x42: {  	_ =	swait.ge [sflag:s8], $0x800  }
0x43: {  	[sflag:s8] =	ssyncset.done $0x0  }
0x44: {  	[sflag:s8] =	ssyncadd.s32 $0xFFFFF800  }
.LBB2_8:
0x45: {  	_ =	sfence.sel $0x180000  }
0x46: {  	[bflag:$0x0] =	sbarrier.arrive $0xFFFF  }
0x47: {  	p0 =	sne.s32 s3, $0x0;
	_ =	strace $0x9000004A  }
0x48: {  	s0 =	sadd.s32 @!p0 $0x100000, s0;
	[bflag:$0x2] =	sbarrier.arrive $0xFFFF  }
0x49: {  	[sflag:s0] =	ssyncadd.tile.s32 @!p0 $0x1;
	_ =	shalt  }
.Lfunc_end2:
_tile_overlayer_lowered:
.L_overlay_start_2:
0x4a: {  	(tag) =	ssettag $0x2  }
0x4b: {  	s0 =	rddreg [dreg:$0x0];
	s2 =	stileid.u32  }
0x4c: {  	s1 =	rddreg [dreg:$0x1];
	p0 =	sne.s32 s2, $0x0  }
0x4d: {  	s3 =	rddreg [dreg:$0x2];
	[bflag:$0x3] =	sbarrier.arrive $0xFFFF;
	s2 =	simm.s32 @!p0 $0x1C01  }
0x4e: {  	[timem:s3], [sflag:s2] =	dma.local @!p0 [hbm:s0], s1  }
0x4f: {  	s0 =	simm.s32 @!p0 $0x1  }
0x50: {  	_ =	swait.ge @!p0 [sflag:s0], s1  }
0x51: {  	s1 =	ssub.s32 @!p0 $0x0, s1;
	[sflag:s0] =	ssyncset.done @!p0 $0x0  }
0x52: {  	[sflag:s0] =	ssyncadd.s32 @!p0 s1  }
0x53: {  	[bflag:$0x3] =	sbarrier.arrive $0xFFFF  }
0x54: {  	_ =	shalt  }

// kernel: kernel.21.cloned.1.call-start
scs
__scs_entry_jumppad:
0x0: {  	(pc) =	sbr.rel $0x88, $3  }
0x1: {  	(tag) =	ssettag $0x0;
	lr =	simm.s32 $0x1  }
0x2: {  	[smem:$0x3F92] =	sst lr;
	_ =	strace $0xD0000000  }
0x3: {  	_ = 	snop  }
0x4: {  	_ = 	snop  }
0x5: {  	_ = 	snop  }
0x6: {  	_ = 	snop  }
0x7: {  	_ = 	snop  }
__scs_overlays_trampoline_lowered:
0x8: {  	[smem:$0x3FA1] =	sst s0  }
0x9: {  	[smem:$0x3FA2] =	sst s1  }
0xa: {  	[smem:$0x3FA3] =	sst s2  }
0xb: {  	[smem:$0x3FA4] =	sst s3  }
0xc: {  	[smem:$0x3FA5] =	sst s4  }
0xd: {  	[smem:$0x3FA6] =	sst s5  }
0xe: {  	[smem:$0x3FA7] =	sst s6  }
0xf: {  	[smem:$0x3FA8] =	sst s7  }
0x10: {  	[smem:$0x3FA9] =	sst s8  }
0x11: {  	[smem:$0x3FAA] =	sst s9;
	s0 =	simm.s32 @!p0 $0x0  }
0x12: {  	s1 =	sld [smem:$0x3F90];
	s0 =	simm.s32 @p0 $0x1  }
0x13: {  	[smem:$0x3FAB] =	sst s0;
	s0 =	simm.s32 @!p1 $0x0  }
0x14: {  	s2 =	sld [smem:$0x3F8F];
	s0 =	simm.s32 @p1 $0x1  }
0x15: {  	[smem:$0x3FAC] =	sst s0;
	s0 =	simm.s32 @!p2 $0x0  }
0x16: {  	s3 =	sld [smem:$0x3FDB];
	s0 =	simm.s32 @p2 $0x1  }
0x17: {  	s4 =	simm.s32 $0x1BF5;
	[smem:$0x3FAE] =	sst s0  }
0x18: {  	s0 =	sld [smem:$0x3F91];
	_ =	swait.ge [sflag:s4], $0x0  }
0x19: {  	s7 =	sld [smem:$0x3F92]  }
0x1a: {  	s8 =	sadd.s32 $0xFFFFE003, lr  }
0x1b: {  	s9 =	sadd.s32 $0xFFFFFEF7, lr;
	s5 =	simm.s32 $0xFFFFFFFF;
	p2 =	slt.u32 s8, $0xFFFFF086  }
0x1c: {  	p1 =	slt.u32 s9, $0xF7A;
	s5 =	simm.s32 @!p2 $0x0  }
0x1d: {  	s5 =	simm.s32 @p1 $0x1;
	p0 =	seq.s32 s7, s2  }
0x1e: {  	s7 =	smul.u32 @!p0 $0xF7A, s2;
	p2 =	seq.s32 @!p0 s5, $0x0  }
0x1f: {  	s9 =	smul.u32 $0xF7A, s1;
	s8 =	simm.s32 @!p0 $0x1BF5;
	p2 =	por !p2, p0  }
0x20: {  	[sflag:s8] =	ssyncset.s32 @!p0 $0xFFFFF086;
	s6 =	sadd.s32 @!p0 s3, s7;
	s7 =	simm.s32 @!p0 $0x108  }
0x21: {  	s3 =	sadd.s32 s3, s9;
	s6 =	sadd.s32 @!p0 $0x88, s6;
	s7 =	simm.s32 @p2 $0x1082  }
0x22: {  	[simem:s7], [sflag:s8] =	dma.local @!p0 [hbm:s6], $0xF7A  }
0x23: {  	s9 =	sor.u32 $0xD0000000, s2;
	s6 =	simm.s32 $0x108;
	_ =	swait.ge @!p0 [sflag:s8], $0x0  }
0x24: {  	s3 =	sadd.s32 $0x88, s3;
	s6 =	simm.s32 @!p1 $0x1082;
	[sflag:s4] =	ssyncset.s32 $0xFFFFF086  }
0x25: {  	[simem:s6], [sflag:s4] =	dma.local [hbm:s3], $0xF7A  }
0x26: {  	[smem:$0x3F92] =	sst s1;
	(tag) =	ssettag s2;
	_ =	strace s9  }
0x27: {  	s1 =	sld [smem:$0x3FA2]  }
0x28: {  	s2 =	sld [smem:$0x3FA3]  }
0x29: {  	s4 =	sld [smem:$0x3FA5]  }
0x2a: {  	p0 =	seq.s32 s5, $0x0;
	s5 =	sld [smem:$0x3FA6]  }
0x2b: {  	s6 =	sld [smem:$0x3FA7]  }
0x2c: {  	s7 =	sld [smem:$0x3FA8]  }
0x2d: {  	s3 =	simm.s32 $0x108;
	s8 =	sld [smem:$0x3FA9]  }
0x2e: {  	s3 =	simm.s32 @!p0 $0x1082;
	s9 =	sld [smem:$0x3FAA]  }
0x2f: {  	lr =	sadd.s32 s0, s3;
	s0 =	sld [smem:$0x3FA1]  }
0x30: {  	s3 =	sld [smem:$0x3FA4]  }
0x31: {  	[smem:$0x3FAD] =	sst s10  }
0x32: {  	s10 =	sld [smem:$0x3FAB];
	_ =	sdelay $0x3  }
0x33: {  	p0 =	seq.s32 s10, $0x1;
	s10 =	sld [smem:$0x3FAD];
	_ =	sdelay $0x3  }
0x34: {  	[smem:$0x3FAD] =	sst s10  }
0x35: {  	s10 =	sld [smem:$0x3FAC];
	_ =	sdelay $0x3  }
0x36: {  	p1 =	seq.s32 s10, $0x1;
	s10 =	sld [smem:$0x3FAD];
	_ =	sdelay $0x3  }
0x37: {  	[smem:$0x3FAD] =	sst s10  }
0x38: {  	s10 =	sld [smem:$0x3FAE]  }
0x39: {  	_ = 	snop;
	(pc) =	sbr.ind lr, $3  }
0x3a: {  	_ = 	snop  }
0x3b: {  	_ = 	snop  }
0x3c: {  	p2 =	seq.s32 s10, $0x1;
	s10 =	sld [smem:$0x3FAD]  }
0x3d: {  	_ =	shalt  }
0x3e: {  	_ =	shalt  }
0x3f: {  	_ =	shalt  }
0x40: {  	_ =	shalt  }
0x41: {  	_ =	shalt  }
0x42: {  	_ =	shalt  }
0x43: {  	_ =	shalt  }
0x44: {  	_ =	shalt  }
0x45: {  	_ =	shalt  }
0x46: {  	_ =	shalt  }
0x47: {  	_ =	shalt  }
0x48: {  	_ =	shalt  }
0x49: {  	_ =	shalt  }
0x4a: {  	_ =	shalt  }
0x4b: {  	_ =	shalt  }
0x4c: {  	_ =	shalt  }
0x4d: {  	_ =	shalt  }
0x4e: {  	_ =	shalt  }
0x4f: {  	_ =	shalt  }
0x50: {  	_ =	shalt  }
0x51: {  	_ =	shalt  }
0x52: {  	_ =	shalt  }
0x53: {  	_ =	shalt  }
0x54: {  	_ =	shalt  }
0x55: {  	_ =	shalt  }
0x56: {  	_ =	shalt  }
0x57: {  	_ =	shalt  }
0x58: {  	_ =	shalt  }
0x59: {  	_ =	shalt  }
0x5a: {  	_ =	shalt  }
0x5b: {  	_ =	shalt  }
0x5c: {  	_ =	shalt  }
0x5d: {  	_ =	shalt  }
0x5e: {  	_ =	shalt  }
0x5f: {  	_ =	shalt  }
0x60: {  	_ =	shalt  }
0x61: {  	_ =	shalt  }
0x62: {  	_ =	shalt  }
0x63: {  	_ =	shalt  }
0x64: {  	_ =	shalt  }
0x65: {  	_ =	shalt  }
0x66: {  	_ =	shalt  }
0x67: {  	_ =	shalt  }
0x68: {  	_ =	shalt  }
0x69: {  	_ =	shalt  }
0x6a: {  	_ =	shalt  }
0x6b: {  	_ =	shalt  }
0x6c: {  	_ =	shalt  }
0x6d: {  	_ =	shalt  }
0x6e: {  	_ =	shalt  }
0x6f: {  	_ =	shalt  }
0x70: {  	_ =	shalt  }
0x71: {  	_ =	shalt  }
0x72: {  	_ =	shalt  }
0x73: {  	_ =	shalt  }
0x74: {  	_ =	shalt  }
0x75: {  	_ =	shalt  }
0x76: {  	_ =	shalt  }
0x77: {  	_ =	shalt  }
0x78: {  	_ =	shalt  }
0x79: {  	_ =	shalt  }
0x7a: {  	_ =	shalt  }
0x7b: {  	_ =	shalt  }
0x7c: {  	_ =	shalt  }
0x7d: {  	_ =	shalt  }
0x7e: {  	_ =	shalt  }
0x7f: {  	_ =	shalt  }
0x80: {  	_ =	shalt  }
0x81: {  	_ =	shalt  }
0x82: {  	_ =	shalt  }
0x83: {  	_ =	shalt  }
0x84: {  	_ =	shalt  }
0x85: {  	_ =	shalt  }
0x86: {  	_ =	shalt  }
0x87: {  	_ =	shalt  }
.Lfunc_end0:
.L_simem_size_0:
called_computation.2_lowered:
.L_overlay_start_0:
0x88: {  	s2 =	sld [smem:$0x3FD9]  }
0x89: {  	s3 =	sld [smem:$0x3FFE];
	_ =	sdelay $0x1  }
0x8a: {  	s1 =	srdreg.scid  }
0x8b: {  	s0 =	sand.u32 $0x1, s1  }
0x8c: {  	s16 =	sshll.u32 s0, $0xA;
	s2 =	sadd.s32 s3, s2  }
0x8d: {  	s2 =	sadd.s32 s2, s16  }
0x8e: {  	[smem:$0x3FB9] =	sst s2  }
0x8f: {  	_ = 	snop  }
0x90: {  	(tm) =	ssettm $0x1  }
0x91: {  	s17 =	sld [smem:$0x3FFB];
	_ =	sdelay $0x3  }
0x92: {  	_ =	strace s17  }
0x93: {  	s2 =	sld [smem:$0x3FFC];
	_ =	sdelay $0x3  }
0x94: {  	_ =	strace s2  }
0x95: {  	s2 =	sld [smem:$0x3FFD];
	_ =	sdelay $0x3  }
0x96: {  	_ =	strace s2  }
0x97: {  	_ =	strace $0x8FFFFFFF  }
0x98: {  	s18 =	sld [smem:$0x3FDB];
	_ =	sdelay $0x1  }
0x99: {  	s19 =	simm.s32 $_scs_section_size  }
0x9a: {  	s4 =	simm.s32 $_size__tile_overlayer_lowered;
	s5 =	simm.s32 $_tile_overlayer_lowered  }
0x9b: {  	s22 =	simm.s32 $0x1BFF;
	s21 =	sshll.u32 s5, $0x1;
	s2 =	sadd.s32 s19, s18  }
0x9c: {  	s6 =	simm.s32 $0x0;
	s20 =	sshll.u32 s4, $0x1;
	s4 =	sadd.s32 s21, s2  }
0x9d: {  	[timem:s6], [sflag:s22] =	dma.local [hbm:s4], s20  }
0x9e: {  	_ =	swait.ge [sflag:s22], s20  }
0x9f: {  	s3 =	ssub.s32 $0x0, s20;
	[sflag:s22] =	ssyncset.done $0x0  }
0xa0: {  	[sflag:s22] =	ssyncadd.s32 s3;
	_ =	sdelay $0x1  }
0xa1: {  	s23 =	simm.s32 $0x1B8B  }
0xa2: {  	_ =	swait.ge [sflag:s23], $0x1  }
0xa3: {  	[sflag:s23] =	ssyncset.done $0x0  }
0xa4: {  	s25 =	simm.s32 $0x1B8E;
	s24 =	sld [smem:$0x3FFE];
	[sflag:s23] =	ssyncadd.s32 $0xFFFFFFFF  }
0xa5: {  	s26 =	simm.s32 $execute0_lowered;
	[smem:$0x3FD2] =	sst s25  }
0xa6: {  	s4 =	sshll.u32 s26, $0x1;
	_ =	strace $0x8000004C;
	[dreg:$0x1] =	wrdreg $0xFFFFFFFF  }
0xa7: {  	s28 =	simm.s32 $_size_execute0_lowered;
	s2 =	sadd.s32 s2, s4;
	[dreg:$0x0] =	wrdreg $0x0  }
0xa8: {  	s4 =	sshll.u32 s28, $0x1;
	[dreg:$0x2] =	wrdreg s2  }
0xa9: {  	[dreg:$0x3] =	wrdreg s4  }
0xaa: {  	[dreg:$0x4] =	wrdreg $0xC0  }
0xab: {  	_ =	task [dreg:s6], $0x5FFFF  }
0xac: {  	[dreg:$0x1] =	wrdreg $0xFFFFFFFF  }
0xad: {  	[dreg:$0x0] =	wrdreg $0x60  }
0xae: {  	[dreg:$0x2] =	wrdreg s24  }
0xaf: {  	[dreg:$0x3] =	wrdreg $0x0  }
0xb0: {  	[dreg:$0x4] =	wrdreg $0x9  }
0xb1: {  	_ =	task.clear_ibuf [dreg:s6], $0x5FFFF;
	_ =	strace $0x9000004C  }
0xb2: {  	s29 =	simm.s32 $0x9;
	_ =	strace $0x8000004E  }
0xb3: {  	_ =	swait.ge [sflag:s29], $0x1  }
0xb4: {  	[sflag:s29] =	ssyncadd.s32 $0xFFFFFFFF  }
0xb5: {  	_ =	strace $0x9000004E  }
0xb6: {  	_ =	sfence  }
0xb7: {  	s30 =	sld [smem:$0x0];
	_ =	sdelay $0x2  }
0xb8: {  	s31 =	sshll.u32 s1, $0xD;
	s1 =	sshrl.u32 s1, $0x2  }
0xb9: {  	s3 =	sand.u32 $0x4000, s31;
	s1 =	sadd.s32 s1, s30  }
0xba: {  	s0 =	sor.u32 s3, s0;
	s1 =	sshll.u32 s1, $0x11  }
0xbb: {  	s0 =	sor.u32 s1, s0  }
0xbc: {  	s0 =	sadd.s32 $0x8F2B, s0  }
0xbd: {  	[sflag:s0] =	ssyncadd.remote.s32 $0x1  }
0xbe: {  	_ =	sfence.sel $0xFFFF  }
0xbf: {  	[dreg:$0x0] =	wrdreg $0xFFFFFFFF;
	(pc) =	sbr.abs _section_cstart, $3  }
0xc0: {  	[dreg:$0x1] =	wrdreg $0xFFFFFFFF  }
0xc1: {  	_ =	task.clear_ibuf [dreg:s6], $0x2FFFF;
	_ =	strace $0x9FFFFFFF  }
0xc2: {  	(tm) =	ssettm $0x7FFFFFFF  }
0xc3: {  	_ =	shalt  }
tec
execute0_lowered:
.L_overlay_start_1:
0x0: {  	(tag) =	ssettag $0x1  }
0x1: {  	s0 =	rddreg [dreg:$0x0]  }
0x2: {  	s1 =	rddreg [dreg:$0x1];
	s2 =	srdreg.scid;
	s3 =	simm.s32 $0x0  }
0x3: {  	s20 =	simm.s32 $0x13880;
	s21 =	simm.s32 $0x9;
	s23 =	simm.s32 $0x1  }
0x4: {  	s24 =	simm.s32 $0x80;
	s8 =	sand.u32 $0x1, s2;
	s2 =	stileid.u32  }
0x5: {  	s28 =	simm.s32 $0x0;
	[smem:$0x7FF] =	sst s3;
	s7 =	smul.u32 $0x13C000, s8  }
0x6: {  	s4 =	sadd.s32 $0x65600, s0;
	s5 =	sadd.s32 $0x17400, s0;
	s9 =	smul.u32 $0x13C00, s2  }
0x7: {  	s6 =	sadd.s32 $0x3A00, s0;
	_ =	strace $0x8000004D;
	s10 =	smul.u32 $0x4E200, s2  }
0x8: {  	s26 =	ssub.s32 $0x2, s8;
	s12 =	sshll.u32 s2, $0x6;
	s8 =	sshll.u32 s8, $0x7  }
0x9: {  	s15 =	sshll.u32 s2, $0x8;
	s17 =	ssub.s32 $0x4E2, s2;
	s7 =	sadd.s32 s9, s7  }
0xa: {  	p0 =	sgt.u32 s2, $0x1;
	s10 =	sshrl.u32 s10, $0x2;
	s7 =	sshrl.u32 s7, $0x3  }
0xb: {  	s11 =	sshrl.u32 s26, $0x1;
	s0 =	sadd.s32 s7, s0;
	s7 =	sadd.s32 s10, s1  }
0xc: {  	s13 =	sadd.s32 s6, s12;
	s14 =	sadd.s32 $0x1C880, s8;
	s10 =	sadd.s32 $0x3E80, s7  }
0xd: {  	s15 =	sadd.s32 s5, s15;
	s29 =	sadd.s32 $0x7D00, s7;
	[dreg:$0x3] =	wrdreg s10  }
0xe: {  	s9 =	ssub.s32 s26, s11;
	s30 =	sadd.s32 $0xBB80, s7;
	[dreg:$0x4] =	wrdreg s29  }
0xf: {  	s16 =	sadd.s32 $0x400, s13;
	s31 =	sadd.s32 $0xFA00, s7;
	[dreg:$0x5] =	wrdreg s30  }
0x10: {  	v0 =	vimm.f32 $0.0e+00;
	s19 =	smax.u32 s9, $0x1;
	s18 =	sadd.s32 $0x19DE00, s0;
	[dreg:$0x6] =	wrdreg s31  }
.LBB2_1:
0x11: {  	s0 =	simm.s32 $0x0;
	s8 =	simm.s32 $0x200  }
.LBB2_2:
0x12: {  	p1 =	sne.s32 s8, $0xF800;
	[tilespmem:s0+$0x138F0] =	vst v0  }
0x13: {  	[tilespmem:s0+$0x13880] =	vst v0  }
0x14: {  	[tilespmem:s0+$0x13890] =	vst v0  }
.Ltmp0:
0x15: {  	[tilespmem:s0+$0x138A0] =	vst v0;
	(pc) =	sbr.rel @p1 .LBB2_2-.Ltmp0, $4  }
0x16: {  	[tilespmem:s0+$0x138B0] =	vst v0  }
0x17: {  	[tilespmem:s0+$0x138C0] =	vst v0  }
0x18: {  	[tilespmem:s0+$0x138D0] =	vst v0  }
0x19: {  	[tilespmem:s0+$0x138E0] =	vst v0;
	s0 =	sshra.s32 s8, $0x2;
	s8 =	sadd.s32 $0x200, s8  }
0x1a: {  	[tilespmem:s0+$0x138F0] =	vst v0  }
0x1b: {  	[tilespmem:s0+$0x13880] =	vst v0  }
0x1c: {  	[tilespmem:s0+$0x13890] =	vst v0  }
0x1d: {  	[tilespmem:s0+$0x138A0] =	vst v0  }
0x1e: {  	[tilespmem:s0+$0x138B0] =	vst v0  }
0x1f: {  	[tilespmem:s0+$0x138C0] =	vst v0  }
0x20: {  	[tilespmem:s0+$0x138D0] =	vst v0  }
0x21: {  	[tilespmem:s0+$0x138E0] =	vst v0  }
0x22: {  	[spmem:s7] =	stream.linear.scatter [tilespmem:s20], [sflag:$0x9], $0x3E80, $0x38;
	[tilespmem:$0x1D080] =	vst v63  }
0x23: {  	_ =	swait.ge [sflag:s21], $0x3E80  }
0x24: {  	[sflag:s21] =	ssyncset.done $0x0  }
0x25: {  	s10 =	rddreg [dreg:$0x3];
	[sflag:s21] =	ssyncadd.s32 $0xFFFFC180  }
0x26: {  	[spmem:s10] =	stream.linear.scatter [tilespmem:s20], [sflag:$0x9], $0x3E80, $0x38;
	[tilespmem:$0x1D080] =	vst v63  }
0x27: {  	_ =	swait.ge [sflag:s21], $0x3E80  }
0x28: {  	[sflag:s21] =	ssyncset.done $0x0  }
0x29: {  	s11 =	rddreg [dreg:$0x4];
	[sflag:s21] =	ssyncadd.s32 $0xFFFFC180  }
0x2a: {  	[spmem:s11] =	stream.linear.scatter [tilespmem:s20], [sflag:$0x9], $0x3E80, $0x38;
	[tilespmem:$0x1D080] =	vst v63  }
0x2b: {  	_ =	swait.ge [sflag:s21], $0x3E80  }
0x2c: {  	[sflag:s21] =	ssyncset.done $0x0  }
0x2d: {  	s22 =	rddreg [dreg:$0x5];
	[sflag:s21] =	ssyncadd.s32 $0xFFFFC180  }
0x2e: {  	[spmem:s22] =	stream.linear.scatter [tilespmem:s20], [sflag:$0x9], $0x3E80, $0x38;
	[tilespmem:$0x1D080] =	vst v63  }
0x2f: {  	_ =	swait.ge [sflag:s21], $0x3E80  }
0x30: {  	[sflag:s21] =	ssyncset.done $0x0  }
0x31: {  	s25 =	rddreg [dreg:$0x6];
	[sflag:s21] =	ssyncadd.s32 $0xFFFFC180  }
0x32: {  	[spmem:s25] =	stream.linear.scatter [tilespmem:s20], [sflag:$0x9], $0x3E80, $0x38;
	[tilespmem:$0x1D080] =	vst v63  }
0x33: {  	_ =	swait.ge [sflag:s21], $0x3E80  }
0x34: {  	[sflag:s21] =	ssyncset.done $0x0  }
0x35: {  	[sflag:s21] =	ssyncadd.s32 $0xFFFFC180  }
0x36: {  	s29 =	simm.s32 $0x0;
	s26 =	simm.s32 $0x1C880;
	[bflag:$0x0] =	sbarrier.arrive $0xFFFF  }
0x37: {  	[tilespmem:s26], [sflag:$0x1] =	stream.linear.gather [hbm4b:s13+s29], $0x200, $0x38;
	[tilespmem:$0x1D080] =	vst v63  }
0x38: {  	_ =	swait.ge [sflag:s23], $0x200  }
0x39: {  	[sflag:s23] =	ssyncset.done $0x0  }
0x3a: {  	[sflag:s23] =	ssyncadd.s32 $0xFFFFFE00  }
0x3b: {  	[tilespmem:s20], [sflag:$0x5] =	stream.indirect.gather [hbm4b:s4+s24], $0x80, s14, s24, $0xb8;
	[tilespmem:$0x1D080] =	vst v63  }
0x3c: {  	s30 =	simm.s32 $0x1B880  }
0x3d: {  	[tilespmem:s30], [sflag:$0x5] =	stream.linear.gather [hbm4b:s15+s29], $0x800, $0x38;
	[tilespmem:$0x1D080] =	vst v63  }
0x3e: {  	s31 =	simm.s32 $0x1CA80  }
0x3f: {  	[tilespmem:s31], [sflag:$0x2] =	stream.linear.gather [hbm4b:s16+s29], $0x200, $0x38;
	[tilespmem:$0x1D080] =	vst v63  }
.LBB2_4:
0x40: {  	p1 =	seq.s32 s29, $0x0  }
0x41: {  	p2 =	seq.s32 @!p1 s29, $0x4E  }
0x42: {  	s0 =	sxor.u32 @!p1 $0xFFFFFFFF, s29;
	p2 =	por p1, !p2  }
.Ltmp1:
0x43: {  	s0 =	sand.u32 @!p1 $0x1, s0;
	(pc) =	sbr.rel @!p2 .LBB2_6-.Ltmp1, $4  }
0x44: {  	s0 =	sadd.s32 @!p1 $0x7, s0  }
0x45: {  	_ =	swait.ge @!p1 [sflag:s0], $0x4000  }
0x46: {  	[sflag:s0] =	ssyncset.done @!p1 $0x0  }
0x47: {  	s30 =	simm.s32 @!p1 $0x4F;
	[sflag:s0] =	ssyncadd.s32 @!p1 $0xFFFFC000  }
0x48: {  	s30 =	sadd.s32 @!p1 $0x1, s29  }
0x49: {  	s30 =	simm.s32 @p1 $0x1  }
0x4a: {  	s0 =	sand.u32 $0x3, s30  }
0x4b: {  	s9 =	sand.u32 $0x1, s30;
	s8 =	sadd.s32 $0x1, s0  }
0x4c: {  	s26 =	sshll.u32 s30, $0x4;
	s25 =	sshll.u32 s9, $0xE;
	_ =	swait.ge [sflag:s8], $0x200  }
0x4d: {  	s0 =	sshll.u32 s0, $0x9;
	s22 =	sadd.s32 $0x5, s9;
	[sflag:s8] =	ssyncset.done $0x0  }
0x4e: {  	s0 =	sadd.s32 s0, s14;
	[sflag:s8] =	ssyncadd.s32 $0xFFFFFE00;
	s8 =	sor.u32 $0x13880, s25  }
0x4f: {  	[tilespmem:s8], [sflag:s22] =	stream.indirect.gather [hbm4b:s4+s24], $0x80, s0, s24, $0xb8;
	[tilespmem:$0x1D080] =	vst v63  }
0x50: {  	s0 =	sor.u32 s2, s26  }
0x51: {  	s0 =	smin.u32 s0, $0x4E1  }
0x52: {  	s31 =	sshll.u32 s9, $0xB;
	s0 =	sshll.u32 s0, $0x8  }
0x53: {  	p1 =	sgt.u32 s29, $0x4C;
	s8 =	sadd.s32 $0x1B880, s31;
	s0 =	sadd.s32 s5, s0  }
0x54: {  	[tilespmem:s8], [sflag:s22] =	stream.linear.gather [hbm4b:s0+s3], $0x800, $0x38;
	[tilespmem:$0x1D080] =	vst v63  }
0x55: {  	s0 =	sadd.s32 @!p1 $0x2, s29  }
0x56: {  	s8 =	sshll.u32 @!p1 s0, $0x4  }
0x57: {  	s8 =	sor.u32 @!p1 s2, s8  }
0x58: {  	s0 =	sand.u32 @!p1 $0x3, s0;
	s8 =	smin.u32 @!p1 s8, $0x4E1  }
0x59: {  	s22 =	simm.s32 @!p1 $0x0;
	s9 =	sshll.u32 @!p1 s0, $0x9;
	s8 =	sshll.u32 @!p1 s8, $0x6  }
0x5a: {  	s0 =	sadd.s32 @!p1 $0x1, s0;
	s9 =	sor.u32 @!p1 $0x1C880, s9;
	s8 =	sadd.s32 @!p1 s6, s8  }
0x5b: {  	[tilespmem:s9], [sflag:s0] =	stream.linear.gather @!p1 [hbm4b:s8+s22], $0x200, $0x38;
	[tilespmem:$0x1D080] =	vst v63  }
.LBB2_6:
0x5c: {  	s31 =	sand.u32 $0x1, s29  }
0x5d: {  	s0 =	sadd.s32 $0x5, s31  }
0x5e: {  	_ =	swait.ge [sflag:s0], $0x4000  }
0x5f: {  	s25 =	simm.s32 $0x0;
	[sflag:s0] =	ssyncset.done $0x0  }
0x60: {  	s8 =	sshll.u32 s31, $0xB;
	s22 =	sand.u32 $0x1E00, s25;
	[sflag:s0] =	ssyncadd.s32 $0xFFFFC000  }
0x61: {  	s26 =	sadd.s32 $0x1B880, s8;
	s10 =	sshrl.u32 s22, $0x2;
	_ =	swait.ge [sflag:s0], $0x800  }
0x62: {  	s11 =	sand.u32 $0x70, s25;
	s8 =	sadd.s32 s10, s26;
	[sflag:s0] =	ssyncset.done $0x0  }
0x63: {  	s8 =	sadd.s32 s11, s8;
	[sflag:s0] =	ssyncadd.s32 $0xFFFFF800;
	s0 =	sshll.u32 s31, $0xE  }
0x64: {  	s9 =	sor.u32 $0x138C0, s0;
	v2 =	vld [tilespmem:s8+$0x0]  }
0x65: {  	v5 =	vld [tilespmem:s9+$0x30]  }
0x66: {  	v8 =	vld [tilespmem:s9+$0x10]  }
0x67: {  	v6 =	vld [tilespmem:s9+$0xFFFFFFC0]  }
0x68: {  	v10 =	vld [tilespmem:s9+$0xFFFFFFE0]  }
0x69: {  	v1 =	vld [tilespmem:s9+$0xFFFFFFF0]  }
0x6a: {  	v3 =	vld [tilespmem:s9+$0x20]  }
0x6b: {  	v4 =	vld [tilespmem:s9+$0xFFFFFFD0]  }
0x6c: {  	v7 =	vmul.f32 v6, v2;
	v6 =	vld [tilespmem:s9+$0x0];
	_ =	sdelay $0x1  }
0x6d: {  	v9 =	vmul.f32 v5, v2  }
0x6e: {  	s22 =	sor.u32 $0x13880, s0;
	s8 =	simm.s32 $0x40;
	s0 =	smov.u32 s9;
	v5 =	vmul.f32 v10, v2;
	v8 =	vmul.f32 v8, v2  }
.LBB2_7:
0x6f: {  	p1 =	sne.s32 s8, $0x1FC0;
	v4 =	vmul.f32 v4, v2;
	v3 =	vmul.f32 v3, v2;
	[tilespmem:s9+$0x30] =	vst v9;
	s25 =	sadd.s32 $0x10, s25;
	s0 =	sadd.s32 $0x80, s0  }
0x70: {  	s10 =	smov.u32 s8;
	s8 =	sadd.s32 $0x40, s8;
	[tilespmem:s9+$0xFFFFFFC0] =	vst v7;
	v7 =	vmul.f32 v1, v2;
	v2 =	vmul.f32 v6, v2  }
0x71: {  	[tilespmem:s9+$0x10] =	vst v8  }
0x72: {  	v1 =	vld [tilespmem:s0+$0xFFFFFFF0];
	[tilespmem:s9+$0xFFFFFFE0] =	vst v5  }
0x73: {  	s10 =	sand.u32 $0x1E00, s10;
	v5 =	vld [tilespmem:s0+$0x30];
	[tilespmem:s9+$0xFFFFFFF0] =	vst v7  }
0x74: {  	s10 =	sshrl.u32 s10, $0x2;
	v8 =	vld [tilespmem:s0+$0x10];
	[tilespmem:s9+$0x0] =	vst v2  }
0x75: {  	s11 =	sand.u32 $0x70, s25;
	s10 =	sadd.s32 s10, s26;
	v7 =	vld [tilespmem:s0+$0xFFFFFFC0];
	[tilespmem:s9+$0x20] =	vst v3  }
0x76: {  	s10 =	sadd.s32 s11, s10;
	v10 =	vld [tilespmem:s0+$0xFFFFFFE0];
	[tilespmem:s9+$0xFFFFFFD0] =	vst v4;
	s9 =	smov.u32 s0  }
0x77: {  	v2 =	vld [tilespmem:s10+$0x0]  }
0x78: {  	v3 =	vld [tilespmem:s0+$0x20]  }
.Ltmp2:
0x79: {  	v4 =	vld [tilespmem:s0+$0xFFFFFFD0];
	(pc) =	sbr.rel @p1 .LBB2_7-.Ltmp2, $3  }
0x7a: {  	v6 =	vld [tilespmem:s0+$0x0];
	_ =	sdelay $0x1  }
0x7b: {  	v7 =	vmul.f32 v7, v2;
	v9 =	vmul.f32 v5, v2  }
0x7c: {  	v5 =	vmul.f32 v10, v2;
	v8 =	vmul.f32 v8, v2  }
0x7d: {  	[tilespmem:s9+$0x30] =	vst v9  }
0x7e: {  	[tilespmem:s9+$0xFFFFFFC0] =	vst v7  }
0x7f: {  	v1 =	vmul.f32 v1, v2;
	[tilespmem:s9+$0x10] =	vst v8  }
0x80: {  	s0 =	sshll.u32 s29, $0x4;
	v3 =	vmul.f32 v3, v2;
	[tilespmem:s9+$0xFFFFFFE0] =	vst v5  }
0x81: {  	v6 =	vmul.f32 v6, v2;
	p1 =	sge.u32 s0, s17;
	[tilespmem:s9+$0xFFFFFFF0] =	vst v1  }
0x82: {  	v1 =	vmul.f32 v4, v2;
	s0 =	sshll.u32 @!p1 s29, $0x9;
	[tilespmem:s9+$0x20] =	vst v3  }
0x83: {  	[tilespmem:s9+$0x0] =	vst v6;
	s0 =	sand.u32 @!p1 $0x600, s0  }
0x84: {  	s8 =	sadd.s32 @!p1 $0x7, s31;
	[tilespmem:s9+$0xFFFFFFD0] =	vst v1;
	s0 =	sor.u32 @!p1 $0x1C980, s0;
	s9 =	simm.s32 @!p1 $0x80  }
0x85: {  	[spmem:s1] =	stream.indirect.scatter.add.f32 @!p1 [tilespmem:s22], [sflag:s8], $0x80, s0, s9, $0xb8;
	[tilespmem:$0x1D080] =	vst v63  }
0x86: {  	p1 =	sne.s32 s30, $0x4F  }
.Ltmp3:
0x87: {  	_ = 	snop;
	(pc) =	sbr.rel @p1 .LBB2_4-.Ltmp3, $2  }
0x88: {  	_ =	sdelay $0x2  }
0x89: {  	s29 =	smov.u32 s30  }
0x8a: {  	s0 =	simm.s32 @!p0 $0x7  }
0x8b: {  	_ =	swait.ge @!p0 [sflag:s0], $0x4000  }
0x8c: {  	s28 =	sadd.s32 $0x1, s28;
	[sflag:s0] =	ssyncset.done @!p0 $0x0  }
0x8d: {  	s31 =	sor.u32 $0x1C09, s12;
	p1 =	sne.s32 s28, s19;
	[sflag:s0] =	ssyncadd.s32 @!p0 $0xFFFFC000  }
.Ltmp4:
0x8e: {  	s8 =	sshrl.u32 s7, $0x3;
	[bflag:$0x0] =	sbarrier.arrive $0xFFFF;
	(pc) =	sbr.rel @p1 .LBB2_1-.Ltmp4, $4  }
0x8f: {  	[hbm:s18], [sflag:s31] =	dma.local [spmem:s8], $0x2710  }
0x90: {  	_ =	swait.ge [sflag:s21], $0x2710  }
0x91: {  	[sflag:s21] =	ssyncset.done $0x0  }
0x92: {  	[sflag:s21] =	ssyncadd.s32 $0xFFFFD8F0  }
0x93: {  	_ =	sfence.sel $0x180000  }
0x94: {  	[bflag:$0x0] =	sbarrier.arrive $0xFFFF  }
0x95: {  	_ =	strace $0x9000004D  }
0x96: {  	[bflag:$0x2] =	sbarrier.arrive $0xFFFF  }
0x97: {  	p0 =	sne.s32 s2, $0x0;
	s0 =	rddreg [dreg:$0x2]  }
0x98: {  	s0 =	sadd.s32 @!p0 $0x100000, s0  }
0x99: {  	[sflag:s0] =	ssyncadd.tile.s32 @!p0 $0x1;
	_ =	shalt  }
.Lfunc_end2:
_tile_overlayer_lowered:
.L_overlay_start_2:
0x9a: {  	(tag) =	ssettag $0x2  }
0x9b: {  	s0 =	rddreg [dreg:$0x0];
	s2 =	stileid.u32  }
0x9c: {  	s1 =	rddreg [dreg:$0x1];
	p0 =	sne.s32 s2, $0x0  }
0x9d: {  	s3 =	rddreg [dreg:$0x2];
	[bflag:$0x3] =	sbarrier.arrive $0xFFFF;
	s2 =	simm.s32 @!p0 $0x1C09  }
0x9e: {  	[timem:s3], [sflag:s2] =	dma.local @!p0 [hbm:s0], s1  }
0x9f: {  	s0 =	simm.s32 @!p0 $0x9  }
0xa0: {  	_ =	swait.ge @!p0 [sflag:s0], s1  }
0xa1: {  	s1 =	ssub.s32 @!p0 $0x0, s1;
	[sflag:s0] =	ssyncset.done @!p0 $0x0  }
0xa2: {  	[sflag:s0] =	ssyncadd.s32 @!p0 s1  }
0xa3: {  	[bflag:$0x3] =	sbarrier.arrive $0xFFFF  }
0xa4: {  	_ =	shalt  }

// kernel: kernel.24.cloned.1.call-start
scs
__scs_entry_jumppad:
0x0: {  	(pc) =	sbr.rel $0x88, $3  }
0x1: {  	(tag) =	ssettag $0x0;
	lr =	simm.s32 $0x1  }
0x2: {  	[smem:$0x3F92] =	sst lr;
	_ =	strace $0xD0000000  }
0x3: {  	_ = 	snop  }
0x4: {  	_ = 	snop  }
0x5: {  	_ = 	snop  }
0x6: {  	_ = 	snop  }
0x7: {  	_ = 	snop  }
__scs_overlays_trampoline_lowered:
0x8: {  	[smem:$0x3FA1] =	sst s0  }
0x9: {  	[smem:$0x3FA2] =	sst s1  }
0xa: {  	[smem:$0x3FA3] =	sst s2  }
0xb: {  	[smem:$0x3FA4] =	sst s3  }
0xc: {  	[smem:$0x3FA5] =	sst s4  }
0xd: {  	[smem:$0x3FA6] =	sst s5  }
0xe: {  	[smem:$0x3FA7] =	sst s6  }
0xf: {  	[smem:$0x3FA8] =	sst s7  }
0x10: {  	[smem:$0x3FA9] =	sst s8  }
0x11: {  	[smem:$0x3FAA] =	sst s9;
	s0 =	simm.s32 @!p0 $0x0  }
0x12: {  	s1 =	sld [smem:$0x3F90];
	s0 =	simm.s32 @p0 $0x1  }
0x13: {  	[smem:$0x3FAB] =	sst s0;
	s0 =	simm.s32 @!p1 $0x0  }
0x14: {  	s2 =	sld [smem:$0x3F8F];
	s0 =	simm.s32 @p1 $0x1  }
0x15: {  	[smem:$0x3FAC] =	sst s0;
	s0 =	simm.s32 @!p2 $0x0  }
0x16: {  	s3 =	sld [smem:$0x3FDB];
	s0 =	simm.s32 @p2 $0x1  }
0x17: {  	s4 =	simm.s32 $0x1BF5;
	[smem:$0x3FAE] =	sst s0  }
0x18: {  	s0 =	sld [smem:$0x3F91];
	_ =	swait.ge [sflag:s4], $0x0  }
0x19: {  	s7 =	sld [smem:$0x3F92]  }
0x1a: {  	s8 =	sadd.s32 $0xFFFFE003, lr  }
0x1b: {  	s9 =	sadd.s32 $0xFFFFFEF7, lr;
	s5 =	simm.s32 $0xFFFFFFFF;
	p2 =	slt.u32 s8, $0xFFFFF086  }
0x1c: {  	p1 =	slt.u32 s9, $0xF7A;
	s5 =	simm.s32 @!p2 $0x0  }
0x1d: {  	s5 =	simm.s32 @p1 $0x1;
	p0 =	seq.s32 s7, s2  }
0x1e: {  	s7 =	smul.u32 @!p0 $0xF7A, s2;
	p2 =	seq.s32 @!p0 s5, $0x0  }
0x1f: {  	s9 =	smul.u32 $0xF7A, s1;
	s8 =	simm.s32 @!p0 $0x1BF5;
	p2 =	por !p2, p0  }
0x20: {  	[sflag:s8] =	ssyncset.s32 @!p0 $0xFFFFF086;
	s6 =	sadd.s32 @!p0 s3, s7;
	s7 =	simm.s32 @!p0 $0x108  }
0x21: {  	s3 =	sadd.s32 s3, s9;
	s6 =	sadd.s32 @!p0 $0x88, s6;
	s7 =	simm.s32 @p2 $0x1082  }
0x22: {  	[simem:s7], [sflag:s8] =	dma.local @!p0 [hbm:s6], $0xF7A  }
0x23: {  	s9 =	sor.u32 $0xD0000000, s2;
	s6 =	simm.s32 $0x108;
	_ =	swait.ge @!p0 [sflag:s8], $0x0  }
0x24: {  	s3 =	sadd.s32 $0x88, s3;
	s6 =	simm.s32 @!p1 $0x1082;
	[sflag:s4] =	ssyncset.s32 $0xFFFFF086  }
0x25: {  	[simem:s6], [sflag:s4] =	dma.local [hbm:s3], $0xF7A  }
0x26: {  	[smem:$0x3F92] =	sst s1;
	(tag) =	ssettag s2;
	_ =	strace s9  }
0x27: {  	s1 =	sld [smem:$0x3FA2]  }
0x28: {  	s2 =	sld [smem:$0x3FA3]  }
0x29: {  	s4 =	sld [smem:$0x3FA5]  }
0x2a: {  	p0 =	seq.s32 s5, $0x0;
	s5 =	sld [smem:$0x3FA6]  }
0x2b: {  	s6 =	sld [smem:$0x3FA7]  }
0x2c: {  	s7 =	sld [smem:$0x3FA8]  }
0x2d: {  	s3 =	simm.s32 $0x108;
	s8 =	sld [smem:$0x3FA9]  }
0x2e: {  	s3 =	simm.s32 @!p0 $0x1082;
	s9 =	sld [smem:$0x3FAA]  }
0x2f: {  	lr =	sadd.s32 s0, s3;
	s0 =	sld [smem:$0x3FA1]  }
0x30: {  	s3 =	sld [smem:$0x3FA4]  }
0x31: {  	[smem:$0x3FAD] =	sst s10  }
0x32: {  	s10 =	sld [smem:$0x3FAB];
	_ =	sdelay $0x3  }
0x33: {  	p0 =	seq.s32 s10, $0x1;
	s10 =	sld [smem:$0x3FAD];
	_ =	sdelay $0x3  }
0x34: {  	[smem:$0x3FAD] =	sst s10  }
0x35: {  	s10 =	sld [smem:$0x3FAC];
	_ =	sdelay $0x3  }
0x36: {  	p1 =	seq.s32 s10, $0x1;
	s10 =	sld [smem:$0x3FAD];
	_ =	sdelay $0x3  }
0x37: {  	[smem:$0x3FAD] =	sst s10  }
0x38: {  	s10 =	sld [smem:$0x3FAE]  }
0x39: {  	_ = 	snop;
	(pc) =	sbr.ind lr, $3  }
0x3a: {  	_ = 	snop  }
0x3b: {  	_ = 	snop  }
0x3c: {  	p2 =	seq.s32 s10, $0x1;
	s10 =	sld [smem:$0x3FAD]  }
0x3d: {  	_ =	shalt  }
0x3e: {  	_ =	shalt  }
0x3f: {  	_ =	shalt  }
0x40: {  	_ =	shalt  }
0x41: {  	_ =	shalt  }
0x42: {  	_ =	shalt  }
0x43: {  	_ =	shalt  }
0x44: {  	_ =	shalt  }
0x45: {  	_ =	shalt  }
0x46: {  	_ =	shalt  }
0x47: {  	_ =	shalt  }
0x48: {  	_ =	shalt  }
0x49: {  	_ =	shalt  }
0x4a: {  	_ =	shalt  }
0x4b: {  	_ =	shalt  }
0x4c: {  	_ =	shalt  }
0x4d: {  	_ =	shalt  }
0x4e: {  	_ =	shalt  }
0x4f: {  	_ =	shalt  }
0x50: {  	_ =	shalt  }
0x51: {  	_ =	shalt  }
0x52: {  	_ =	shalt  }
0x53: {  	_ =	shalt  }
0x54: {  	_ =	shalt  }
0x55: {  	_ =	shalt  }
0x56: {  	_ =	shalt  }
0x57: {  	_ =	shalt  }
0x58: {  	_ =	shalt  }
0x59: {  	_ =	shalt  }
0x5a: {  	_ =	shalt  }
0x5b: {  	_ =	shalt  }
0x5c: {  	_ =	shalt  }
0x5d: {  	_ =	shalt  }
0x5e: {  	_ =	shalt  }
0x5f: {  	_ =	shalt  }
0x60: {  	_ =	shalt  }
0x61: {  	_ =	shalt  }
0x62: {  	_ =	shalt  }
0x63: {  	_ =	shalt  }
0x64: {  	_ =	shalt  }
0x65: {  	_ =	shalt  }
0x66: {  	_ =	shalt  }
0x67: {  	_ =	shalt  }
0x68: {  	_ =	shalt  }
0x69: {  	_ =	shalt  }
0x6a: {  	_ =	shalt  }
0x6b: {  	_ =	shalt  }
0x6c: {  	_ =	shalt  }
0x6d: {  	_ =	shalt  }
0x6e: {  	_ =	shalt  }
0x6f: {  	_ =	shalt  }
0x70: {  	_ =	shalt  }
0x71: {  	_ =	shalt  }
0x72: {  	_ =	shalt  }
0x73: {  	_ =	shalt  }
0x74: {  	_ =	shalt  }
0x75: {  	_ =	shalt  }
0x76: {  	_ =	shalt  }
0x77: {  	_ =	shalt  }
0x78: {  	_ =	shalt  }
0x79: {  	_ =	shalt  }
0x7a: {  	_ =	shalt  }
0x7b: {  	_ =	shalt  }
0x7c: {  	_ =	shalt  }
0x7d: {  	_ =	shalt  }
0x7e: {  	_ =	shalt  }
0x7f: {  	_ =	shalt  }
0x80: {  	_ =	shalt  }
0x81: {  	_ =	shalt  }
0x82: {  	_ =	shalt  }
0x83: {  	_ =	shalt  }
0x84: {  	_ =	shalt  }
0x85: {  	_ =	shalt  }
0x86: {  	_ =	shalt  }
0x87: {  	_ =	shalt  }
.Lfunc_end0:
.L_simem_size_0:
called_computation.3_lowered:
.L_overlay_start_0:
0x88: {  	s2 =	sld [smem:$0x3FD9]  }
0x89: {  	s3 =	sld [smem:$0x3FFE];
	_ =	sdelay $0x1  }
0x8a: {  	s1 =	srdreg.scid  }
0x8b: {  	s0 =	sand.u32 $0x1, s1  }
0x8c: {  	s16 =	sshll.u32 s0, $0xA;
	s2 =	sadd.s32 s3, s2  }
0x8d: {  	s2 =	sadd.s32 s2, s16  }
0x8e: {  	[smem:$0x3FB9] =	sst s2  }
0x8f: {  	_ = 	snop  }
0x90: {  	(tm) =	ssettm $0x1  }
0x91: {  	s17 =	sld [smem:$0x3FFB];
	_ =	sdelay $0x3  }
0x92: {  	_ =	strace s17  }
0x93: {  	s2 =	sld [smem:$0x3FFC];
	_ =	sdelay $0x3  }
0x94: {  	_ =	strace s2  }
0x95: {  	s2 =	sld [smem:$0x3FFD];
	_ =	sdelay $0x3  }
0x96: {  	_ =	strace s2  }
0x97: {  	_ =	strace $0x8FFFFFFF  }
0x98: {  	s18 =	sld [smem:$0x3FDB];
	_ =	sdelay $0x1  }
0x99: {  	s19 =	simm.s32 $_scs_section_size  }
0x9a: {  	s4 =	simm.s32 $_size__tile_overlayer_lowered;
	s5 =	simm.s32 $_tile_overlayer_lowered  }
0x9b: {  	s22 =	simm.s32 $0x1BFF;
	s21 =	sshll.u32 s5, $0x1;
	s2 =	sadd.s32 s19, s18  }
0x9c: {  	s6 =	simm.s32 $0x0;
	s20 =	sshll.u32 s4, $0x1;
	s4 =	sadd.s32 s21, s2  }
0x9d: {  	[timem:s6], [sflag:s22] =	dma.local [hbm:s4], s20  }
0x9e: {  	_ =	swait.ge [sflag:s22], s20  }
0x9f: {  	s3 =	ssub.s32 $0x0, s20;
	[sflag:s22] =	ssyncset.done $0x0  }
0xa0: {  	[sflag:s22] =	ssyncadd.s32 s3;
	_ =	sdelay $0x1  }
0xa1: {  	s23 =	simm.s32 $0x1B8B  }
0xa2: {  	_ =	swait.ge [sflag:s23], $0x1  }
0xa3: {  	[sflag:s23] =	ssyncset.done $0x0  }
0xa4: {  	s25 =	simm.s32 $0x1B8E;
	s24 =	sld [smem:$0x3FFE];
	[sflag:s23] =	ssyncadd.s32 $0xFFFFFFFF  }
0xa5: {  	s26 =	simm.s32 $execute0_lowered;
	[smem:$0x3FD2] =	sst s25  }
0xa6: {  	s4 =	sshll.u32 s26, $0x1;
	_ =	strace $0x8000004F;
	[dreg:$0x1] =	wrdreg $0xFFFFFFFF  }
0xa7: {  	s28 =	simm.s32 $_size_execute0_lowered;
	s2 =	sadd.s32 s2, s4;
	[dreg:$0x0] =	wrdreg $0x0  }
0xa8: {  	s4 =	sshll.u32 s28, $0x1;
	[dreg:$0x2] =	wrdreg s2  }
0xa9: {  	[dreg:$0x3] =	wrdreg s4  }
0xaa: {  	[dreg:$0x4] =	wrdreg $0xC0  }
0xab: {  	_ =	task [dreg:s6], $0x5FFFF  }
0xac: {  	[dreg:$0x1] =	wrdreg $0xFFFFFFFF  }
0xad: {  	[dreg:$0x0] =	wrdreg $0x60  }
0xae: {  	[dreg:$0x2] =	wrdreg s24  }
0xaf: {  	[dreg:$0x3] =	wrdreg $0x0  }
0xb0: {  	[dreg:$0x4] =	wrdreg $0x9  }
0xb1: {  	_ =	task.clear_ibuf [dreg:s6], $0x5FFFF;
	_ =	strace $0x9000004F  }
0xb2: {  	s29 =	simm.s32 $0x9;
	_ =	strace $0x80000051  }
0xb3: {  	_ =	swait.ge [sflag:s29], $0x1  }
0xb4: {  	[sflag:s29] =	ssyncadd.s32 $0xFFFFFFFF  }
0xb5: {  	_ =	strace $0x90000051  }
0xb6: {  	_ =	sfence  }
0xb7: {  	s30 =	sld [smem:$0x0];
	_ =	sdelay $0x2  }
0xb8: {  	s31 =	sshll.u32 s1, $0xD;
	s1 =	sshrl.u32 s1, $0x2  }
0xb9: {  	s3 =	sand.u32 $0x4000, s31;
	s1 =	sadd.s32 s1, s30  }
0xba: {  	s0 =	sor.u32 s3, s0;
	s1 =	sshll.u32 s1, $0x11  }
0xbb: {  	s0 =	sor.u32 s1, s0  }
0xbc: {  	s0 =	sadd.s32 $0x8F2B, s0  }
0xbd: {  	[sflag:s0] =	ssyncadd.remote.s32 $0x1  }
0xbe: {  	_ =	sfence.sel $0xFFFF  }
0xbf: {  	[dreg:$0x0] =	wrdreg $0xFFFFFFFF;
	(pc) =	sbr.abs _section_cstart, $3  }
0xc0: {  	[dreg:$0x1] =	wrdreg $0xFFFFFFFF  }
0xc1: {  	_ =	task.clear_ibuf [dreg:s6], $0x2FFFF;
	_ =	strace $0x9FFFFFFF  }
0xc2: {  	(tm) =	ssettm $0x7FFFFFFF  }
0xc3: {  	_ =	shalt  }
tec
execute0_lowered:
.L_overlay_start_1:
0x0: {  	(tag) =	ssettag $0x1  }
0x1: {  	s0 =	rddreg [dreg:$0x0]  }
0x2: {  	s1 =	rddreg [dreg:$0x1];
	s2 =	srdreg.scid;
	s3 =	simm.s32 $0x0  }
0x3: {  	s20 =	simm.s32 $0x13880;
	s21 =	simm.s32 $0x9;
	s23 =	simm.s32 $0x1  }
0x4: {  	s24 =	simm.s32 $0x80;
	s8 =	sand.u32 $0x1, s2;
	s2 =	stileid.u32  }
0x5: {  	s28 =	simm.s32 $0x0;
	[smem:$0x7FF] =	sst s3;
	s7 =	smul.u32 $0x13C000, s8  }
0x6: {  	s4 =	sadd.s32 $0xB3800, s0;
	s5 =	sadd.s32 $0x17400, s0;
	s9 =	smul.u32 $0x13C00, s2  }
0x7: {  	s6 =	sadd.s32 $0x3A00, s0;
	_ =	strace $0x80000050;
	s10 =	smul.u32 $0x4E200, s2  }
0x8: {  	s26 =	ssub.s32 $0x2, s8;
	s12 =	sshll.u32 s2, $0x6;
	s8 =	sshll.u32 s8, $0x7  }
0x9: {  	s15 =	sshll.u32 s2, $0x8;
	s17 =	ssub.s32 $0x4E2, s2;
	s7 =	sadd.s32 s9, s7  }
0xa: {  	p0 =	sgt.u32 s2, $0x1;
	s10 =	sshrl.u32 s10, $0x2;
	s7 =	sshrl.u32 s7, $0x3  }
0xb: {  	s11 =	sshrl.u32 s26, $0x1;
	s0 =	sadd.s32 s7, s0;
	s7 =	sadd.s32 s10, s1  }
0xc: {  	s13 =	sadd.s32 s6, s12;
	s14 =	sadd.s32 $0x1C880, s8;
	s10 =	sadd.s32 $0x3E80, s7  }
0xd: {  	s15 =	sadd.s32 s5, s15;
	s29 =	sadd.s32 $0x7D00, s7;
	[dreg:$0x3] =	wrdreg s10  }
0xe: {  	s9 =	ssub.s32 s26, s11;
	s30 =	sadd.s32 $0xBB80, s7;
	[dreg:$0x4] =	wrdreg s29  }
0xf: {  	s16 =	sadd.s32 $0x400, s13;
	s31 =	sadd.s32 $0xFA00, s7;
	[dreg:$0x5] =	wrdreg s30  }
0x10: {  	v0 =	vimm.f32 $0.0e+00;
	s19 =	smax.u32 s9, $0x1;
	s18 =	sadd.s32 $0x1EC000, s0;
	[dreg:$0x6] =	wrdreg s31  }
.LBB2_1:
0x11: {  	s0 =	simm.s32 $0x0;
	s8 =	simm.s32 $0x200  }
.LBB2_2:
0x12: {  	p1 =	sne.s32 s8, $0xF800;
	[tilespmem:s0+$0x138F0] =	vst v0  }
0x13: {  	[tilespmem:s0+$0x13880] =	vst v0  }
0x14: {  	[tilespmem:s0+$0x13890] =	vst v0  }
.Ltmp0:
0x15: {  	[tilespmem:s0+$0x138A0] =	vst v0;
	(pc) =	sbr.rel @p1 .LBB2_2-.Ltmp0, $4  }
0x16: {  	[tilespmem:s0+$0x138B0] =	vst v0  }
0x17: {  	[tilespmem:s0+$0x138C0] =	vst v0  }
0x18: {  	[tilespmem:s0+$0x138D0] =	vst v0  }
0x19: {  	[tilespmem:s0+$0x138E0] =	vst v0;
	s0 =	sshra.s32 s8, $0x2;
	s8 =	sadd.s32 $0x200, s8  }
0x1a: {  	[tilespmem:s0+$0x138F0] =	vst v0  }
0x1b: {  	[tilespmem:s0+$0x13880] =	vst v0  }
0x1c: {  	[tilespmem:s0+$0x13890] =	vst v0  }
0x1d: {  	[tilespmem:s0+$0x138A0] =	vst v0  }
0x1e: {  	[tilespmem:s0+$0x138B0] =	vst v0  }
0x1f: {  	[tilespmem:s0+$0x138C0] =	vst v0  }
0x20: {  	[tilespmem:s0+$0x138D0] =	vst v0  }
0x21: {  	[tilespmem:s0+$0x138E0] =	vst v0  }
0x22: {  	[spmem:s7] =	stream.linear.scatter [tilespmem:s20], [sflag:$0x9], $0x3E80, $0x38;
	[tilespmem:$0x1D080] =	vst v63  }
0x23: {  	_ =	swait.ge [sflag:s21], $0x3E80  }
0x24: {  	[sflag:s21] =	ssyncset.done $0x0  }
0x25: {  	s10 =	rddreg [dreg:$0x3];
	[sflag:s21] =	ssyncadd.s32 $0xFFFFC180  }
0x26: {  	[spmem:s10] =	stream.linear.scatter [tilespmem:s20], [sflag:$0x9], $0x3E80, $0x38;
	[tilespmem:$0x1D080] =	vst v63  }
0x27: {  	_ =	swait.ge [sflag:s21], $0x3E80  }
0x28: {  	[sflag:s21] =	ssyncset.done $0x0  }
0x29: {  	s11 =	rddreg [dreg:$0x4];
	[sflag:s21] =	ssyncadd.s32 $0xFFFFC180  }
0x2a: {  	[spmem:s11] =	stream.linear.scatter [tilespmem:s20], [sflag:$0x9], $0x3E80, $0x38;
	[tilespmem:$0x1D080] =	vst v63  }
0x2b: {  	_ =	swait.ge [sflag:s21], $0x3E80  }
0x2c: {  	[sflag:s21] =	ssyncset.done $0x0  }
0x2d: {  	s22 =	rddreg [dreg:$0x5];
	[sflag:s21] =	ssyncadd.s32 $0xFFFFC180  }
0x2e: {  	[spmem:s22] =	stream.linear.scatter [tilespmem:s20], [sflag:$0x9], $0x3E80, $0x38;
	[tilespmem:$0x1D080] =	vst v63  }
0x2f: {  	_ =	swait.ge [sflag:s21], $0x3E80  }
0x30: {  	[sflag:s21] =	ssyncset.done $0x0  }
0x31: {  	s25 =	rddreg [dreg:$0x6];
	[sflag:s21] =	ssyncadd.s32 $0xFFFFC180  }
0x32: {  	[spmem:s25] =	stream.linear.scatter [tilespmem:s20], [sflag:$0x9], $0x3E80, $0x38;
	[tilespmem:$0x1D080] =	vst v63  }
0x33: {  	_ =	swait.ge [sflag:s21], $0x3E80  }
0x34: {  	[sflag:s21] =	ssyncset.done $0x0  }
0x35: {  	[sflag:s21] =	ssyncadd.s32 $0xFFFFC180  }
0x36: {  	s29 =	simm.s32 $0x0;
	s26 =	simm.s32 $0x1C880;
	[bflag:$0x0] =	sbarrier.arrive $0xFFFF  }
0x37: {  	[tilespmem:s26], [sflag:$0x1] =	stream.linear.gather [hbm4b:s13+s29], $0x200, $0x38;
	[tilespmem:$0x1D080] =	vst v63  }
0x38: {  	_ =	swait.ge [sflag:s23], $0x200  }
0x39: {  	[sflag:s23] =	ssyncset.done $0x0  }
0x3a: {  	[sflag:s23] =	ssyncadd.s32 $0xFFFFFE00  }
0x3b: {  	[tilespmem:s20], [sflag:$0x5] =	stream.indirect.gather [hbm4b:s4+s24], $0x80, s14, s24, $0xb8;
	[tilespmem:$0x1D080] =	vst v63  }
0x3c: {  	s30 =	simm.s32 $0x1B880  }
0x3d: {  	[tilespmem:s30], [sflag:$0x5] =	stream.linear.gather [hbm4b:s15+s29], $0x800, $0x38;
	[tilespmem:$0x1D080] =	vst v63  }
0x3e: {  	s31 =	simm.s32 $0x1CA80  }
0x3f: {  	[tilespmem:s31], [sflag:$0x2] =	stream.linear.gather [hbm4b:s16+s29], $0x200, $0x38;
	[tilespmem:$0x1D080] =	vst v63  }
.LBB2_4:
0x40: {  	p1 =	seq.s32 s29, $0x0  }
0x41: {  	p2 =	seq.s32 @!p1 s29, $0x4E  }
0x42: {  	s0 =	sxor.u32 @!p1 $0xFFFFFFFF, s29;
	p2 =	por p1, !p2  }
.Ltmp1:
0x43: {  	s0 =	sand.u32 @!p1 $0x1, s0;
	(pc) =	sbr.rel @!p2 .LBB2_6-.Ltmp1, $4  }
0x44: {  	s0 =	sadd.s32 @!p1 $0x7, s0  }
0x45: {  	_ =	swait.ge @!p1 [sflag:s0], $0x4000  }
0x46: {  	[sflag:s0] =	ssyncset.done @!p1 $0x0  }
0x47: {  	s30 =	simm.s32 @!p1 $0x4F;
	[sflag:s0] =	ssyncadd.s32 @!p1 $0xFFFFC000  }
0x48: {  	s30 =	sadd.s32 @!p1 $0x1, s29  }
0x49: {  	s30 =	simm.s32 @p1 $0x1  }
0x4a: {  	s0 =	sand.u32 $0x3, s30  }
0x4b: {  	s9 =	sand.u32 $0x1, s30;
	s8 =	sadd.s32 $0x1, s0  }
0x4c: {  	s26 =	sshll.u32 s30, $0x4;
	s25 =	sshll.u32 s9, $0xE;
	_ =	swait.ge [sflag:s8], $0x200  }
0x4d: {  	s0 =	sshll.u32 s0, $0x9;
	s22 =	sadd.s32 $0x5, s9;
	[sflag:s8] =	ssyncset.done $0x0  }
0x4e: {  	s0 =	sadd.s32 s0, s14;
	[sflag:s8] =	ssyncadd.s32 $0xFFFFFE00;
	s8 =	sor.u32 $0x13880, s25  }
0x4f: {  	[tilespmem:s8], [sflag:s22] =	stream.indirect.gather [hbm4b:s4+s24], $0x80, s0, s24, $0xb8;
	[tilespmem:$0x1D080] =	vst v63  }
0x50: {  	s0 =	sor.u32 s2, s26  }
0x51: {  	s0 =	smin.u32 s0, $0x4E1  }
0x52: {  	s31 =	sshll.u32 s9, $0xB;
	s0 =	sshll.u32 s0, $0x8  }
0x53: {  	p1 =	sgt.u32 s29, $0x4C;
	s8 =	sadd.s32 $0x1B880, s31;
	s0 =	sadd.s32 s5, s0  }
0x54: {  	[tilespmem:s8], [sflag:s22] =	stream.linear.gather [hbm4b:s0+s3], $0x800, $0x38;
	[tilespmem:$0x1D080] =	vst v63  }
0x55: {  	s0 =	sadd.s32 @!p1 $0x2, s29  }
0x56: {  	s8 =	sshll.u32 @!p1 s0, $0x4  }
0x57: {  	s8 =	sor.u32 @!p1 s2, s8  }
0x58: {  	s0 =	sand.u32 @!p1 $0x3, s0;
	s8 =	smin.u32 @!p1 s8, $0x4E1  }
0x59: {  	s22 =	simm.s32 @!p1 $0x0;
	s9 =	sshll.u32 @!p1 s0, $0x9;
	s8 =	sshll.u32 @!p1 s8, $0x6  }
0x5a: {  	s0 =	sadd.s32 @!p1 $0x1, s0;
	s9 =	sor.u32 @!p1 $0x1C880, s9;
	s8 =	sadd.s32 @!p1 s6, s8  }
0x5b: {  	[tilespmem:s9], [sflag:s0] =	stream.linear.gather @!p1 [hbm4b:s8+s22], $0x200, $0x38;
	[tilespmem:$0x1D080] =	vst v63  }
.LBB2_6:
0x5c: {  	s31 =	sand.u32 $0x1, s29  }
0x5d: {  	s0 =	sadd.s32 $0x5, s31  }
0x5e: {  	_ =	swait.ge [sflag:s0], $0x4000  }
0x5f: {  	s25 =	simm.s32 $0x0;
	[sflag:s0] =	ssyncset.done $0x0  }
0x60: {  	s8 =	sshll.u32 s31, $0xB;
	s22 =	sand.u32 $0x1E00, s25;
	[sflag:s0] =	ssyncadd.s32 $0xFFFFC000  }
0x61: {  	s26 =	sadd.s32 $0x1B880, s8;
	s10 =	sshrl.u32 s22, $0x2;
	_ =	swait.ge [sflag:s0], $0x800  }
0x62: {  	s11 =	sand.u32 $0x70, s25;
	s8 =	sadd.s32 s10, s26;
	[sflag:s0] =	ssyncset.done $0x0  }
0x63: {  	s8 =	sadd.s32 s11, s8;
	[sflag:s0] =	ssyncadd.s32 $0xFFFFF800;
	s0 =	sshll.u32 s31, $0xE  }
0x64: {  	s9 =	sor.u32 $0x138C0, s0;
	v2 =	vld [tilespmem:s8+$0x0]  }
0x65: {  	v5 =	vld [tilespmem:s9+$0x30]  }
0x66: {  	v8 =	vld [tilespmem:s9+$0x10]  }
0x67: {  	v6 =	vld [tilespmem:s9+$0xFFFFFFC0]  }
0x68: {  	v10 =	vld [tilespmem:s9+$0xFFFFFFE0]  }
0x69: {  	v1 =	vld [tilespmem:s9+$0xFFFFFFF0]  }
0x6a: {  	v3 =	vld [tilespmem:s9+$0x20]  }
0x6b: {  	v4 =	vld [tilespmem:s9+$0xFFFFFFD0]  }
0x6c: {  	v7 =	vmul.f32 v6, v2;
	v6 =	vld [tilespmem:s9+$0x0];
	_ =	sdelay $0x1  }
0x6d: {  	v9 =	vmul.f32 v5, v2  }
0x6e: {  	s22 =	sor.u32 $0x13880, s0;
	s8 =	simm.s32 $0x40;
	s0 =	smov.u32 s9;
	v5 =	vmul.f32 v10, v2;
	v8 =	vmul.f32 v8, v2  }
.LBB2_7:
0x6f: {  	p1 =	sne.s32 s8, $0x1FC0;
	v4 =	vmul.f32 v4, v2;
	v3 =	vmul.f32 v3, v2;
	[tilespmem:s9+$0x30] =	vst v9;
	s25 =	sadd.s32 $0x10, s25;
	s0 =	sadd.s32 $0x80, s0  }
0x70: {  	s10 =	smov.u32 s8;
	s8 =	sadd.s32 $0x40, s8;
	[tilespmem:s9+$0xFFFFFFC0] =	vst v7;
	v7 =	vmul.f32 v1, v2;
	v2 =	vmul.f32 v6, v2  }
0x71: {  	[tilespmem:s9+$0x10] =	vst v8  }
0x72: {  	v1 =	vld [tilespmem:s0+$0xFFFFFFF0];
	[tilespmem:s9+$0xFFFFFFE0] =	vst v5  }
0x73: {  	s10 =	sand.u32 $0x1E00, s10;
	v5 =	vld [tilespmem:s0+$0x30];
	[tilespmem:s9+$0xFFFFFFF0] =	vst v7  }
0x74: {  	s10 =	sshrl.u32 s10, $0x2;
	v8 =	vld [tilespmem:s0+$0x10];
	[tilespmem:s9+$0x0] =	vst v2  }
0x75: {  	s11 =	sand.u32 $0x70, s25;
	s10 =	sadd.s32 s10, s26;
	v7 =	vld [tilespmem:s0+$0xFFFFFFC0];
	[tilespmem:s9+$0x20] =	vst v3  }
0x76: {  	s10 =	sadd.s32 s11, s10;
	v10 =	vld [tilespmem:s0+$0xFFFFFFE0];
	[tilespmem:s9+$0xFFFFFFD0] =	vst v4;
	s9 =	smov.u32 s0  }
0x77: {  	v2 =	vld [tilespmem:s10+$0x0]  }
0x78: {  	v3 =	vld [tilespmem:s0+$0x20]  }
.Ltmp2:
0x79: {  	v4 =	vld [tilespmem:s0+$0xFFFFFFD0];
	(pc) =	sbr.rel @p1 .LBB2_7-.Ltmp2, $3  }
0x7a: {  	v6 =	vld [tilespmem:s0+$0x0];
	_ =	sdelay $0x1  }
0x7b: {  	v7 =	vmul.f32 v7, v2;
	v9 =	vmul.f32 v5, v2  }
0x7c: {  	v5 =	vmul.f32 v10, v2;
	v8 =	vmul.f32 v8, v2  }
0x7d: {  	[tilespmem:s9+$0x30] =	vst v9  }
0x7e: {  	[tilespmem:s9+$0xFFFFFFC0] =	vst v7  }
0x7f: {  	v1 =	vmul.f32 v1, v2;
	[tilespmem:s9+$0x10] =	vst v8  }
0x80: {  	s0 =	sshll.u32 s29, $0x4;
	v3 =	vmul.f32 v3, v2;
	[tilespmem:s9+$0xFFFFFFE0] =	vst v5  }
0x81: {  	v6 =	vmul.f32 v6, v2;
	p1 =	sge.u32 s0, s17;
	[tilespmem:s9+$0xFFFFFFF0] =	vst v1  }
0x82: {  	v1 =	vmul.f32 v4, v2;
	s0 =	sshll.u32 @!p1 s29, $0x9;
	[tilespmem:s9+$0x20] =	vst v3  }
0x83: {  	[tilespmem:s9+$0x0] =	vst v6;
	s0 =	sand.u32 @!p1 $0x600, s0  }
0x84: {  	s8 =	sadd.s32 @!p1 $0x7, s31;
	[tilespmem:s9+$0xFFFFFFD0] =	vst v1;
	s0 =	sor.u32 @!p1 $0x1C980, s0;
	s9 =	simm.s32 @!p1 $0x80  }
0x85: {  	[spmem:s1] =	stream.indirect.scatter.add.f32 @!p1 [tilespmem:s22], [sflag:s8], $0x80, s0, s9, $0xb8;
	[tilespmem:$0x1D080] =	vst v63  }
0x86: {  	p1 =	sne.s32 s30, $0x4F  }
.Ltmp3:
0x87: {  	_ = 	snop;
	(pc) =	sbr.rel @p1 .LBB2_4-.Ltmp3, $2  }
0x88: {  	_ =	sdelay $0x2  }
0x89: {  	s29 =	smov.u32 s30  }
0x8a: {  	s0 =	simm.s32 @!p0 $0x7  }
0x8b: {  	_ =	swait.ge @!p0 [sflag:s0], $0x4000  }
0x8c: {  	s28 =	sadd.s32 $0x1, s28;
	[sflag:s0] =	ssyncset.done @!p0 $0x0  }
0x8d: {  	s31 =	sor.u32 $0x1C09, s12;
	p1 =	sne.s32 s28, s19;
	[sflag:s0] =	ssyncadd.s32 @!p0 $0xFFFFC000  }
.Ltmp4:
0x8e: {  	s8 =	sshrl.u32 s7, $0x3;
	[bflag:$0x0] =	sbarrier.arrive $0xFFFF;
	(pc) =	sbr.rel @p1 .LBB2_1-.Ltmp4, $4  }
0x8f: {  	[hbm:s18], [sflag:s31] =	dma.local [spmem:s8], $0x2710  }
0x90: {  	_ =	swait.ge [sflag:s21], $0x2710  }
0x91: {  	[sflag:s21] =	ssyncset.done $0x0  }
0x92: {  	[sflag:s21] =	ssyncadd.s32 $0xFFFFD8F0  }
0x93: {  	_ =	sfence.sel $0x180000  }
0x94: {  	[bflag:$0x0] =	sbarrier.arrive $0xFFFF  }
0x95: {  	_ =	strace $0x90000050  }
0x96: {  	[bflag:$0x2] =	sbarrier.arrive $0xFFFF  }
0x97: {  	p0 =	sne.s32 s2, $0x0;
	s0 =	rddreg [dreg:$0x2]  }
0x98: {  	s0 =	sadd.s32 @!p0 $0x100000, s0  }
0x99: {  	[sflag:s0] =	ssyncadd.tile.s32 @!p0 $0x1;
	_ =	shalt  }
.Lfunc_end2:
_tile_overlayer_lowered:
.L_overlay_start_2:
0x9a: {  	(tag) =	ssettag $0x2  }
0x9b: {  	s0 =	rddreg [dreg:$0x0];
	s2 =	stileid.u32  }
0x9c: {  	s1 =	rddreg [dreg:$0x1];
	p0 =	sne.s32 s2, $0x0  }
0x9d: {  	s3 =	rddreg [dreg:$0x2];
	[bflag:$0x3] =	sbarrier.arrive $0xFFFF;
	s2 =	simm.s32 @!p0 $0x1C09  }
0x9e: {  	[timem:s3], [sflag:s2] =	dma.local @!p0 [hbm:s0], s1  }
0x9f: {  	s0 =	simm.s32 @!p0 $0x9  }
0xa0: {  	_ =	swait.ge @!p0 [sflag:s0], s1  }
0xa1: {  	s1 =	ssub.s32 @!p0 $0x0, s1;
	[sflag:s0] =	ssyncset.done @!p0 $0x0  }
0xa2: {  	[sflag:s0] =	ssyncadd.s32 @!p0 s1  }
0xa3: {  	[bflag:$0x3] =	sbarrier.arrive $0xFFFF  }
0xa4: {  	_ =	shalt  }

// kernel: kernel.27.cloned.1.call-start
scs
__scs_entry_jumppad:
0x0: {  	(pc) =	sbr.rel $0x88, $3  }
0x1: {  	(tag) =	ssettag $0x0;
	lr =	simm.s32 $0x1  }
0x2: {  	[smem:$0x3F92] =	sst lr;
	_ =	strace $0xD0000000  }
0x3: {  	_ = 	snop  }
0x4: {  	_ = 	snop  }
0x5: {  	_ = 	snop  }
0x6: {  	_ = 	snop  }
0x7: {  	_ = 	snop  }
__scs_overlays_trampoline_lowered:
0x8: {  	[smem:$0x3FA1] =	sst s0  }
0x9: {  	[smem:$0x3FA2] =	sst s1  }
0xa: {  	[smem:$0x3FA3] =	sst s2  }
0xb: {  	[smem:$0x3FA4] =	sst s3  }
0xc: {  	[smem:$0x3FA5] =	sst s4  }
0xd: {  	[smem:$0x3FA6] =	sst s5  }
0xe: {  	[smem:$0x3FA7] =	sst s6  }
0xf: {  	[smem:$0x3FA8] =	sst s7  }
0x10: {  	[smem:$0x3FA9] =	sst s8  }
0x11: {  	[smem:$0x3FAA] =	sst s9;
	s0 =	simm.s32 @!p0 $0x0  }
0x12: {  	s1 =	sld [smem:$0x3F90];
	s0 =	simm.s32 @p0 $0x1  }
0x13: {  	[smem:$0x3FAB] =	sst s0;
	s0 =	simm.s32 @!p1 $0x0  }
0x14: {  	s2 =	sld [smem:$0x3F8F];
	s0 =	simm.s32 @p1 $0x1  }
0x15: {  	[smem:$0x3FAC] =	sst s0;
	s0 =	simm.s32 @!p2 $0x0  }
0x16: {  	s3 =	sld [smem:$0x3FDB];
	s0 =	simm.s32 @p2 $0x1  }
0x17: {  	s4 =	simm.s32 $0x1BF5;
	[smem:$0x3FAE] =	sst s0  }
0x18: {  	s0 =	sld [smem:$0x3F91];
	_ =	swait.ge [sflag:s4], $0x0  }
0x19: {  	s7 =	sld [smem:$0x3F92]  }
0x1a: {  	s8 =	sadd.s32 $0xFFFFE003, lr  }
0x1b: {  	s9 =	sadd.s32 $0xFFFFFEF7, lr;
	s5 =	simm.s32 $0xFFFFFFFF;
	p2 =	slt.u32 s8, $0xFFFFF086  }
0x1c: {  	p1 =	slt.u32 s9, $0xF7A;
	s5 =	simm.s32 @!p2 $0x0  }
0x1d: {  	s5 =	simm.s32 @p1 $0x1;
	p0 =	seq.s32 s7, s2  }
0x1e: {  	s7 =	smul.u32 @!p0 $0xF7A, s2;
	p2 =	seq.s32 @!p0 s5, $0x0  }
0x1f: {  	s9 =	smul.u32 $0xF7A, s1;
	s8 =	simm.s32 @!p0 $0x1BF5;
	p2 =	por !p2, p0  }
0x20: {  	[sflag:s8] =	ssyncset.s32 @!p0 $0xFFFFF086;
	s6 =	sadd.s32 @!p0 s3, s7;
	s7 =	simm.s32 @!p0 $0x108  }
0x21: {  	s3 =	sadd.s32 s3, s9;
	s6 =	sadd.s32 @!p0 $0x88, s6;
	s7 =	simm.s32 @p2 $0x1082  }
0x22: {  	[simem:s7], [sflag:s8] =	dma.local @!p0 [hbm:s6], $0xF7A  }
0x23: {  	s9 =	sor.u32 $0xD0000000, s2;
	s6 =	simm.s32 $0x108;
	_ =	swait.ge @!p0 [sflag:s8], $0x0  }
0x24: {  	s3 =	sadd.s32 $0x88, s3;
	s6 =	simm.s32 @!p1 $0x1082;
	[sflag:s4] =	ssyncset.s32 $0xFFFFF086  }
0x25: {  	[simem:s6], [sflag:s4] =	dma.local [hbm:s3], $0xF7A  }
0x26: {  	[smem:$0x3F92] =	sst s1;
	(tag) =	ssettag s2;
	_ =	strace s9  }
0x27: {  	s1 =	sld [smem:$0x3FA2]  }
0x28: {  	s2 =	sld [smem:$0x3FA3]  }
0x29: {  	s4 =	sld [smem:$0x3FA5]  }
0x2a: {  	p0 =	seq.s32 s5, $0x0;
	s5 =	sld [smem:$0x3FA6]  }
0x2b: {  	s6 =	sld [smem:$0x3FA7]  }
0x2c: {  	s7 =	sld [smem:$0x3FA8]  }
0x2d: {  	s3 =	simm.s32 $0x108;
	s8 =	sld [smem:$0x3FA9]  }
0x2e: {  	s3 =	simm.s32 @!p0 $0x1082;
	s9 =	sld [smem:$0x3FAA]  }
0x2f: {  	lr =	sadd.s32 s0, s3;
	s0 =	sld [smem:$0x3FA1]  }
0x30: {  	s3 =	sld [smem:$0x3FA4]  }
0x31: {  	[smem:$0x3FAD] =	sst s10  }
0x32: {  	s10 =	sld [smem:$0x3FAB];
	_ =	sdelay $0x3  }
0x33: {  	p0 =	seq.s32 s10, $0x1;
	s10 =	sld [smem:$0x3FAD];
	_ =	sdelay $0x3  }
0x34: {  	[smem:$0x3FAD] =	sst s10  }
0x35: {  	s10 =	sld [smem:$0x3FAC];
	_ =	sdelay $0x3  }
0x36: {  	p1 =	seq.s32 s10, $0x1;
	s10 =	sld [smem:$0x3FAD];
	_ =	sdelay $0x3  }
0x37: {  	[smem:$0x3FAD] =	sst s10  }
0x38: {  	s10 =	sld [smem:$0x3FAE]  }
0x39: {  	_ = 	snop;
	(pc) =	sbr.ind lr, $3  }
0x3a: {  	_ = 	snop  }
0x3b: {  	_ = 	snop  }
0x3c: {  	p2 =	seq.s32 s10, $0x1;
	s10 =	sld [smem:$0x3FAD]  }
0x3d: {  	_ =	shalt  }
0x3e: {  	_ =	shalt  }
0x3f: {  	_ =	shalt  }
0x40: {  	_ =	shalt  }
0x41: {  	_ =	shalt  }
0x42: {  	_ =	shalt  }
0x43: {  	_ =	shalt  }
0x44: {  	_ =	shalt  }
0x45: {  	_ =	shalt  }
0x46: {  	_ =	shalt  }
0x47: {  	_ =	shalt  }
0x48: {  	_ =	shalt  }
0x49: {  	_ =	shalt  }
0x4a: {  	_ =	shalt  }
0x4b: {  	_ =	shalt  }
0x4c: {  	_ =	shalt  }
0x4d: {  	_ =	shalt  }
0x4e: {  	_ =	shalt  }
0x4f: {  	_ =	shalt  }
0x50: {  	_ =	shalt  }
0x51: {  	_ =	shalt  }
0x52: {  	_ =	shalt  }
0x53: {  	_ =	shalt  }
0x54: {  	_ =	shalt  }
0x55: {  	_ =	shalt  }
0x56: {  	_ =	shalt  }
0x57: {  	_ =	shalt  }
0x58: {  	_ =	shalt  }
0x59: {  	_ =	shalt  }
0x5a: {  	_ =	shalt  }
0x5b: {  	_ =	shalt  }
0x5c: {  	_ =	shalt  }
0x5d: {  	_ =	shalt  }
0x5e: {  	_ =	shalt  }
0x5f: {  	_ =	shalt  }
0x60: {  	_ =	shalt  }
0x61: {  	_ =	shalt  }
0x62: {  	_ =	shalt  }
0x63: {  	_ =	shalt  }
0x64: {  	_ =	shalt  }
0x65: {  	_ =	shalt  }
0x66: {  	_ =	shalt  }
0x67: {  	_ =	shalt  }
0x68: {  	_ =	shalt  }
0x69: {  	_ =	shalt  }
0x6a: {  	_ =	shalt  }
0x6b: {  	_ =	shalt  }
0x6c: {  	_ =	shalt  }
0x6d: {  	_ =	shalt  }
0x6e: {  	_ =	shalt  }
0x6f: {  	_ =	shalt  }
0x70: {  	_ =	shalt  }
0x71: {  	_ =	shalt  }
0x72: {  	_ =	shalt  }
0x73: {  	_ =	shalt  }
0x74: {  	_ =	shalt  }
0x75: {  	_ =	shalt  }
0x76: {  	_ =	shalt  }
0x77: {  	_ =	shalt  }
0x78: {  	_ =	shalt  }
0x79: {  	_ =	shalt  }
0x7a: {  	_ =	shalt  }
0x7b: {  	_ =	shalt  }
0x7c: {  	_ =	shalt  }
0x7d: {  	_ =	shalt  }
0x7e: {  	_ =	shalt  }
0x7f: {  	_ =	shalt  }
0x80: {  	_ =	shalt  }
0x81: {  	_ =	shalt  }
0x82: {  	_ =	shalt  }
0x83: {  	_ =	shalt  }
0x84: {  	_ =	shalt  }
0x85: {  	_ =	shalt  }
0x86: {  	_ =	shalt  }
0x87: {  	_ =	shalt  }
.Lfunc_end0:
.L_simem_size_0:
called_computation.4_lowered:
.L_overlay_start_0:
0x88: {  	s2 =	sld [smem:$0x3FD9]  }
0x89: {  	s3 =	sld [smem:$0x3FFE];
	_ =	sdelay $0x1  }
0x8a: {  	s1 =	srdreg.scid  }
0x8b: {  	s0 =	sand.u32 $0x1, s1  }
0x8c: {  	s16 =	sshll.u32 s0, $0xA;
	s2 =	sadd.s32 s3, s2  }
0x8d: {  	s2 =	sadd.s32 s2, s16  }
0x8e: {  	[smem:$0x3FB9] =	sst s2  }
0x8f: {  	_ = 	snop  }
0x90: {  	(tm) =	ssettm $0x1  }
0x91: {  	s17 =	sld [smem:$0x3FFB];
	_ =	sdelay $0x3  }
0x92: {  	_ =	strace s17  }
0x93: {  	s2 =	sld [smem:$0x3FFC];
	_ =	sdelay $0x3  }
0x94: {  	_ =	strace s2  }
0x95: {  	s2 =	sld [smem:$0x3FFD];
	_ =	sdelay $0x3  }
0x96: {  	_ =	strace s2  }
0x97: {  	_ =	strace $0x8FFFFFFF  }
0x98: {  	s18 =	sld [smem:$0x3FDB];
	_ =	sdelay $0x1  }
0x99: {  	s19 =	simm.s32 $_scs_section_size  }
0x9a: {  	s4 =	simm.s32 $_size__tile_overlayer_lowered;
	s5 =	simm.s32 $_tile_overlayer_lowered  }
0x9b: {  	s22 =	simm.s32 $0x1BFF;
	s21 =	sshll.u32 s5, $0x1;
	s2 =	sadd.s32 s19, s18  }
0x9c: {  	s6 =	simm.s32 $0x0;
	s20 =	sshll.u32 s4, $0x1;
	s4 =	sadd.s32 s21, s2  }
0x9d: {  	[timem:s6], [sflag:s22] =	dma.local [hbm:s4], s20  }
0x9e: {  	_ =	swait.ge [sflag:s22], s20  }
0x9f: {  	s3 =	ssub.s32 $0x0, s20;
	[sflag:s22] =	ssyncset.done $0x0  }
0xa0: {  	[sflag:s22] =	ssyncadd.s32 s3;
	_ =	sdelay $0x1  }
0xa1: {  	s23 =	simm.s32 $0x1B8B  }
0xa2: {  	_ =	swait.ge [sflag:s23], $0x1  }
0xa3: {  	[sflag:s23] =	ssyncset.done $0x0  }
0xa4: {  	s25 =	simm.s32 $0x1B8E;
	s24 =	sld [smem:$0x3FFE];
	[sflag:s23] =	ssyncadd.s32 $0xFFFFFFFF  }
0xa5: {  	s26 =	simm.s32 $execute0_lowered;
	[smem:$0x3FD2] =	sst s25  }
0xa6: {  	s4 =	sshll.u32 s26, $0x1;
	_ =	strace $0x80000052;
	[dreg:$0x1] =	wrdreg $0xFFFFFFFF  }
0xa7: {  	s28 =	simm.s32 $_size_execute0_lowered;
	s2 =	sadd.s32 s2, s4;
	[dreg:$0x0] =	wrdreg $0x0  }
0xa8: {  	s4 =	sshll.u32 s28, $0x1;
	[dreg:$0x2] =	wrdreg s2  }
0xa9: {  	[dreg:$0x3] =	wrdreg s4  }
0xaa: {  	[dreg:$0x4] =	wrdreg $0xC0  }
0xab: {  	_ =	task [dreg:s6], $0x5FFFF  }
0xac: {  	[dreg:$0x1] =	wrdreg $0xFFFFFFFF  }
0xad: {  	[dreg:$0x0] =	wrdreg $0x60  }
0xae: {  	[dreg:$0x2] =	wrdreg s24  }
0xaf: {  	[dreg:$0x3] =	wrdreg $0x0  }
0xb0: {  	[dreg:$0x4] =	wrdreg $0x9  }
0xb1: {  	_ =	task.clear_ibuf [dreg:s6], $0x5FFFF;
	_ =	strace $0x90000052  }
0xb2: {  	s29 =	simm.s32 $0x9;
	_ =	strace $0x80000054  }
0xb3: {  	_ =	swait.ge [sflag:s29], $0x1  }
0xb4: {  	[sflag:s29] =	ssyncadd.s32 $0xFFFFFFFF  }
0xb5: {  	_ =	strace $0x90000054  }
0xb6: {  	_ =	sfence  }
0xb7: {  	s30 =	sld [smem:$0x0];
	_ =	sdelay $0x2  }
0xb8: {  	s31 =	sshll.u32 s1, $0xD;
	s1 =	sshrl.u32 s1, $0x2  }
0xb9: {  	s3 =	sand.u32 $0x4000, s31;
	s1 =	sadd.s32 s1, s30  }
0xba: {  	s0 =	sor.u32 s3, s0;
	s1 =	sshll.u32 s1, $0x11  }
0xbb: {  	s0 =	sor.u32 s1, s0  }
0xbc: {  	s0 =	sadd.s32 $0x8F2B, s0  }
0xbd: {  	[sflag:s0] =	ssyncadd.remote.s32 $0x1  }
0xbe: {  	_ =	sfence.sel $0xFFFF  }
0xbf: {  	[dreg:$0x0] =	wrdreg $0xFFFFFFFF;
	(pc) =	sbr.abs _section_cstart, $3  }
0xc0: {  	[dreg:$0x1] =	wrdreg $0xFFFFFFFF  }
0xc1: {  	_ =	task.clear_ibuf [dreg:s6], $0x2FFFF;
	_ =	strace $0x9FFFFFFF  }
0xc2: {  	(tm) =	ssettm $0x7FFFFFFF  }
0xc3: {  	_ =	shalt  }
tec
execute0_lowered:
.L_overlay_start_1:
0x0: {  	(tag) =	ssettag $0x1  }
0x1: {  	s0 =	rddreg [dreg:$0x0];
	s1 =	srdreg.scid  }
0x2: {  	s2 =	rddreg [dreg:$0x1];
	s10 =	stileid.u32  }
0x3: {  	s3 =	simm.s32 $0x0;
	s19 =	simm.s32 $0x13880;
	s20 =	simm.s32 $0x9  }
0x4: {  	s21 =	simm.s32 $0x1C880;
	s22 =	simm.s32 $0x1;
	s6 =	smul.u32 $0x13C00, s10  }
0x5: {  	s23 =	simm.s32 $0x80;
	s1 =	sand.u32 $0x1, s1;
	s8 =	smul.u32 $0x4E200, s10  }
0x6: {  	[smem:$0x7FF] =	sst s3;
	s4 =	sadd.s32 $0xB3800, s0;
	s5 =	smul.u32 $0x13C000, s1  }
0x7: {  	_ =	strace $0x80000053;
	s25 =	ssub.s32 $0x2, s1;
	s1 =	sshll.u32 s1, $0x4  }
0x8: {  	s9 =	sshrl.u32 s25, $0x1;
	s8 =	sshrl.u32 s8, $0x2;
	s6 =	sadd.s32 s6, s5  }
0x9: {  	s5 =	sadd.s32 $0x17400, s0;
	s9 =	ssub.s32 s25, s9;
	s7 =	sshrl.u32 s6, $0x3  }
0xa: {  	s6 =	sadd.s32 $0x3A00, s0;
	s0 =	sadd.s32 s7, s0;
	s7 =	sadd.s32 s8, s2  }
0xb: {  	s18 =	smax.u32 s9, $0x1;
	s8 =	sor.u32 s10, s1;
	s26 =	sadd.s32 $0x3E80, s7  }
0xc: {  	s28 =	sadd.s32 $0x7D00, s7;
	s29 =	sshll.u32 s8, $0x6;
	s30 =	sadd.s32 $0xBB80, s7  }
0xd: {  	s31 =	sshll.u32 s8, $0x8;
	s13 =	sadd.s32 $0xFA00, s7;
	[dreg:$0x3] =	wrdreg s26  }
0xe: {  	s16 =	ssub.s32 $0x4E2, s8;
	s17 =	sadd.s32 $0x14FC00, s0;
	[dreg:$0x4] =	wrdreg s28  }
0xf: {  	p0 =	sgt.u32 s8, $0x1;
	[dreg:$0x5] =	wrdreg s30;
	s12 =	sadd.s32 s6, s29  }
0x10: {  	v0 =	vimm.f32 $0.0e+00;
	s14 =	sadd.s32 s5, s31;
	s26 =	simm.s32 $0x0;
	s15 =	sadd.s32 $0x800, s12  }
.LBB2_1:
0x11: {  	s0 =	simm.s32 $0x0;
	s1 =	simm.s32 $0x200  }
.LBB2_2:
0x12: {  	p1 =	sne.s32 s1, $0xF800;
	[tilespmem:s0+$0x138F0] =	vst v0  }
0x13: {  	[tilespmem:s0+$0x13880] =	vst v0  }
0x14: {  	[tilespmem:s0+$0x13890] =	vst v0  }
.Ltmp0:
0x15: {  	[tilespmem:s0+$0x138A0] =	vst v0;
	(pc) =	sbr.rel @p1 .LBB2_2-.Ltmp0, $4  }
0x16: {  	[tilespmem:s0+$0x138B0] =	vst v0  }
0x17: {  	[tilespmem:s0+$0x138C0] =	vst v0  }
0x18: {  	[tilespmem:s0+$0x138D0] =	vst v0  }
0x19: {  	[tilespmem:s0+$0x138E0] =	vst v0;
	s0 =	sshra.s32 s1, $0x2;
	s1 =	sadd.s32 $0x200, s1  }
0x1a: {  	[tilespmem:s0+$0x138F0] =	vst v0  }
0x1b: {  	[tilespmem:s0+$0x13880] =	vst v0  }
0x1c: {  	[tilespmem:s0+$0x13890] =	vst v0  }
0x1d: {  	[tilespmem:s0+$0x138A0] =	vst v0  }
0x1e: {  	[tilespmem:s0+$0x138B0] =	vst v0  }
0x1f: {  	[tilespmem:s0+$0x138C0] =	vst v0  }
0x20: {  	[tilespmem:s0+$0x138D0] =	vst v0  }
0x21: {  	[tilespmem:s0+$0x138E0] =	vst v0  }
0x22: {  	[spmem:s7] =	stream.linear.scatter [tilespmem:s19], [sflag:$0x9], $0x3E80, $0x38;
	[tilespmem:$0x1D080] =	vst v63  }
0x23: {  	_ =	swait.ge [sflag:s20], $0x3E80  }
0x24: {  	[sflag:s20] =	ssyncset.done $0x0  }
0x25: {  	s24 =	rddreg [dreg:$0x3];
	[sflag:s20] =	ssyncadd.s32 $0xFFFFC180  }
0x26: {  	[spmem:s24] =	stream.linear.scatter [tilespmem:s19], [sflag:$0x9], $0x3E80, $0x38;
	[tilespmem:$0x1D080] =	vst v63  }
0x27: {  	_ =	swait.ge [sflag:s20], $0x3E80  }
0x28: {  	[sflag:s20] =	ssyncset.done $0x0  }
0x29: {  	s25 =	rddreg [dreg:$0x4];
	[sflag:s20] =	ssyncadd.s32 $0xFFFFC180  }
0x2a: {  	[spmem:s25] =	stream.linear.scatter [tilespmem:s19], [sflag:$0x9], $0x3E80, $0x38;
	[tilespmem:$0x1D080] =	vst v63  }
0x2b: {  	_ =	swait.ge [sflag:s20], $0x3E80  }
0x2c: {  	[sflag:s20] =	ssyncset.done $0x0  }
0x2d: {  	s29 =	rddreg [dreg:$0x5];
	[sflag:s20] =	ssyncadd.s32 $0xFFFFC180  }
0x2e: {  	[spmem:s29] =	stream.linear.scatter [tilespmem:s19], [sflag:$0x9], $0x3E80, $0x38;
	[tilespmem:$0x1D080] =	vst v63  }
0x2f: {  	_ =	swait.ge [sflag:s20], $0x3E80  }
0x30: {  	[sflag:s20] =	ssyncset.done $0x0  }
0x31: {  	[sflag:s20] =	ssyncadd.s32 $0xFFFFC180  }
0x32: {  	[spmem:s13] =	stream.linear.scatter [tilespmem:s19], [sflag:$0x9], $0x3E80, $0x38;
	[tilespmem:$0x1D080] =	vst v63  }
0x33: {  	_ =	swait.ge [sflag:s20], $0x3E80  }
0x34: {  	[sflag:s20] =	ssyncset.done $0x0  }
0x35: {  	[sflag:s20] =	ssyncadd.s32 $0xFFFFC180  }
0x36: {  	s28 =	simm.s32 $0x0;
	[bflag:$0x0] =	sbarrier.arrive $0xFFFF  }
0x37: {  	[tilespmem:s21], [sflag:$0x1] =	stream.linear.gather [hbm4b:s12+s28], $0x200, $0x38;
	[tilespmem:$0x1D080] =	vst v63  }
0x38: {  	_ =	swait.ge [sflag:s22], $0x200  }
0x39: {  	[sflag:s22] =	ssyncset.done $0x0  }
0x3a: {  	[sflag:s22] =	ssyncadd.s32 $0xFFFFFE00  }
0x3b: {  	[tilespmem:s19], [sflag:$0x5] =	stream.indirect.gather [hbm4b:s4+s23], $0x80, s21, s23, $0xb8;
	[tilespmem:$0x1D080] =	vst v63  }
0x3c: {  	s30 =	simm.s32 $0x1B880  }
0x3d: {  	[tilespmem:s30], [sflag:$0x5] =	stream.linear.gather [hbm4b:s14+s28], $0x800, $0x38;
	[tilespmem:$0x1D080] =	vst v63  }
0x3e: {  	s31 =	simm.s32 $0x1CA80  }
0x3f: {  	[tilespmem:s31], [sflag:$0x2] =	stream.linear.gather [hbm4b:s15+s28], $0x200, $0x38;
	[tilespmem:$0x1D080] =	vst v63  }
.LBB2_4:
0x40: {  	p1 =	seq.s32 s28, $0x0  }
0x41: {  	p2 =	seq.s32 @!p1 s28, $0x27  }
0x42: {  	s0 =	sxor.u32 @!p1 $0xFFFFFFFF, s28;
	p2 =	por p1, !p2  }
.Ltmp1:
0x43: {  	s0 =	sand.u32 @!p1 $0x1, s0;
	(pc) =	sbr.rel @!p2 .LBB2_6-.Ltmp1, $4  }
0x44: {  	s0 =	sadd.s32 @!p1 $0x7, s0  }
0x45: {  	_ =	swait.ge @!p1 [sflag:s0], $0x4000  }
0x46: {  	[sflag:s0] =	ssyncset.done @!p1 $0x0  }
0x47: {  	s29 =	simm.s32 @!p1 $0x28;
	[sflag:s0] =	ssyncadd.s32 @!p1 $0xFFFFC000  }
0x48: {  	s29 =	sadd.s32 @!p1 $0x1, s28  }
0x49: {  	s29 =	simm.s32 @p1 $0x1  }
0x4a: {  	s0 =	sand.u32 $0x3, s29  }
0x4b: {  	s9 =	sand.u32 $0x1, s29;
	s1 =	sadd.s32 $0x1, s0  }
0x4c: {  	s30 =	sshll.u32 s29, $0x5;
	s25 =	sshll.u32 s9, $0xE;
	_ =	swait.ge [sflag:s1], $0x200  }
0x4d: {  	s0 =	sshll.u32 s0, $0x9;
	s24 =	sadd.s32 $0x5, s9;
	[sflag:s1] =	ssyncset.done $0x0  }
0x4e: {  	s0 =	sor.u32 $0x1C880, s0;
	[sflag:s1] =	ssyncadd.s32 $0xFFFFFE00;
	s1 =	sor.u32 $0x13880, s25  }
0x4f: {  	[tilespmem:s1], [sflag:s24] =	stream.indirect.gather [hbm4b:s4+s23], $0x80, s0, s23, $0xb8;
	[tilespmem:$0x1D080] =	vst v63  }
0x50: {  	s0 =	sor.u32 s8, s30  }
0x51: {  	s0 =	smin.u32 s0, $0x4E1  }
0x52: {  	s31 =	sshll.u32 s9, $0xB;
	s0 =	sshll.u32 s0, $0x8  }
0x53: {  	p1 =	sgt.u32 s28, $0x25;
	s1 =	sadd.s32 $0x1B880, s31;
	s0 =	sadd.s32 s5, s0  }
0x54: {  	[tilespmem:s1], [sflag:s24] =	stream.linear.gather [hbm4b:s0+s3], $0x800, $0x38;
	[tilespmem:$0x1D080] =	vst v63  }
0x55: {  	s0 =	sadd.s32 @!p1 $0x2, s28  }
0x56: {  	s1 =	sshll.u32 @!p1 s0, $0x5  }
0x57: {  	s1 =	sor.u32 @!p1 s8, s1  }
0x58: {  	s0 =	sand.u32 @!p1 $0x3, s0;
	s1 =	smin.u32 @!p1 s1, $0x4E1  }
0x59: {  	s24 =	simm.s32 @!p1 $0x0;
	s9 =	sshll.u32 @!p1 s0, $0x9;
	s1 =	sshll.u32 @!p1 s1, $0x6  }
0x5a: {  	s0 =	sadd.s32 @!p1 $0x1, s0;
	s9 =	sor.u32 @!p1 $0x1C880, s9;
	s1 =	sadd.s32 @!p1 s6, s1  }
0x5b: {  	[tilespmem:s9], [sflag:s0] =	stream.linear.gather @!p1 [hbm4b:s1+s24], $0x200, $0x38;
	[tilespmem:$0x1D080] =	vst v63  }
.LBB2_6:
0x5c: {  	s30 =	sand.u32 $0x1, s28  }
0x5d: {  	s0 =	sadd.s32 $0x5, s30  }
0x5e: {  	_ =	swait.ge [sflag:s0], $0x4000  }
0x5f: {  	[sflag:s0] =	ssyncset.done $0x0  }
0x60: {  	[sflag:s0] =	ssyncadd.s32 $0xFFFFC000  }
0x61: {  	s1 =	simm.s32 $0x0;
	_ =	swait.ge [sflag:s0], $0x800  }
0x62: {  	s11 =	sshll.u32 s30, $0xE;
	s24 =	sshll.u32 s30, $0xB;
	[sflag:s0] =	ssyncset.done $0x0  }
0x63: {  	s25 =	sand.u32 $0x1E00, s1;
	s9 =	sor.u32 $0x138C0, s11;
	[sflag:s0] =	ssyncadd.s32 $0xFFFFF800  }
0x64: {  	s24 =	sadd.s32 $0x1B880, s24;
	s25 =	sshrl.u32 s25, $0x2;
	v5 =	vld [tilespmem:s9+$0x30]  }
0x65: {  	s31 =	sand.u32 $0x70, s1;
	s25 =	sadd.s32 s25, s24;
	v8 =	vld [tilespmem:s9+$0x10]  }
0x66: {  	s25 =	sadd.s32 s31, s25;
	v6 =	vld [tilespmem:s9+$0xFFFFFFC0]  }
0x67: {  	v2 =	vld [tilespmem:s25+$0x0]  }
0x68: {  	v10 =	vld [tilespmem:s9+$0xFFFFFFE0]  }
0x69: {  	v1 =	vld [tilespmem:s9+$0xFFFFFFF0]  }
0x6a: {  	v3 =	vld [tilespmem:s9+$0x20]  }
0x6b: {  	v4 =	vld [tilespmem:s9+$0xFFFFFFD0]  }
0x6c: {  	v7 =	vmul.f32 v6, v2;
	v6 =	vld [tilespmem:s9+$0x0];
	_ =	sdelay $0x1  }
0x6d: {  	v9 =	vmul.f32 v5, v2  }
0x6e: {  	s31 =	smov.u32 s9;
	s0 =	sor.u32 $0x13880, s11;
	s25 =	simm.s32 $0x40;
	v5 =	vmul.f32 v10, v2;
	v8 =	vmul.f32 v8, v2  }
.LBB2_7:
0x6f: {  	p1 =	sne.s32 s25, $0x1FC0;
	v4 =	vmul.f32 v4, v2;
	v3 =	vmul.f32 v3, v2;
	[tilespmem:s9+$0x30] =	vst v9;
	s1 =	sadd.s32 $0x10, s1;
	s31 =	sadd.s32 $0x80, s31  }
0x70: {  	s10 =	smov.u32 s25;
	s25 =	sadd.s32 $0x40, s25;
	[tilespmem:s9+$0xFFFFFFC0] =	vst v7;
	v7 =	vmul.f32 v1, v2;
	v2 =	vmul.f32 v6, v2  }
0x71: {  	[tilespmem:s9+$0x10] =	vst v8  }
0x72: {  	v1 =	vld [tilespmem:s31+$0xFFFFFFF0];
	[tilespmem:s9+$0xFFFFFFE0] =	vst v5  }
0x73: {  	s10 =	sand.u32 $0x1E00, s10;
	v5 =	vld [tilespmem:s31+$0x30];
	[tilespmem:s9+$0xFFFFFFF0] =	vst v7  }
0x74: {  	s10 =	sshrl.u32 s10, $0x2;
	v8 =	vld [tilespmem:s31+$0x10];
	[tilespmem:s9+$0x0] =	vst v2  }
0x75: {  	s11 =	sand.u32 $0x70, s1;
	s10 =	sadd.s32 s10, s24;
	v7 =	vld [tilespmem:s31+$0xFFFFFFC0];
	[tilespmem:s9+$0x20] =	vst v3  }
0x76: {  	s10 =	sadd.s32 s11, s10;
	v10 =	vld [tilespmem:s31+$0xFFFFFFE0];
	[tilespmem:s9+$0xFFFFFFD0] =	vst v4;
	s9 =	smov.u32 s31  }
0x77: {  	v2 =	vld [tilespmem:s10+$0x0]  }
0x78: {  	v3 =	vld [tilespmem:s31+$0x20]  }
.Ltmp2:
0x79: {  	v4 =	vld [tilespmem:s31+$0xFFFFFFD0];
	(pc) =	sbr.rel @p1 .LBB2_7-.Ltmp2, $3  }
0x7a: {  	v6 =	vld [tilespmem:s31+$0x0];
	_ =	sdelay $0x1  }
0x7b: {  	v7 =	vmul.f32 v7, v2;
	v9 =	vmul.f32 v5, v2  }
0x7c: {  	v5 =	vmul.f32 v10, v2;
	v8 =	vmul.f32 v8, v2  }
0x7d: {  	[tilespmem:s9+$0x30] =	vst v9  }
0x7e: {  	[tilespmem:s9+$0xFFFFFFC0] =	vst v7  }
0x7f: {  	v1 =	vmul.f32 v1, v2;
	[tilespmem:s9+$0x10] =	vst v8  }
0x80: {  	s1 =	sshll.u32 s28, $0x5;
	v3 =	vmul.f32 v3, v2;
	[tilespmem:s9+$0xFFFFFFE0] =	vst v5  }
0x81: {  	v6 =	vmul.f32 v6, v2;
	p1 =	sge.u32 s1, s16;
	[tilespmem:s9+$0xFFFFFFF0] =	vst v1  }
0x82: {  	v1 =	vmul.f32 v4, v2;
	s1 =	sshll.u32 @!p1 s28, $0x9;
	[tilespmem:s9+$0x20] =	vst v3  }
0x83: {  	[tilespmem:s9+$0x0] =	vst v6;
	s1 =	sand.u32 @!p1 $0x600, s1  }
0x84: {  	s10 =	simm.s32 @!p1 $0x80;
	[tilespmem:s9+$0xFFFFFFD0] =	vst v1;
	s1 =	sor.u32 @!p1 $0x1C980, s1;
	s9 =	sadd.s32 @!p1 $0x7, s30  }
0x85: {  	[spmem:s2] =	stream.indirect.scatter.add.f32 @!p1 [tilespmem:s0], [sflag:s9], $0x80, s1, s10, $0xb8;
	[tilespmem:$0x1D080] =	vst v63  }
0x86: {  	p1 =	sne.s32 s29, $0x28  }
.Ltmp3:
0x87: {  	_ = 	snop;
	(pc) =	sbr.rel @p1 .LBB2_4-.Ltmp3, $2  }
0x88: {  	_ =	sdelay $0x2  }
0x89: {  	s28 =	smov.u32 s29  }
0x8a: {  	s0 =	simm.s32 @!p0 $0x8  }
0x8b: {  	s31 =	stileid.u32;
	_ =	swait.ge @!p0 [sflag:s0], $0x4000  }
0x8c: {  	s1 =	sshrl.u32 s7, $0x3;
	s26 =	sadd.s32 $0x1, s26;
	[sflag:s0] =	ssyncset.done @!p0 $0x0  }
0x8d: {  	p1 =	sne.s32 s26, s18;
	[sflag:s0] =	ssyncadd.s32 @!p0 $0xFFFFC000;
	s0 =	sshll.u32 s31, $0x6  }
.Ltmp4:
0x8e: {  	[bflag:$0x0] =	sbarrier.arrive $0xFFFF;
	s0 =	sor.u32 $0x1C09, s0;
	(pc) =	sbr.rel @p1 .LBB2_1-.Ltmp4, $4  }
0x8f: {  	[hbm:s17], [sflag:s0] =	dma.local [spmem:s1], $0x2710  }
0x90: {  	_ =	swait.ge [sflag:s20], $0x2710  }
0x91: {  	[sflag:s20] =	ssyncset.done $0x0  }
0x92: {  	[sflag:s20] =	ssyncadd.s32 $0xFFFFD8F0  }
0x93: {  	_ =	sfence.sel $0x180000  }
0x94: {  	[bflag:$0x0] =	sbarrier.arrive $0xFFFF  }
0x95: {  	_ =	strace $0x90000053  }
0x96: {  	s0 =	stileid.u32;
	[bflag:$0x2] =	sbarrier.arrive $0xFFFF  }
0x97: {  	p0 =	sne.s32 s0, $0x0;
	s0 =	rddreg [dreg:$0x2]  }
0x98: {  	s0 =	sadd.s32 @!p0 $0x100000, s0  }
0x99: {  	[sflag:s0] =	ssyncadd.tile.s32 @!p0 $0x1;
	_ =	shalt  }
.Lfunc_end2:
_tile_overlayer_lowered:
.L_overlay_start_2:
0x9a: {  	(tag) =	ssettag $0x2  }
0x9b: {  	s0 =	rddreg [dreg:$0x0];
	s2 =	stileid.u32  }
0x9c: {  	s1 =	rddreg [dreg:$0x1];
	p0 =	sne.s32 s2, $0x0  }
0x9d: {  	s3 =	rddreg [dreg:$0x2];
	[bflag:$0x3] =	sbarrier.arrive $0xFFFF;
	s2 =	simm.s32 @!p0 $0x1C09  }
0x9e: {  	[timem:s3], [sflag:s2] =	dma.local @!p0 [hbm:s0], s1  }
0x9f: {  	s0 =	simm.s32 @!p0 $0x9  }
0xa0: {  	_ =	swait.ge @!p0 [sflag:s0], s1  }
0xa1: {  	s1 =	ssub.s32 @!p0 $0x0, s1;
	[sflag:s0] =	ssyncset.done @!p0 $0x0  }
0xa2: {  	[sflag:s0] =	ssyncadd.s32 @!p0 s1  }
0xa3: {  	[bflag:$0x3] =	sbarrier.arrive $0xFFFF  }
0xa4: {  	_ =	shalt  }

</sc_bundles>
